<compile_context>
chip_gen: v7x
topology: tpu7x:2x2x1
jax: 0.10.2.dev20260603
libtpu: 0.0.44.dev20260713+nightly
codegen_flags: <defaults>
</compile_context>

<pallas_src>
import functools

import jax
import jax.numpy as jnp
from jax import lax
from jax.experimental import pallas as pl
from jax.experimental.pallas import tpu as pltpu
from jax.experimental.pallas import tpu_sc as plsc

VOCAB = 1000000
DIM = 64
HID = 128
OUT = 5
ZD = 16
PACK = 128 // ZD
S = 200
B = 4096

NC = 2
NS = 16
NW = NC * NS
BPW = B // NW
LANES = 16
NBUF = 2
G = 4
T = S // G


_FBLK = 8000


_JB = 1000
_NJ = VOCAB // PACK
_GRID = _NJ // _JB


def _fold_body(x_ref, w1_ref, w2_ref, o_ref):
    w2 = w2_ref[...]
    w2p = jnp.concatenate(
        [w2, jnp.zeros((ZD - OUT, HID), jnp.float32)], axis=0)
    m16 = lax.dot_general(
        w2p, w1_ref[...], (((1,), (0,)), ((), ())),
        preferred_element_type=jnp.float32,
        precision=lax.Precision.HIGHEST,
    )
    x16 = x_ref[...].astype(jnp.bfloat16)
    m16b = m16.astype(jnp.bfloat16)
    y = lax.dot_general(
        x16, m16b, (((1,), (1,)), ((), ())),
        preferred_element_type=jnp.float32,
    )
    for k in range(PACK):
        o_ref[:, k * ZD:(k + 1) * ZD] = y[k * _JB:(k + 1) * _JB, :]


def _fold(table, W1, W2):
    return pl.pallas_call(
        _fold_body,
        grid=(_GRID,),
        in_specs=[
            pl.BlockSpec((_FBLK, DIM), lambda i: (i, 0)),
            pl.BlockSpec((HID, DIM), lambda i: (0, 0)),
            pl.BlockSpec((OUT, HID), lambda i: (0, 0)),
        ],
        out_specs=pl.BlockSpec((_JB, 128), lambda i: (i, 0)),
        out_shape=jax.ShapeDtypeStruct((_NJ, 128), jnp.float32),
    )(table, W1, W2)



_LCH = _JB

_mesh = plsc.VectorSubcoreMesh(core_axis_name="c", subcore_axis_name="s")


@functools.partial(
    pl.kernel,
    out_type=jax.ShapeDtypeStruct((VOCAB, ZD), jnp.float32),
    mesh=_mesh,
    scratch_types=[
        pltpu.VMEM((PACK, _LCH, ZD), jnp.float32),
        pltpu.SemaphoreType.DMA,
    ],
    compiler_params=pltpu.CompilerParams(use_tc_tiling_on_sc=False),
)
def _linearize(packed_hbm, out_hbm, buf_v, sem):
    wid = lax.axis_index("s") * NC + lax.axis_index("c")
    for j in range(4):
        c = wid + NW * j

        @pl.when(c < _GRID)
        def _do():
            r0 = c * _LCH
            for k in range(PACK):
                pltpu.async_copy(
                    packed_hbm.at[pl.ds(r0, _LCH), pl.ds(k * ZD, ZD)],
                    buf_v.at[k], sem,
                )
            for k in range(PACK):
                pltpu.make_async_copy(
                    packed_hbm.at[pl.ds(0, _LCH), pl.ds(0, ZD)],
                    buf_v.at[k], sem,
                ).wait()
            for k in range(PACK):
                pltpu.async_copy(
                    buf_v.at[k],
                    out_hbm.at[pl.ds(k * _NJ + r0, _LCH)], sem,
                )
            for k in range(PACK):
                pltpu.make_async_copy(
                    buf_v.at[k],
                    out_hbm.at[pl.ds(0, _LCH)], sem,
                ).wait()




@functools.partial(
    pl.kernel,
    out_type=jax.ShapeDtypeStruct((B, ZD), jnp.float32),
    mesh=_mesh,
    scratch_types=[
        pltpu.VMEM((S, BPW), jnp.int32),
        pltpu.VMEM((NBUF, G, BPW, ZD), jnp.float32),
        pltpu.VMEM((BPW, ZD), jnp.float32),
        pltpu.SemaphoreType.DMA,
        pltpu.SemaphoreType.DMA,
    ],
    compiler_params=pltpu.CompilerParams(use_tc_tiling_on_sc=False),
)
def _pool_z(text_hbm, tz_hbm, out_hbm, idx_v, rows_v, acc_v, sem0, sem1):
    sems = (sem0, sem1)
    wid = lax.axis_index("s") * NC + lax.axis_index("c")
    base = wid * BPW

    pltpu.sync_copy(text_hbm.at[:, pl.ds(base, BPW)], idx_v)

    @plsc.parallel_loop(0, BPW, unroll=4)
    def _zero(r):
        acc_v[r, :] = jnp.zeros((ZD,), jnp.float32)

    def _issue(t, b):
        for g in range(G):
            pltpu.async_copy(
                tz_hbm.at[idx_v.at[t * G + g]], rows_v.at[b, g], sems[b]
            )

    def _wait(b):
        for g in range(G):
            pltpu.make_async_copy(
                tz_hbm.at[idx_v.at[0]], rows_v.at[b, g], sems[b]
            ).wait()

    def _accum(b):
        @plsc.parallel_loop(0, BPW, unroll=4)
        def _body(r):
            for g in range(G):
                plsc.addupdate(acc_v.at[r, :], rows_v[b, g, r, :])

    for b in range(NBUF):
        _issue(b, b)

    def body(i, carry):
        for b in range(NBUF):
            t = NBUF * i + b
            _wait(b)
            _accum(b)
            _issue(t + NBUF, b)
        return carry

    lax.fori_loop(0, T // NBUF - 1, body, 0, unroll=False)

    for b in range(NBUF):
        _wait(b)
        _accum(b)

    pltpu.sync_copy(acc_v, out_hbm.at[pl.ds(base, BPW)])



def _finish_body(zs_ref, w2_ref, b1_ref, b2_ref, o_ref):
    c = lax.dot_general(
        b1_ref[...], w2_ref[...], (((1,), (1,)), ((), ())),
        preferred_element_type=jnp.float32,
        precision=lax.Precision.HIGHEST,
    ) + b2_ref[...]
    z = zs_ref[...][:, :OUT] * (1.0 / S) + c
    z = z - jnp.max(z, axis=1, keepdims=True)
    e = jnp.exp(z)
    o_ref[...] = e / jnp.sum(e, axis=1, keepdims=True)


def _finish(zsum, W2, b1, b2):
    return pl.pallas_call(
        _finish_body,
        out_shape=jax.ShapeDtypeStruct((B, OUT), jnp.float32),
    )(zsum, W2, b1.reshape(1, HID), b2.reshape(1, OUT))


def kernel(text, table, W1, b1, W2, b2):
    packed = _fold(table, W1, W2)
    tz = _linearize(packed)
    rem = text % _FBLK
    text2 = (rem // _JB) * _NJ + (text // _FBLK) * _JB + (text % _JB)
    zsum = _pool_z(text2, tz)
    return _finish(zsum, W2, b1, b2)

# --- scband reference (transcript-rebuilt; emitter-appended) ---
"""Pipeline reference for scband-fast-text-29171417874758 (READ-ONLY COPY).

The authoritative reference and input builder live on the scoring server;
editing this copy changes nothing except your own understanding.
"""

import jax, jax.numpy as jnp
import numpy as np

VOCAB = 1000000
DIM = 64
HID = 128
OUT = 5
S = 200
B = 4096
PAD = 0


def setup_inputs(seed: int = 0) -> dict:
    key = jax.random.key(seed)
    k1, k2, k3, k4, k5, k6 = jax.random.split(key, 6)
    text = jax.random.randint(k1, (S, B), 0, VOCAB, dtype=jnp.int32)
    table = jax.random.normal(k2, (VOCAB, DIM), dtype=jnp.float32) * 0.02
    table = table.at[PAD].set(0.0)  # padding_idx row is zeros
    W1 = jax.random.normal(k3, (HID, DIM), dtype=jnp.float32) * (1.0 / np.sqrt(DIM))
    b1 = jnp.zeros((HID,), dtype=jnp.float32)
    W2 = jax.random.normal(k4, (OUT, HID), dtype=jnp.float32) * (1.0 / np.sqrt(HID))
    b2 = jnp.zeros((OUT,), dtype=jnp.float32)
    return {"text": text, "table": table, "W1": W1, "b1": b1, "W2": W2, "b2": b2}


def reference(text, table, W1, b1, W2, b2):
    # embedded = self.embedding(text)  -> [S, B, D]
    embedded = jnp.take(table, text, axis=0)
    # embedded.permute(1, 0, 2) -> [B, S, D]
    embedded = jnp.transpose(embedded, (1, 0, 2))
    # mean over sequence dim
    pooled = embedded.mean(axis=1)  # [B, D]
    # fc1 (no activation in original module)
    h = pooled @ W1.T + b1  # [B, HID]
    # fc2
    z = h @ W2.T + b2  # [B, OUT]
    # softmax over dim=1
    return jax.nn.softmax(z, axis=1)

if __name__ == "__main__":
    import jax
    _d = setup_inputs()
    print(jax.jit(kernel)(*tuple(_d.values())))

</pallas_src>

<mosaic_0001>
#map = affine_map<(d0, d1) -> (0, 0)>
module attributes {stable_mosaic.version = 14 : i64} {
  func.func @_pool_z(%arg0: i32, %arg1: i32, %arg2: memref<200x4096xi32, #tpu.memory_space<hbm>>, %arg3: memref<1000000x16xf32, #tpu.memory_space<hbm>>, %arg4: memref<4096x16xf32, #tpu.memory_space<hbm>>, %arg5: memref<200x128xi32, #tpu.memory_space<vmem>>, %arg6: memref<2x4x128x16xf32, #tpu.memory_space<vmem>>, %arg7: memref<128x16xf32, #tpu.memory_space<vmem>>, %arg8: memref<!tpu.dma_semaphore, #tpu.memory_space<semaphore_mem>>, %arg9: memref<!tpu.dma_semaphore, #tpu.memory_space<semaphore_mem>>) attributes {dimension_semantics = [#tpu.dimension_semantics<core_parallel>, #tpu.dimension_semantics<subcore_parallel>], iteration_bounds = array<i64: 2, 16>, scalar_prefetch = 0 : i64, scratch_operands = 5 : i64, tpu.core_type = #tpu.core_type<sc_vector_subcore>, window_params = [{transform_indices = #map}, {transform_indices = #map}, {transform_indices = #map}]} {
    %mul3A = arith.constant 2 : i32
    %mul3A_0 = arith.muli %arg1, %mul3A : i32
    %add3A = arith.addi %mul3A_0, %arg0 : i32
    %mul3A_1 = arith.constant 128 : i32
    %mul3A_2 = arith.muli %add3A, %mul3A_1 : i32
    "tpu.region"() ({
      %run_scoped3A = tpu.sem_alloc : memref<!tpu.dma_semaphore, #tpu.memory_space<semaphore_mem>>
      %dma_start3A_222 = arith.constant 0 : i32
      %dma_start3A_223 = tpu.memref_slice %arg2[%dma_start3A_222, %mul3A_2] : memref<200x4096xi32, #tpu.memory_space<hbm>> -> memref<200x128xi32, #tpu.memory_space<hbm>>
      %dma_start3A_224 = arith.constant 0 : i32
      %dma_start3A_225 = tpu.memref_slice %arg2[%dma_start3A_224, %mul3A_2] : memref<200x4096xi32, #tpu.memory_space<hbm>> -> memref<200x128xi32, #tpu.memory_space<hbm>>
      tpu.enqueue_dma source(%dma_start3A_225 : memref<200x128xi32, #tpu.memory_space<hbm>>) target(%arg5 : memref<200x128xi32, #tpu.memory_space<vmem>>) target_semaphore(%run_scoped3A : memref<!tpu.dma_semaphore, #tpu.memory_space<semaphore_mem>>)
      %dma_wait3A_226 = arith.constant 0 : i32
      %dma_wait3A_227 = tpu.memref_slice %arg2[%dma_wait3A_226, %mul3A_2] : memref<200x4096xi32, #tpu.memory_space<hbm>> -> memref<200x128xi32, #tpu.memory_space<hbm>>
      %dma_wait3A_228 = arith.constant 0 : i32
      %dma_wait3A_229 = tpu.memref_slice %arg2[%dma_wait3A_228, %mul3A_2] : memref<200x4096xi32, #tpu.memory_space<hbm>> -> memref<200x128xi32, #tpu.memory_space<hbm>>
      tpu.wait_dma2 semaphore(%run_scoped3A : memref<!tpu.dma_semaphore, #tpu.memory_space<semaphore_mem>>) src(%dma_wait3A_229 : memref<200x128xi32, #tpu.memory_space<hbm>>) dst(%arg5 : memref<200x128xi32, #tpu.memory_space<vmem>>)
      tpu.yield
    }) : () -> ()
    %parallel_loop3A = arith.constant 0 : i32
    %parallel_loop3A_3 = arith.constant 128 : i32
    %parallel_loop3A_4 = arith.constant 1 : i32
    scf.for %parallel_loop3A_222 = %parallel_loop3A to %parallel_loop3A_3 step %parallel_loop3A_4  : i32 {
      %parallel_loop3A_223 = arith.constant 0.000000e+00 : f32
      %parallel_loop3A_224 = vector.broadcast %parallel_loop3A_223 : f32 to vector<16xf32>
      %parallel_loop3A_225 = arith.index_cast %parallel_loop3A_222 : i32 to index
      %parallel_loop3A_226 = arith.constant 0 : index
      %parallel_loop3A_227 = tpu.vector_load %arg7[%parallel_loop3A_225, %parallel_loop3A_226] {strides = array<i32>} : memref<128x16xf32, #tpu.memory_space<vmem>>, vector<1x16xf32>,
      %parallel_loop3A_228 = vector.shape_cast %parallel_loop3A_227 : vector<1x16xf32> to vector<16xf32>
      %parallel_loop3A_229 = vector.shape_cast %parallel_loop3A_224 : vector<16xf32> to vector<1x16xf32>
      tpu.vector_store %arg7[%parallel_loop3A_225, %parallel_loop3A_226], %parallel_loop3A_229 {strides = array<i32>} : memref<128x16xf32, #tpu.memory_space<vmem>>, vector<1x16xf32>,
    } {sc.loop_unroll_factor = 4 : i64, sc.parallel_access}
    %dma_start3A = arith.constant 0 : i32
    %dma_start3A_5 = arith.constant 0 : i32
    %dma_start3A_6 = arith.constant 0 : i32
    %dma_start3A_7 = arith.constant 0 : i32
    %dma_start3A_8 = arith.constant 0 : i32
    %dma_start3A_9 = tpu.memref_slice %arg6[%dma_start3A_5, %dma_start3A_6, %dma_start3A_7, %dma_start3A_8] : memref<2x4x128x16xf32, #tpu.memory_space<vmem>> -> memref<1x1x128x16xf32, #tpu.memory_space<vmem>>
    %dma_start3A_10 = tpu.memref_squeeze %dma_start3A_9 : memref<1x1x128x16xf32, #tpu.memory_space<vmem>> -> memref<128x16xf32, #tpu.memory_space<vmem>>
    %dma_start3A_11 = arith.constant 0 : i32
    %dma_start3A_12 = tpu.memref_slice %arg5[%dma_start3A, %dma_start3A_11] : memref<200x128xi32, #tpu.memory_space<vmem>> -> memref<1x128xi32, #tpu.memory_space<vmem>>
    %dma_start3A_13 = tpu.memref_squeeze %dma_start3A_12 : memref<1x128xi32, #tpu.memory_space<vmem>> -> memref<128xi32, #tpu.memory_space<vmem>>
    %dma_start3A_14 = arith.constant 0 : i32
    %dma_start3A_15 = arith.constant 0 : i32
    %dma_start3A_16 = tpu.memref_slice %arg3[%dma_start3A_14, %dma_start3A_15] : memref<1000000x16xf32, #tpu.memory_space<hbm>> -> memref<1000000x16xf32, #tpu.memory_space<hbm>>
    tpu.enqueue_indirect_dma source(%dma_start3A_16 : memref<1000000x16xf32, #tpu.memory_space<hbm>>) target(%dma_start3A_10 : memref<128x16xf32, #tpu.memory_space<vmem>>) offsets(%dma_start3A_13 : memref<128xi32, #tpu.memory_space<vmem>>) semaphore(%arg8 : memref<!tpu.dma_semaphore, #tpu.memory_space<semaphore_mem>>)
    %dma_start3A_17 = arith.constant 1 : i32
    %dma_start3A_18 = arith.constant 0 : i32
    %dma_start3A_19 = arith.constant 1 : i32
    %dma_start3A_20 = arith.constant 0 : i32
    %dma_start3A_21 = arith.constant 0 : i32
    %dma_start3A_22 = tpu.memref_slice %arg6[%dma_start3A_18, %dma_start3A_19, %dma_start3A_20, %dma_start3A_21] : memref<2x4x128x16xf32, #tpu.memory_space<vmem>> -> memref<1x1x128x16xf32, #tpu.memory_space<vmem>>
    %dma_start3A_23 = tpu.memref_squeeze %dma_start3A_22 : memref<1x1x128x16xf32, #tpu.memory_space<vmem>> -> memref<128x16xf32, #tpu.memory_space<vmem>>
    %dma_start3A_24 = arith.constant 0 : i32
    %dma_start3A_25 = tpu.memref_slice %arg5[%dma_start3A_17, %dma_start3A_24] : memref<200x128xi32, #tpu.memory_space<vmem>> -> memref<1x128xi32, #tpu.memory_space<vmem>>
    %dma_start3A_26 = tpu.memref_squeeze %dma_start3A_25 : memref<1x128xi32, #tpu.memory_space<vmem>> -> memref<128xi32, #tpu.memory_space<vmem>>
    %dma_start3A_27 = arith.constant 0 : i32
    %dma_start3A_28 = arith.constant 0 : i32
    %dma_start3A_29 = tpu.memref_slice %arg3[%dma_start3A_27, %dma_start3A_28] : memref<1000000x16xf32, #tpu.memory_space<hbm>> -> memref<1000000x16xf32, #tpu.memory_space<hbm>>
    tpu.enqueue_indirect_dma source(%dma_start3A_29 : memref<1000000x16xf32, #tpu.memory_space<hbm>>) target(%dma_start3A_23 : memref<128x16xf32, #tpu.memory_space<vmem>>) offsets(%dma_start3A_26 : memref<128xi32, #tpu.memory_space<vmem>>) semaphore(%arg8 : memref<!tpu.dma_semaphore, #tpu.memory_space<semaphore_mem>>)
    %dma_start3A_30 = arith.constant 2 : i32
    %dma_start3A_31 = arith.constant 0 : i32
    %dma_start3A_32 = arith.constant 2 : i32
    %dma_start3A_33 = arith.constant 0 : i32
    %dma_start3A_34 = arith.constant 0 : i32
    %dma_start3A_35 = tpu.memref_slice %arg6[%dma_start3A_31, %dma_start3A_32, %dma_start3A_33, %dma_start3A_34] : memref<2x4x128x16xf32, #tpu.memory_space<vmem>> -> memref<1x1x128x16xf32, #tpu.memory_space<vmem>>
    %dma_start3A_36 = tpu.memref_squeeze %dma_start3A_35 : memref<1x1x128x16xf32, #tpu.memory_space<vmem>> -> memref<128x16xf32, #tpu.memory_space<vmem>>
    %dma_start3A_37 = arith.constant 0 : i32
    %dma_start3A_38 = tpu.memref_slice %arg5[%dma_start3A_30, %dma_start3A_37] : memref<200x128xi32, #tpu.memory_space<vmem>> -> memref<1x128xi32, #tpu.memory_space<vmem>>
    %dma_start3A_39 = tpu.memref_squeeze %dma_start3A_38 : memref<1x128xi32, #tpu.memory_space<vmem>> -> memref<128xi32, #tpu.memory_space<vmem>>
    %dma_start3A_40 = arith.constant 0 : i32
    %dma_start3A_41 = arith.constant 0 : i32
    %dma_start3A_42 = tpu.memref_slice %arg3[%dma_start3A_40, %dma_start3A_41] : memref<1000000x16xf32, #tpu.memory_space<hbm>> -> memref<1000000x16xf32, #tpu.memory_space<hbm>>
    tpu.enqueue_indirect_dma source(%dma_start3A_42 : memref<1000000x16xf32, #tpu.memory_space<hbm>>) target(%dma_start3A_36 : memref<128x16xf32, #tpu.memory_space<vmem>>) offsets(%dma_start3A_39 : memref<128xi32, #tpu.memory_space<vmem>>) semaphore(%arg8 : memref<!tpu.dma_semaphore, #tpu.memory_space<semaphore_mem>>)
    %dma_start3A_43 = arith.constant 3 : i32
    %dma_start3A_44 = arith.constant 0 : i32
    %dma_start3A_45 = arith.constant 3 : i32
    %dma_start3A_46 = arith.constant 0 : i32
    %dma_start3A_47 = arith.constant 0 : i32
    %dma_start3A_48 = tpu.memref_slice %arg6[%dma_start3A_44, %dma_start3A_45, %dma_start3A_46, %dma_start3A_47] : memref<2x4x128x16xf32, #tpu.memory_space<vmem>> -> memref<1x1x128x16xf32, #tpu.memory_space<vmem>>
    %dma_start3A_49 = tpu.memref_squeeze %dma_start3A_48 : memref<1x1x128x16xf32, #tpu.memory_space<vmem>> -> memref<128x16xf32, #tpu.memory_space<vmem>>
    %dma_start3A_50 = arith.constant 0 : i32
    %dma_start3A_51 = tpu.memref_slice %arg5[%dma_start3A_43, %dma_start3A_50] : memref<200x128xi32, #tpu.memory_space<vmem>> -> memref<1x128xi32, #tpu.memory_space<vmem>>
    %dma_start3A_52 = tpu.memref_squeeze %dma_start3A_51 : memref<1x128xi32, #tpu.memory_space<vmem>> -> memref<128xi32, #tpu.memory_space<vmem>>
    %dma_start3A_53 = arith.constant 0 : i32
    %dma_start3A_54 = arith.constant 0 : i32
    %dma_start3A_55 = tpu.memref_slice %arg3[%dma_start3A_53, %dma_start3A_54] : memref<1000000x16xf32, #tpu.memory_space<hbm>> -> memref<1000000x16xf32, #tpu.memory_space<hbm>>
    tpu.enqueue_indirect_dma source(%dma_start3A_55 : memref<1000000x16xf32, #tpu.memory_space<hbm>>) target(%dma_start3A_49 : memref<128x16xf32, #tpu.memory_space<vmem>>) offsets(%dma_start3A_52 : memref<128xi32, #tpu.memory_space<vmem>>) semaphore(%arg8 : memref<!tpu.dma_semaphore, #tpu.memory_space<semaphore_mem>>)
    %dma_start3A_56 = arith.constant 4 : i32
    %dma_start3A_57 = arith.constant 1 : i32
    %dma_start3A_58 = arith.constant 0 : i32
    %dma_start3A_59 = arith.constant 0 : i32
    %dma_start3A_60 = arith.constant 0 : i32
    %dma_start3A_61 = tpu.memref_slice %arg6[%dma_start3A_57, %dma_start3A_58, %dma_start3A_59, %dma_start3A_60] : memref<2x4x128x16xf32, #tpu.memory_space<vmem>> -> memref<1x1x128x16xf32, #tpu.memory_space<vmem>>
    %dma_start3A_62 = tpu.memref_squeeze %dma_start3A_61 : memref<1x1x128x16xf32, #tpu.memory_space<vmem>> -> memref<128x16xf32, #tpu.memory_space<vmem>>
    %dma_start3A_63 = arith.constant 0 : i32
    %dma_start3A_64 = tpu.memref_slice %arg5[%dma_start3A_56, %dma_start3A_63] : memref<200x128xi32, #tpu.memory_space<vmem>> -> memref<1x128xi32, #tpu.memory_space<vmem>>
    %dma_start3A_65 = tpu.memref_squeeze %dma_start3A_64 : memref<1x128xi32, #tpu.memory_space<vmem>> -> memref<128xi32, #tpu.memory_space<vmem>>
    %dma_start3A_66 = arith.constant 0 : i32
    %dma_start3A_67 = arith.constant 0 : i32
    %dma_start3A_68 = tpu.memref_slice %arg3[%dma_start3A_66, %dma_start3A_67] : memref<1000000x16xf32, #tpu.memory_space<hbm>> -> memref<1000000x16xf32, #tpu.memory_space<hbm>>
    tpu.enqueue_indirect_dma source(%dma_start3A_68 : memref<1000000x16xf32, #tpu.memory_space<hbm>>) target(%dma_start3A_62 : memref<128x16xf32, #tpu.memory_space<vmem>>) offsets(%dma_start3A_65 : memref<128xi32, #tpu.memory_space<vmem>>) semaphore(%arg9 : memref<!tpu.dma_semaphore, #tpu.memory_space<semaphore_mem>>)
    %dma_start3A_69 = arith.constant 5 : i32
    %dma_start3A_70 = arith.constant 1 : i32
    %dma_start3A_71 = arith.constant 1 : i32
    %dma_start3A_72 = arith.constant 0 : i32
    %dma_start3A_73 = arith.constant 0 : i32
    %dma_start3A_74 = tpu.memref_slice %arg6[%dma_start3A_70, %dma_start3A_71, %dma_start3A_72, %dma_start3A_73] : memref<2x4x128x16xf32, #tpu.memory_space<vmem>> -> memref<1x1x128x16xf32, #tpu.memory_space<vmem>>
    %dma_start3A_75 = tpu.memref_squeeze %dma_start3A_74 : memref<1x1x128x16xf32, #tpu.memory_space<vmem>> -> memref<128x16xf32, #tpu.memory_space<vmem>>
    %dma_start3A_76 = arith.constant 0 : i32
    %dma_start3A_77 = tpu.memref_slice %arg5[%dma_start3A_69, %dma_start3A_76] : memref<200x128xi32, #tpu.memory_space<vmem>> -> memref<1x128xi32, #tpu.memory_space<vmem>>
    %dma_start3A_78 = tpu.memref_squeeze %dma_start3A_77 : memref<1x128xi32, #tpu.memory_space<vmem>> -> memref<128xi32, #tpu.memory_space<vmem>>
    %dma_start3A_79 = arith.constant 0 : i32
    %dma_start3A_80 = arith.constant 0 : i32
    %dma_start3A_81 = tpu.memref_slice %arg3[%dma_start3A_79, %dma_start3A_80] : memref<1000000x16xf32, #tpu.memory_space<hbm>> -> memref<1000000x16xf32, #tpu.memory_space<hbm>>
    tpu.enqueue_indirect_dma source(%dma_start3A_81 : memref<1000000x16xf32, #tpu.memory_space<hbm>>) target(%dma_start3A_75 : memref<128x16xf32, #tpu.memory_space<vmem>>) offsets(%dma_start3A_78 : memref<128xi32, #tpu.memory_space<vmem>>) semaphore(%arg9 : memref<!tpu.dma_semaphore, #tpu.memory_space<semaphore_mem>>)
    %dma_start3A_82 = arith.constant 6 : i32
    %dma_start3A_83 = arith.constant 1 : i32
    %dma_start3A_84 = arith.constant 2 : i32
    %dma_start3A_85 = arith.constant 0 : i32
    %dma_start3A_86 = arith.constant 0 : i32
    %dma_start3A_87 = tpu.memref_slice %arg6[%dma_start3A_83, %dma_start3A_84, %dma_start3A_85, %dma_start3A_86] : memref<2x4x128x16xf32, #tpu.memory_space<vmem>> -> memref<1x1x128x16xf32, #tpu.memory_space<vmem>>
    %dma_start3A_88 = tpu.memref_squeeze %dma_start3A_87 : memref<1x1x128x16xf32, #tpu.memory_space<vmem>> -> memref<128x16xf32, #tpu.memory_space<vmem>>
    %dma_start3A_89 = arith.constant 0 : i32
    %dma_start3A_90 = tpu.memref_slice %arg5[%dma_start3A_82, %dma_start3A_89] : memref<200x128xi32, #tpu.memory_space<vmem>> -> memref<1x128xi32, #tpu.memory_space<vmem>>
    %dma_start3A_91 = tpu.memref_squeeze %dma_start3A_90 : memref<1x128xi32, #tpu.memory_space<vmem>> -> memref<128xi32, #tpu.memory_space<vmem>>
    %dma_start3A_92 = arith.constant 0 : i32
    %dma_start3A_93 = arith.constant 0 : i32
    %dma_start3A_94 = tpu.memref_slice %arg3[%dma_start3A_92, %dma_start3A_93] : memref<1000000x16xf32, #tpu.memory_space<hbm>> -> memref<1000000x16xf32, #tpu.memory_space<hbm>>
    tpu.enqueue_indirect_dma source(%dma_start3A_94 : memref<1000000x16xf32, #tpu.memory_space<hbm>>) target(%dma_start3A_88 : memref<128x16xf32, #tpu.memory_space<vmem>>) offsets(%dma_start3A_91 : memref<128xi32, #tpu.memory_space<vmem>>) semaphore(%arg9 : memref<!tpu.dma_semaphore, #tpu.memory_space<semaphore_mem>>)
    %dma_start3A_95 = arith.constant 7 : i32
    %dma_start3A_96 = arith.constant 1 : i32
    %dma_start3A_97 = arith.constant 3 : i32
    %dma_start3A_98 = arith.constant 0 : i32
    %dma_start3A_99 = arith.constant 0 : i32
    %dma_start3A_100 = tpu.memref_slice %arg6[%dma_start3A_96, %dma_start3A_97, %dma_start3A_98, %dma_start3A_99] : memref<2x4x128x16xf32, #tpu.memory_space<vmem>> -> memref<1x1x128x16xf32, #tpu.memory_space<vmem>>
    %dma_start3A_101 = tpu.memref_squeeze %dma_start3A_100 : memref<1x1x128x16xf32, #tpu.memory_space<vmem>> -> memref<128x16xf32, #tpu.memory_space<vmem>>
    %dma_start3A_102 = arith.constant 0 : i32
    %dma_start3A_103 = tpu.memref_slice %arg5[%dma_start3A_95, %dma_start3A_102] : memref<200x128xi32, #tpu.memory_space<vmem>> -> memref<1x128xi32, #tpu.memory_space<vmem>>
    %dma_start3A_104 = tpu.memref_squeeze %dma_start3A_103 : memref<1x128xi32, #tpu.memory_space<vmem>> -> memref<128xi32, #tpu.memory_space<vmem>>
    %dma_start3A_105 = arith.constant 0 : i32
    %dma_start3A_106 = arith.constant 0 : i32
    %dma_start3A_107 = tpu.memref_slice %arg3[%dma_start3A_105, %dma_start3A_106] : memref<1000000x16xf32, #tpu.memory_space<hbm>> -> memref<1000000x16xf32, #tpu.memory_space<hbm>>
    tpu.enqueue_indirect_dma source(%dma_start3A_107 : memref<1000000x16xf32, #tpu.memory_space<hbm>>) target(%dma_start3A_101 : memref<128x16xf32, #tpu.memory_space<vmem>>) offsets(%dma_start3A_104 : memref<128xi32, #tpu.memory_space<vmem>>) semaphore(%arg9 : memref<!tpu.dma_semaphore, #tpu.memory_space<semaphore_mem>>)
    %scan3A = arith.constant 0 : i32
    %scan3A_108 = arith.constant 0 : i32
    %scan3A_109 = arith.constant 24 : i32
    %scan3A_110 = arith.addi %scan3A_108, %scan3A_109 : i32
    %scan3A_111 = arith.constant 1 : i32
    scf.for %scan3A_222 = %scan3A_108 to %scan3A_110 step %scan3A_111  : i32 {
      %mul3A_223 = arith.constant 2 : i32
      %mul3A_224 = arith.muli %mul3A_223, %scan3A_222 : i32
      %add3A_225 = arith.constant 0 : i32
      %add3A_226 = arith.addi %mul3A_224, %add3A_225 : i32
      %dma_wait3A_227 = arith.constant 0 : i32
      %dma_wait3A_228 = arith.constant 0 : i32
      %dma_wait3A_229 = arith.constant 0 : i32
      %dma_wait3A_230 = arith.constant 0 : i32
      %dma_wait3A_231 = arith.constant 0 : i32
      %dma_wait3A_232 = tpu.memref_slice %arg6[%dma_wait3A_228, %dma_wait3A_229, %dma_wait3A_230, %dma_wait3A_231] : memref<2x4x128x16xf32, #tpu.memory_space<vmem>> -> memref<1x1x128x16xf32, #tpu.memory_space<vmem>>
      %dma_wait3A_233 = tpu.memref_squeeze %dma_wait3A_232 : memref<1x1x128x16xf32, #tpu.memory_space<vmem>> -> memref<128x16xf32, #tpu.memory_space<vmem>>
      %dma_wait3A_234 = arith.constant 0 : i32
      %dma_wait3A_235 = tpu.memref_slice %arg5[%dma_wait3A_227, %dma_wait3A_234] : memref<200x128xi32, #tpu.memory_space<vmem>> -> memref<1x128xi32, #tpu.memory_space<vmem>>
      %dma_wait3A_236 = tpu.memref_squeeze %dma_wait3A_235 : memref<1x128xi32, #tpu.memory_space<vmem>> -> memref<128xi32, #tpu.memory_space<vmem>>
      %dma_wait3A_237 = arith.constant 0 : i32
      %dma_wait3A_238 = arith.constant 0 : i32
      %dma_wait3A_239 = tpu.memref_slice %arg3[%dma_wait3A_237, %dma_wait3A_238] : memref<1000000x16xf32, #tpu.memory_space<hbm>> -> memref<1000000x16xf32, #tpu.memory_space<hbm>>
      tpu.wait_indirect_dma semaphore(%arg8 : memref<!tpu.dma_semaphore, #tpu.memory_space<semaphore_mem>>) src(%dma_wait3A_239 : memref<1000000x16xf32, #tpu.memory_space<hbm>>) dst(%dma_wait3A_233 : memref<128x16xf32, #tpu.memory_space<vmem>>)
      %dma_wait3A_240 = arith.constant 0 : i32
      %dma_wait3A_241 = arith.constant 0 : i32
      %dma_wait3A_242 = arith.constant 1 : i32
      %dma_wait3A_243 = arith.constant 0 : i32
      %dma_wait3A_244 = arith.constant 0 : i32
      %dma_wait3A_245 = tpu.memref_slice %arg6[%dma_wait3A_241, %dma_wait3A_242, %dma_wait3A_243, %dma_wait3A_244] : memref<2x4x128x16xf32, #tpu.memory_space<vmem>> -> memref<1x1x128x16xf32, #tpu.memory_space<vmem>>
      %dma_wait3A_246 = tpu.memref_squeeze %dma_wait3A_245 : memref<1x1x128x16xf32, #tpu.memory_space<vmem>> -> memref<128x16xf32, #tpu.memory_space<vmem>>
      %dma_wait3A_247 = arith.constant 0 : i32
      %dma_wait3A_248 = tpu.memref_slice %arg5[%dma_wait3A_240, %dma_wait3A_247] : memref<200x128xi32, #tpu.memory_space<vmem>> -> memref<1x128xi32, #tpu.memory_space<vmem>>
      %dma_wait3A_249 = tpu.memref_squeeze %dma_wait3A_248 : memref<1x128xi32, #tpu.memory_space<vmem>> -> memref<128xi32, #tpu.memory_space<vmem>>
      %dma_wait3A_250 = arith.constant 0 : i32
      %dma_wait3A_251 = arith.constant 0 : i32
      %dma_wait3A_252 = tpu.memref_slice %arg3[%dma_wait3A_250, %dma_wait3A_251] : memref<1000000x16xf32, #tpu.memory_space<hbm>> -> memref<1000000x16xf32, #tpu.memory_space<hbm>>
      tpu.wait_indirect_dma semaphore(%arg8 : memref<!tpu.dma_semaphore, #tpu.memory_space<semaphore_mem>>) src(%dma_wait3A_252 : memref<1000000x16xf32, #tpu.memory_space<hbm>>) dst(%dma_wait3A_246 : memref<128x16xf32, #tpu.memory_space<vmem>>)
      %dma_wait3A_253 = arith.constant 0 : i32
      %dma_wait3A_254 = arith.constant 0 : i32
      %dma_wait3A_255 = arith.constant 2 : i32
      %dma_wait3A_256 = arith.constant 0 : i32
      %dma_wait3A_257 = arith.constant 0 : i32
      %dma_wait3A_258 = tpu.memref_slice %arg6[%dma_wait3A_254, %dma_wait3A_255, %dma_wait3A_256, %dma_wait3A_257] : memref<2x4x128x16xf32, #tpu.memory_space<vmem>> -> memref<1x1x128x16xf32, #tpu.memory_space<vmem>>
      %dma_wait3A_259 = tpu.memref_squeeze %dma_wait3A_258 : memref<1x1x128x16xf32, #tpu.memory_space<vmem>> -> memref<128x16xf32, #tpu.memory_space<vmem>>
      %dma_wait3A_260 = arith.constant 0 : i32
      %dma_wait3A_261 = tpu.memref_slice %arg5[%dma_wait3A_253, %dma_wait3A_260] : memref<200x128xi32, #tpu.memory_space<vmem>> -> memref<1x128xi32, #tpu.memory_space<vmem>>
      %dma_wait3A_262 = tpu.memref_squeeze %dma_wait3A_261 : memref<1x128xi32, #tpu.memory_space<vmem>> -> memref<128xi32, #tpu.memory_space<vmem>>
      %dma_wait3A_263 = arith.constant 0 : i32
      %dma_wait3A_264 = arith.constant 0 : i32
      %dma_wait3A_265 = tpu.memref_slice %arg3[%dma_wait3A_263, %dma_wait3A_264] : memref<1000000x16xf32, #tpu.memory_space<hbm>> -> memref<1000000x16xf32, #tpu.memory_space<hbm>>
      tpu.wait_indirect_dma semaphore(%arg8 : memref<!tpu.dma_semaphore, #tpu.memory_space<semaphore_mem>>) src(%dma_wait3A_265 : memref<1000000x16xf32, #tpu.memory_space<hbm>>) dst(%dma_wait3A_259 : memref<128x16xf32, #tpu.memory_space<vmem>>)
      %dma_wait3A_266 = arith.constant 0 : i32
      %dma_wait3A_267 = arith.constant 0 : i32
      %dma_wait3A_268 = arith.constant 3 : i32
      %dma_wait3A_269 = arith.constant 0 : i32
      %dma_wait3A_270 = arith.constant 0 : i32
      %dma_wait3A_271 = tpu.memref_slice %arg6[%dma_wait3A_267, %dma_wait3A_268, %dma_wait3A_269, %dma_wait3A_270] : memref<2x4x128x16xf32, #tpu.memory_space<vmem>> -> memref<1x1x128x16xf32, #tpu.memory_space<vmem>>
      %dma_wait3A_272 = tpu.memref_squeeze %dma_wait3A_271 : memref<1x1x128x16xf32, #tpu.memory_space<vmem>> -> memref<128x16xf32, #tpu.memory_space<vmem>>
      %dma_wait3A_273 = arith.constant 0 : i32
      %dma_wait3A_274 = tpu.memref_slice %arg5[%dma_wait3A_266, %dma_wait3A_273] : memref<200x128xi32, #tpu.memory_space<vmem>> -> memref<1x128xi32, #tpu.memory_space<vmem>>
      %dma_wait3A_275 = tpu.memref_squeeze %dma_wait3A_274 : memref<1x128xi32, #tpu.memory_space<vmem>> -> memref<128xi32, #tpu.memory_space<vmem>>
      %dma_wait3A_276 = arith.constant 0 : i32
      %dma_wait3A_277 = arith.constant 0 : i32
      %dma_wait3A_278 = tpu.memref_slice %arg3[%dma_wait3A_276, %dma_wait3A_277] : memref<1000000x16xf32, #tpu.memory_space<hbm>> -> memref<1000000x16xf32, #tpu.memory_space<hbm>>
      tpu.wait_indirect_dma semaphore(%arg8 : memref<!tpu.dma_semaphore, #tpu.memory_space<semaphore_mem>>) src(%dma_wait3A_278 : memref<1000000x16xf32, #tpu.memory_space<hbm>>) dst(%dma_wait3A_272 : memref<128x16xf32, #tpu.memory_space<vmem>>)
      %parallel_loop3A_279 = arith.constant 0 : i32
      %parallel_loop3A_280 = arith.constant 128 : i32
      %parallel_loop3A_281 = arith.constant 1 : i32
      scf.for %parallel_loop3A_473 = %parallel_loop3A_279 to %parallel_loop3A_280 step %parallel_loop3A_281  : i32 {
        %parallel_loop3A_474 = arith.constant 0 : i32
        %parallel_loop3A_475 = arith.constant 0 : i32
        %parallel_loop3A_476 = arith.index_cast %parallel_loop3A_474 : i32 to index
        %parallel_loop3A_477 = arith.index_cast %parallel_loop3A_475 : i32 to index
        %parallel_loop3A_478 = arith.index_cast %parallel_loop3A_473 : i32 to index
        %parallel_loop3A_479 = arith.constant 0 : index
        %parallel_loop3A_480 = tpu.vector_load %arg6[%parallel_loop3A_476, %parallel_loop3A_477, %parallel_loop3A_478, %parallel_loop3A_479] {strides = array<i32>} : memref<2x4x128x16xf32, #tpu.memory_space<vmem>>, vector<1x1x1x16xf32>,
        %parallel_loop3A_481 = vector.shape_cast %parallel_loop3A_480 : vector<1x1x1x16xf32> to vector<16xf32>
        %parallel_loop3A_482 = arith.index_cast %parallel_loop3A_473 : i32 to index
        %parallel_loop3A_483 = arith.constant 0 : index
        %parallel_loop3A_484 = tpu.vector_load %arg7[%parallel_loop3A_482, %parallel_loop3A_483] {strides = array<i32>} : memref<128x16xf32, #tpu.memory_space<vmem>>, vector<1x16xf32>,
        %parallel_loop3A_485 = vector.shape_cast %parallel_loop3A_484 : vector<1x16xf32> to vector<16xf32>
        %parallel_loop3A_486 = vector.shape_cast %parallel_loop3A_481 : vector<16xf32> to vector<1x16xf32>
        tpu.vector_store %arg7[%parallel_loop3A_482, %parallel_loop3A_483], %parallel_loop3A_486 {add = true, strides = array<i32>} : memref<128x16xf32, #tpu.memory_space<vmem>>, vector<1x16xf32>,
        %parallel_loop3A_487 = arith.constant 0 : i32
        %parallel_loop3A_488 = arith.constant 1 : i32
        %parallel_loop3A_489 = arith.index_cast %parallel_loop3A_487 : i32 to index
        %parallel_loop3A_490 = arith.index_cast %parallel_loop3A_488 : i32 to index
        %parallel_loop3A_491 = arith.index_cast %parallel_loop3A_473 : i32 to index
        %parallel_loop3A_492 = arith.constant 0 : index
        %parallel_loop3A_493 = tpu.vector_load %arg6[%parallel_loop3A_489, %parallel_loop3A_490, %parallel_loop3A_491, %parallel_loop3A_492] {strides = array<i32>} : memref<2x4x128x16xf32, #tpu.memory_space<vmem>>, vector<1x1x1x16xf32>,
        %parallel_loop3A_494 = vector.shape_cast %parallel_loop3A_493 : vector<1x1x1x16xf32> to vector<16xf32>
        %parallel_loop3A_495 = arith.index_cast %parallel_loop3A_473 : i32 to index
        %parallel_loop3A_496 = arith.constant 0 : index
        %parallel_loop3A_497 = tpu.vector_load %arg7[%parallel_loop3A_495, %parallel_loop3A_496] {strides = array<i32>} : memref<128x16xf32, #tpu.memory_space<vmem>>, vector<1x16xf32>,
        %parallel_loop3A_498 = vector.shape_cast %parallel_loop3A_497 : vector<1x16xf32> to vector<16xf32>
        %parallel_loop3A_499 = vector.shape_cast %parallel_loop3A_494 : vector<16xf32> to vector<1x16xf32>
        tpu.vector_store %arg7[%parallel_loop3A_495, %parallel_loop3A_496], %parallel_loop3A_499 {add = true, strides = array<i32>} : memref<128x16xf32, #tpu.memory_space<vmem>>, vector<1x16xf32>,
        %parallel_loop3A_500 = arith.constant 0 : i32
        %parallel_loop3A_501 = arith.constant 2 : i32
        %parallel_loop3A_502 = arith.index_cast %parallel_loop3A_500 : i32 to index
        %parallel_loop3A_503 = arith.index_cast %parallel_loop3A_501 : i32 to index
        %parallel_loop3A_504 = arith.index_cast %parallel_loop3A_473 : i32 to index
        %parallel_loop3A_505 = arith.constant 0 : index
        %parallel_loop3A_506 = tpu.vector_load %arg6[%parallel_loop3A_502, %parallel_loop3A_503, %parallel_loop3A_504, %parallel_loop3A_505] {strides = array<i32>} : memref<2x4x128x16xf32, #tpu.memory_space<vmem>>, vector<1x1x1x16xf32>,
        %parallel_loop3A_507 = vector.shape_cast %parallel_loop3A_506 : vector<1x1x1x16xf32> to vector<16xf32>
        %parallel_loop3A_508 = arith.index_cast %parallel_loop3A_473 : i32 to index
        %parallel_loop3A_509 = arith.constant 0 : index
        %parallel_loop3A_510 = tpu.vector_load %arg7[%parallel_loop3A_508, %parallel_loop3A_509] {strides = array<i32>} : memref<128x16xf32, #tpu.memory_space<vmem>>, vector<1x16xf32>,
        %parallel_loop3A_511 = vector.shape_cast %parallel_loop3A_510 : vector<1x16xf32> to vector<16xf32>
        %parallel_loop3A_512 = vector.shape_cast %parallel_loop3A_507 : vector<16xf32> to vector<1x16xf32>
        tpu.vector_store %arg7[%parallel_loop3A_508, %parallel_loop3A_509], %parallel_loop3A_512 {add = true, strides = array<i32>} : memref<128x16xf32, #tpu.memory_space<vmem>>, vector<1x16xf32>,
        %parallel_loop3A_513 = arith.constant 0 : i32
        %parallel_loop3A_514 = arith.constant 3 : i32
        %parallel_loop3A_515 = arith.index_cast %parallel_loop3A_513 : i32 to index
        %parallel_loop3A_516 = arith.index_cast %parallel_loop3A_514 : i32 to index
        %parallel_loop3A_517 = arith.index_cast %parallel_loop3A_473 : i32 to index
        %parallel_loop3A_518 = arith.constant 0 : index
        %parallel_loop3A_519 = tpu.vector_load %arg6[%parallel_loop3A_515, %parallel_loop3A_516, %parallel_loop3A_517, %parallel_loop3A_518] {strides = array<i32>} : memref<2x4x128x16xf32, #tpu.memory_space<vmem>>, vector<1x1x1x16xf32>,
        %parallel_loop3A_520 = vector.shape_cast %parallel_loop3A_519 : vector<1x1x1x16xf32> to vector<16xf32>
        %parallel_loop3A_521 = arith.index_cast %parallel_loop3A_473 : i32 to index
        %parallel_loop3A_522 = arith.constant 0 : index
        %parallel_loop3A_523 = tpu.vector_load %arg7[%parallel_loop3A_521, %parallel_loop3A_522] {strides = array<i32>} : memref<128x16xf32, #tpu.memory_space<vmem>>, vector<1x16xf32>,
        %parallel_loop3A_524 = vector.shape_cast %parallel_loop3A_523 : vector<1x16xf32> to vector<16xf32>
        %parallel_loop3A_525 = vector.shape_cast %parallel_loop3A_520 : vector<16xf32> to vector<1x16xf32>
        tpu.vector_store %arg7[%parallel_loop3A_521, %parallel_loop3A_522], %parallel_loop3A_525 {add = true, strides = array<i32>} : memref<128x16xf32, #tpu.memory_space<vmem>>, vector<1x16xf32>,
      } {sc.loop_unroll_factor = 4 : i64, sc.parallel_access}
      %add3A_282 = arith.constant 2 : i32
      %add3A_283 = arith.addi %add3A_226, %add3A_282 : i32
      %mul3A_284 = arith.constant 4 : i32
      %mul3A_285 = arith.muli %add3A_283, %mul3A_284 : i32
      %add3A_286 = arith.constant 0 : i32
      %add3A_287 = arith.addi %mul3A_285, %add3A_286 : i32
      %dma_start3A_288 = arith.constant 0 : i32
      %dma_start3A_289 = arith.constant 0 : i32
      %dma_start3A_290 = arith.constant 0 : i32
      %dma_start3A_291 = arith.constant 0 : i32
      %dma_start3A_292 = tpu.memref_slice %arg6[%dma_start3A_288, %dma_start3A_289, %dma_start3A_290, %dma_start3A_291] : memref<2x4x128x16xf32, #tpu.memory_space<vmem>> -> memref<1x1x128x16xf32, #tpu.memory_space<vmem>>
      %dma_start3A_293 = tpu.memref_squeeze %dma_start3A_292 : memref<1x1x128x16xf32, #tpu.memory_space<vmem>> -> memref<128x16xf32, #tpu.memory_space<vmem>>
      %dma_start3A_294 = arith.constant 0 : i32
      %dma_start3A_295 = tpu.memref_slice %arg5[%add3A_287, %dma_start3A_294] : memref<200x128xi32, #tpu.memory_space<vmem>> -> memref<1x128xi32, #tpu.memory_space<vmem>>
      %dma_start3A_296 = tpu.memref_squeeze %dma_start3A_295 : memref<1x128xi32, #tpu.memory_space<vmem>> -> memref<128xi32, #tpu.memory_space<vmem>>
      %dma_start3A_297 = arith.constant 0 : i32
      %dma_start3A_298 = arith.constant 0 : i32
      %dma_start3A_299 = tpu.memref_slice %arg3[%dma_start3A_297, %dma_start3A_298] : memref<1000000x16xf32, #tpu.memory_space<hbm>> -> memref<1000000x16xf32, #tpu.memory_space<hbm>>
      tpu.enqueue_indirect_dma source(%dma_start3A_299 : memref<1000000x16xf32, #tpu.memory_space<hbm>>) target(%dma_start3A_293 : memref<128x16xf32, #tpu.memory_space<vmem>>) offsets(%dma_start3A_296 : memref<128xi32, #tpu.memory_space<vmem>>) semaphore(%arg8 : memref<!tpu.dma_semaphore, #tpu.memory_space<semaphore_mem>>)
      %mul3A_300 = arith.constant 4 : i32
      %mul3A_301 = arith.muli %add3A_283, %mul3A_300 : i32
      %add3A_302 = arith.constant 1 : i32
      %add3A_303 = arith.addi %mul3A_301, %add3A_302 : i32
      %dma_start3A_304 = arith.constant 0 : i32
      %dma_start3A_305 = arith.constant 1 : i32
      %dma_start3A_306 = arith.constant 0 : i32
      %dma_start3A_307 = arith.constant 0 : i32
      %dma_start3A_308 = tpu.memref_slice %arg6[%dma_start3A_304, %dma_start3A_305, %dma_start3A_306, %dma_start3A_307] : memref<2x4x128x16xf32, #tpu.memory_space<vmem>> -> memref<1x1x128x16xf32, #tpu.memory_space<vmem>>
      %dma_start3A_309 = tpu.memref_squeeze %dma_start3A_308 : memref<1x1x128x16xf32, #tpu.memory_space<vmem>> -> memref<128x16xf32, #tpu.memory_space<vmem>>
      %dma_start3A_310 = arith.constant 0 : i32
      %dma_start3A_311 = tpu.memref_slice %arg5[%add3A_303, %dma_start3A_310] : memref<200x128xi32, #tpu.memory_space<vmem>> -> memref<1x128xi32, #tpu.memory_space<vmem>>
      %dma_start3A_312 = tpu.memref_squeeze %dma_start3A_311 : memref<1x128xi32, #tpu.memory_space<vmem>> -> memref<128xi32, #tpu.memory_space<vmem>>
      %dma_start3A_313 = arith.constant 0 : i32
      %dma_start3A_314 = arith.constant 0 : i32
      %dma_start3A_315 = tpu.memref_slice %arg3[%dma_start3A_313, %dma_start3A_314] : memref<1000000x16xf32, #tpu.memory_space<hbm>> -> memref<1000000x16xf32, #tpu.memory_space<hbm>>
      tpu.enqueue_indirect_dma source(%dma_start3A_315 : memref<1000000x16xf32, #tpu.memory_space<hbm>>) target(%dma_start3A_309 : memref<128x16xf32, #tpu.memory_space<vmem>>) offsets(%dma_start3A_312 : memref<128xi32, #tpu.memory_space<vmem>>) semaphore(%arg8 : memref<!tpu.dma_semaphore, #tpu.memory_space<semaphore_mem>>)
      %mul3A_316 = arith.constant 4 : i32
      %mul3A_317 = arith.muli %add3A_283, %mul3A_316 : i32
      %add3A_318 = arith.constant 2 : i32
      %add3A_319 = arith.addi %mul3A_317, %add3A_318 : i32
      %dma_start3A_320 = arith.constant 0 : i32
      %dma_start3A_321 = arith.constant 2 : i32
      %dma_start3A_322 = arith.constant 0 : i32
      %dma_start3A_323 = arith.constant 0 : i32
      %dma_start3A_324 = tpu.memref_slice %arg6[%dma_start3A_320, %dma_start3A_321, %dma_start3A_322, %dma_start3A_323] : memref<2x4x128x16xf32, #tpu.memory_space<vmem>> -> memref<1x1x128x16xf32, #tpu.memory_space<vmem>>
      %dma_start3A_325 = tpu.memref_squeeze %dma_start3A_324 : memref<1x1x128x16xf32, #tpu.memory_space<vmem>> -> memref<128x16xf32, #tpu.memory_space<vmem>>
      %dma_start3A_326 = arith.constant 0 : i32
      %dma_start3A_327 = tpu.memref_slice %arg5[%add3A_319, %dma_start3A_326] : memref<200x128xi32, #tpu.memory_space<vmem>> -> memref<1x128xi32, #tpu.memory_space<vmem>>
      %dma_start3A_328 = tpu.memref_squeeze %dma_start3A_327 : memref<1x128xi32, #tpu.memory_space<vmem>> -> memref<128xi32, #tpu.memory_space<vmem>>
      %dma_start3A_329 = arith.constant 0 : i32
      %dma_start3A_330 = arith.constant 0 : i32
      %dma_start3A_331 = tpu.memref_slice %arg3[%dma_start3A_329, %dma_start3A_330] : memref<1000000x16xf32, #tpu.memory_space<hbm>> -> memref<1000000x16xf32, #tpu.memory_space<hbm>>
      tpu.enqueue_indirect_dma source(%dma_start3A_331 : memref<1000000x16xf32, #tpu.memory_space<hbm>>) target(%dma_start3A_325 : memref<128x16xf32, #tpu.memory_space<vmem>>) offsets(%dma_start3A_328 : memref<128xi32, #tpu.memory_space<vmem>>) semaphore(%arg8 : memref<!tpu.dma_semaphore, #tpu.memory_space<semaphore_mem>>)
      %mul3A_332 = arith.constant 4 : i32
      %mul3A_333 = arith.muli %add3A_283, %mul3A_332 : i32
      %add3A_334 = arith.constant 3 : i32
      %add3A_335 = arith.addi %mul3A_333, %add3A_334 : i32
      %dma_start3A_336 = arith.constant 0 : i32
      %dma_start3A_337 = arith.constant 3 : i32
      %dma_start3A_338 = arith.constant 0 : i32
      %dma_start3A_339 = arith.constant 0 : i32
      %dma_start3A_340 = tpu.memref_slice %arg6[%dma_start3A_336, %dma_start3A_337, %dma_start3A_338, %dma_start3A_339] : memref<2x4x128x16xf32, #tpu.memory_space<vmem>> -> memref<1x1x128x16xf32, #tpu.memory_space<vmem>>
      %dma_start3A_341 = tpu.memref_squeeze %dma_start3A_340 : memref<1x1x128x16xf32, #tpu.memory_space<vmem>> -> memref<128x16xf32, #tpu.memory_space<vmem>>
      %dma_start3A_342 = arith.constant 0 : i32
      %dma_start3A_343 = tpu.memref_slice %arg5[%add3A_335, %dma_start3A_342] : memref<200x128xi32, #tpu.memory_space<vmem>> -> memref<1x128xi32, #tpu.memory_space<vmem>>
      %dma_start3A_344 = tpu.memref_squeeze %dma_start3A_343 : memref<1x128xi32, #tpu.memory_space<vmem>> -> memref<128xi32, #tpu.memory_space<vmem>>
      %dma_start3A_345 = arith.constant 0 : i32
      %dma_start3A_346 = arith.constant 0 : i32
      %dma_start3A_347 = tpu.memref_slice %arg3[%dma_start3A_345, %dma_start3A_346] : memref<1000000x16xf32, #tpu.memory_space<hbm>> -> memref<1000000x16xf32, #tpu.memory_space<hbm>>
      tpu.enqueue_indirect_dma source(%dma_start3A_347 : memref<1000000x16xf32, #tpu.memory_space<hbm>>) target(%dma_start3A_341 : memref<128x16xf32, #tpu.memory_space<vmem>>) offsets(%dma_start3A_344 : memref<128xi32, #tpu.memory_space<vmem>>) semaphore(%arg8 : memref<!tpu.dma_semaphore, #tpu.memory_space<semaphore_mem>>)
      %mul3A_348 = arith.constant 2 : i32
      %mul3A_349 = arith.muli %mul3A_348, %scan3A_222 : i32
      %add3A_350 = arith.constant 1 : i32
      %add3A_351 = arith.addi %mul3A_349, %add3A_350 : i32
      %dma_wait3A_352 = arith.constant 0 : i32
      %dma_wait3A_353 = arith.constant 1 : i32
      %dma_wait3A_354 = arith.constant 0 : i32
      %dma_wait3A_355 = arith.constant 0 : i32
      %dma_wait3A_356 = arith.constant 0 : i32
      %dma_wait3A_357 = tpu.memref_slice %arg6[%dma_wait3A_353, %dma_wait3A_354, %dma_wait3A_355, %dma_wait3A_356] : memref<2x4x128x16xf32, #tpu.memory_space<vmem>> -> memref<1x1x128x16xf32, #tpu.memory_space<vmem>>
      %dma_wait3A_358 = tpu.memref_squeeze %dma_wait3A_357 : memref<1x1x128x16xf32, #tpu.memory_space<vmem>> -> memref<128x16xf32, #tpu.memory_space<vmem>>
      %dma_wait3A_359 = arith.constant 0 : i32
      %dma_wait3A_360 = tpu.memref_slice %arg5[%dma_wait3A_352, %dma_wait3A_359] : memref<200x128xi32, #tpu.memory_space<vmem>> -> memref<1x128xi32, #tpu.memory_space<vmem>>
      %dma_wait3A_361 = tpu.memref_squeeze %dma_wait3A_360 : memref<1x128xi32, #tpu.memory_space<vmem>> -> memref<128xi32, #tpu.memory_space<vmem>>
      %dma_wait3A_362 = arith.constant 0 : i32
      %dma_wait3A_363 = arith.constant 0 : i32
      %dma_wait3A_364 = tpu.memref_slice %arg3[%dma_wait3A_362, %dma_wait3A_363] : memref<1000000x16xf32, #tpu.memory_space<hbm>> -> memref<1000000x16xf32, #tpu.memory_space<hbm>>
      tpu.wait_indirect_dma semaphore(%arg9 : memref<!tpu.dma_semaphore, #tpu.memory_space<semaphore_mem>>) src(%dma_wait3A_364 : memref<1000000x16xf32, #tpu.memory_space<hbm>>) dst(%dma_wait3A_358 : memref<128x16xf32, #tpu.memory_space<vmem>>)
      %dma_wait3A_365 = arith.constant 0 : i32
      %dma_wait3A_366 = arith.constant 1 : i32
      %dma_wait3A_367 = arith.constant 1 : i32
      %dma_wait3A_368 = arith.constant 0 : i32
      %dma_wait3A_369 = arith.constant 0 : i32
      %dma_wait3A_370 = tpu.memref_slice %arg6[%dma_wait3A_366, %dma_wait3A_367, %dma_wait3A_368, %dma_wait3A_369] : memref<2x4x128x16xf32, #tpu.memory_space<vmem>> -> memref<1x1x128x16xf32, #tpu.memory_space<vmem>>
      %dma_wait3A_371 = tpu.memref_squeeze %dma_wait3A_370 : memref<1x1x128x16xf32, #tpu.memory_space<vmem>> -> memref<128x16xf32, #tpu.memory_space<vmem>>
      %dma_wait3A_372 = arith.constant 0 : i32
      %dma_wait3A_373 = tpu.memref_slice %arg5[%dma_wait3A_365, %dma_wait3A_372] : memref<200x128xi32, #tpu.memory_space<vmem>> -> memref<1x128xi32, #tpu.memory_space<vmem>>
      %dma_wait3A_374 = tpu.memref_squeeze %dma_wait3A_373 : memref<1x128xi32, #tpu.memory_space<vmem>> -> memref<128xi32, #tpu.memory_space<vmem>>
      %dma_wait3A_375 = arith.constant 0 : i32
      %dma_wait3A_376 = arith.constant 0 : i32
      %dma_wait3A_377 = tpu.memref_slice %arg3[%dma_wait3A_375, %dma_wait3A_376] : memref<1000000x16xf32, #tpu.memory_space<hbm>> -> memref<1000000x16xf32, #tpu.memory_space<hbm>>
      tpu.wait_indirect_dma semaphore(%arg9 : memref<!tpu.dma_semaphore, #tpu.memory_space<semaphore_mem>>) src(%dma_wait3A_377 : memref<1000000x16xf32, #tpu.memory_space<hbm>>) dst(%dma_wait3A_371 : memref<128x16xf32, #tpu.memory_space<vmem>>)
      %dma_wait3A_378 = arith.constant 0 : i32
      %dma_wait3A_379 = arith.constant 1 : i32
      %dma_wait3A_380 = arith.constant 2 : i32
      %dma_wait3A_381 = arith.constant 0 : i32
      %dma_wait3A_382 = arith.constant 0 : i32
      %dma_wait3A_383 = tpu.memref_slice %arg6[%dma_wait3A_379, %dma_wait3A_380, %dma_wait3A_381, %dma_wait3A_382] : memref<2x4x128x16xf32, #tpu.memory_space<vmem>> -> memref<1x1x128x16xf32, #tpu.memory_space<vmem>>
      %dma_wait3A_384 = tpu.memref_squeeze %dma_wait3A_383 : memref<1x1x128x16xf32, #tpu.memory_space<vmem>> -> memref<128x16xf32, #tpu.memory_space<vmem>>
      %dma_wait3A_385 = arith.constant 0 : i32
      %dma_wait3A_386 = tpu.memref_slice %arg5[%dma_wait3A_378, %dma_wait3A_385] : memref<200x128xi32, #tpu.memory_space<vmem>> -> memref<1x128xi32, #tpu.memory_space<vmem>>
      %dma_wait3A_387 = tpu.memref_squeeze %dma_wait3A_386 : memref<1x128xi32, #tpu.memory_space<vmem>> -> memref<128xi32, #tpu.memory_space<vmem>>
      %dma_wait3A_388 = arith.constant 0 : i32
      %dma_wait3A_389 = arith.constant 0 : i32
      %dma_wait3A_390 = tpu.memref_slice %arg3[%dma_wait3A_388, %dma_wait3A_389] : memref<1000000x16xf32, #tpu.memory_space<hbm>> -> memref<1000000x16xf32, #tpu.memory_space<hbm>>
      tpu.wait_indirect_dma semaphore(%arg9 : memref<!tpu.dma_semaphore, #tpu.memory_space<semaphore_mem>>) src(%dma_wait3A_390 : memref<1000000x16xf32, #tpu.memory_space<hbm>>) dst(%dma_wait3A_384 : memref<128x16xf32, #tpu.memory_space<vmem>>)
      %dma_wait3A_391 = arith.constant 0 : i32
      %dma_wait3A_392 = arith.constant 1 : i32
      %dma_wait3A_393 = arith.constant 3 : i32
      %dma_wait3A_394 = arith.constant 0 : i32
      %dma_wait3A_395 = arith.constant 0 : i32
      %dma_wait3A_396 = tpu.memref_slice %arg6[%dma_wait3A_392, %dma_wait3A_393, %dma_wait3A_394, %dma_wait3A_395] : memref<2x4x128x16xf32, #tpu.memory_space<vmem>> -> memref<1x1x128x16xf32, #tpu.memory_space<vmem>>
      %dma_wait3A_397 = tpu.memref_squeeze %dma_wait3A_396 : memref<1x1x128x16xf32, #tpu.memory_space<vmem>> -> memref<128x16xf32, #tpu.memory_space<vmem>>
      %dma_wait3A_398 = arith.constant 0 : i32
      %dma_wait3A_399 = tpu.memref_slice %arg5[%dma_wait3A_391, %dma_wait3A_398] : memref<200x128xi32, #tpu.memory_space<vmem>> -> memref<1x128xi32, #tpu.memory_space<vmem>>
      %dma_wait3A_400 = tpu.memref_squeeze %dma_wait3A_399 : memref<1x128xi32, #tpu.memory_space<vmem>> -> memref<128xi32, #tpu.memory_space<vmem>>
      %dma_wait3A_401 = arith.constant 0 : i32
      %dma_wait3A_402 = arith.constant 0 : i32
      %dma_wait3A_403 = tpu.memref_slice %arg3[%dma_wait3A_401, %dma_wait3A_402] : memref<1000000x16xf32, #tpu.memory_space<hbm>> -> memref<1000000x16xf32, #tpu.memory_space<hbm>>
      tpu.wait_indirect_dma semaphore(%arg9 : memref<!tpu.dma_semaphore, #tpu.memory_space<semaphore_mem>>) src(%dma_wait3A_403 : memref<1000000x16xf32, #tpu.memory_space<hbm>>) dst(%dma_wait3A_397 : memref<128x16xf32, #tpu.memory_space<vmem>>)
      %parallel_loop3A_404 = arith.constant 0 : i32
      %parallel_loop3A_405 = arith.constant 128 : i32
      %parallel_loop3A_406 = arith.constant 1 : i32
      scf.for %parallel_loop3A_473 = %parallel_loop3A_404 to %parallel_loop3A_405 step %parallel_loop3A_406  : i32 {
        %parallel_loop3A_474 = arith.constant 1 : i32
        %parallel_loop3A_475 = arith.constant 0 : i32
        %parallel_loop3A_476 = arith.index_cast %parallel_loop3A_474 : i32 to index
        %parallel_loop3A_477 = arith.index_cast %parallel_loop3A_475 : i32 to index
        %parallel_loop3A_478 = arith.index_cast %parallel_loop3A_473 : i32 to index
        %parallel_loop3A_479 = arith.constant 0 : index
        %parallel_loop3A_480 = tpu.vector_load %arg6[%parallel_loop3A_476, %parallel_loop3A_477, %parallel_loop3A_478, %parallel_loop3A_479] {strides = array<i32>} : memref<2x4x128x16xf32, #tpu.memory_space<vmem>>, vector<1x1x1x16xf32>,
        %parallel_loop3A_481 = vector.shape_cast %parallel_loop3A_480 : vector<1x1x1x16xf32> to vector<16xf32>
        %parallel_loop3A_482 = arith.index_cast %parallel_loop3A_473 : i32 to index
        %parallel_loop3A_483 = arith.constant 0 : index
        %parallel_loop3A_484 = tpu.vector_load %arg7[%parallel_loop3A_482, %parallel_loop3A_483] {strides = array<i32>} : memref<128x16xf32, #tpu.memory_space<vmem>>, vector<1x16xf32>,
        %parallel_loop3A_485 = vector.shape_cast %parallel_loop3A_484 : vector<1x16xf32> to vector<16xf32>
        %parallel_loop3A_486 = vector.shape_cast %parallel_loop3A_481 : vector<16xf32> to vector<1x16xf32>
        tpu.vector_store %arg7[%parallel_loop3A_482, %parallel_loop3A_483], %parallel_loop3A_486 {add = true, strides = array<i32>} : memref<128x16xf32, #tpu.memory_space<vmem>>, vector<1x16xf32>,
        %parallel_loop3A_487 = arith.constant 1 : i32
        %parallel_loop3A_488 = arith.constant 1 : i32
        %parallel_loop3A_489 = arith.index_cast %parallel_loop3A_487 : i32 to index
        %parallel_loop3A_490 = arith.index_cast %parallel_loop3A_488 : i32 to index
        %parallel_loop3A_491 = arith.index_cast %parallel_loop3A_473 : i32 to index
        %parallel_loop3A_492 = arith.constant 0 : index
        %parallel_loop3A_493 = tpu.vector_load %arg6[%parallel_loop3A_489, %parallel_loop3A_490, %parallel_loop3A_491, %parallel_loop3A_492] {strides = array<i32>} : memref<2x4x128x16xf32, #tpu.memory_space<vmem>>, vector<1x1x1x16xf32>,
        %parallel_loop3A_494 = vector.shape_cast %parallel_loop3A_493 : vector<1x1x1x16xf32> to vector<16xf32>
        %parallel_loop3A_495 = arith.index_cast %parallel_loop3A_473 : i32 to index
        %parallel_loop3A_496 = arith.constant 0 : index
        %parallel_loop3A_497 = tpu.vector_load %arg7[%parallel_loop3A_495, %parallel_loop3A_496] {strides = array<i32>} : memref<128x16xf32, #tpu.memory_space<vmem>>, vector<1x16xf32>,
        %parallel_loop3A_498 = vector.shape_cast %parallel_loop3A_497 : vector<1x16xf32> to vector<16xf32>
        %parallel_loop3A_499 = vector.shape_cast %parallel_loop3A_494 : vector<16xf32> to vector<1x16xf32>
        tpu.vector_store %arg7[%parallel_loop3A_495, %parallel_loop3A_496], %parallel_loop3A_499 {add = true, strides = array<i32>} : memref<128x16xf32, #tpu.memory_space<vmem>>, vector<1x16xf32>,
        %parallel_loop3A_500 = arith.constant 1 : i32
        %parallel_loop3A_501 = arith.constant 2 : i32
        %parallel_loop3A_502 = arith.index_cast %parallel_loop3A_500 : i32 to index
        %parallel_loop3A_503 = arith.index_cast %parallel_loop3A_501 : i32 to index
        %parallel_loop3A_504 = arith.index_cast %parallel_loop3A_473 : i32 to index
        %parallel_loop3A_505 = arith.constant 0 : index
        %parallel_loop3A_506 = tpu.vector_load %arg6[%parallel_loop3A_502, %parallel_loop3A_503, %parallel_loop3A_504, %parallel_loop3A_505] {strides = array<i32>} : memref<2x4x128x16xf32, #tpu.memory_space<vmem>>, vector<1x1x1x16xf32>,
        %parallel_loop3A_507 = vector.shape_cast %parallel_loop3A_506 : vector<1x1x1x16xf32> to vector<16xf32>
        %parallel_loop3A_508 = arith.index_cast %parallel_loop3A_473 : i32 to index
        %parallel_loop3A_509 = arith.constant 0 : index
        %parallel_loop3A_510 = tpu.vector_load %arg7[%parallel_loop3A_508, %parallel_loop3A_509] {strides = array<i32>} : memref<128x16xf32, #tpu.memory_space<vmem>>, vector<1x16xf32>,
        %parallel_loop3A_511 = vector.shape_cast %parallel_loop3A_510 : vector<1x16xf32> to vector<16xf32>
        %parallel_loop3A_512 = vector.shape_cast %parallel_loop3A_507 : vector<16xf32> to vector<1x16xf32>
        tpu.vector_store %arg7[%parallel_loop3A_508, %parallel_loop3A_509], %parallel_loop3A_512 {add = true, strides = array<i32>} : memref<128x16xf32, #tpu.memory_space<vmem>>, vector<1x16xf32>,
        %parallel_loop3A_513 = arith.constant 1 : i32
        %parallel_loop3A_514 = arith.constant 3 : i32
        %parallel_loop3A_515 = arith.index_cast %parallel_loop3A_513 : i32 to index
        %parallel_loop3A_516 = arith.index_cast %parallel_loop3A_514 : i32 to index
        %parallel_loop3A_517 = arith.index_cast %parallel_loop3A_473 : i32 to index
        %parallel_loop3A_518 = arith.constant 0 : index
        %parallel_loop3A_519 = tpu.vector_load %arg6[%parallel_loop3A_515, %parallel_loop3A_516, %parallel_loop3A_517, %parallel_loop3A_518] {strides = array<i32>} : memref<2x4x128x16xf32, #tpu.memory_space<vmem>>, vector<1x1x1x16xf32>,
        %parallel_loop3A_520 = vector.shape_cast %parallel_loop3A_519 : vector<1x1x1x16xf32> to vector<16xf32>
        %parallel_loop3A_521 = arith.index_cast %parallel_loop3A_473 : i32 to index
        %parallel_loop3A_522 = arith.constant 0 : index
        %parallel_loop3A_523 = tpu.vector_load %arg7[%parallel_loop3A_521, %parallel_loop3A_522] {strides = array<i32>} : memref<128x16xf32, #tpu.memory_space<vmem>>, vector<1x16xf32>,
        %parallel_loop3A_524 = vector.shape_cast %parallel_loop3A_523 : vector<1x16xf32> to vector<16xf32>
        %parallel_loop3A_525 = vector.shape_cast %parallel_loop3A_520 : vector<16xf32> to vector<1x16xf32>
        tpu.vector_store %arg7[%parallel_loop3A_521, %parallel_loop3A_522], %parallel_loop3A_525 {add = true, strides = array<i32>} : memref<128x16xf32, #tpu.memory_space<vmem>>, vector<1x16xf32>,
      } {sc.loop_unroll_factor = 4 : i64, sc.parallel_access}
      %add3A_407 = arith.constant 2 : i32
      %add3A_408 = arith.addi %add3A_351, %add3A_407 : i32
      %mul3A_409 = arith.constant 4 : i32
      %mul3A_410 = arith.muli %add3A_408, %mul3A_409 : i32
      %add3A_411 = arith.constant 0 : i32
      %add3A_412 = arith.addi %mul3A_410, %add3A_411 : i32
      %dma_start3A_413 = arith.constant 1 : i32
      %dma_start3A_414 = arith.constant 0 : i32
      %dma_start3A_415 = arith.constant 0 : i32
      %dma_start3A_416 = arith.constant 0 : i32
      %dma_start3A_417 = tpu.memref_slice %arg6[%dma_start3A_413, %dma_start3A_414, %dma_start3A_415, %dma_start3A_416] : memref<2x4x128x16xf32, #tpu.memory_space<vmem>> -> memref<1x1x128x16xf32, #tpu.memory_space<vmem>>
      %dma_start3A_418 = tpu.memref_squeeze %dma_start3A_417 : memref<1x1x128x16xf32, #tpu.memory_space<vmem>> -> memref<128x16xf32, #tpu.memory_space<vmem>>
      %dma_start3A_419 = arith.constant 0 : i32
      %dma_start3A_420 = tpu.memref_slice %arg5[%add3A_412, %dma_start3A_419] : memref<200x128xi32, #tpu.memory_space<vmem>> -> memref<1x128xi32, #tpu.memory_space<vmem>>
      %dma_start3A_421 = tpu.memref_squeeze %dma_start3A_420 : memref<1x128xi32, #tpu.memory_space<vmem>> -> memref<128xi32, #tpu.memory_space<vmem>>
      %dma_start3A_422 = arith.constant 0 : i32
      %dma_start3A_423 = arith.constant 0 : i32
      %dma_start3A_424 = tpu.memref_slice %arg3[%dma_start3A_422, %dma_start3A_423] : memref<1000000x16xf32, #tpu.memory_space<hbm>> -> memref<1000000x16xf32, #tpu.memory_space<hbm>>
      tpu.enqueue_indirect_dma source(%dma_start3A_424 : memref<1000000x16xf32, #tpu.memory_space<hbm>>) target(%dma_start3A_418 : memref<128x16xf32, #tpu.memory_space<vmem>>) offsets(%dma_start3A_421 : memref<128xi32, #tpu.memory_space<vmem>>) semaphore(%arg9 : memref<!tpu.dma_semaphore, #tpu.memory_space<semaphore_mem>>)
      %mul3A_425 = arith.constant 4 : i32
      %mul3A_426 = arith.muli %add3A_408, %mul3A_425 : i32
      %add3A_427 = arith.constant 1 : i32
      %add3A_428 = arith.addi %mul3A_426, %add3A_427 : i32
      %dma_start3A_429 = arith.constant 1 : i32
      %dma_start3A_430 = arith.constant 1 : i32
      %dma_start3A_431 = arith.constant 0 : i32
      %dma_start3A_432 = arith.constant 0 : i32
      %dma_start3A_433 = tpu.memref_slice %arg6[%dma_start3A_429, %dma_start3A_430, %dma_start3A_431, %dma_start3A_432] : memref<2x4x128x16xf32, #tpu.memory_space<vmem>> -> memref<1x1x128x16xf32, #tpu.memory_space<vmem>>
      %dma_start3A_434 = tpu.memref_squeeze %dma_start3A_433 : memref<1x1x128x16xf32, #tpu.memory_space<vmem>> -> memref<128x16xf32, #tpu.memory_space<vmem>>
      %dma_start3A_435 = arith.constant 0 : i32
      %dma_start3A_436 = tpu.memref_slice %arg5[%add3A_428, %dma_start3A_435] : memref<200x128xi32, #tpu.memory_space<vmem>> -> memref<1x128xi32, #tpu.memory_space<vmem>>
      %dma_start3A_437 = tpu.memref_squeeze %dma_start3A_436 : memref<1x128xi32, #tpu.memory_space<vmem>> -> memref<128xi32, #tpu.memory_space<vmem>>
      %dma_start3A_438 = arith.constant 0 : i32
      %dma_start3A_439 = arith.constant 0 : i32
      %dma_start3A_440 = tpu.memref_slice %arg3[%dma_start3A_438, %dma_start3A_439] : memref<1000000x16xf32, #tpu.memory_space<hbm>> -> memref<1000000x16xf32, #tpu.memory_space<hbm>>
      tpu.enqueue_indirect_dma source(%dma_start3A_440 : memref<1000000x16xf32, #tpu.memory_space<hbm>>) target(%dma_start3A_434 : memref<128x16xf32, #tpu.memory_space<vmem>>) offsets(%dma_start3A_437 : memref<128xi32, #tpu.memory_space<vmem>>) semaphore(%arg9 : memref<!tpu.dma_semaphore, #tpu.memory_space<semaphore_mem>>)
      %mul3A_441 = arith.constant 4 : i32
      %mul3A_442 = arith.muli %add3A_408, %mul3A_441 : i32
      %add3A_443 = arith.constant 2 : i32
      %add3A_444 = arith.addi %mul3A_442, %add3A_443 : i32
      %dma_start3A_445 = arith.constant 1 : i32
      %dma_start3A_446 = arith.constant 2 : i32
      %dma_start3A_447 = arith.constant 0 : i32
      %dma_start3A_448 = arith.constant 0 : i32
      %dma_start3A_449 = tpu.memref_slice %arg6[%dma_start3A_445, %dma_start3A_446, %dma_start3A_447, %dma_start3A_448] : memref<2x4x128x16xf32, #tpu.memory_space<vmem>> -> memref<1x1x128x16xf32, #tpu.memory_space<vmem>>
      %dma_start3A_450 = tpu.memref_squeeze %dma_start3A_449 : memref<1x1x128x16xf32, #tpu.memory_space<vmem>> -> memref<128x16xf32, #tpu.memory_space<vmem>>
      %dma_start3A_451 = arith.constant 0 : i32
      %dma_start3A_452 = tpu.memref_slice %arg5[%add3A_444, %dma_start3A_451] : memref<200x128xi32, #tpu.memory_space<vmem>> -> memref<1x128xi32, #tpu.memory_space<vmem>>
      %dma_start3A_453 = tpu.memref_squeeze %dma_start3A_452 : memref<1x128xi32, #tpu.memory_space<vmem>> -> memref<128xi32, #tpu.memory_space<vmem>>
      %dma_start3A_454 = arith.constant 0 : i32
      %dma_start3A_455 = arith.constant 0 : i32
      %dma_start3A_456 = tpu.memref_slice %arg3[%dma_start3A_454, %dma_start3A_455] : memref<1000000x16xf32, #tpu.memory_space<hbm>> -> memref<1000000x16xf32, #tpu.memory_space<hbm>>
      tpu.enqueue_indirect_dma source(%dma_start3A_456 : memref<1000000x16xf32, #tpu.memory_space<hbm>>) target(%dma_start3A_450 : memref<128x16xf32, #tpu.memory_space<vmem>>) offsets(%dma_start3A_453 : memref<128xi32, #tpu.memory_space<vmem>>) semaphore(%arg9 : memref<!tpu.dma_semaphore, #tpu.memory_space<semaphore_mem>>)
      %mul3A_457 = arith.constant 4 : i32
      %mul3A_458 = arith.muli %add3A_408, %mul3A_457 : i32
      %add3A_459 = arith.constant 3 : i32
      %add3A_460 = arith.addi %mul3A_458, %add3A_459 : i32
      %dma_start3A_461 = arith.constant 1 : i32
      %dma_start3A_462 = arith.constant 3 : i32
      %dma_start3A_463 = arith.constant 0 : i32
      %dma_start3A_464 = arith.constant 0 : i32
      %dma_start3A_465 = tpu.memref_slice %arg6[%dma_start3A_461, %dma_start3A_462, %dma_start3A_463, %dma_start3A_464] : memref<2x4x128x16xf32, #tpu.memory_space<vmem>> -> memref<1x1x128x16xf32, #tpu.memory_space<vmem>>
      %dma_start3A_466 = tpu.memref_squeeze %dma_start3A_465 : memref<1x1x128x16xf32, #tpu.memory_space<vmem>> -> memref<128x16xf32, #tpu.memory_space<vmem>>
      %dma_start3A_467 = arith.constant 0 : i32
      %dma_start3A_468 = tpu.memref_slice %arg5[%add3A_460, %dma_start3A_467] : memref<200x128xi32, #tpu.memory_space<vmem>> -> memref<1x128xi32, #tpu.memory_space<vmem>>
      %dma_start3A_469 = tpu.memref_squeeze %dma_start3A_468 : memref<1x128xi32, #tpu.memory_space<vmem>> -> memref<128xi32, #tpu.memory_space<vmem>>
      %dma_start3A_470 = arith.constant 0 : i32
      %dma_start3A_471 = arith.constant 0 : i32
      %dma_start3A_472 = tpu.memref_slice %arg3[%dma_start3A_470, %dma_start3A_471] : memref<1000000x16xf32, #tpu.memory_space<hbm>> -> memref<1000000x16xf32, #tpu.memory_space<hbm>>
      tpu.enqueue_indirect_dma source(%dma_start3A_472 : memref<1000000x16xf32, #tpu.memory_space<hbm>>) target(%dma_start3A_466 : memref<128x16xf32, #tpu.memory_space<vmem>>) offsets(%dma_start3A_469 : memref<128xi32, #tpu.memory_space<vmem>>) semaphore(%arg9 : memref<!tpu.dma_semaphore, #tpu.memory_space<semaphore_mem>>)
    }
    %scan3A_112 = arith.constant 24 : i32
    %dma_wait3A = arith.constant 0 : i32
    %dma_wait3A_113 = arith.constant 0 : i32
    %dma_wait3A_114 = arith.constant 0 : i32
    %dma_wait3A_115 = arith.constant 0 : i32
    %dma_wait3A_116 = arith.constant 0 : i32
    %dma_wait3A_117 = tpu.memref_slice %arg6[%dma_wait3A_113, %dma_wait3A_114, %dma_wait3A_115, %dma_wait3A_116] : memref<2x4x128x16xf32, #tpu.memory_space<vmem>> -> memref<1x1x128x16xf32, #tpu.memory_space<vmem>>
    %dma_wait3A_118 = tpu.memref_squeeze %dma_wait3A_117 : memref<1x1x128x16xf32, #tpu.memory_space<vmem>> -> memref<128x16xf32, #tpu.memory_space<vmem>>
    %dma_wait3A_119 = arith.constant 0 : i32
    %dma_wait3A_120 = tpu.memref_slice %arg5[%dma_wait3A, %dma_wait3A_119] : memref<200x128xi32, #tpu.memory_space<vmem>> -> memref<1x128xi32, #tpu.memory_space<vmem>>
    %dma_wait3A_121 = tpu.memref_squeeze %dma_wait3A_120 : memref<1x128xi32, #tpu.memory_space<vmem>> -> memref<128xi32, #tpu.memory_space<vmem>>
    %dma_wait3A_122 = arith.constant 0 : i32
    %dma_wait3A_123 = arith.constant 0 : i32
    %dma_wait3A_124 = tpu.memref_slice %arg3[%dma_wait3A_122, %dma_wait3A_123] : memref<1000000x16xf32, #tpu.memory_space<hbm>> -> memref<1000000x16xf32, #tpu.memory_space<hbm>>
    tpu.wait_indirect_dma semaphore(%arg8 : memref<!tpu.dma_semaphore, #tpu.memory_space<semaphore_mem>>) src(%dma_wait3A_124 : memref<1000000x16xf32, #tpu.memory_space<hbm>>) dst(%dma_wait3A_118 : memref<128x16xf32, #tpu.memory_space<vmem>>)
    %dma_wait3A_125 = arith.constant 0 : i32
    %dma_wait3A_126 = arith.constant 0 : i32
    %dma_wait3A_127 = arith.constant 1 : i32
    %dma_wait3A_128 = arith.constant 0 : i32
    %dma_wait3A_129 = arith.constant 0 : i32
    %dma_wait3A_130 = tpu.memref_slice %arg6[%dma_wait3A_126, %dma_wait3A_127, %dma_wait3A_128, %dma_wait3A_129] : memref<2x4x128x16xf32, #tpu.memory_space<vmem>> -> memref<1x1x128x16xf32, #tpu.memory_space<vmem>>
    %dma_wait3A_131 = tpu.memref_squeeze %dma_wait3A_130 : memref<1x1x128x16xf32, #tpu.memory_space<vmem>> -> memref<128x16xf32, #tpu.memory_space<vmem>>
    %dma_wait3A_132 = arith.constant 0 : i32
    %dma_wait3A_133 = tpu.memref_slice %arg5[%dma_wait3A_125, %dma_wait3A_132] : memref<200x128xi32, #tpu.memory_space<vmem>> -> memref<1x128xi32, #tpu.memory_space<vmem>>
    %dma_wait3A_134 = tpu.memref_squeeze %dma_wait3A_133 : memref<1x128xi32, #tpu.memory_space<vmem>> -> memref<128xi32, #tpu.memory_space<vmem>>
    %dma_wait3A_135 = arith.constant 0 : i32
    %dma_wait3A_136 = arith.constant 0 : i32
    %dma_wait3A_137 = tpu.memref_slice %arg3[%dma_wait3A_135, %dma_wait3A_136] : memref<1000000x16xf32, #tpu.memory_space<hbm>> -> memref<1000000x16xf32, #tpu.memory_space<hbm>>
    tpu.wait_indirect_dma semaphore(%arg8 : memref<!tpu.dma_semaphore, #tpu.memory_space<semaphore_mem>>) src(%dma_wait3A_137 : memref<1000000x16xf32, #tpu.memory_space<hbm>>) dst(%dma_wait3A_131 : memref<128x16xf32, #tpu.memory_space<vmem>>)
    %dma_wait3A_138 = arith.constant 0 : i32
    %dma_wait3A_139 = arith.constant 0 : i32
    %dma_wait3A_140 = arith.constant 2 : i32
    %dma_wait3A_141 = arith.constant 0 : i32
    %dma_wait3A_142 = arith.constant 0 : i32
    %dma_wait3A_143 = tpu.memref_slice %arg6[%dma_wait3A_139, %dma_wait3A_140, %dma_wait3A_141, %dma_wait3A_142] : memref<2x4x128x16xf32, #tpu.memory_space<vmem>> -> memref<1x1x128x16xf32, #tpu.memory_space<vmem>>
    %dma_wait3A_144 = tpu.memref_squeeze %dma_wait3A_143 : memref<1x1x128x16xf32, #tpu.memory_space<vmem>> -> memref<128x16xf32, #tpu.memory_space<vmem>>
    %dma_wait3A_145 = arith.constant 0 : i32
    %dma_wait3A_146 = tpu.memref_slice %arg5[%dma_wait3A_138, %dma_wait3A_145] : memref<200x128xi32, #tpu.memory_space<vmem>> -> memref<1x128xi32, #tpu.memory_space<vmem>>
    %dma_wait3A_147 = tpu.memref_squeeze %dma_wait3A_146 : memref<1x128xi32, #tpu.memory_space<vmem>> -> memref<128xi32, #tpu.memory_space<vmem>>
    %dma_wait3A_148 = arith.constant 0 : i32
    %dma_wait3A_149 = arith.constant 0 : i32
    %dma_wait3A_150 = tpu.memref_slice %arg3[%dma_wait3A_148, %dma_wait3A_149] : memref<1000000x16xf32, #tpu.memory_space<hbm>> -> memref<1000000x16xf32, #tpu.memory_space<hbm>>
    tpu.wait_indirect_dma semaphore(%arg8 : memref<!tpu.dma_semaphore, #tpu.memory_space<semaphore_mem>>) src(%dma_wait3A_150 : memref<1000000x16xf32, #tpu.memory_space<hbm>>) dst(%dma_wait3A_144 : memref<128x16xf32, #tpu.memory_space<vmem>>)
    %dma_wait3A_151 = arith.constant 0 : i32
    %dma_wait3A_152 = arith.constant 0 : i32
    %dma_wait3A_153 = arith.constant 3 : i32
    %dma_wait3A_154 = arith.constant 0 : i32
    %dma_wait3A_155 = arith.constant 0 : i32
    %dma_wait3A_156 = tpu.memref_slice %arg6[%dma_wait3A_152, %dma_wait3A_153, %dma_wait3A_154, %dma_wait3A_155] : memref<2x4x128x16xf32, #tpu.memory_space<vmem>> -> memref<1x1x128x16xf32, #tpu.memory_space<vmem>>
    %dma_wait3A_157 = tpu.memref_squeeze %dma_wait3A_156 : memref<1x1x128x16xf32, #tpu.memory_space<vmem>> -> memref<128x16xf32, #tpu.memory_space<vmem>>
    %dma_wait3A_158 = arith.constant 0 : i32
    %dma_wait3A_159 = tpu.memref_slice %arg5[%dma_wait3A_151, %dma_wait3A_158] : memref<200x128xi32, #tpu.memory_space<vmem>> -> memref<1x128xi32, #tpu.memory_space<vmem>>
    %dma_wait3A_160 = tpu.memref_squeeze %dma_wait3A_159 : memref<1x128xi32, #tpu.memory_space<vmem>> -> memref<128xi32, #tpu.memory_space<vmem>>
    %dma_wait3A_161 = arith.constant 0 : i32
    %dma_wait3A_162 = arith.constant 0 : i32
    %dma_wait3A_163 = tpu.memref_slice %arg3[%dma_wait3A_161, %dma_wait3A_162] : memref<1000000x16xf32, #tpu.memory_space<hbm>> -> memref<1000000x16xf32, #tpu.memory_space<hbm>>
    tpu.wait_indirect_dma semaphore(%arg8 : memref<!tpu.dma_semaphore, #tpu.memory_space<semaphore_mem>>) src(%dma_wait3A_163 : memref<1000000x16xf32, #tpu.memory_space<hbm>>) dst(%dma_wait3A_157 : memref<128x16xf32, #tpu.memory_space<vmem>>)
    %parallel_loop3A_164 = arith.constant 0 : i32
    %parallel_loop3A_165 = arith.constant 128 : i32
    %parallel_loop3A_166 = arith.constant 1 : i32
    scf.for %parallel_loop3A_222 = %parallel_loop3A_164 to %parallel_loop3A_165 step %parallel_loop3A_166  : i32 {
      %parallel_loop3A_223 = arith.constant 0 : i32
      %parallel_loop3A_224 = arith.constant 0 : i32
      %parallel_loop3A_225 = arith.index_cast %parallel_loop3A_223 : i32 to index
      %parallel_loop3A_226 = arith.index_cast %parallel_loop3A_224 : i32 to index
      %parallel_loop3A_227 = arith.index_cast %parallel_loop3A_222 : i32 to index
      %parallel_loop3A_228 = arith.constant 0 : index
      %parallel_loop3A_229 = tpu.vector_load %arg6[%parallel_loop3A_225, %parallel_loop3A_226, %parallel_loop3A_227, %parallel_loop3A_228] {strides = array<i32>} : memref<2x4x128x16xf32, #tpu.memory_space<vmem>>, vector<1x1x1x16xf32>,
      %parallel_loop3A_230 = vector.shape_cast %parallel_loop3A_229 : vector<1x1x1x16xf32> to vector<16xf32>
      %parallel_loop3A_231 = arith.index_cast %parallel_loop3A_222 : i32 to index
      %parallel_loop3A_232 = arith.constant 0 : index
      %parallel_loop3A_233 = tpu.vector_load %arg7[%parallel_loop3A_231, %parallel_loop3A_232] {strides = array<i32>} : memref<128x16xf32, #tpu.memory_space<vmem>>, vector<1x16xf32>,
      %parallel_loop3A_234 = vector.shape_cast %parallel_loop3A_233 : vector<1x16xf32> to vector<16xf32>
      %parallel_loop3A_235 = vector.shape_cast %parallel_loop3A_230 : vector<16xf32> to vector<1x16xf32>
      tpu.vector_store %arg7[%parallel_loop3A_231, %parallel_loop3A_232], %parallel_loop3A_235 {add = true, strides = array<i32>} : memref<128x16xf32, #tpu.memory_space<vmem>>, vector<1x16xf32>,
      %parallel_loop3A_236 = arith.constant 0 : i32
      %parallel_loop3A_237 = arith.constant 1 : i32
      %parallel_loop3A_238 = arith.index_cast %parallel_loop3A_236 : i32 to index
      %parallel_loop3A_239 = arith.index_cast %parallel_loop3A_237 : i32 to index
      %parallel_loop3A_240 = arith.index_cast %parallel_loop3A_222 : i32 to index
      %parallel_loop3A_241 = arith.constant 0 : index
      %parallel_loop3A_242 = tpu.vector_load %arg6[%parallel_loop3A_238, %parallel_loop3A_239, %parallel_loop3A_240, %parallel_loop3A_241] {strides = array<i32>} : memref<2x4x128x16xf32, #tpu.memory_space<vmem>>, vector<1x1x1x16xf32>,
      %parallel_loop3A_243 = vector.shape_cast %parallel_loop3A_242 : vector<1x1x1x16xf32> to vector<16xf32>
      %parallel_loop3A_244 = arith.index_cast %parallel_loop3A_222 : i32 to index
      %parallel_loop3A_245 = arith.constant 0 : index
      %parallel_loop3A_246 = tpu.vector_load %arg7[%parallel_loop3A_244, %parallel_loop3A_245] {strides = array<i32>} : memref<128x16xf32, #tpu.memory_space<vmem>>, vector<1x16xf32>,
      %parallel_loop3A_247 = vector.shape_cast %parallel_loop3A_246 : vector<1x16xf32> to vector<16xf32>
      %parallel_loop3A_248 = vector.shape_cast %parallel_loop3A_243 : vector<16xf32> to vector<1x16xf32>
      tpu.vector_store %arg7[%parallel_loop3A_244, %parallel_loop3A_245], %parallel_loop3A_248 {add = true, strides = array<i32>} : memref<128x16xf32, #tpu.memory_space<vmem>>, vector<1x16xf32>,
      %parallel_loop3A_249 = arith.constant 0 : i32
      %parallel_loop3A_250 = arith.constant 2 : i32
      %parallel_loop3A_251 = arith.index_cast %parallel_loop3A_249 : i32 to index
      %parallel_loop3A_252 = arith.index_cast %parallel_loop3A_250 : i32 to index
      %parallel_loop3A_253 = arith.index_cast %parallel_loop3A_222 : i32 to index
      %parallel_loop3A_254 = arith.constant 0 : index
      %parallel_loop3A_255 = tpu.vector_load %arg6[%parallel_loop3A_251, %parallel_loop3A_252, %parallel_loop3A_253, %parallel_loop3A_254] {strides = array<i32>} : memref<2x4x128x16xf32, #tpu.memory_space<vmem>>, vector<1x1x1x16xf32>,
      %parallel_loop3A_256 = vector.shape_cast %parallel_loop3A_255 : vector<1x1x1x16xf32> to vector<16xf32>
      %parallel_loop3A_257 = arith.index_cast %parallel_loop3A_222 : i32 to index
      %parallel_loop3A_258 = arith.constant 0 : index
      %parallel_loop3A_259 = tpu.vector_load %arg7[%parallel_loop3A_257, %parallel_loop3A_258] {strides = array<i32>} : memref<128x16xf32, #tpu.memory_space<vmem>>, vector<1x16xf32>,
      %parallel_loop3A_260 = vector.shape_cast %parallel_loop3A_259 : vector<1x16xf32> to vector<16xf32>
      %parallel_loop3A_261 = vector.shape_cast %parallel_loop3A_256 : vector<16xf32> to vector<1x16xf32>
      tpu.vector_store %arg7[%parallel_loop3A_257, %parallel_loop3A_258], %parallel_loop3A_261 {add = true, strides = array<i32>} : memref<128x16xf32, #tpu.memory_space<vmem>>, vector<1x16xf32>,
      %parallel_loop3A_262 = arith.constant 0 : i32
      %parallel_loop3A_263 = arith.constant 3 : i32
      %parallel_loop3A_264 = arith.index_cast %parallel_loop3A_262 : i32 to index
      %parallel_loop3A_265 = arith.index_cast %parallel_loop3A_263 : i32 to index
      %parallel_loop3A_266 = arith.index_cast %parallel_loop3A_222 : i32 to index
      %parallel_loop3A_267 = arith.constant 0 : index
      %parallel_loop3A_268 = tpu.vector_load %arg6[%parallel_loop3A_264, %parallel_loop3A_265, %parallel_loop3A_266, %parallel_loop3A_267] {strides = array<i32>} : memref<2x4x128x16xf32, #tpu.memory_space<vmem>>, vector<1x1x1x16xf32>,
      %parallel_loop3A_269 = vector.shape_cast %parallel_loop3A_268 : vector<1x1x1x16xf32> to vector<16xf32>
      %parallel_loop3A_270 = arith.index_cast %parallel_loop3A_222 : i32 to index
      %parallel_loop3A_271 = arith.constant 0 : index
      %parallel_loop3A_272 = tpu.vector_load %arg7[%parallel_loop3A_270, %parallel_loop3A_271] {strides = array<i32>} : memref<128x16xf32, #tpu.memory_space<vmem>>, vector<1x16xf32>,
      %parallel_loop3A_273 = vector.shape_cast %parallel_loop3A_272 : vector<1x16xf32> to vector<16xf32>
      %parallel_loop3A_274 = vector.shape_cast %parallel_loop3A_269 : vector<16xf32> to vector<1x16xf32>
      tpu.vector_store %arg7[%parallel_loop3A_270, %parallel_loop3A_271], %parallel_loop3A_274 {add = true, strides = array<i32>} : memref<128x16xf32, #tpu.memory_space<vmem>>, vector<1x16xf32>,
    } {sc.loop_unroll_factor = 4 : i64, sc.parallel_access}
    %dma_wait3A_167 = arith.constant 0 : i32
    %dma_wait3A_168 = arith.constant 1 : i32
    %dma_wait3A_169 = arith.constant 0 : i32
    %dma_wait3A_170 = arith.constant 0 : i32
    %dma_wait3A_171 = arith.constant 0 : i32
    %dma_wait3A_172 = tpu.memref_slice %arg6[%dma_wait3A_168, %dma_wait3A_169, %dma_wait3A_170, %dma_wait3A_171] : memref<2x4x128x16xf32, #tpu.memory_space<vmem>> -> memref<1x1x128x16xf32, #tpu.memory_space<vmem>>
    %dma_wait3A_173 = tpu.memref_squeeze %dma_wait3A_172 : memref<1x1x128x16xf32, #tpu.memory_space<vmem>> -> memref<128x16xf32, #tpu.memory_space<vmem>>
    %dma_wait3A_174 = arith.constant 0 : i32
    %dma_wait3A_175 = tpu.memref_slice %arg5[%dma_wait3A_167, %dma_wait3A_174] : memref<200x128xi32, #tpu.memory_space<vmem>> -> memref<1x128xi32, #tpu.memory_space<vmem>>
    %dma_wait3A_176 = tpu.memref_squeeze %dma_wait3A_175 : memref<1x128xi32, #tpu.memory_space<vmem>> -> memref<128xi32, #tpu.memory_space<vmem>>
    %dma_wait3A_177 = arith.constant 0 : i32
    %dma_wait3A_178 = arith.constant 0 : i32
    %dma_wait3A_179 = tpu.memref_slice %arg3[%dma_wait3A_177, %dma_wait3A_178] : memref<1000000x16xf32, #tpu.memory_space<hbm>> -> memref<1000000x16xf32, #tpu.memory_space<hbm>>
    tpu.wait_indirect_dma semaphore(%arg9 : memref<!tpu.dma_semaphore, #tpu.memory_space<semaphore_mem>>) src(%dma_wait3A_179 : memref<1000000x16xf32, #tpu.memory_space<hbm>>) dst(%dma_wait3A_173 : memref<128x16xf32, #tpu.memory_space<vmem>>)
    %dma_wait3A_180 = arith.constant 0 : i32
    %dma_wait3A_181 = arith.constant 1 : i32
    %dma_wait3A_182 = arith.constant 1 : i32
    %dma_wait3A_183 = arith.constant 0 : i32
    %dma_wait3A_184 = arith.constant 0 : i32
    %dma_wait3A_185 = tpu.memref_slice %arg6[%dma_wait3A_181, %dma_wait3A_182, %dma_wait3A_183, %dma_wait3A_184] : memref<2x4x128x16xf32, #tpu.memory_space<vmem>> -> memref<1x1x128x16xf32, #tpu.memory_space<vmem>>
    %dma_wait3A_186 = tpu.memref_squeeze %dma_wait3A_185 : memref<1x1x128x16xf32, #tpu.memory_space<vmem>> -> memref<128x16xf32, #tpu.memory_space<vmem>>
    %dma_wait3A_187 = arith.constant 0 : i32
    %dma_wait3A_188 = tpu.memref_slice %arg5[%dma_wait3A_180, %dma_wait3A_187] : memref<200x128xi32, #tpu.memory_space<vmem>> -> memref<1x128xi32, #tpu.memory_space<vmem>>
    %dma_wait3A_189 = tpu.memref_squeeze %dma_wait3A_188 : memref<1x128xi32, #tpu.memory_space<vmem>> -> memref<128xi32, #tpu.memory_space<vmem>>
    %dma_wait3A_190 = arith.constant 0 : i32
    %dma_wait3A_191 = arith.constant 0 : i32
    %dma_wait3A_192 = tpu.memref_slice %arg3[%dma_wait3A_190, %dma_wait3A_191] : memref<1000000x16xf32, #tpu.memory_space<hbm>> -> memref<1000000x16xf32, #tpu.memory_space<hbm>>
    tpu.wait_indirect_dma semaphore(%arg9 : memref<!tpu.dma_semaphore, #tpu.memory_space<semaphore_mem>>) src(%dma_wait3A_192 : memref<1000000x16xf32, #tpu.memory_space<hbm>>) dst(%dma_wait3A_186 : memref<128x16xf32, #tpu.memory_space<vmem>>)
    %dma_wait3A_193 = arith.constant 0 : i32
    %dma_wait3A_194 = arith.constant 1 : i32
    %dma_wait3A_195 = arith.constant 2 : i32
    %dma_wait3A_196 = arith.constant 0 : i32
    %dma_wait3A_197 = arith.constant 0 : i32
    %dma_wait3A_198 = tpu.memref_slice %arg6[%dma_wait3A_194, %dma_wait3A_195, %dma_wait3A_196, %dma_wait3A_197] : memref<2x4x128x16xf32, #tpu.memory_space<vmem>> -> memref<1x1x128x16xf32, #tpu.memory_space<vmem>>
    %dma_wait3A_199 = tpu.memref_squeeze %dma_wait3A_198 : memref<1x1x128x16xf32, #tpu.memory_space<vmem>> -> memref<128x16xf32, #tpu.memory_space<vmem>>
    %dma_wait3A_200 = arith.constant 0 : i32
    %dma_wait3A_201 = tpu.memref_slice %arg5[%dma_wait3A_193, %dma_wait3A_200] : memref<200x128xi32, #tpu.memory_space<vmem>> -> memref<1x128xi32, #tpu.memory_space<vmem>>
    %dma_wait3A_202 = tpu.memref_squeeze %dma_wait3A_201 : memref<1x128xi32, #tpu.memory_space<vmem>> -> memref<128xi32, #tpu.memory_space<vmem>>
    %dma_wait3A_203 = arith.constant 0 : i32
    %dma_wait3A_204 = arith.constant 0 : i32
    %dma_wait3A_205 = tpu.memref_slice %arg3[%dma_wait3A_203, %dma_wait3A_204] : memref<1000000x16xf32, #tpu.memory_space<hbm>> -> memref<1000000x16xf32, #tpu.memory_space<hbm>>
    tpu.wait_indirect_dma semaphore(%arg9 : memref<!tpu.dma_semaphore, #tpu.memory_space<semaphore_mem>>) src(%dma_wait3A_205 : memref<1000000x16xf32, #tpu.memory_space<hbm>>) dst(%dma_wait3A_199 : memref<128x16xf32, #tpu.memory_space<vmem>>)
    %dma_wait3A_206 = arith.constant 0 : i32
    %dma_wait3A_207 = arith.constant 1 : i32
    %dma_wait3A_208 = arith.constant 3 : i32
    %dma_wait3A_209 = arith.constant 0 : i32
    %dma_wait3A_210 = arith.constant 0 : i32
    %dma_wait3A_211 = tpu.memref_slice %arg6[%dma_wait3A_207, %dma_wait3A_208, %dma_wait3A_209, %dma_wait3A_210] : memref<2x4x128x16xf32, #tpu.memory_space<vmem>> -> memref<1x1x128x16xf32, #tpu.memory_space<vmem>>
    %dma_wait3A_212 = tpu.memref_squeeze %dma_wait3A_211 : memref<1x1x128x16xf32, #tpu.memory_space<vmem>> -> memref<128x16xf32, #tpu.memory_space<vmem>>
    %dma_wait3A_213 = arith.constant 0 : i32
    %dma_wait3A_214 = tpu.memref_slice %arg5[%dma_wait3A_206, %dma_wait3A_213] : memref<200x128xi32, #tpu.memory_space<vmem>> -> memref<1x128xi32, #tpu.memory_space<vmem>>
    %dma_wait3A_215 = tpu.memref_squeeze %dma_wait3A_214 : memref<1x128xi32, #tpu.memory_space<vmem>> -> memref<128xi32, #tpu.memory_space<vmem>>
    %dma_wait3A_216 = arith.constant 0 : i32
    %dma_wait3A_217 = arith.constant 0 : i32
    %dma_wait3A_218 = tpu.memref_slice %arg3[%dma_wait3A_216, %dma_wait3A_217] : memref<1000000x16xf32, #tpu.memory_space<hbm>> -> memref<1000000x16xf32, #tpu.memory_space<hbm>>
    tpu.wait_indirect_dma semaphore(%arg9 : memref<!tpu.dma_semaphore, #tpu.memory_space<semaphore_mem>>) src(%dma_wait3A_218 : memref<1000000x16xf32, #tpu.memory_space<hbm>>) dst(%dma_wait3A_212 : memref<128x16xf32, #tpu.memory_space<vmem>>)
    %parallel_loop3A_219 = arith.constant 0 : i32
    %parallel_loop3A_220 = arith.constant 128 : i32
    %parallel_loop3A_221 = arith.constant 1 : i32
    scf.for %parallel_loop3A_222 = %parallel_loop3A_219 to %parallel_loop3A_220 step %parallel_loop3A_221  : i32 {
      %parallel_loop3A_223 = arith.constant 1 : i32
      %parallel_loop3A_224 = arith.constant 0 : i32
      %parallel_loop3A_225 = arith.index_cast %parallel_loop3A_223 : i32 to index
      %parallel_loop3A_226 = arith.index_cast %parallel_loop3A_224 : i32 to index
      %parallel_loop3A_227 = arith.index_cast %parallel_loop3A_222 : i32 to index
      %parallel_loop3A_228 = arith.constant 0 : index
      %parallel_loop3A_229 = tpu.vector_load %arg6[%parallel_loop3A_225, %parallel_loop3A_226, %parallel_loop3A_227, %parallel_loop3A_228] {strides = array<i32>} : memref<2x4x128x16xf32, #tpu.memory_space<vmem>>, vector<1x1x1x16xf32>,
      %parallel_loop3A_230 = vector.shape_cast %parallel_loop3A_229 : vector<1x1x1x16xf32> to vector<16xf32>
      %parallel_loop3A_231 = arith.index_cast %parallel_loop3A_222 : i32 to index
      %parallel_loop3A_232 = arith.constant 0 : index
      %parallel_loop3A_233 = tpu.vector_load %arg7[%parallel_loop3A_231, %parallel_loop3A_232] {strides = array<i32>} : memref<128x16xf32, #tpu.memory_space<vmem>>, vector<1x16xf32>,
      %parallel_loop3A_234 = vector.shape_cast %parallel_loop3A_233 : vector<1x16xf32> to vector<16xf32>
      %parallel_loop3A_235 = vector.shape_cast %parallel_loop3A_230 : vector<16xf32> to vector<1x16xf32>
      tpu.vector_store %arg7[%parallel_loop3A_231, %parallel_loop3A_232], %parallel_loop3A_235 {add = true, strides = array<i32>} : memref<128x16xf32, #tpu.memory_space<vmem>>, vector<1x16xf32>,
      %parallel_loop3A_236 = arith.constant 1 : i32
      %parallel_loop3A_237 = arith.constant 1 : i32
      %parallel_loop3A_238 = arith.index_cast %parallel_loop3A_236 : i32 to index
      %parallel_loop3A_239 = arith.index_cast %parallel_loop3A_237 : i32 to index
      %parallel_loop3A_240 = arith.index_cast %parallel_loop3A_222 : i32 to index
      %parallel_loop3A_241 = arith.constant 0 : index
      %parallel_loop3A_242 = tpu.vector_load %arg6[%parallel_loop3A_238, %parallel_loop3A_239, %parallel_loop3A_240, %parallel_loop3A_241] {strides = array<i32>} : memref<2x4x128x16xf32, #tpu.memory_space<vmem>>, vector<1x1x1x16xf32>,
      %parallel_loop3A_243 = vector.shape_cast %parallel_loop3A_242 : vector<1x1x1x16xf32> to vector<16xf32>
      %parallel_loop3A_244 = arith.index_cast %parallel_loop3A_222 : i32 to index
      %parallel_loop3A_245 = arith.constant 0 : index
      %parallel_loop3A_246 = tpu.vector_load %arg7[%parallel_loop3A_244, %parallel_loop3A_245] {strides = array<i32>} : memref<128x16xf32, #tpu.memory_space<vmem>>, vector<1x16xf32>,
      %parallel_loop3A_247 = vector.shape_cast %parallel_loop3A_246 : vector<1x16xf32> to vector<16xf32>
      %parallel_loop3A_248 = vector.shape_cast %parallel_loop3A_243 : vector<16xf32> to vector<1x16xf32>
      tpu.vector_store %arg7[%parallel_loop3A_244, %parallel_loop3A_245], %parallel_loop3A_248 {add = true, strides = array<i32>} : memref<128x16xf32, #tpu.memory_space<vmem>>, vector<1x16xf32>,
      %parallel_loop3A_249 = arith.constant 1 : i32
      %parallel_loop3A_250 = arith.constant 2 : i32
      %parallel_loop3A_251 = arith.index_cast %parallel_loop3A_249 : i32 to index
      %parallel_loop3A_252 = arith.index_cast %parallel_loop3A_250 : i32 to index
      %parallel_loop3A_253 = arith.index_cast %parallel_loop3A_222 : i32 to index
      %parallel_loop3A_254 = arith.constant 0 : index
      %parallel_loop3A_255 = tpu.vector_load %arg6[%parallel_loop3A_251, %parallel_loop3A_252, %parallel_loop3A_253, %parallel_loop3A_254] {strides = array<i32>} : memref<2x4x128x16xf32, #tpu.memory_space<vmem>>, vector<1x1x1x16xf32>,
      %parallel_loop3A_256 = vector.shape_cast %parallel_loop3A_255 : vector<1x1x1x16xf32> to vector<16xf32>
      %parallel_loop3A_257 = arith.index_cast %parallel_loop3A_222 : i32 to index
      %parallel_loop3A_258 = arith.constant 0 : index
      %parallel_loop3A_259 = tpu.vector_load %arg7[%parallel_loop3A_257, %parallel_loop3A_258] {strides = array<i32>} : memref<128x16xf32, #tpu.memory_space<vmem>>, vector<1x16xf32>,
      %parallel_loop3A_260 = vector.shape_cast %parallel_loop3A_259 : vector<1x16xf32> to vector<16xf32>
      %parallel_loop3A_261 = vector.shape_cast %parallel_loop3A_256 : vector<16xf32> to vector<1x16xf32>
      tpu.vector_store %arg7[%parallel_loop3A_257, %parallel_loop3A_258], %parallel_loop3A_261 {add = true, strides = array<i32>} : memref<128x16xf32, #tpu.memory_space<vmem>>, vector<1x16xf32>,
      %parallel_loop3A_262 = arith.constant 1 : i32
      %parallel_loop3A_263 = arith.constant 3 : i32
      %parallel_loop3A_264 = arith.index_cast %parallel_loop3A_262 : i32 to index
      %parallel_loop3A_265 = arith.index_cast %parallel_loop3A_263 : i32 to index
      %parallel_loop3A_266 = arith.index_cast %parallel_loop3A_222 : i32 to index
      %parallel_loop3A_267 = arith.constant 0 : index
      %parallel_loop3A_268 = tpu.vector_load %arg6[%parallel_loop3A_264, %parallel_loop3A_265, %parallel_loop3A_266, %parallel_loop3A_267] {strides = array<i32>} : memref<2x4x128x16xf32, #tpu.memory_space<vmem>>, vector<1x1x1x16xf32>,
      %parallel_loop3A_269 = vector.shape_cast %parallel_loop3A_268 : vector<1x1x1x16xf32> to vector<16xf32>
      %parallel_loop3A_270 = arith.index_cast %parallel_loop3A_222 : i32 to index
      %parallel_loop3A_271 = arith.constant 0 : index
      %parallel_loop3A_272 = tpu.vector_load %arg7[%parallel_loop3A_270, %parallel_loop3A_271] {strides = array<i32>} : memref<128x16xf32, #tpu.memory_space<vmem>>, vector<1x16xf32>,
      %parallel_loop3A_273 = vector.shape_cast %parallel_loop3A_272 : vector<1x16xf32> to vector<16xf32>
      %parallel_loop3A_274 = vector.shape_cast %parallel_loop3A_269 : vector<16xf32> to vector<1x16xf32>
      tpu.vector_store %arg7[%parallel_loop3A_270, %parallel_loop3A_271], %parallel_loop3A_274 {add = true, strides = array<i32>} : memref<128x16xf32, #tpu.memory_space<vmem>>, vector<1x16xf32>,
    } {sc.loop_unroll_factor = 4 : i64, sc.parallel_access}
    "tpu.region"() ({
      %run_scoped3A = tpu.sem_alloc : memref<!tpu.dma_semaphore, #tpu.memory_space<semaphore_mem>>
      %dma_start3A_222 = arith.constant 0 : i32
      %dma_start3A_223 = tpu.memref_slice %arg4[%mul3A_2, %dma_start3A_222] : memref<4096x16xf32, #tpu.memory_space<hbm>> -> memref<128x16xf32, #tpu.memory_space<hbm>>
      %dma_start3A_224 = arith.constant 0 : i32
      %dma_start3A_225 = tpu.memref_slice %arg4[%mul3A_2, %dma_start3A_224] : memref<4096x16xf32, #tpu.memory_space<hbm>> -> memref<128x16xf32, #tpu.memory_space<hbm>>
      tpu.enqueue_dma source(%arg7 : memref<128x16xf32, #tpu.memory_space<vmem>>) target(%dma_start3A_225 : memref<128x16xf32, #tpu.memory_space<hbm>>) target_semaphore(%run_scoped3A : memref<!tpu.dma_semaphore, #tpu.memory_space<semaphore_mem>>)
      %dma_wait3A_226 = arith.constant 0 : i32
      %dma_wait3A_227 = tpu.memref_slice %arg4[%mul3A_2, %dma_wait3A_226] : memref<4096x16xf32, #tpu.memory_space<hbm>> -> memref<128x16xf32, #tpu.memory_space<hbm>>
      %dma_wait3A_228 = arith.constant 0 : i32
      %dma_wait3A_229 = tpu.memref_slice %arg4[%mul3A_2, %dma_wait3A_228] : memref<4096x16xf32, #tpu.memory_space<hbm>> -> memref<128x16xf32, #tpu.memory_space<hbm>>
      tpu.wait_dma2 semaphore(%run_scoped3A : memref<!tpu.dma_semaphore, #tpu.memory_space<semaphore_mem>>) src(%arg7 : memref<128x16xf32, #tpu.memory_space<vmem>>) dst(%dma_wait3A_229 : memref<128x16xf32, #tpu.memory_space<hbm>>)
      tpu.yield
    }) : () -> ()
    return
  }
}

#map = affine_map<(d0, d1) -> (0, 0)>
module attributes {stable_mosaic.version = 14 : i64} {
  func.func @_linearize(%arg0: i32, %arg1: i32, %arg2: memref<125000x128xf32, #tpu.memory_space<hbm>>, %arg3: memref<1000000x16xf32, #tpu.memory_space<hbm>>, %arg4: memref<8x1000x16xf32, #tpu.memory_space<vmem>>, %arg5: memref<!tpu.dma_semaphore, #tpu.memory_space<semaphore_mem>>) attributes {dimension_semantics = [#tpu.dimension_semantics<core_parallel>, #tpu.dimension_semantics<subcore_parallel>], iteration_bounds = array<i64: 2, 16>, scalar_prefetch = 0 : i64, scratch_operands = 2 : i64, tpu.core_type = #tpu.core_type<sc_vector_subcore>, window_params = [{transform_indices = #map}, {transform_indices = #map}]} {
    %mul3A = arith.constant 2 : i32
    %mul3A_0 = arith.muli %arg1, %mul3A : i32
    %add3A = arith.addi %mul3A_0, %arg0 : i32
    %add3A_1 = arith.constant 0 : i32
    %add3A_2 = arith.addi %add3A, %add3A_1 : i32
    %lt3A = arith.constant 125 : i32
    %lt3A_3 = arith.cmpi slt, %add3A_2, %lt3A : i32
    %convert_element_type3A = arith.extui %lt3A_3 : i1 to i32
    %cond3A = arith.constant 0 : i32
    %cond3A_4 = arith.cmpi ne, %convert_element_type3A, %cond3A : i32
    scf.if %cond3A_4 {
      %mul3A_26 = arith.constant 1000 : i32
      %mul3A_27 = arith.muli %add3A_2, %mul3A_26 : i32
      %dma_start3A = arith.constant 0 : i32
      %dma_start3A_28 = arith.constant 0 : i32
      %dma_start3A_29 = arith.constant 0 : i32
      %dma_start3A_30 = tpu.memref_slice %arg4[%dma_start3A, %dma_start3A_28, %dma_start3A_29] : memref<8x1000x16xf32, #tpu.memory_space<vmem>> -> memref<1x1000x16xf32, #tpu.memory_space<vmem>>
      %dma_start3A_31 = tpu.memref_squeeze %dma_start3A_30 : memref<1x1000x16xf32, #tpu.memory_space<vmem>> -> memref<1000x16xf32, #tpu.memory_space<vmem>>
      %dma_start3A_32 = arith.constant 0 : i32
      %dma_start3A_33 = tpu.memref_slice %arg2[%mul3A_27, %dma_start3A_32] : memref<125000x128xf32, #tpu.memory_space<hbm>> -> memref<1000x16xf32, #tpu.memory_space<hbm>>
      %dma_start3A_34 = arith.constant 0 : i32
      %dma_start3A_35 = arith.constant 0 : i32
      %dma_start3A_36 = tpu.memref_slice %arg4[%dma_start3A, %dma_start3A_34, %dma_start3A_35] : memref<8x1000x16xf32, #tpu.memory_space<vmem>> -> memref<1x1000x16xf32, #tpu.memory_space<vmem>>
      %dma_start3A_37 = tpu.memref_squeeze %dma_start3A_36 : memref<1x1000x16xf32, #tpu.memory_space<vmem>> -> memref<1000x16xf32, #tpu.memory_space<vmem>>
      %dma_start3A_38 = arith.constant 0 : i32
      %dma_start3A_39 = tpu.memref_slice %arg2[%mul3A_27, %dma_start3A_38] : memref<125000x128xf32, #tpu.memory_space<hbm>> -> memref<1000x16xf32, #tpu.memory_space<hbm>>
      tpu.enqueue_dma source(%dma_start3A_39 : memref<1000x16xf32, #tpu.memory_space<hbm>>) target(%dma_start3A_37 : memref<1000x16xf32, #tpu.memory_space<vmem>>) target_semaphore(%arg5 : memref<!tpu.dma_semaphore, #tpu.memory_space<semaphore_mem>>)
      %dma_start3A_40 = arith.constant 1 : i32
      %dma_start3A_41 = arith.constant 0 : i32
      %dma_start3A_42 = arith.constant 0 : i32
      %dma_start3A_43 = tpu.memref_slice %arg4[%dma_start3A_40, %dma_start3A_41, %dma_start3A_42] : memref<8x1000x16xf32, #tpu.memory_space<vmem>> -> memref<1x1000x16xf32, #tpu.memory_space<vmem>>
      %dma_start3A_44 = tpu.memref_squeeze %dma_start3A_43 : memref<1x1000x16xf32, #tpu.memory_space<vmem>> -> memref<1000x16xf32, #tpu.memory_space<vmem>>
      %dma_start3A_45 = arith.constant 16 : i32
      %dma_start3A_46 = tpu.memref_slice %arg2[%mul3A_27, %dma_start3A_45] : memref<125000x128xf32, #tpu.memory_space<hbm>> -> memref<1000x16xf32, #tpu.memory_space<hbm>>
      %dma_start3A_47 = arith.constant 0 : i32
      %dma_start3A_48 = arith.constant 0 : i32
      %dma_start3A_49 = tpu.memref_slice %arg4[%dma_start3A_40, %dma_start3A_47, %dma_start3A_48] : memref<8x1000x16xf32, #tpu.memory_space<vmem>> -> memref<1x1000x16xf32, #tpu.memory_space<vmem>>
      %dma_start3A_50 = tpu.memref_squeeze %dma_start3A_49 : memref<1x1000x16xf32, #tpu.memory_space<vmem>> -> memref<1000x16xf32, #tpu.memory_space<vmem>>
      %dma_start3A_51 = arith.constant 16 : i32
      %dma_start3A_52 = tpu.memref_slice %arg2[%mul3A_27, %dma_start3A_51] : memref<125000x128xf32, #tpu.memory_space<hbm>> -> memref<1000x16xf32, #tpu.memory_space<hbm>>
      tpu.enqueue_dma source(%dma_start3A_52 : memref<1000x16xf32, #tpu.memory_space<hbm>>) target(%dma_start3A_50 : memref<1000x16xf32, #tpu.memory_space<vmem>>) target_semaphore(%arg5 : memref<!tpu.dma_semaphore, #tpu.memory_space<semaphore_mem>>)
      %dma_start3A_53 = arith.constant 2 : i32
      %dma_start3A_54 = arith.constant 0 : i32
      %dma_start3A_55 = arith.constant 0 : i32
      %dma_start3A_56 = tpu.memref_slice %arg4[%dma_start3A_53, %dma_start3A_54, %dma_start3A_55] : memref<8x1000x16xf32, #tpu.memory_space<vmem>> -> memref<1x1000x16xf32, #tpu.memory_space<vmem>>
      %dma_start3A_57 = tpu.memref_squeeze %dma_start3A_56 : memref<1x1000x16xf32, #tpu.memory_space<vmem>> -> memref<1000x16xf32, #tpu.memory_space<vmem>>
      %dma_start3A_58 = arith.constant 32 : i32
      %dma_start3A_59 = tpu.memref_slice %arg2[%mul3A_27, %dma_start3A_58] : memref<125000x128xf32, #tpu.memory_space<hbm>> -> memref<1000x16xf32, #tpu.memory_space<hbm>>
      %dma_start3A_60 = arith.constant 0 : i32
      %dma_start3A_61 = arith.constant 0 : i32
      %dma_start3A_62 = tpu.memref_slice %arg4[%dma_start3A_53, %dma_start3A_60, %dma_start3A_61] : memref<8x1000x16xf32, #tpu.memory_space<vmem>> -> memref<1x1000x16xf32, #tpu.memory_space<vmem>>
      %dma_start3A_63 = tpu.memref_squeeze %dma_start3A_62 : memref<1x1000x16xf32, #tpu.memory_space<vmem>> -> memref<1000x16xf32, #tpu.memory_space<vmem>>
      %dma_start3A_64 = arith.constant 32 : i32
      %dma_start3A_65 = tpu.memref_slice %arg2[%mul3A_27, %dma_start3A_64] : memref<125000x128xf32, #tpu.memory_space<hbm>> -> memref<1000x16xf32, #tpu.memory_space<hbm>>
      tpu.enqueue_dma source(%dma_start3A_65 : memref<1000x16xf32, #tpu.memory_space<hbm>>) target(%dma_start3A_63 : memref<1000x16xf32, #tpu.memory_space<vmem>>) target_semaphore(%arg5 : memref<!tpu.dma_semaphore, #tpu.memory_space<semaphore_mem>>)
      %dma_start3A_66 = arith.constant 3 : i32
      %dma_start3A_67 = arith.constant 0 : i32
      %dma_start3A_68 = arith.constant 0 : i32
      %dma_start3A_69 = tpu.memref_slice %arg4[%dma_start3A_66, %dma_start3A_67, %dma_start3A_68] : memref<8x1000x16xf32, #tpu.memory_space<vmem>> -> memref<1x1000x16xf32, #tpu.memory_space<vmem>>
      %dma_start3A_70 = tpu.memref_squeeze %dma_start3A_69 : memref<1x1000x16xf32, #tpu.memory_space<vmem>> -> memref<1000x16xf32, #tpu.memory_space<vmem>>
      %dma_start3A_71 = arith.constant 48 : i32
      %dma_start3A_72 = tpu.memref_slice %arg2[%mul3A_27, %dma_start3A_71] : memref<125000x128xf32, #tpu.memory_space<hbm>> -> memref<1000x16xf32, #tpu.memory_space<hbm>>
      %dma_start3A_73 = arith.constant 0 : i32
      %dma_start3A_74 = arith.constant 0 : i32
      %dma_start3A_75 = tpu.memref_slice %arg4[%dma_start3A_66, %dma_start3A_73, %dma_start3A_74] : memref<8x1000x16xf32, #tpu.memory_space<vmem>> -> memref<1x1000x16xf32, #tpu.memory_space<vmem>>
      %dma_start3A_76 = tpu.memref_squeeze %dma_start3A_75 : memref<1x1000x16xf32, #tpu.memory_space<vmem>> -> memref<1000x16xf32, #tpu.memory_space<vmem>>
      %dma_start3A_77 = arith.constant 48 : i32
      %dma_start3A_78 = tpu.memref_slice %arg2[%mul3A_27, %dma_start3A_77] : memref<125000x128xf32, #tpu.memory_space<hbm>> -> memref<1000x16xf32, #tpu.memory_space<hbm>>
      tpu.enqueue_dma source(%dma_start3A_78 : memref<1000x16xf32, #tpu.memory_space<hbm>>) target(%dma_start3A_76 : memref<1000x16xf32, #tpu.memory_space<vmem>>) target_semaphore(%arg5 : memref<!tpu.dma_semaphore, #tpu.memory_space<semaphore_mem>>)
      %dma_start3A_79 = arith.constant 4 : i32
      %dma_start3A_80 = arith.constant 0 : i32
      %dma_start3A_81 = arith.constant 0 : i32
      %dma_start3A_82 = tpu.memref_slice %arg4[%dma_start3A_79, %dma_start3A_80, %dma_start3A_81] : memref<8x1000x16xf32, #tpu.memory_space<vmem>> -> memref<1x1000x16xf32, #tpu.memory_space<vmem>>
      %dma_start3A_83 = tpu.memref_squeeze %dma_start3A_82 : memref<1x1000x16xf32, #tpu.memory_space<vmem>> -> memref<1000x16xf32, #tpu.memory_space<vmem>>
      %dma_start3A_84 = arith.constant 64 : i32
      %dma_start3A_85 = tpu.memref_slice %arg2[%mul3A_27, %dma_start3A_84] : memref<125000x128xf32, #tpu.memory_space<hbm>> -> memref<1000x16xf32, #tpu.memory_space<hbm>>
      %dma_start3A_86 = arith.constant 0 : i32
      %dma_start3A_87 = arith.constant 0 : i32
      %dma_start3A_88 = tpu.memref_slice %arg4[%dma_start3A_79, %dma_start3A_86, %dma_start3A_87] : memref<8x1000x16xf32, #tpu.memory_space<vmem>> -> memref<1x1000x16xf32, #tpu.memory_space<vmem>>
      %dma_start3A_89 = tpu.memref_squeeze %dma_start3A_88 : memref<1x1000x16xf32, #tpu.memory_space<vmem>> -> memref<1000x16xf32, #tpu.memory_space<vmem>>
      %dma_start3A_90 = arith.constant 64 : i32
      %dma_start3A_91 = tpu.memref_slice %arg2[%mul3A_27, %dma_start3A_90] : memref<125000x128xf32, #tpu.memory_space<hbm>> -> memref<1000x16xf32, #tpu.memory_space<hbm>>
      tpu.enqueue_dma source(%dma_start3A_91 : memref<1000x16xf32, #tpu.memory_space<hbm>>) target(%dma_start3A_89 : memref<1000x16xf32, #tpu.memory_space<vmem>>) target_semaphore(%arg5 : memref<!tpu.dma_semaphore, #tpu.memory_space<semaphore_mem>>)
      %dma_start3A_92 = arith.constant 5 : i32
      %dma_start3A_93 = arith.constant 0 : i32
      %dma_start3A_94 = arith.constant 0 : i32
      %dma_start3A_95 = tpu.memref_slice %arg4[%dma_start3A_92, %dma_start3A_93, %dma_start3A_94] : memref<8x1000x16xf32, #tpu.memory_space<vmem>> -> memref<1x1000x16xf32, #tpu.memory_space<vmem>>
      %dma_start3A_96 = tpu.memref_squeeze %dma_start3A_95 : memref<1x1000x16xf32, #tpu.memory_space<vmem>> -> memref<1000x16xf32, #tpu.memory_space<vmem>>
      %dma_start3A_97 = arith.constant 80 : i32
      %dma_start3A_98 = tpu.memref_slice %arg2[%mul3A_27, %dma_start3A_97] : memref<125000x128xf32, #tpu.memory_space<hbm>> -> memref<1000x16xf32, #tpu.memory_space<hbm>>
      %dma_start3A_99 = arith.constant 0 : i32
      %dma_start3A_100 = arith.constant 0 : i32
      %dma_start3A_101 = tpu.memref_slice %arg4[%dma_start3A_92, %dma_start3A_99, %dma_start3A_100] : memref<8x1000x16xf32, #tpu.memory_space<vmem>> -> memref<1x1000x16xf32, #tpu.memory_space<vmem>>
      %dma_start3A_102 = tpu.memref_squeeze %dma_start3A_101 : memref<1x1000x16xf32, #tpu.memory_space<vmem>> -> memref<1000x16xf32, #tpu.memory_space<vmem>>
      %dma_start3A_103 = arith.constant 80 : i32
      %dma_start3A_104 = tpu.memref_slice %arg2[%mul3A_27, %dma_start3A_103] : memref<125000x128xf32, #tpu.memory_space<hbm>> -> memref<1000x16xf32, #tpu.memory_space<hbm>>
      tpu.enqueue_dma source(%dma_start3A_104 : memref<1000x16xf32, #tpu.memory_space<hbm>>) target(%dma_start3A_102 : memref<1000x16xf32, #tpu.memory_space<vmem>>) target_semaphore(%arg5 : memref<!tpu.dma_semaphore, #tpu.memory_space<semaphore_mem>>)
      %dma_start3A_105 = arith.constant 6 : i32
      %dma_start3A_106 = arith.constant 0 : i32
      %dma_start3A_107 = arith.constant 0 : i32
      %dma_start3A_108 = tpu.memref_slice %arg4[%dma_start3A_105, %dma_start3A_106, %dma_start3A_107] : memref<8x1000x16xf32, #tpu.memory_space<vmem>> -> memref<1x1000x16xf32, #tpu.memory_space<vmem>>
      %dma_start3A_109 = tpu.memref_squeeze %dma_start3A_108 : memref<1x1000x16xf32, #tpu.memory_space<vmem>> -> memref<1000x16xf32, #tpu.memory_space<vmem>>
      %dma_start3A_110 = arith.constant 96 : i32
      %dma_start3A_111 = tpu.memref_slice %arg2[%mul3A_27, %dma_start3A_110] : memref<125000x128xf32, #tpu.memory_space<hbm>> -> memref<1000x16xf32, #tpu.memory_space<hbm>>
      %dma_start3A_112 = arith.constant 0 : i32
      %dma_start3A_113 = arith.constant 0 : i32
      %dma_start3A_114 = tpu.memref_slice %arg4[%dma_start3A_105, %dma_start3A_112, %dma_start3A_113] : memref<8x1000x16xf32, #tpu.memory_space<vmem>> -> memref<1x1000x16xf32, #tpu.memory_space<vmem>>
      %dma_start3A_115 = tpu.memref_squeeze %dma_start3A_114 : memref<1x1000x16xf32, #tpu.memory_space<vmem>> -> memref<1000x16xf32, #tpu.memory_space<vmem>>
      %dma_start3A_116 = arith.constant 96 : i32
      %dma_start3A_117 = tpu.memref_slice %arg2[%mul3A_27, %dma_start3A_116] : memref<125000x128xf32, #tpu.memory_space<hbm>> -> memref<1000x16xf32, #tpu.memory_space<hbm>>
      tpu.enqueue_dma source(%dma_start3A_117 : memref<1000x16xf32, #tpu.memory_space<hbm>>) target(%dma_start3A_115 : memref<1000x16xf32, #tpu.memory_space<vmem>>) target_semaphore(%arg5 : memref<!tpu.dma_semaphore, #tpu.memory_space<semaphore_mem>>)
      %dma_start3A_118 = arith.constant 7 : i32
      %dma_start3A_119 = arith.constant 0 : i32
      %dma_start3A_120 = arith.constant 0 : i32
      %dma_start3A_121 = tpu.memref_slice %arg4[%dma_start3A_118, %dma_start3A_119, %dma_start3A_120] : memref<8x1000x16xf32, #tpu.memory_space<vmem>> -> memref<1x1000x16xf32, #tpu.memory_space<vmem>>
      %dma_start3A_122 = tpu.memref_squeeze %dma_start3A_121 : memref<1x1000x16xf32, #tpu.memory_space<vmem>> -> memref<1000x16xf32, #tpu.memory_space<vmem>>
      %dma_start3A_123 = arith.constant 112 : i32
      %dma_start3A_124 = tpu.memref_slice %arg2[%mul3A_27, %dma_start3A_123] : memref<125000x128xf32, #tpu.memory_space<hbm>> -> memref<1000x16xf32, #tpu.memory_space<hbm>>
      %dma_start3A_125 = arith.constant 0 : i32
      %dma_start3A_126 = arith.constant 0 : i32
      %dma_start3A_127 = tpu.memref_slice %arg4[%dma_start3A_118, %dma_start3A_125, %dma_start3A_126] : memref<8x1000x16xf32, #tpu.memory_space<vmem>> -> memref<1x1000x16xf32, #tpu.memory_space<vmem>>
      %dma_start3A_128 = tpu.memref_squeeze %dma_start3A_127 : memref<1x1000x16xf32, #tpu.memory_space<vmem>> -> memref<1000x16xf32, #tpu.memory_space<vmem>>
      %dma_start3A_129 = arith.constant 112 : i32
      %dma_start3A_130 = tpu.memref_slice %arg2[%mul3A_27, %dma_start3A_129] : memref<125000x128xf32, #tpu.memory_space<hbm>> -> memref<1000x16xf32, #tpu.memory_space<hbm>>
      tpu.enqueue_dma source(%dma_start3A_130 : memref<1000x16xf32, #tpu.memory_space<hbm>>) target(%dma_start3A_128 : memref<1000x16xf32, #tpu.memory_space<vmem>>) target_semaphore(%arg5 : memref<!tpu.dma_semaphore, #tpu.memory_space<semaphore_mem>>)
      %dma_wait3A = arith.constant 0 : i32
      %dma_wait3A_131 = arith.constant 0 : i32
      %dma_wait3A_132 = arith.constant 0 : i32
      %dma_wait3A_133 = tpu.memref_slice %arg4[%dma_wait3A, %dma_wait3A_131, %dma_wait3A_132] : memref<8x1000x16xf32, #tpu.memory_space<vmem>> -> memref<1x1000x16xf32, #tpu.memory_space<vmem>>
      %dma_wait3A_134 = tpu.memref_squeeze %dma_wait3A_133 : memref<1x1000x16xf32, #tpu.memory_space<vmem>> -> memref<1000x16xf32, #tpu.memory_space<vmem>>
      %dma_wait3A_135 = arith.constant 0 : i32
      %dma_wait3A_136 = arith.constant 0 : i32
      %dma_wait3A_137 = tpu.memref_slice %arg2[%dma_wait3A_135, %dma_wait3A_136] : memref<125000x128xf32, #tpu.memory_space<hbm>> -> memref<1000x16xf32, #tpu.memory_space<hbm>>
      %dma_wait3A_138 = arith.constant 0 : i32
      %dma_wait3A_139 = arith.constant 0 : i32
      %dma_wait3A_140 = tpu.memref_slice %arg4[%dma_wait3A, %dma_wait3A_138, %dma_wait3A_139] : memref<8x1000x16xf32, #tpu.memory_space<vmem>> -> memref<1x1000x16xf32, #tpu.memory_space<vmem>>
      %dma_wait3A_141 = tpu.memref_squeeze %dma_wait3A_140 : memref<1x1000x16xf32, #tpu.memory_space<vmem>> -> memref<1000x16xf32, #tpu.memory_space<vmem>>
      %dma_wait3A_142 = arith.constant 0 : i32
      %dma_wait3A_143 = arith.constant 0 : i32
      %dma_wait3A_144 = tpu.memref_slice %arg2[%dma_wait3A_142, %dma_wait3A_143] : memref<125000x128xf32, #tpu.memory_space<hbm>> -> memref<1000x16xf32, #tpu.memory_space<hbm>>
      tpu.wait_dma2 semaphore(%arg5 : memref<!tpu.dma_semaphore, #tpu.memory_space<semaphore_mem>>) src(%dma_wait3A_144 : memref<1000x16xf32, #tpu.memory_space<hbm>>) dst(%dma_wait3A_141 : memref<1000x16xf32, #tpu.memory_space<vmem>>)
      %dma_wait3A_145 = arith.constant 1 : i32
      %dma_wait3A_146 = arith.constant 0 : i32
      %dma_wait3A_147 = arith.constant 0 : i32
      %dma_wait3A_148 = tpu.memref_slice %arg4[%dma_wait3A_145, %dma_wait3A_146, %dma_wait3A_147] : memref<8x1000x16xf32, #tpu.memory_space<vmem>> -> memref<1x1000x16xf32, #tpu.memory_space<vmem>>
      %dma_wait3A_149 = tpu.memref_squeeze %dma_wait3A_148 : memref<1x1000x16xf32, #tpu.memory_space<vmem>> -> memref<1000x16xf32, #tpu.memory_space<vmem>>
      %dma_wait3A_150 = arith.constant 0 : i32
      %dma_wait3A_151 = arith.constant 0 : i32
      %dma_wait3A_152 = tpu.memref_slice %arg2[%dma_wait3A_150, %dma_wait3A_151] : memref<125000x128xf32, #tpu.memory_space<hbm>> -> memref<1000x16xf32, #tpu.memory_space<hbm>>
      %dma_wait3A_153 = arith.constant 0 : i32
      %dma_wait3A_154 = arith.constant 0 : i32
      %dma_wait3A_155 = tpu.memref_slice %arg4[%dma_wait3A_145, %dma_wait3A_153, %dma_wait3A_154] : memref<8x1000x16xf32, #tpu.memory_space<vmem>> -> memref<1x1000x16xf32, #tpu.memory_space<vmem>>
      %dma_wait3A_156 = tpu.memref_squeeze %dma_wait3A_155 : memref<1x1000x16xf32, #tpu.memory_space<vmem>> -> memref<1000x16xf32, #tpu.memory_space<vmem>>
      %dma_wait3A_157 = arith.constant 0 : i32
      %dma_wait3A_158 = arith.constant 0 : i32
      %dma_wait3A_159 = tpu.memref_slice %arg2[%dma_wait3A_157, %dma_wait3A_158] : memref<125000x128xf32, #tpu.memory_space<hbm>> -> memref<1000x16xf32, #tpu.memory_space<hbm>>
      tpu.wait_dma2 semaphore(%arg5 : memref<!tpu.dma_semaphore, #tpu.memory_space<semaphore_mem>>) src(%dma_wait3A_159 : memref<1000x16xf32, #tpu.memory_space<hbm>>) dst(%dma_wait3A_156 : memref<1000x16xf32, #tpu.memory_space<vmem>>)
      %dma_wait3A_160 = arith.constant 2 : i32
      %dma_wait3A_161 = arith.constant 0 : i32
      %dma_wait3A_162 = arith.constant 0 : i32
      %dma_wait3A_163 = tpu.memref_slice %arg4[%dma_wait3A_160, %dma_wait3A_161, %dma_wait3A_162] : memref<8x1000x16xf32, #tpu.memory_space<vmem>> -> memref<1x1000x16xf32, #tpu.memory_space<vmem>>
      %dma_wait3A_164 = tpu.memref_squeeze %dma_wait3A_163 : memref<1x1000x16xf32, #tpu.memory_space<vmem>> -> memref<1000x16xf32, #tpu.memory_space<vmem>>
      %dma_wait3A_165 = arith.constant 0 : i32
      %dma_wait3A_166 = arith.constant 0 : i32
      %dma_wait3A_167 = tpu.memref_slice %arg2[%dma_wait3A_165, %dma_wait3A_166] : memref<125000x128xf32, #tpu.memory_space<hbm>> -> memref<1000x16xf32, #tpu.memory_space<hbm>>
      %dma_wait3A_168 = arith.constant 0 : i32
      %dma_wait3A_169 = arith.constant 0 : i32
      %dma_wait3A_170 = tpu.memref_slice %arg4[%dma_wait3A_160, %dma_wait3A_168, %dma_wait3A_169] : memref<8x1000x16xf32, #tpu.memory_space<vmem>> -> memref<1x1000x16xf32, #tpu.memory_space<vmem>>
      %dma_wait3A_171 = tpu.memref_squeeze %dma_wait3A_170 : memref<1x1000x16xf32, #tpu.memory_space<vmem>> -> memref<1000x16xf32, #tpu.memory_space<vmem>>
      %dma_wait3A_172 = arith.constant 0 : i32
      %dma_wait3A_173 = arith.constant 0 : i32
      %dma_wait3A_174 = tpu.memref_slice %arg2[%dma_wait3A_172, %dma_wait3A_173] : memref<125000x128xf32, #tpu.memory_space<hbm>> -> memref<1000x16xf32, #tpu.memory_space<hbm>>
      tpu.wait_dma2 semaphore(%arg5 : memref<!tpu.dma_semaphore, #tpu.memory_space<semaphore_mem>>) src(%dma_wait3A_174 : memref<1000x16xf32, #tpu.memory_space<hbm>>) dst(%dma_wait3A_171 : memref<1000x16xf32, #tpu.memory_space<vmem>>)
      %dma_wait3A_175 = arith.constant 3 : i32
      %dma_wait3A_176 = arith.constant 0 : i32
      %dma_wait3A_177 = arith.constant 0 : i32
      %dma_wait3A_178 = tpu.memref_slice %arg4[%dma_wait3A_175, %dma_wait3A_176, %dma_wait3A_177] : memref<8x1000x16xf32, #tpu.memory_space<vmem>> -> memref<1x1000x16xf32, #tpu.memory_space<vmem>>
      %dma_wait3A_179 = tpu.memref_squeeze %dma_wait3A_178 : memref<1x1000x16xf32, #tpu.memory_space<vmem>> -> memref<1000x16xf32, #tpu.memory_space<vmem>>
      %dma_wait3A_180 = arith.constant 0 : i32
      %dma_wait3A_181 = arith.constant 0 : i32
      %dma_wait3A_182 = tpu.memref_slice %arg2[%dma_wait3A_180, %dma_wait3A_181] : memref<125000x128xf32, #tpu.memory_space<hbm>> -> memref<1000x16xf32, #tpu.memory_space<hbm>>
      %dma_wait3A_183 = arith.constant 0 : i32
      %dma_wait3A_184 = arith.constant 0 : i32
      %dma_wait3A_185 = tpu.memref_slice %arg4[%dma_wait3A_175, %dma_wait3A_183, %dma_wait3A_184] : memref<8x1000x16xf32, #tpu.memory_space<vmem>> -> memref<1x1000x16xf32, #tpu.memory_space<vmem>>
      %dma_wait3A_186 = tpu.memref_squeeze %dma_wait3A_185 : memref<1x1000x16xf32, #tpu.memory_space<vmem>> -> memref<1000x16xf32, #tpu.memory_space<vmem>>
      %dma_wait3A_187 = arith.constant 0 : i32
      %dma_wait3A_188 = arith.constant 0 : i32
      %dma_wait3A_189 = tpu.memref_slice %arg2[%dma_wait3A_187, %dma_wait3A_188] : memref<125000x128xf32, #tpu.memory_space<hbm>> -> memref<1000x16xf32, #tpu.memory_space<hbm>>
      tpu.wait_dma2 semaphore(%arg5 : memref<!tpu.dma_semaphore, #tpu.memory_space<semaphore_mem>>) src(%dma_wait3A_189 : memref<1000x16xf32, #tpu.memory_space<hbm>>) dst(%dma_wait3A_186 : memref<1000x16xf32, #tpu.memory_space<vmem>>)
      %dma_wait3A_190 = arith.constant 4 : i32
      %dma_wait3A_191 = arith.constant 0 : i32
      %dma_wait3A_192 = arith.constant 0 : i32
      %dma_wait3A_193 = tpu.memref_slice %arg4[%dma_wait3A_190, %dma_wait3A_191, %dma_wait3A_192] : memref<8x1000x16xf32, #tpu.memory_space<vmem>> -> memref<1x1000x16xf32, #tpu.memory_space<vmem>>
      %dma_wait3A_194 = tpu.memref_squeeze %dma_wait3A_193 : memref<1x1000x16xf32, #tpu.memory_space<vmem>> -> memref<1000x16xf32, #tpu.memory_space<vmem>>
      %dma_wait3A_195 = arith.constant 0 : i32
      %dma_wait3A_196 = arith.constant 0 : i32
      %dma_wait3A_197 = tpu.memref_slice %arg2[%dma_wait3A_195, %dma_wait3A_196] : memref<125000x128xf32, #tpu.memory_space<hbm>> -> memref<1000x16xf32, #tpu.memory_space<hbm>>
      %dma_wait3A_198 = arith.constant 0 : i32
      %dma_wait3A_199 = arith.constant 0 : i32
      %dma_wait3A_200 = tpu.memref_slice %arg4[%dma_wait3A_190, %dma_wait3A_198, %dma_wait3A_199] : memref<8x1000x16xf32, #tpu.memory_space<vmem>> -> memref<1x1000x16xf32, #tpu.memory_space<vmem>>
      %dma_wait3A_201 = tpu.memref_squeeze %dma_wait3A_200 : memref<1x1000x16xf32, #tpu.memory_space<vmem>> -> memref<1000x16xf32, #tpu.memory_space<vmem>>
      %dma_wait3A_202 = arith.constant 0 : i32
      %dma_wait3A_203 = arith.constant 0 : i32
      %dma_wait3A_204 = tpu.memref_slice %arg2[%dma_wait3A_202, %dma_wait3A_203] : memref<125000x128xf32, #tpu.memory_space<hbm>> -> memref<1000x16xf32, #tpu.memory_space<hbm>>
      tpu.wait_dma2 semaphore(%arg5 : memref<!tpu.dma_semaphore, #tpu.memory_space<semaphore_mem>>) src(%dma_wait3A_204 : memref<1000x16xf32, #tpu.memory_space<hbm>>) dst(%dma_wait3A_201 : memref<1000x16xf32, #tpu.memory_space<vmem>>)
      %dma_wait3A_205 = arith.constant 5 : i32
      %dma_wait3A_206 = arith.constant 0 : i32
      %dma_wait3A_207 = arith.constant 0 : i32
      %dma_wait3A_208 = tpu.memref_slice %arg4[%dma_wait3A_205, %dma_wait3A_206, %dma_wait3A_207] : memref<8x1000x16xf32, #tpu.memory_space<vmem>> -> memref<1x1000x16xf32, #tpu.memory_space<vmem>>
      %dma_wait3A_209 = tpu.memref_squeeze %dma_wait3A_208 : memref<1x1000x16xf32, #tpu.memory_space<vmem>> -> memref<1000x16xf32, #tpu.memory_space<vmem>>
      %dma_wait3A_210 = arith.constant 0 : i32
      %dma_wait3A_211 = arith.constant 0 : i32
      %dma_wait3A_212 = tpu.memref_slice %arg2[%dma_wait3A_210, %dma_wait3A_211] : memref<125000x128xf32, #tpu.memory_space<hbm>> -> memref<1000x16xf32, #tpu.memory_space<hbm>>
      %dma_wait3A_213 = arith.constant 0 : i32
      %dma_wait3A_214 = arith.constant 0 : i32
      %dma_wait3A_215 = tpu.memref_slice %arg4[%dma_wait3A_205, %dma_wait3A_213, %dma_wait3A_214] : memref<8x1000x16xf32, #tpu.memory_space<vmem>> -> memref<1x1000x16xf32, #tpu.memory_space<vmem>>
      %dma_wait3A_216 = tpu.memref_squeeze %dma_wait3A_215 : memref<1x1000x16xf32, #tpu.memory_space<vmem>> -> memref<1000x16xf32, #tpu.memory_space<vmem>>
      %dma_wait3A_217 = arith.constant 0 : i32
      %dma_wait3A_218 = arith.constant 0 : i32
      %dma_wait3A_219 = tpu.memref_slice %arg2[%dma_wait3A_217, %dma_wait3A_218] : memref<125000x128xf32, #tpu.memory_space<hbm>> -> memref<1000x16xf32, #tpu.memory_space<hbm>>
      tpu.wait_dma2 semaphore(%arg5 : memref<!tpu.dma_semaphore, #tpu.memory_space<semaphore_mem>>) src(%dma_wait3A_219 : memref<1000x16xf32, #tpu.memory_space<hbm>>) dst(%dma_wait3A_216 : memref<1000x16xf32, #tpu.memory_space<vmem>>)
      %dma_wait3A_220 = arith.constant 6 : i32
      %dma_wait3A_221 = arith.constant 0 : i32
      %dma_wait3A_222 = arith.constant 0 : i32
      %dma_wait3A_223 = tpu.memref_slice %arg4[%dma_wait3A_220, %dma_wait3A_221, %dma_wait3A_222] : memref<8x1000x16xf32, #tpu.memory_space<vmem>> -> memref<1x1000x16xf32, #tpu.memory_space<vmem>>
      %dma_wait3A_224 = tpu.memref_squeeze %dma_wait3A_223 : memref<1x1000x16xf32, #tpu.memory_space<vmem>> -> memref<1000x16xf32, #tpu.memory_space<vmem>>
      %dma_wait3A_225 = arith.constant 0 : i32
      %dma_wait3A_226 = arith.constant 0 : i32
      %dma_wait3A_227 = tpu.memref_slice %arg2[%dma_wait3A_225, %dma_wait3A_226] : memref<125000x128xf32, #tpu.memory_space<hbm>> -> memref<1000x16xf32, #tpu.memory_space<hbm>>
      %dma_wait3A_228 = arith.constant 0 : i32
      %dma_wait3A_229 = arith.constant 0 : i32
      %dma_wait3A_230 = tpu.memref_slice %arg4[%dma_wait3A_220, %dma_wait3A_228, %dma_wait3A_229] : memref<8x1000x16xf32, #tpu.memory_space<vmem>> -> memref<1x1000x16xf32, #tpu.memory_space<vmem>>
      %dma_wait3A_231 = tpu.memref_squeeze %dma_wait3A_230 : memref<1x1000x16xf32, #tpu.memory_space<vmem>> -> memref<1000x16xf32, #tpu.memory_space<vmem>>
      %dma_wait3A_232 = arith.constant 0 : i32
      %dma_wait3A_233 = arith.constant 0 : i32
      %dma_wait3A_234 = tpu.memref_slice %arg2[%dma_wait3A_232, %dma_wait3A_233] : memref<125000x128xf32, #tpu.memory_space<hbm>> -> memref<1000x16xf32, #tpu.memory_space<hbm>>
      tpu.wait_dma2 semaphore(%arg5 : memref<!tpu.dma_semaphore, #tpu.memory_space<semaphore_mem>>) src(%dma_wait3A_234 : memref<1000x16xf32, #tpu.memory_space<hbm>>) dst(%dma_wait3A_231 : memref<1000x16xf32, #tpu.memory_space<vmem>>)
      %dma_wait3A_235 = arith.constant 7 : i32
      %dma_wait3A_236 = arith.constant 0 : i32
      %dma_wait3A_237 = arith.constant 0 : i32
      %dma_wait3A_238 = tpu.memref_slice %arg4[%dma_wait3A_235, %dma_wait3A_236, %dma_wait3A_237] : memref<8x1000x16xf32, #tpu.memory_space<vmem>> -> memref<1x1000x16xf32, #tpu.memory_space<vmem>>
      %dma_wait3A_239 = tpu.memref_squeeze %dma_wait3A_238 : memref<1x1000x16xf32, #tpu.memory_space<vmem>> -> memref<1000x16xf32, #tpu.memory_space<vmem>>
      %dma_wait3A_240 = arith.constant 0 : i32
      %dma_wait3A_241 = arith.constant 0 : i32
      %dma_wait3A_242 = tpu.memref_slice %arg2[%dma_wait3A_240, %dma_wait3A_241] : memref<125000x128xf32, #tpu.memory_space<hbm>> -> memref<1000x16xf32, #tpu.memory_space<hbm>>
      %dma_wait3A_243 = arith.constant 0 : i32
      %dma_wait3A_244 = arith.constant 0 : i32
      %dma_wait3A_245 = tpu.memref_slice %arg4[%dma_wait3A_235, %dma_wait3A_243, %dma_wait3A_244] : memref<8x1000x16xf32, #tpu.memory_space<vmem>> -> memref<1x1000x16xf32, #tpu.memory_space<vmem>>
      %dma_wait3A_246 = tpu.memref_squeeze %dma_wait3A_245 : memref<1x1000x16xf32, #tpu.memory_space<vmem>> -> memref<1000x16xf32, #tpu.memory_space<vmem>>
      %dma_wait3A_247 = arith.constant 0 : i32
      %dma_wait3A_248 = arith.constant 0 : i32
      %dma_wait3A_249 = tpu.memref_slice %arg2[%dma_wait3A_247, %dma_wait3A_248] : memref<125000x128xf32, #tpu.memory_space<hbm>> -> memref<1000x16xf32, #tpu.memory_space<hbm>>
      tpu.wait_dma2 semaphore(%arg5 : memref<!tpu.dma_semaphore, #tpu.memory_space<semaphore_mem>>) src(%dma_wait3A_249 : memref<1000x16xf32, #tpu.memory_space<hbm>>) dst(%dma_wait3A_246 : memref<1000x16xf32, #tpu.memory_space<vmem>>)
      %add3A_250 = arith.constant 0 : i32
      %add3A_251 = arith.addi %add3A_250, %mul3A_27 : i32
      %dma_start3A_252 = arith.constant 0 : i32
      %dma_start3A_253 = arith.constant 0 : i32
      %dma_start3A_254 = arith.constant 0 : i32
      %dma_start3A_255 = tpu.memref_slice %arg4[%dma_start3A_252, %dma_start3A_253, %dma_start3A_254] : memref<8x1000x16xf32, #tpu.memory_space<vmem>> -> memref<1x1000x16xf32, #tpu.memory_space<vmem>>
      %dma_start3A_256 = tpu.memref_squeeze %dma_start3A_255 : memref<1x1000x16xf32, #tpu.memory_space<vmem>> -> memref<1000x16xf32, #tpu.memory_space<vmem>>
      %dma_start3A_257 = arith.constant 0 : i32
      %dma_start3A_258 = tpu.memref_slice %arg3[%add3A_251, %dma_start3A_257] : memref<1000000x16xf32, #tpu.memory_space<hbm>> -> memref<1000x16xf32, #tpu.memory_space<hbm>>
      %dma_start3A_259 = arith.constant 0 : i32
      %dma_start3A_260 = tpu.memref_slice %arg3[%add3A_251, %dma_start3A_259] : memref<1000000x16xf32, #tpu.memory_space<hbm>> -> memref<1000x16xf32, #tpu.memory_space<hbm>>
      %dma_start3A_261 = arith.constant 0 : i32
      %dma_start3A_262 = arith.constant 0 : i32
      %dma_start3A_263 = tpu.memref_slice %arg4[%dma_start3A_252, %dma_start3A_261, %dma_start3A_262] : memref<8x1000x16xf32, #tpu.memory_space<vmem>> -> memref<1x1000x16xf32, #tpu.memory_space<vmem>>
      %dma_start3A_264 = tpu.memref_squeeze %dma_start3A_263 : memref<1x1000x16xf32, #tpu.memory_space<vmem>> -> memref<1000x16xf32, #tpu.memory_space<vmem>>
      tpu.enqueue_dma source(%dma_start3A_264 : memref<1000x16xf32, #tpu.memory_space<vmem>>) target(%dma_start3A_260 : memref<1000x16xf32, #tpu.memory_space<hbm>>) target_semaphore(%arg5 : memref<!tpu.dma_semaphore, #tpu.memory_space<semaphore_mem>>)
      %add3A_265 = arith.constant 125000 : i32
      %add3A_266 = arith.addi %add3A_265, %mul3A_27 : i32
      %dma_start3A_267 = arith.constant 1 : i32
      %dma_start3A_268 = arith.constant 0 : i32
      %dma_start3A_269 = arith.constant 0 : i32
      %dma_start3A_270 = tpu.memref_slice %arg4[%dma_start3A_267, %dma_start3A_268, %dma_start3A_269] : memref<8x1000x16xf32, #tpu.memory_space<vmem>> -> memref<1x1000x16xf32, #tpu.memory_space<vmem>>
      %dma_start3A_271 = tpu.memref_squeeze %dma_start3A_270 : memref<1x1000x16xf32, #tpu.memory_space<vmem>> -> memref<1000x16xf32, #tpu.memory_space<vmem>>
      %dma_start3A_272 = arith.constant 0 : i32
      %dma_start3A_273 = tpu.memref_slice %arg3[%add3A_266, %dma_start3A_272] : memref<1000000x16xf32, #tpu.memory_space<hbm>> -> memref<1000x16xf32, #tpu.memory_space<hbm>>
      %dma_start3A_274 = arith.constant 0 : i32
      %dma_start3A_275 = tpu.memref_slice %arg3[%add3A_266, %dma_start3A_274] : memref<1000000x16xf32, #tpu.memory_space<hbm>> -> memref<1000x16xf32, #tpu.memory_space<hbm>>
      %dma_start3A_276 = arith.constant 0 : i32
      %dma_start3A_277 = arith.constant 0 : i32
      %dma_start3A_278 = tpu.memref_slice %arg4[%dma_start3A_267, %dma_start3A_276, %dma_start3A_277] : memref<8x1000x16xf32, #tpu.memory_space<vmem>> -> memref<1x1000x16xf32, #tpu.memory_space<vmem>>
      %dma_start3A_279 = tpu.memref_squeeze %dma_start3A_278 : memref<1x1000x16xf32, #tpu.memory_space<vmem>> -> memref<1000x16xf32, #tpu.memory_space<vmem>>
      tpu.enqueue_dma source(%dma_start3A_279 : memref<1000x16xf32, #tpu.memory_space<vmem>>) target(%dma_start3A_275 : memref<1000x16xf32, #tpu.memory_space<hbm>>) target_semaphore(%arg5 : memref<!tpu.dma_semaphore, #tpu.memory_space<semaphore_mem>>)
      %add3A_280 = arith.constant 250000 : i32
      %add3A_281 = arith.addi %add3A_280, %mul3A_27 : i32
      %dma_start3A_282 = arith.constant 2 : i32
      %dma_start3A_283 = arith.constant 0 : i32
      %dma_start3A_284 = arith.constant 0 : i32
      %dma_start3A_285 = tpu.memref_slice %arg4[%dma_start3A_282, %dma_start3A_283, %dma_start3A_284] : memref<8x1000x16xf32, #tpu.memory_space<vmem>> -> memref<1x1000x16xf32, #tpu.memory_space<vmem>>
      %dma_start3A_286 = tpu.memref_squeeze %dma_start3A_285 : memref<1x1000x16xf32, #tpu.memory_space<vmem>> -> memref<1000x16xf32, #tpu.memory_space<vmem>>
      %dma_start3A_287 = arith.constant 0 : i32
      %dma_start3A_288 = tpu.memref_slice %arg3[%add3A_281, %dma_start3A_287] : memref<1000000x16xf32, #tpu.memory_space<hbm>> -> memref<1000x16xf32, #tpu.memory_space<hbm>>
      %dma_start3A_289 = arith.constant 0 : i32
      %dma_start3A_290 = tpu.memref_slice %arg3[%add3A_281, %dma_start3A_289] : memref<1000000x16xf32, #tpu.memory_space<hbm>> -> memref<1000x16xf32, #tpu.memory_space<hbm>>
      %dma_start3A_291 = arith.constant 0 : i32
      %dma_start3A_292 = arith.constant 0 : i32
      %dma_start3A_293 = tpu.memref_slice %arg4[%dma_start3A_282, %dma_start3A_291, %dma_start3A_292] : memref<8x1000x16xf32, #tpu.memory_space<vmem>> -> memref<1x1000x16xf32, #tpu.memory_space<vmem>>
      %dma_start3A_294 = tpu.memref_squeeze %dma_start3A_293 : memref<1x1000x16xf32, #tpu.memory_space<vmem>> -> memref<1000x16xf32, #tpu.memory_space<vmem>>
      tpu.enqueue_dma source(%dma_start3A_294 : memref<1000x16xf32, #tpu.memory_space<vmem>>) target(%dma_start3A_290 : memref<1000x16xf32, #tpu.memory_space<hbm>>) target_semaphore(%arg5 : memref<!tpu.dma_semaphore, #tpu.memory_space<semaphore_mem>>)
      %add3A_295 = arith.constant 375000 : i32
      %add3A_296 = arith.addi %add3A_295, %mul3A_27 : i32
      %dma_start3A_297 = arith.constant 3 : i32
      %dma_start3A_298 = arith.constant 0 : i32
      %dma_start3A_299 = arith.constant 0 : i32
      %dma_start3A_300 = tpu.memref_slice %arg4[%dma_start3A_297, %dma_start3A_298, %dma_start3A_299] : memref<8x1000x16xf32, #tpu.memory_space<vmem>> -> memref<1x1000x16xf32, #tpu.memory_space<vmem>>
      %dma_start3A_301 = tpu.memref_squeeze %dma_start3A_300 : memref<1x1000x16xf32, #tpu.memory_space<vmem>> -> memref<1000x16xf32, #tpu.memory_space<vmem>>
      %dma_start3A_302 = arith.constant 0 : i32
      %dma_start3A_303 = tpu.memref_slice %arg3[%add3A_296, %dma_start3A_302] : memref<1000000x16xf32, #tpu.memory_space<hbm>> -> memref<1000x16xf32, #tpu.memory_space<hbm>>
      %dma_start3A_304 = arith.constant 0 : i32
      %dma_start3A_305 = tpu.memref_slice %arg3[%add3A_296, %dma_start3A_304] : memref<1000000x16xf32, #tpu.memory_space<hbm>> -> memref<1000x16xf32, #tpu.memory_space<hbm>>
      %dma_start3A_306 = arith.constant 0 : i32
      %dma_start3A_307 = arith.constant 0 : i32
      %dma_start3A_308 = tpu.memref_slice %arg4[%dma_start3A_297, %dma_start3A_306, %dma_start3A_307] : memref<8x1000x16xf32, #tpu.memory_space<vmem>> -> memref<1x1000x16xf32, #tpu.memory_space<vmem>>
      %dma_start3A_309 = tpu.memref_squeeze %dma_start3A_308 : memref<1x1000x16xf32, #tpu.memory_space<vmem>> -> memref<1000x16xf32, #tpu.memory_space<vmem>>
      tpu.enqueue_dma source(%dma_start3A_309 : memref<1000x16xf32, #tpu.memory_space<vmem>>) target(%dma_start3A_305 : memref<1000x16xf32, #tpu.memory_space<hbm>>) target_semaphore(%arg5 : memref<!tpu.dma_semaphore, #tpu.memory_space<semaphore_mem>>)
      %add3A_310 = arith.constant 500000 : i32
      %add3A_311 = arith.addi %add3A_310, %mul3A_27 : i32
      %dma_start3A_312 = arith.constant 4 : i32
      %dma_start3A_313 = arith.constant 0 : i32
      %dma_start3A_314 = arith.constant 0 : i32
      %dma_start3A_315 = tpu.memref_slice %arg4[%dma_start3A_312, %dma_start3A_313, %dma_start3A_314] : memref<8x1000x16xf32, #tpu.memory_space<vmem>> -> memref<1x1000x16xf32, #tpu.memory_space<vmem>>
      %dma_start3A_316 = tpu.memref_squeeze %dma_start3A_315 : memref<1x1000x16xf32, #tpu.memory_space<vmem>> -> memref<1000x16xf32, #tpu.memory_space<vmem>>
      %dma_start3A_317 = arith.constant 0 : i32
      %dma_start3A_318 = tpu.memref_slice %arg3[%add3A_311, %dma_start3A_317] : memref<1000000x16xf32, #tpu.memory_space<hbm>> -> memref<1000x16xf32, #tpu.memory_space<hbm>>
      %dma_start3A_319 = arith.constant 0 : i32
      %dma_start3A_320 = tpu.memref_slice %arg3[%add3A_311, %dma_start3A_319] : memref<1000000x16xf32, #tpu.memory_space<hbm>> -> memref<1000x16xf32, #tpu.memory_space<hbm>>
      %dma_start3A_321 = arith.constant 0 : i32
      %dma_start3A_322 = arith.constant 0 : i32
      %dma_start3A_323 = tpu.memref_slice %arg4[%dma_start3A_312, %dma_start3A_321, %dma_start3A_322] : memref<8x1000x16xf32, #tpu.memory_space<vmem>> -> memref<1x1000x16xf32, #tpu.memory_space<vmem>>
      %dma_start3A_324 = tpu.memref_squeeze %dma_start3A_323 : memref<1x1000x16xf32, #tpu.memory_space<vmem>> -> memref<1000x16xf32, #tpu.memory_space<vmem>>
      tpu.enqueue_dma source(%dma_start3A_324 : memref<1000x16xf32, #tpu.memory_space<vmem>>) target(%dma_start3A_320 : memref<1000x16xf32, #tpu.memory_space<hbm>>) target_semaphore(%arg5 : memref<!tpu.dma_semaphore, #tpu.memory_space<semaphore_mem>>)
      %add3A_325 = arith.constant 625000 : i32
      %add3A_326 = arith.addi %add3A_325, %mul3A_27 : i32
      %dma_start3A_327 = arith.constant 5 : i32
      %dma_start3A_328 = arith.constant 0 : i32
      %dma_start3A_329 = arith.constant 0 : i32
      %dma_start3A_330 = tpu.memref_slice %arg4[%dma_start3A_327, %dma_start3A_328, %dma_start3A_329] : memref<8x1000x16xf32, #tpu.memory_space<vmem>> -> memref<1x1000x16xf32, #tpu.memory_space<vmem>>
      %dma_start3A_331 = tpu.memref_squeeze %dma_start3A_330 : memref<1x1000x16xf32, #tpu.memory_space<vmem>> -> memref<1000x16xf32, #tpu.memory_space<vmem>>
      %dma_start3A_332 = arith.constant 0 : i32
      %dma_start3A_333 = tpu.memref_slice %arg3[%add3A_326, %dma_start3A_332] : memref<1000000x16xf32, #tpu.memory_space<hbm>> -> memref<1000x16xf32, #tpu.memory_space<hbm>>
      %dma_start3A_334 = arith.constant 0 : i32
      %dma_start3A_335 = tpu.memref_slice %arg3[%add3A_326, %dma_start3A_334] : memref<1000000x16xf32, #tpu.memory_space<hbm>> -> memref<1000x16xf32, #tpu.memory_space<hbm>>
      %dma_start3A_336 = arith.constant 0 : i32
      %dma_start3A_337 = arith.constant 0 : i32
      %dma_start3A_338 = tpu.memref_slice %arg4[%dma_start3A_327, %dma_start3A_336, %dma_start3A_337] : memref<8x1000x16xf32, #tpu.memory_space<vmem>> -> memref<1x1000x16xf32, #tpu.memory_space<vmem>>
      %dma_start3A_339 = tpu.memref_squeeze %dma_start3A_338 : memref<1x1000x16xf32, #tpu.memory_space<vmem>> -> memref<1000x16xf32, #tpu.memory_space<vmem>>
      tpu.enqueue_dma source(%dma_start3A_339 : memref<1000x16xf32, #tpu.memory_space<vmem>>) target(%dma_start3A_335 : memref<1000x16xf32, #tpu.memory_space<hbm>>) target_semaphore(%arg5 : memref<!tpu.dma_semaphore, #tpu.memory_space<semaphore_mem>>)
      %add3A_340 = arith.constant 750000 : i32
      %add3A_341 = arith.addi %add3A_340, %mul3A_27 : i32
      %dma_start3A_342 = arith.constant 6 : i32
      %dma_start3A_343 = arith.constant 0 : i32
      %dma_start3A_344 = arith.constant 0 : i32
      %dma_start3A_345 = tpu.memref_slice %arg4[%dma_start3A_342, %dma_start3A_343, %dma_start3A_344] : memref<8x1000x16xf32, #tpu.memory_space<vmem>> -> memref<1x1000x16xf32, #tpu.memory_space<vmem>>
      %dma_start3A_346 = tpu.memref_squeeze %dma_start3A_345 : memref<1x1000x16xf32, #tpu.memory_space<vmem>> -> memref<1000x16xf32, #tpu.memory_space<vmem>>
      %dma_start3A_347 = arith.constant 0 : i32
      %dma_start3A_348 = tpu.memref_slice %arg3[%add3A_341, %dma_start3A_347] : memref<1000000x16xf32, #tpu.memory_space<hbm>> -> memref<1000x16xf32, #tpu.memory_space<hbm>>
      %dma_start3A_349 = arith.constant 0 : i32
      %dma_start3A_350 = tpu.memref_slice %arg3[%add3A_341, %dma_start3A_349] : memref<1000000x16xf32, #tpu.memory_space<hbm>> -> memref<1000x16xf32, #tpu.memory_space<hbm>>
      %dma_start3A_351 = arith.constant 0 : i32
      %dma_start3A_352 = arith.constant 0 : i32
      %dma_start3A_353 = tpu.memref_slice %arg4[%dma_start3A_342, %dma_start3A_351, %dma_start3A_352] : memref<8x1000x16xf32, #tpu.memory_space<vmem>> -> memref<1x1000x16xf32, #tpu.memory_space<vmem>>
      %dma_start3A_354 = tpu.memref_squeeze %dma_start3A_353 : memref<1x1000x16xf32, #tpu.memory_space<vmem>> -> memref<1000x16xf32, #tpu.memory_space<vmem>>
      tpu.enqueue_dma source(%dma_start3A_354 : memref<1000x16xf32, #tpu.memory_space<vmem>>) target(%dma_start3A_350 : memref<1000x16xf32, #tpu.memory_space<hbm>>) target_semaphore(%arg5 : memref<!tpu.dma_semaphore, #tpu.memory_space<semaphore_mem>>)
      %add3A_355 = arith.constant 875000 : i32
      %add3A_356 = arith.addi %add3A_355, %mul3A_27 : i32
      %dma_start3A_357 = arith.constant 7 : i32
      %dma_start3A_358 = arith.constant 0 : i32
      %dma_start3A_359 = arith.constant 0 : i32
      %dma_start3A_360 = tpu.memref_slice %arg4[%dma_start3A_357, %dma_start3A_358, %dma_start3A_359] : memref<8x1000x16xf32, #tpu.memory_space<vmem>> -> memref<1x1000x16xf32, #tpu.memory_space<vmem>>
      %dma_start3A_361 = tpu.memref_squeeze %dma_start3A_360 : memref<1x1000x16xf32, #tpu.memory_space<vmem>> -> memref<1000x16xf32, #tpu.memory_space<vmem>>
      %dma_start3A_362 = arith.constant 0 : i32
      %dma_start3A_363 = tpu.memref_slice %arg3[%add3A_356, %dma_start3A_362] : memref<1000000x16xf32, #tpu.memory_space<hbm>> -> memref<1000x16xf32, #tpu.memory_space<hbm>>
      %dma_start3A_364 = arith.constant 0 : i32
      %dma_start3A_365 = tpu.memref_slice %arg3[%add3A_356, %dma_start3A_364] : memref<1000000x16xf32, #tpu.memory_space<hbm>> -> memref<1000x16xf32, #tpu.memory_space<hbm>>
      %dma_start3A_366 = arith.constant 0 : i32
      %dma_start3A_367 = arith.constant 0 : i32
      %dma_start3A_368 = tpu.memref_slice %arg4[%dma_start3A_357, %dma_start3A_366, %dma_start3A_367] : memref<8x1000x16xf32, #tpu.memory_space<vmem>> -> memref<1x1000x16xf32, #tpu.memory_space<vmem>>
      %dma_start3A_369 = tpu.memref_squeeze %dma_start3A_368 : memref<1x1000x16xf32, #tpu.memory_space<vmem>> -> memref<1000x16xf32, #tpu.memory_space<vmem>>
      tpu.enqueue_dma source(%dma_start3A_369 : memref<1000x16xf32, #tpu.memory_space<vmem>>) target(%dma_start3A_365 : memref<1000x16xf32, #tpu.memory_space<hbm>>) target_semaphore(%arg5 : memref<!tpu.dma_semaphore, #tpu.memory_space<semaphore_mem>>)
      %dma_wait3A_370 = arith.constant 0 : i32
      %dma_wait3A_371 = arith.constant 0 : i32
      %dma_wait3A_372 = arith.constant 0 : i32
      %dma_wait3A_373 = tpu.memref_slice %arg4[%dma_wait3A_370, %dma_wait3A_371, %dma_wait3A_372] : memref<8x1000x16xf32, #tpu.memory_space<vmem>> -> memref<1x1000x16xf32, #tpu.memory_space<vmem>>
      %dma_wait3A_374 = tpu.memref_squeeze %dma_wait3A_373 : memref<1x1000x16xf32, #tpu.memory_space<vmem>> -> memref<1000x16xf32, #tpu.memory_space<vmem>>
      %dma_wait3A_375 = arith.constant 0 : i32
      %dma_wait3A_376 = arith.constant 0 : i32
      %dma_wait3A_377 = tpu.memref_slice %arg3[%dma_wait3A_375, %dma_wait3A_376] : memref<1000000x16xf32, #tpu.memory_space<hbm>> -> memref<1000x16xf32, #tpu.memory_space<hbm>>
      %dma_wait3A_378 = arith.constant 0 : i32
      %dma_wait3A_379 = arith.constant 0 : i32
      %dma_wait3A_380 = tpu.memref_slice %arg3[%dma_wait3A_378, %dma_wait3A_379] : memref<1000000x16xf32, #tpu.memory_space<hbm>> -> memref<1000x16xf32, #tpu.memory_space<hbm>>
      %dma_wait3A_381 = arith.constant 0 : i32
      %dma_wait3A_382 = arith.constant 0 : i32
      %dma_wait3A_383 = tpu.memref_slice %arg4[%dma_wait3A_370, %dma_wait3A_381, %dma_wait3A_382] : memref<8x1000x16xf32, #tpu.memory_space<vmem>> -> memref<1x1000x16xf32, #tpu.memory_space<vmem>>
      %dma_wait3A_384 = tpu.memref_squeeze %dma_wait3A_383 : memref<1x1000x16xf32, #tpu.memory_space<vmem>> -> memref<1000x16xf32, #tpu.memory_space<vmem>>
      tpu.wait_dma2 semaphore(%arg5 : memref<!tpu.dma_semaphore, #tpu.memory_space<semaphore_mem>>) src(%dma_wait3A_384 : memref<1000x16xf32, #tpu.memory_space<vmem>>) dst(%dma_wait3A_380 : memref<1000x16xf32, #tpu.memory_space<hbm>>)
      %dma_wait3A_385 = arith.constant 1 : i32
      %dma_wait3A_386 = arith.constant 0 : i32
      %dma_wait3A_387 = arith.constant 0 : i32
      %dma_wait3A_388 = tpu.memref_slice %arg4[%dma_wait3A_385, %dma_wait3A_386, %dma_wait3A_387] : memref<8x1000x16xf32, #tpu.memory_space<vmem>> -> memref<1x1000x16xf32, #tpu.memory_space<vmem>>
      %dma_wait3A_389 = tpu.memref_squeeze %dma_wait3A_388 : memref<1x1000x16xf32, #tpu.memory_space<vmem>> -> memref<1000x16xf32, #tpu.memory_space<vmem>>
      %dma_wait3A_390 = arith.constant 0 : i32
      %dma_wait3A_391 = arith.constant 0 : i32
      %dma_wait3A_392 = tpu.memref_slice %arg3[%dma_wait3A_390, %dma_wait3A_391] : memref<1000000x16xf32, #tpu.memory_space<hbm>> -> memref<1000x16xf32, #tpu.memory_space<hbm>>
      %dma_wait3A_393 = arith.constant 0 : i32
      %dma_wait3A_394 = arith.constant 0 : i32
      %dma_wait3A_395 = tpu.memref_slice %arg3[%dma_wait3A_393, %dma_wait3A_394] : memref<1000000x16xf32, #tpu.memory_space<hbm>> -> memref<1000x16xf32, #tpu.memory_space<hbm>>
      %dma_wait3A_396 = arith.constant 0 : i32
      %dma_wait3A_397 = arith.constant 0 : i32
      %dma_wait3A_398 = tpu.memref_slice %arg4[%dma_wait3A_385, %dma_wait3A_396, %dma_wait3A_397] : memref<8x1000x16xf32, #tpu.memory_space<vmem>> -> memref<1x1000x16xf32, #tpu.memory_space<vmem>>
      %dma_wait3A_399 = tpu.memref_squeeze %dma_wait3A_398 : memref<1x1000x16xf32, #tpu.memory_space<vmem>> -> memref<1000x16xf32, #tpu.memory_space<vmem>>
      tpu.wait_dma2 semaphore(%arg5 : memref<!tpu.dma_semaphore, #tpu.memory_space<semaphore_mem>>) src(%dma_wait3A_399 : memref<1000x16xf32, #tpu.memory_space<vmem>>) dst(%dma_wait3A_395 : memref<1000x16xf32, #tpu.memory_space<hbm>>)
      %dma_wait3A_400 = arith.constant 2 : i32
      %dma_wait3A_401 = arith.constant 0 : i32
      %dma_wait3A_402 = arith.constant 0 : i32
      %dma_wait3A_403 = tpu.memref_slice %arg4[%dma_wait3A_400, %dma_wait3A_401, %dma_wait3A_402] : memref<8x1000x16xf32, #tpu.memory_space<vmem>> -> memref<1x1000x16xf32, #tpu.memory_space<vmem>>
      %dma_wait3A_404 = tpu.memref_squeeze %dma_wait3A_403 : memref<1x1000x16xf32, #tpu.memory_space<vmem>> -> memref<1000x16xf32, #tpu.memory_space<vmem>>
      %dma_wait3A_405 = arith.constant 0 : i32
      %dma_wait3A_406 = arith.constant 0 : i32
      %dma_wait3A_407 = tpu.memref_slice %arg3[%dma_wait3A_405, %dma_wait3A_406] : memref<1000000x16xf32, #tpu.memory_space<hbm>> -> memref<1000x16xf32, #tpu.memory_space<hbm>>
      %dma_wait3A_408 = arith.constant 0 : i32
      %dma_wait3A_409 = arith.constant 0 : i32
      %dma_wait3A_410 = tpu.memref_slice %arg3[%dma_wait3A_408, %dma_wait3A_409] : memref<1000000x16xf32, #tpu.memory_space<hbm>> -> memref<1000x16xf32, #tpu.memory_space<hbm>>
      %dma_wait3A_411 = arith.constant 0 : i32
      %dma_wait3A_412 = arith.constant 0 : i32
      %dma_wait3A_413 = tpu.memref_slice %arg4[%dma_wait3A_400, %dma_wait3A_411, %dma_wait3A_412] : memref<8x1000x16xf32, #tpu.memory_space<vmem>> -> memref<1x1000x16xf32, #tpu.memory_space<vmem>>
      %dma_wait3A_414 = tpu.memref_squeeze %dma_wait3A_413 : memref<1x1000x16xf32, #tpu.memory_space<vmem>> -> memref<1000x16xf32, #tpu.memory_space<vmem>>
      tpu.wait_dma2 semaphore(%arg5 : memref<!tpu.dma_semaphore, #tpu.memory_space<semaphore_mem>>) src(%dma_wait3A_414 : memref<1000x16xf32, #tpu.memory_space<vmem>>) dst(%dma_wait3A_410 : memref<1000x16xf32, #tpu.memory_space<hbm>>)
      %dma_wait3A_415 = arith.constant 3 : i32
      %dma_wait3A_416 = arith.constant 0 : i32
      %dma_wait3A_417 = arith.constant 0 : i32
      %dma_wait3A_418 = tpu.memref_slice %arg4[%dma_wait3A_415, %dma_wait3A_416, %dma_wait3A_417] : memref<8x1000x16xf32, #tpu.memory_space<vmem>> -> memref<1x1000x16xf32, #tpu.memory_space<vmem>>
      %dma_wait3A_419 = tpu.memref_squeeze %dma_wait3A_418 : memref<1x1000x16xf32, #tpu.memory_space<vmem>> -> memref<1000x16xf32, #tpu.memory_space<vmem>>
      %dma_wait3A_420 = arith.constant 0 : i32
      %dma_wait3A_421 = arith.constant 0 : i32
      %dma_wait3A_422 = tpu.memref_slice %arg3[%dma_wait3A_420, %dma_wait3A_421] : memref<1000000x16xf32, #tpu.memory_space<hbm>> -> memref<1000x16xf32, #tpu.memory_space<hbm>>
      %dma_wait3A_423 = arith.constant 0 : i32
      %dma_wait3A_424 = arith.constant 0 : i32
      %dma_wait3A_425 = tpu.memref_slice %arg3[%dma_wait3A_423, %dma_wait3A_424] : memref<1000000x16xf32, #tpu.memory_space<hbm>> -> memref<1000x16xf32, #tpu.memory_space<hbm>>
      %dma_wait3A_426 = arith.constant 0 : i32
      %dma_wait3A_427 = arith.constant 0 : i32
      %dma_wait3A_428 = tpu.memref_slice %arg4[%dma_wait3A_415, %dma_wait3A_426, %dma_wait3A_427] : memref<8x1000x16xf32, #tpu.memory_space<vmem>> -> memref<1x1000x16xf32, #tpu.memory_space<vmem>>
      %dma_wait3A_429 = tpu.memref_squeeze %dma_wait3A_428 : memref<1x1000x16xf32, #tpu.memory_space<vmem>> -> memref<1000x16xf32, #tpu.memory_space<vmem>>
      tpu.wait_dma2 semaphore(%arg5 : memref<!tpu.dma_semaphore, #tpu.memory_space<semaphore_mem>>) src(%dma_wait3A_429 : memref<1000x16xf32, #tpu.memory_space<vmem>>) dst(%dma_wait3A_425 : memref<1000x16xf32, #tpu.memory_space<hbm>>)
      %dma_wait3A_430 = arith.constant 4 : i32
      %dma_wait3A_431 = arith.constant 0 : i32
      %dma_wait3A_432 = arith.constant 0 : i32
      %dma_wait3A_433 = tpu.memref_slice %arg4[%dma_wait3A_430, %dma_wait3A_431, %dma_wait3A_432] : memref<8x1000x16xf32, #tpu.memory_space<vmem>> -> memref<1x1000x16xf32, #tpu.memory_space<vmem>>
      %dma_wait3A_434 = tpu.memref_squeeze %dma_wait3A_433 : memref<1x1000x16xf32, #tpu.memory_space<vmem>> -> memref<1000x16xf32, #tpu.memory_space<vmem>>
      %dma_wait3A_435 = arith.constant 0 : i32
      %dma_wait3A_436 = arith.constant 0 : i32
      %dma_wait3A_437 = tpu.memref_slice %arg3[%dma_wait3A_435, %dma_wait3A_436] : memref<1000000x16xf32, #tpu.memory_space<hbm>> -> memref<1000x16xf32, #tpu.memory_space<hbm>>
      %dma_wait3A_438 = arith.constant 0 : i32
      %dma_wait3A_439 = arith.constant 0 : i32
      %dma_wait3A_440 = tpu.memref_slice %arg3[%dma_wait3A_438, %dma_wait3A_439] : memref<1000000x16xf32, #tpu.memory_space<hbm>> -> memref<1000x16xf32, #tpu.memory_space<hbm>>
      %dma_wait3A_441 = arith.constant 0 : i32
      %dma_wait3A_442 = arith.constant 0 : i32
      %dma_wait3A_443 = tpu.memref_slice %arg4[%dma_wait3A_430, %dma_wait3A_441, %dma_wait3A_442] : memref<8x1000x16xf32, #tpu.memory_space<vmem>> -> memref<1x1000x16xf32, #tpu.memory_space<vmem>>
      %dma_wait3A_444 = tpu.memref_squeeze %dma_wait3A_443 : memref<1x1000x16xf32, #tpu.memory_space<vmem>> -> memref<1000x16xf32, #tpu.memory_space<vmem>>
      tpu.wait_dma2 semaphore(%arg5 : memref<!tpu.dma_semaphore, #tpu.memory_space<semaphore_mem>>) src(%dma_wait3A_444 : memref<1000x16xf32, #tpu.memory_space<vmem>>) dst(%dma_wait3A_440 : memref<1000x16xf32, #tpu.memory_space<hbm>>)
      %dma_wait3A_445 = arith.constant 5 : i32
      %dma_wait3A_446 = arith.constant 0 : i32
      %dma_wait3A_447 = arith.constant 0 : i32
      %dma_wait3A_448 = tpu.memref_slice %arg4[%dma_wait3A_445, %dma_wait3A_446, %dma_wait3A_447] : memref<8x1000x16xf32, #tpu.memory_space<vmem>> -> memref<1x1000x16xf32, #tpu.memory_space<vmem>>
      %dma_wait3A_449 = tpu.memref_squeeze %dma_wait3A_448 : memref<1x1000x16xf32, #tpu.memory_space<vmem>> -> memref<1000x16xf32, #tpu.memory_space<vmem>>
      %dma_wait3A_450 = arith.constant 0 : i32
      %dma_wait3A_451 = arith.constant 0 : i32
      %dma_wait3A_452 = tpu.memref_slice %arg3[%dma_wait3A_450, %dma_wait3A_451] : memref<1000000x16xf32, #tpu.memory_space<hbm>> -> memref<1000x16xf32, #tpu.memory_space<hbm>>
      %dma_wait3A_453 = arith.constant 0 : i32
      %dma_wait3A_454 = arith.constant 0 : i32
      %dma_wait3A_455 = tpu.memref_slice %arg3[%dma_wait3A_453, %dma_wait3A_454] : memref<1000000x16xf32, #tpu.memory_space<hbm>> -> memref<1000x16xf32, #tpu.memory_space<hbm>>
      %dma_wait3A_456 = arith.constant 0 : i32
      %dma_wait3A_457 = arith.constant 0 : i32
      %dma_wait3A_458 = tpu.memref_slice %arg4[%dma_wait3A_445, %dma_wait3A_456, %dma_wait3A_457] : memref<8x1000x16xf32, #tpu.memory_space<vmem>> -> memref<1x1000x16xf32, #tpu.memory_space<vmem>>
      %dma_wait3A_459 = tpu.memref_squeeze %dma_wait3A_458 : memref<1x1000x16xf32, #tpu.memory_space<vmem>> -> memref<1000x16xf32, #tpu.memory_space<vmem>>
      tpu.wait_dma2 semaphore(%arg5 : memref<!tpu.dma_semaphore, #tpu.memory_space<semaphore_mem>>) src(%dma_wait3A_459 : memref<1000x16xf32, #tpu.memory_space<vmem>>) dst(%dma_wait3A_455 : memref<1000x16xf32, #tpu.memory_space<hbm>>)
      %dma_wait3A_460 = arith.constant 6 : i32
      %dma_wait3A_461 = arith.constant 0 : i32
      %dma_wait3A_462 = arith.constant 0 : i32
      %dma_wait3A_463 = tpu.memref_slice %arg4[%dma_wait3A_460, %dma_wait3A_461, %dma_wait3A_462] : memref<8x1000x16xf32, #tpu.memory_space<vmem>> -> memref<1x1000x16xf32, #tpu.memory_space<vmem>>
      %dma_wait3A_464 = tpu.memref_squeeze %dma_wait3A_463 : memref<1x1000x16xf32, #tpu.memory_space<vmem>> -> memref<1000x16xf32, #tpu.memory_space<vmem>>
      %dma_wait3A_465 = arith.constant 0 : i32
      %dma_wait3A_466 = arith.constant 0 : i32
      %dma_wait3A_467 = tpu.memref_slice %arg3[%dma_wait3A_465, %dma_wait3A_466] : memref<1000000x16xf32, #tpu.memory_space<hbm>> -> memref<1000x16xf32, #tpu.memory_space<hbm>>
      %dma_wait3A_468 = arith.constant 0 : i32
      %dma_wait3A_469 = arith.constant 0 : i32
      %dma_wait3A_470 = tpu.memref_slice %arg3[%dma_wait3A_468, %dma_wait3A_469] : memref<1000000x16xf32, #tpu.memory_space<hbm>> -> memref<1000x16xf32, #tpu.memory_space<hbm>>
      %dma_wait3A_471 = arith.constant 0 : i32
      %dma_wait3A_472 = arith.constant 0 : i32
      %dma_wait3A_473 = tpu.memref_slice %arg4[%dma_wait3A_460, %dma_wait3A_471, %dma_wait3A_472] : memref<8x1000x16xf32, #tpu.memory_space<vmem>> -> memref<1x1000x16xf32, #tpu.memory_space<vmem>>
      %dma_wait3A_474 = tpu.memref_squeeze %dma_wait3A_473 : memref<1x1000x16xf32, #tpu.memory_space<vmem>> -> memref<1000x16xf32, #tpu.memory_space<vmem>>
      tpu.wait_dma2 semaphore(%arg5 : memref<!tpu.dma_semaphore, #tpu.memory_space<semaphore_mem>>) src(%dma_wait3A_474 : memref<1000x16xf32, #tpu.memory_space<vmem>>) dst(%dma_wait3A_470 : memref<1000x16xf32, #tpu.memory_space<hbm>>)
      %dma_wait3A_475 = arith.constant 7 : i32
      %dma_wait3A_476 = arith.constant 0 : i32
      %dma_wait3A_477 = arith.constant 0 : i32
      %dma_wait3A_478 = tpu.memref_slice %arg4[%dma_wait3A_475, %dma_wait3A_476, %dma_wait3A_477] : memref<8x1000x16xf32, #tpu.memory_space<vmem>> -> memref<1x1000x16xf32, #tpu.memory_space<vmem>>
      %dma_wait3A_479 = tpu.memref_squeeze %dma_wait3A_478 : memref<1x1000x16xf32, #tpu.memory_space<vmem>> -> memref<1000x16xf32, #tpu.memory_space<vmem>>
      %dma_wait3A_480 = arith.constant 0 : i32
      %dma_wait3A_481 = arith.constant 0 : i32
      %dma_wait3A_482 = tpu.memref_slice %arg3[%dma_wait3A_480, %dma_wait3A_481] : memref<1000000x16xf32, #tpu.memory_space<hbm>> -> memref<1000x16xf32, #tpu.memory_space<hbm>>
      %dma_wait3A_483 = arith.constant 0 : i32
      %dma_wait3A_484 = arith.constant 0 : i32
      %dma_wait3A_485 = tpu.memref_slice %arg3[%dma_wait3A_483, %dma_wait3A_484] : memref<1000000x16xf32, #tpu.memory_space<hbm>> -> memref<1000x16xf32, #tpu.memory_space<hbm>>
      %dma_wait3A_486 = arith.constant 0 : i32
      %dma_wait3A_487 = arith.constant 0 : i32
      %dma_wait3A_488 = tpu.memref_slice %arg4[%dma_wait3A_475, %dma_wait3A_486, %dma_wait3A_487] : memref<8x1000x16xf32, #tpu.memory_space<vmem>> -> memref<1x1000x16xf32, #tpu.memory_space<vmem>>
      %dma_wait3A_489 = tpu.memref_squeeze %dma_wait3A_488 : memref<1x1000x16xf32, #tpu.memory_space<vmem>> -> memref<1000x16xf32, #tpu.memory_space<vmem>>
      tpu.wait_dma2 semaphore(%arg5 : memref<!tpu.dma_semaphore, #tpu.memory_space<semaphore_mem>>) src(%dma_wait3A_489 : memref<1000x16xf32, #tpu.memory_space<vmem>>) dst(%dma_wait3A_485 : memref<1000x16xf32, #tpu.memory_space<hbm>>)
    } else {
    }
    %add3A_5 = arith.constant 32 : i32
    %add3A_6 = arith.addi %add3A, %add3A_5 : i32
    %lt3A_7 = arith.constant 125 : i32
    %lt3A_8 = arith.cmpi slt, %add3A_6, %lt3A_7 : i32
    %convert_element_type3A_9 = arith.extui %lt3A_8 : i1 to i32
    %cond3A_10 = arith.constant 0 : i32
    %cond3A_11 = arith.cmpi ne, %convert_element_type3A_9, %cond3A_10 : i32
    scf.if %cond3A_11 {
      %mul3A_26 = arith.constant 1000 : i32
      %mul3A_27 = arith.muli %add3A_6, %mul3A_26 : i32
      %dma_start3A = arith.constant 0 : i32
      %dma_start3A_28 = arith.constant 0 : i32
      %dma_start3A_29 = arith.constant 0 : i32
      %dma_start3A_30 = tpu.memref_slice %arg4[%dma_start3A, %dma_start3A_28, %dma_start3A_29] : memref<8x1000x16xf32, #tpu.memory_space<vmem>> -> memref<1x1000x16xf32, #tpu.memory_space<vmem>>
      %dma_start3A_31 = tpu.memref_squeeze %dma_start3A_30 : memref<1x1000x16xf32, #tpu.memory_space<vmem>> -> memref<1000x16xf32, #tpu.memory_space<vmem>>
      %dma_start3A_32 = arith.constant 0 : i32
      %dma_start3A_33 = tpu.memref_slice %arg2[%mul3A_27, %dma_start3A_32] : memref<125000x128xf32, #tpu.memory_space<hbm>> -> memref<1000x16xf32, #tpu.memory_space<hbm>>
      %dma_start3A_34 = arith.constant 0 : i32
      %dma_start3A_35 = arith.constant 0 : i32
      %dma_start3A_36 = tpu.memref_slice %arg4[%dma_start3A, %dma_start3A_34, %dma_start3A_35] : memref<8x1000x16xf32, #tpu.memory_space<vmem>> -> memref<1x1000x16xf32, #tpu.memory_space<vmem>>
      %dma_start3A_37 = tpu.memref_squeeze %dma_start3A_36 : memref<1x1000x16xf32, #tpu.memory_space<vmem>> -> memref<1000x16xf32, #tpu.memory_space<vmem>>
      %dma_start3A_38 = arith.constant 0 : i32
      %dma_start3A_39 = tpu.memref_slice %arg2[%mul3A_27, %dma_start3A_38] : memref<125000x128xf32, #tpu.memory_space<hbm>> -> memref<1000x16xf32, #tpu.memory_space<hbm>>
      tpu.enqueue_dma source(%dma_start3A_39 : memref<1000x16xf32, #tpu.memory_space<hbm>>) target(%dma_start3A_37 : memref<1000x16xf32, #tpu.memory_space<vmem>>) target_semaphore(%arg5 : memref<!tpu.dma_semaphore, #tpu.memory_space<semaphore_mem>>)
      %dma_start3A_40 = arith.constant 1 : i32
      %dma_start3A_41 = arith.constant 0 : i32
      %dma_start3A_42 = arith.constant 0 : i32
      %dma_start3A_43 = tpu.memref_slice %arg4[%dma_start3A_40, %dma_start3A_41, %dma_start3A_42] : memref<8x1000x16xf32, #tpu.memory_space<vmem>> -> memref<1x1000x16xf32, #tpu.memory_space<vmem>>
      %dma_start3A_44 = tpu.memref_squeeze %dma_start3A_43 : memref<1x1000x16xf32, #tpu.memory_space<vmem>> -> memref<1000x16xf32, #tpu.memory_space<vmem>>
      %dma_start3A_45 = arith.constant 16 : i32
      %dma_start3A_46 = tpu.memref_slice %arg2[%mul3A_27, %dma_start3A_45] : memref<125000x128xf32, #tpu.memory_space<hbm>> -> memref<1000x16xf32, #tpu.memory_space<hbm>>
      %dma_start3A_47 = arith.constant 0 : i32
      %dma_start3A_48 = arith.constant 0 : i32
      %dma_start3A_49 = tpu.memref_slice %arg4[%dma_start3A_40, %dma_start3A_47, %dma_start3A_48] : memref<8x1000x16xf32, #tpu.memory_space<vmem>> -> memref<1x1000x16xf32, #tpu.memory_space<vmem>>
      %dma_start3A_50 = tpu.memref_squeeze %dma_start3A_49 : memref<1x1000x16xf32, #tpu.memory_space<vmem>> -> memref<1000x16xf32, #tpu.memory_space<vmem>>
      %dma_start3A_51 = arith.constant 16 : i32
      %dma_start3A_52 = tpu.memref_slice %arg2[%mul3A_27, %dma_start3A_51] : memref<125000x128xf32, #tpu.memory_space<hbm>> -> memref<1000x16xf32, #tpu.memory_space<hbm>>
      tpu.enqueue_dma source(%dma_start3A_52 : memref<1000x16xf32, #tpu.memory_space<hbm>>) target(%dma_start3A_50 : memref<1000x16xf32, #tpu.memory_space<vmem>>) target_semaphore(%arg5 : memref<!tpu.dma_semaphore, #tpu.memory_space<semaphore_mem>>)
      %dma_start3A_53 = arith.constant 2 : i32
      %dma_start3A_54 = arith.constant 0 : i32
      %dma_start3A_55 = arith.constant 0 : i32
      %dma_start3A_56 = tpu.memref_slice %arg4[%dma_start3A_53, %dma_start3A_54, %dma_start3A_55] : memref<8x1000x16xf32, #tpu.memory_space<vmem>> -> memref<1x1000x16xf32, #tpu.memory_space<vmem>>
      %dma_start3A_57 = tpu.memref_squeeze %dma_start3A_56 : memref<1x1000x16xf32, #tpu.memory_space<vmem>> -> memref<1000x16xf32, #tpu.memory_space<vmem>>
      %dma_start3A_58 = arith.constant 32 : i32
      %dma_start3A_59 = tpu.memref_slice %arg2[%mul3A_27, %dma_start3A_58] : memref<125000x128xf32, #tpu.memory_space<hbm>> -> memref<1000x16xf32, #tpu.memory_space<hbm>>
      %dma_start3A_60 = arith.constant 0 : i32
      %dma_start3A_61 = arith.constant 0 : i32
      %dma_start3A_62 = tpu.memref_slice %arg4[%dma_start3A_53, %dma_start3A_60, %dma_start3A_61] : memref<8x1000x16xf32, #tpu.memory_space<vmem>> -> memref<1x1000x16xf32, #tpu.memory_space<vmem>>
      %dma_start3A_63 = tpu.memref_squeeze %dma_start3A_62 : memref<1x1000x16xf32, #tpu.memory_space<vmem>> -> memref<1000x16xf32, #tpu.memory_space<vmem>>
      %dma_start3A_64 = arith.constant 32 : i32
      %dma_start3A_65 = tpu.memref_slice %arg2[%mul3A_27, %dma_start3A_64] : memref<125000x128xf32, #tpu.memory_space<hbm>> -> memref<1000x16xf32, #tpu.memory_space<hbm>>
      tpu.enqueue_dma source(%dma_start3A_65 : memref<1000x16xf32, #tpu.memory_space<hbm>>) target(%dma_start3A_63 : memref<1000x16xf32, #tpu.memory_space<vmem>>) target_semaphore(%arg5 : memref<!tpu.dma_semaphore, #tpu.memory_space<semaphore_mem>>)
      %dma_start3A_66 = arith.constant 3 : i32
      %dma_start3A_67 = arith.constant 0 : i32
      %dma_start3A_68 = arith.constant 0 : i32
      %dma_start3A_69 = tpu.memref_slice %arg4[%dma_start3A_66, %dma_start3A_67, %dma_start3A_68] : memref<8x1000x16xf32, #tpu.memory_space<vmem>> -> memref<1x1000x16xf32, #tpu.memory_space<vmem>>
      %dma_start3A_70 = tpu.memref_squeeze %dma_start3A_69 : memref<1x1000x16xf32, #tpu.memory_space<vmem>> -> memref<1000x16xf32, #tpu.memory_space<vmem>>
      %dma_start3A_71 = arith.constant 48 : i32
      %dma_start3A_72 = tpu.memref_slice %arg2[%mul3A_27, %dma_start3A_71] : memref<125000x128xf32, #tpu.memory_space<hbm>> -> memref<1000x16xf32, #tpu.memory_space<hbm>>
      %dma_start3A_73 = arith.constant 0 : i32
      %dma_start3A_74 = arith.constant 0 : i32
      %dma_start3A_75 = tpu.memref_slice %arg4[%dma_start3A_66, %dma_start3A_73, %dma_start3A_74] : memref<8x1000x16xf32, #tpu.memory_space<vmem>> -> memref<1x1000x16xf32, #tpu.memory_space<vmem>>
      %dma_start3A_76 = tpu.memref_squeeze %dma_start3A_75 : memref<1x1000x16xf32, #tpu.memory_space<vmem>> -> memref<1000x16xf32, #tpu.memory_space<vmem>>
      %dma_start3A_77 = arith.constant 48 : i32
      %dma_start3A_78 = tpu.memref_slice %arg2[%mul3A_27, %dma_start3A_77] : memref<125000x128xf32, #tpu.memory_space<hbm>> -> memref<1000x16xf32, #tpu.memory_space<hbm>>
      tpu.enqueue_dma source(%dma_start3A_78 : memref<1000x16xf32, #tpu.memory_space<hbm>>) target(%dma_start3A_76 : memref<1000x16xf32, #tpu.memory_space<vmem>>) target_semaphore(%arg5 : memref<!tpu.dma_semaphore, #tpu.memory_space<semaphore_mem>>)
      %dma_start3A_79 = arith.constant 4 : i32
      %dma_start3A_80 = arith.constant 0 : i32
      %dma_start3A_81 = arith.constant 0 : i32
      %dma_start3A_82 = tpu.memref_slice %arg4[%dma_start3A_79, %dma_start3A_80, %dma_start3A_81] : memref<8x1000x16xf32, #tpu.memory_space<vmem>> -> memref<1x1000x16xf32, #tpu.memory_space<vmem>>
      %dma_start3A_83 = tpu.memref_squeeze %dma_start3A_82 : memref<1x1000x16xf32, #tpu.memory_space<vmem>> -> memref<1000x16xf32, #tpu.memory_space<vmem>>
      %dma_start3A_84 = arith.constant 64 : i32
      %dma_start3A_85 = tpu.memref_slice %arg2[%mul3A_27, %dma_start3A_84] : memref<125000x128xf32, #tpu.memory_space<hbm>> -> memref<1000x16xf32, #tpu.memory_space<hbm>>
      %dma_start3A_86 = arith.constant 0 : i32
      %dma_start3A_87 = arith.constant 0 : i32
      %dma_start3A_88 = tpu.memref_slice %arg4[%dma_start3A_79, %dma_start3A_86, %dma_start3A_87] : memref<8x1000x16xf32, #tpu.memory_space<vmem>> -> memref<1x1000x16xf32, #tpu.memory_space<vmem>>
      %dma_start3A_89 = tpu.memref_squeeze %dma_start3A_88 : memref<1x1000x16xf32, #tpu.memory_space<vmem>> -> memref<1000x16xf32, #tpu.memory_space<vmem>>
      %dma_start3A_90 = arith.constant 64 : i32
      %dma_start3A_91 = tpu.memref_slice %arg2[%mul3A_27, %dma_start3A_90] : memref<125000x128xf32, #tpu.memory_space<hbm>> -> memref<1000x16xf32, #tpu.memory_space<hbm>>
      tpu.enqueue_dma source(%dma_start3A_91 : memref<1000x16xf32, #tpu.memory_space<hbm>>) target(%dma_start3A_89 : memref<1000x16xf32, #tpu.memory_space<vmem>>) target_semaphore(%arg5 : memref<!tpu.dma_semaphore, #tpu.memory_space<semaphore_mem>>)
      %dma_start3A_92 = arith.constant 5 : i32
      %dma_start3A_93 = arith.constant 0 : i32
      %dma_start3A_94 = arith.constant 0 : i32
      %dma_start3A_95 = tpu.memref_slice %arg4[%dma_start3A_92, %dma_start3A_93, %dma_start3A_94] : memref<8x1000x16xf32, #tpu.memory_space<vmem>> -> memref<1x1000x16xf32, #tpu.memory_space<vmem>>
      %dma_start3A_96 = tpu.memref_squeeze %dma_start3A_95 : memref<1x1000x16xf32, #tpu.memory_space<vmem>> -> memref<1000x16xf32, #tpu.memory_space<vmem>>
      %dma_start3A_97 = arith.constant 80 : i32
      %dma_start3A_98 = tpu.memref_slice %arg2[%mul3A_27, %dma_start3A_97] : memref<125000x128xf32, #tpu.memory_space<hbm>> -> memref<1000x16xf32, #tpu.memory_space<hbm>>
      %dma_start3A_99 = arith.constant 0 : i32
      %dma_start3A_100 = arith.constant 0 : i32
      %dma_start3A_101 = tpu.memref_slice %arg4[%dma_start3A_92, %dma_start3A_99, %dma_start3A_100] : memref<8x1000x16xf32, #tpu.memory_space<vmem>> -> memref<1x1000x16xf32, #tpu.memory_space<vmem>>
      %dma_start3A_102 = tpu.memref_squeeze %dma_start3A_101 : memref<1x1000x16xf32, #tpu.memory_space<vmem>> -> memref<1000x16xf32, #tpu.memory_space<vmem>>
      %dma_start3A_103 = arith.constant 80 : i32
      %dma_start3A_104 = tpu.memref_slice %arg2[%mul3A_27, %dma_start3A_103] : memref<125000x128xf32, #tpu.memory_space<hbm>> -> memref<1000x16xf32, #tpu.memory_space<hbm>>
      tpu.enqueue_dma source(%dma_start3A_104 : memref<1000x16xf32, #tpu.memory_space<hbm>>) target(%dma_start3A_102 : memref<1000x16xf32, #tpu.memory_space<vmem>>) target_semaphore(%arg5 : memref<!tpu.dma_semaphore, #tpu.memory_space<semaphore_mem>>)
      %dma_start3A_105 = arith.constant 6 : i32
      %dma_start3A_106 = arith.constant 0 : i32
      %dma_start3A_107 = arith.constant 0 : i32
      %dma_start3A_108 = tpu.memref_slice %arg4[%dma_start3A_105, %dma_start3A_106, %dma_start3A_107] : memref<8x1000x16xf32, #tpu.memory_space<vmem>> -> memref<1x1000x16xf32, #tpu.memory_space<vmem>>
      %dma_start3A_109 = tpu.memref_squeeze %dma_start3A_108 : memref<1x1000x16xf32, #tpu.memory_space<vmem>> -> memref<1000x16xf32, #tpu.memory_space<vmem>>
      %dma_start3A_110 = arith.constant 96 : i32
      %dma_start3A_111 = tpu.memref_slice %arg2[%mul3A_27, %dma_start3A_110] : memref<125000x128xf32, #tpu.memory_space<hbm>> -> memref<1000x16xf32, #tpu.memory_space<hbm>>
      %dma_start3A_112 = arith.constant 0 : i32
      %dma_start3A_113 = arith.constant 0 : i32
      %dma_start3A_114 = tpu.memref_slice %arg4[%dma_start3A_105, %dma_start3A_112, %dma_start3A_113] : memref<8x1000x16xf32, #tpu.memory_space<vmem>> -> memref<1x1000x16xf32, #tpu.memory_space<vmem>>
      %dma_start3A_115 = tpu.memref_squeeze %dma_start3A_114 : memref<1x1000x16xf32, #tpu.memory_space<vmem>> -> memref<1000x16xf32, #tpu.memory_space<vmem>>
      %dma_start3A_116 = arith.constant 96 : i32
      %dma_start3A_117 = tpu.memref_slice %arg2[%mul3A_27, %dma_start3A_116] : memref<125000x128xf32, #tpu.memory_space<hbm>> -> memref<1000x16xf32, #tpu.memory_space<hbm>>
      tpu.enqueue_dma source(%dma_start3A_117 : memref<1000x16xf32, #tpu.memory_space<hbm>>) target(%dma_start3A_115 : memref<1000x16xf32, #tpu.memory_space<vmem>>) target_semaphore(%arg5 : memref<!tpu.dma_semaphore, #tpu.memory_space<semaphore_mem>>)
      %dma_start3A_118 = arith.constant 7 : i32
      %dma_start3A_119 = arith.constant 0 : i32
      %dma_start3A_120 = arith.constant 0 : i32
      %dma_start3A_121 = tpu.memref_slice %arg4[%dma_start3A_118, %dma_start3A_119, %dma_start3A_120] : memref<8x1000x16xf32, #tpu.memory_space<vmem>> -> memref<1x1000x16xf32, #tpu.memory_space<vmem>>
      %dma_start3A_122 = tpu.memref_squeeze %dma_start3A_121 : memref<1x1000x16xf32, #tpu.memory_space<vmem>> -> memref<1000x16xf32, #tpu.memory_space<vmem>>
      %dma_start3A_123 = arith.constant 112 : i32
      %dma_start3A_124 = tpu.memref_slice %arg2[%mul3A_27, %dma_start3A_123] : memref<125000x128xf32, #tpu.memory_space<hbm>> -> memref<1000x16xf32, #tpu.memory_space<hbm>>
      %dma_start3A_125 = arith.constant 0 : i32
      %dma_start3A_126 = arith.constant 0 : i32
      %dma_start3A_127 = tpu.memref_slice %arg4[%dma_start3A_118, %dma_start3A_125, %dma_start3A_126] : memref<8x1000x16xf32, #tpu.memory_space<vmem>> -> memref<1x1000x16xf32, #tpu.memory_space<vmem>>
      %dma_start3A_128 = tpu.memref_squeeze %dma_start3A_127 : memref<1x1000x16xf32, #tpu.memory_space<vmem>> -> memref<1000x16xf32, #tpu.memory_space<vmem>>
      %dma_start3A_129 = arith.constant 112 : i32
      %dma_start3A_130 = tpu.memref_slice %arg2[%mul3A_27, %dma_start3A_129] : memref<125000x128xf32, #tpu.memory_space<hbm>> -> memref<1000x16xf32, #tpu.memory_space<hbm>>
      tpu.enqueue_dma source(%dma_start3A_130 : memref<1000x16xf32, #tpu.memory_space<hbm>>) target(%dma_start3A_128 : memref<1000x16xf32, #tpu.memory_space<vmem>>) target_semaphore(%arg5 : memref<!tpu.dma_semaphore, #tpu.memory_space<semaphore_mem>>)
      %dma_wait3A = arith.constant 0 : i32
      %dma_wait3A_131 = arith.constant 0 : i32
      %dma_wait3A_132 = arith.constant 0 : i32
      %dma_wait3A_133 = tpu.memref_slice %arg4[%dma_wait3A, %dma_wait3A_131, %dma_wait3A_132] : memref<8x1000x16xf32, #tpu.memory_space<vmem>> -> memref<1x1000x16xf32, #tpu.memory_space<vmem>>
      %dma_wait3A_134 = tpu.memref_squeeze %dma_wait3A_133 : memref<1x1000x16xf32, #tpu.memory_space<vmem>> -> memref<1000x16xf32, #tpu.memory_space<vmem>>
      %dma_wait3A_135 = arith.constant 0 : i32
      %dma_wait3A_136 = arith.constant 0 : i32
      %dma_wait3A_137 = tpu.memref_slice %arg2[%dma_wait3A_135, %dma_wait3A_136] : memref<125000x128xf32, #tpu.memory_space<hbm>> -> memref<1000x16xf32, #tpu.memory_space<hbm>>
      %dma_wait3A_138 = arith.constant 0 : i32
      %dma_wait3A_139 = arith.constant 0 : i32
      %dma_wait3A_140 = tpu.memref_slice %arg4[%dma_wait3A, %dma_wait3A_138, %dma_wait3A_139] : memref<8x1000x16xf32, #tpu.memory_space<vmem>> -> memref<1x1000x16xf32, #tpu.memory_space<vmem>>
      %dma_wait3A_141 = tpu.memref_squeeze %dma_wait3A_140 : memref<1x1000x16xf32, #tpu.memory_space<vmem>> -> memref<1000x16xf32, #tpu.memory_space<vmem>>
      %dma_wait3A_142 = arith.constant 0 : i32
      %dma_wait3A_143 = arith.constant 0 : i32
      %dma_wait3A_144 = tpu.memref_slice %arg2[%dma_wait3A_142, %dma_wait3A_143] : memref<125000x128xf32, #tpu.memory_space<hbm>> -> memref<1000x16xf32, #tpu.memory_space<hbm>>
      tpu.wait_dma2 semaphore(%arg5 : memref<!tpu.dma_semaphore, #tpu.memory_space<semaphore_mem>>) src(%dma_wait3A_144 : memref<1000x16xf32, #tpu.memory_space<hbm>>) dst(%dma_wait3A_141 : memref<1000x16xf32, #tpu.memory_space<vmem>>)
      %dma_wait3A_145 = arith.constant 1 : i32
      %dma_wait3A_146 = arith.constant 0 : i32
      %dma_wait3A_147 = arith.constant 0 : i32
      %dma_wait3A_148 = tpu.memref_slice %arg4[%dma_wait3A_145, %dma_wait3A_146, %dma_wait3A_147] : memref<8x1000x16xf32, #tpu.memory_space<vmem>> -> memref<1x1000x16xf32, #tpu.memory_space<vmem>>
      %dma_wait3A_149 = tpu.memref_squeeze %dma_wait3A_148 : memref<1x1000x16xf32, #tpu.memory_space<vmem>> -> memref<1000x16xf32, #tpu.memory_space<vmem>>
      %dma_wait3A_150 = arith.constant 0 : i32
      %dma_wait3A_151 = arith.constant 0 : i32
      %dma_wait3A_152 = tpu.memref_slice %arg2[%dma_wait3A_150, %dma_wait3A_151] : memref<125000x128xf32, #tpu.memory_space<hbm>> -> memref<1000x16xf32, #tpu.memory_space<hbm>>
      %dma_wait3A_153 = arith.constant 0 : i32
      %dma_wait3A_154 = arith.constant 0 : i32
      %dma_wait3A_155 = tpu.memref_slice %arg4[%dma_wait3A_145, %dma_wait3A_153, %dma_wait3A_154] : memref<8x1000x16xf32, #tpu.memory_space<vmem>> -> memref<1x1000x16xf32, #tpu.memory_space<vmem>>
      %dma_wait3A_156 = tpu.memref_squeeze %dma_wait3A_155 : memref<1x1000x16xf32, #tpu.memory_space<vmem>> -> memref<1000x16xf32, #tpu.memory_space<vmem>>
      %dma_wait3A_157 = arith.constant 0 : i32
      %dma_wait3A_158 = arith.constant 0 : i32
      %dma_wait3A_159 = tpu.memref_slice %arg2[%dma_wait3A_157, %dma_wait3A_158] : memref<125000x128xf32, #tpu.memory_space<hbm>> -> memref<1000x16xf32, #tpu.memory_space<hbm>>
      tpu.wait_dma2 semaphore(%arg5 : memref<!tpu.dma_semaphore, #tpu.memory_space<semaphore_mem>>) src(%dma_wait3A_159 : memref<1000x16xf32, #tpu.memory_space<hbm>>) dst(%dma_wait3A_156 : memref<1000x16xf32, #tpu.memory_space<vmem>>)
      %dma_wait3A_160 = arith.constant 2 : i32
      %dma_wait3A_161 = arith.constant 0 : i32
      %dma_wait3A_162 = arith.constant 0 : i32
      %dma_wait3A_163 = tpu.memref_slice %arg4[%dma_wait3A_160, %dma_wait3A_161, %dma_wait3A_162] : memref<8x1000x16xf32, #tpu.memory_space<vmem>> -> memref<1x1000x16xf32, #tpu.memory_space<vmem>>
      %dma_wait3A_164 = tpu.memref_squeeze %dma_wait3A_163 : memref<1x1000x16xf32, #tpu.memory_space<vmem>> -> memref<1000x16xf32, #tpu.memory_space<vmem>>
      %dma_wait3A_165 = arith.constant 0 : i32
      %dma_wait3A_166 = arith.constant 0 : i32
      %dma_wait3A_167 = tpu.memref_slice %arg2[%dma_wait3A_165, %dma_wait3A_166] : memref<125000x128xf32, #tpu.memory_space<hbm>> -> memref<1000x16xf32, #tpu.memory_space<hbm>>
      %dma_wait3A_168 = arith.constant 0 : i32
      %dma_wait3A_169 = arith.constant 0 : i32
      %dma_wait3A_170 = tpu.memref_slice %arg4[%dma_wait3A_160, %dma_wait3A_168, %dma_wait3A_169] : memref<8x1000x16xf32, #tpu.memory_space<vmem>> -> memref<1x1000x16xf32, #tpu.memory_space<vmem>>
      %dma_wait3A_171 = tpu.memref_squeeze %dma_wait3A_170 : memref<1x1000x16xf32, #tpu.memory_space<vmem>> -> memref<1000x16xf32, #tpu.memory_space<vmem>>
      %dma_wait3A_172 = arith.constant 0 : i32
      %dma_wait3A_173 = arith.constant 0 : i32
      %dma_wait3A_174 = tpu.memref_slice %arg2[%dma_wait3A_172, %dma_wait3A_173] : memref<125000x128xf32, #tpu.memory_space<hbm>> -> memref<1000x16xf32, #tpu.memory_space<hbm>>
      tpu.wait_dma2 semaphore(%arg5 : memref<!tpu.dma_semaphore, #tpu.memory_space<semaphore_mem>>) src(%dma_wait3A_174 : memref<1000x16xf32, #tpu.memory_space<hbm>>) dst(%dma_wait3A_171 : memref<1000x16xf32, #tpu.memory_space<vmem>>)
      %dma_wait3A_175 = arith.constant 3 : i32
      %dma_wait3A_176 = arith.constant 0 : i32
      %dma_wait3A_177 = arith.constant 0 : i32
      %dma_wait3A_178 = tpu.memref_slice %arg4[%dma_wait3A_175, %dma_wait3A_176, %dma_wait3A_177] : memref<8x1000x16xf32, #tpu.memory_space<vmem>> -> memref<1x1000x16xf32, #tpu.memory_space<vmem>>
      %dma_wait3A_179 = tpu.memref_squeeze %dma_wait3A_178 : memref<1x1000x16xf32, #tpu.memory_space<vmem>> -> memref<1000x16xf32, #tpu.memory_space<vmem>>
      %dma_wait3A_180 = arith.constant 0 : i32
      %dma_wait3A_181 = arith.constant 0 : i32
      %dma_wait3A_182 = tpu.memref_slice %arg2[%dma_wait3A_180, %dma_wait3A_181] : memref<125000x128xf32, #tpu.memory_space<hbm>> -> memref<1000x16xf32, #tpu.memory_space<hbm>>
      %dma_wait3A_183 = arith.constant 0 : i32
      %dma_wait3A_184 = arith.constant 0 : i32
      %dma_wait3A_185 = tpu.memref_slice %arg4[%dma_wait3A_175, %dma_wait3A_183, %dma_wait3A_184] : memref<8x1000x16xf32, #tpu.memory_space<vmem>> -> memref<1x1000x16xf32, #tpu.memory_space<vmem>>
      %dma_wait3A_186 = tpu.memref_squeeze %dma_wait3A_185 : memref<1x1000x16xf32, #tpu.memory_space<vmem>> -> memref<1000x16xf32, #tpu.memory_space<vmem>>
      %dma_wait3A_187 = arith.constant 0 : i32
      %dma_wait3A_188 = arith.constant 0 : i32
      %dma_wait3A_189 = tpu.memref_slice %arg2[%dma_wait3A_187, %dma_wait3A_188] : memref<125000x128xf32, #tpu.memory_space<hbm>> -> memref<1000x16xf32, #tpu.memory_space<hbm>>
      tpu.wait_dma2 semaphore(%arg5 : memref<!tpu.dma_semaphore, #tpu.memory_space<semaphore_mem>>) src(%dma_wait3A_189 : memref<1000x16xf32, #tpu.memory_space<hbm>>) dst(%dma_wait3A_186 : memref<1000x16xf32, #tpu.memory_space<vmem>>)
      %dma_wait3A_190 = arith.constant 4 : i32
      %dma_wait3A_191 = arith.constant 0 : i32
      %dma_wait3A_192 = arith.constant 0 : i32
      %dma_wait3A_193 = tpu.memref_slice %arg4[%dma_wait3A_190, %dma_wait3A_191, %dma_wait3A_192] : memref<8x1000x16xf32, #tpu.memory_space<vmem>> -> memref<1x1000x16xf32, #tpu.memory_space<vmem>>
      %dma_wait3A_194 = tpu.memref_squeeze %dma_wait3A_193 : memref<1x1000x16xf32, #tpu.memory_space<vmem>> -> memref<1000x16xf32, #tpu.memory_space<vmem>>
      %dma_wait3A_195 = arith.constant 0 : i32
      %dma_wait3A_196 = arith.constant 0 : i32
      %dma_wait3A_197 = tpu.memref_slice %arg2[%dma_wait3A_195, %dma_wait3A_196] : memref<125000x128xf32, #tpu.memory_space<hbm>> -> memref<1000x16xf32, #tpu.memory_space<hbm>>
      %dma_wait3A_198 = arith.constant 0 : i32
      %dma_wait3A_199 = arith.constant 0 : i32
      %dma_wait3A_200 = tpu.memref_slice %arg4[%dma_wait3A_190, %dma_wait3A_198, %dma_wait3A_199] : memref<8x1000x16xf32, #tpu.memory_space<vmem>> -> memref<1x1000x16xf32, #tpu.memory_space<vmem>>
      %dma_wait3A_201 = tpu.memref_squeeze %dma_wait3A_200 : memref<1x1000x16xf32, #tpu.memory_space<vmem>> -> memref<1000x16xf32, #tpu.memory_space<vmem>>
      %dma_wait3A_202 = arith.constant 0 : i32
      %dma_wait3A_203 = arith.constant 0 : i32
      %dma_wait3A_204 = tpu.memref_slice %arg2[%dma_wait3A_202, %dma_wait3A_203] : memref<125000x128xf32, #tpu.memory_space<hbm>> -> memref<1000x16xf32, #tpu.memory_space<hbm>>
      tpu.wait_dma2 semaphore(%arg5 : memref<!tpu.dma_semaphore, #tpu.memory_space<semaphore_mem>>) src(%dma_wait3A_204 : memref<1000x16xf32, #tpu.memory_space<hbm>>) dst(%dma_wait3A_201 : memref<1000x16xf32, #tpu.memory_space<vmem>>)
      %dma_wait3A_205 = arith.constant 5 : i32
      %dma_wait3A_206 = arith.constant 0 : i32
      %dma_wait3A_207 = arith.constant 0 : i32
      %dma_wait3A_208 = tpu.memref_slice %arg4[%dma_wait3A_205, %dma_wait3A_206, %dma_wait3A_207] : memref<8x1000x16xf32, #tpu.memory_space<vmem>> -> memref<1x1000x16xf32, #tpu.memory_space<vmem>>
      %dma_wait3A_209 = tpu.memref_squeeze %dma_wait3A_208 : memref<1x1000x16xf32, #tpu.memory_space<vmem>> -> memref<1000x16xf32, #tpu.memory_space<vmem>>
      %dma_wait3A_210 = arith.constant 0 : i32
      %dma_wait3A_211 = arith.constant 0 : i32
      %dma_wait3A_212 = tpu.memref_slice %arg2[%dma_wait3A_210, %dma_wait3A_211] : memref<125000x128xf32, #tpu.memory_space<hbm>> -> memref<1000x16xf32, #tpu.memory_space<hbm>>
      %dma_wait3A_213 = arith.constant 0 : i32
      %dma_wait3A_214 = arith.constant 0 : i32
      %dma_wait3A_215 = tpu.memref_slice %arg4[%dma_wait3A_205, %dma_wait3A_213, %dma_wait3A_214] : memref<8x1000x16xf32, #tpu.memory_space<vmem>> -> memref<1x1000x16xf32, #tpu.memory_space<vmem>>
      %dma_wait3A_216 = tpu.memref_squeeze %dma_wait3A_215 : memref<1x1000x16xf32, #tpu.memory_space<vmem>> -> memref<1000x16xf32, #tpu.memory_space<vmem>>
      %dma_wait3A_217 = arith.constant 0 : i32
      %dma_wait3A_218 = arith.constant 0 : i32
      %dma_wait3A_219 = tpu.memref_slice %arg2[%dma_wait3A_217, %dma_wait3A_218] : memref<125000x128xf32, #tpu.memory_space<hbm>> -> memref<1000x16xf32, #tpu.memory_space<hbm>>
      tpu.wait_dma2 semaphore(%arg5 : memref<!tpu.dma_semaphore, #tpu.memory_space<semaphore_mem>>) src(%dma_wait3A_219 : memref<1000x16xf32, #tpu.memory_space<hbm>>) dst(%dma_wait3A_216 : memref<1000x16xf32, #tpu.memory_space<vmem>>)
      %dma_wait3A_220 = arith.constant 6 : i32
      %dma_wait3A_221 = arith.constant 0 : i32
      %dma_wait3A_222 = arith.constant 0 : i32
      %dma_wait3A_223 = tpu.memref_slice %arg4[%dma_wait3A_220, %dma_wait3A_221, %dma_wait3A_222] : memref<8x1000x16xf32, #tpu.memory_space<vmem>> -> memref<1x1000x16xf32, #tpu.memory_space<vmem>>
      %dma_wait3A_224 = tpu.memref_squeeze %dma_wait3A_223 : memref<1x1000x16xf32, #tpu.memory_space<vmem>> -> memref<1000x16xf32, #tpu.memory_space<vmem>>
      %dma_wait3A_225 = arith.constant 0 : i32
      %dma_wait3A_226 = arith.constant 0 : i32
      %dma_wait3A_227 = tpu.memref_slice %arg2[%dma_wait3A_225, %dma_wait3A_226] : memref<125000x128xf32, #tpu.memory_space<hbm>> -> memref<1000x16xf32, #tpu.memory_space<hbm>>
      %dma_wait3A_228 = arith.constant 0 : i32
      %dma_wait3A_229 = arith.constant 0 : i32
      %dma_wait3A_230 = tpu.memref_slice %arg4[%dma_wait3A_220, %dma_wait3A_228, %dma_wait3A_229] : memref<8x1000x16xf32, #tpu.memory_space<vmem>> -> memref<1x1000x16xf32, #tpu.memory_space<vmem>>
      %dma_wait3A_231 = tpu.memref_squeeze %dma_wait3A_230 : memref<1x1000x16xf32, #tpu.memory_space<vmem>> -> memref<1000x16xf32, #tpu.memory_space<vmem>>
      %dma_wait3A_232 = arith.constant 0 : i32
      %dma_wait3A_233 = arith.constant 0 : i32
      %dma_wait3A_234 = tpu.memref_slice %arg2[%dma_wait3A_232, %dma_wait3A_233] : memref<125000x128xf32, #tpu.memory_space<hbm>> -> memref<1000x16xf32, #tpu.memory_space<hbm>>
      tpu.wait_dma2 semaphore(%arg5 : memref<!tpu.dma_semaphore, #tpu.memory_space<semaphore_mem>>) src(%dma_wait3A_234 : memref<1000x16xf32, #tpu.memory_space<hbm>>) dst(%dma_wait3A_231 : memref<1000x16xf32, #tpu.memory_space<vmem>>)
      %dma_wait3A_235 = arith.constant 7 : i32
      %dma_wait3A_236 = arith.constant 0 : i32
      %dma_wait3A_237 = arith.constant 0 : i32
      %dma_wait3A_238 = tpu.memref_slice %arg4[%dma_wait3A_235, %dma_wait3A_236, %dma_wait3A_237] : memref<8x1000x16xf32, #tpu.memory_space<vmem>> -> memref<1x1000x16xf32, #tpu.memory_space<vmem>>
      %dma_wait3A_239 = tpu.memref_squeeze %dma_wait3A_238 : memref<1x1000x16xf32, #tpu.memory_space<vmem>> -> memref<1000x16xf32, #tpu.memory_space<vmem>>
      %dma_wait3A_240 = arith.constant 0 : i32
      %dma_wait3A_241 = arith.constant 0 : i32
      %dma_wait3A_242 = tpu.memref_slice %arg2[%dma_wait3A_240, %dma_wait3A_241] : memref<125000x128xf32, #tpu.memory_space<hbm>> -> memref<1000x16xf32, #tpu.memory_space<hbm>>
      %dma_wait3A_243 = arith.constant 0 : i32
      %dma_wait3A_244 = arith.constant 0 : i32
      %dma_wait3A_245 = tpu.memref_slice %arg4[%dma_wait3A_235, %dma_wait3A_243, %dma_wait3A_244] : memref<8x1000x16xf32, #tpu.memory_space<vmem>> -> memref<1x1000x16xf32, #tpu.memory_space<vmem>>
      %dma_wait3A_246 = tpu.memref_squeeze %dma_wait3A_245 : memref<1x1000x16xf32, #tpu.memory_space<vmem>> -> memref<1000x16xf32, #tpu.memory_space<vmem>>
      %dma_wait3A_247 = arith.constant 0 : i32
      %dma_wait3A_248 = arith.constant 0 : i32
      %dma_wait3A_249 = tpu.memref_slice %arg2[%dma_wait3A_247, %dma_wait3A_248] : memref<125000x128xf32, #tpu.memory_space<hbm>> -> memref<1000x16xf32, #tpu.memory_space<hbm>>
      tpu.wait_dma2 semaphore(%arg5 : memref<!tpu.dma_semaphore, #tpu.memory_space<semaphore_mem>>) src(%dma_wait3A_249 : memref<1000x16xf32, #tpu.memory_space<hbm>>) dst(%dma_wait3A_246 : memref<1000x16xf32, #tpu.memory_space<vmem>>)
      %add3A_250 = arith.constant 0 : i32
      %add3A_251 = arith.addi %add3A_250, %mul3A_27 : i32
      %dma_start3A_252 = arith.constant 0 : i32
      %dma_start3A_253 = arith.constant 0 : i32
      %dma_start3A_254 = arith.constant 0 : i32
      %dma_start3A_255 = tpu.memref_slice %arg4[%dma_start3A_252, %dma_start3A_253, %dma_start3A_254] : memref<8x1000x16xf32, #tpu.memory_space<vmem>> -> memref<1x1000x16xf32, #tpu.memory_space<vmem>>
      %dma_start3A_256 = tpu.memref_squeeze %dma_start3A_255 : memref<1x1000x16xf32, #tpu.memory_space<vmem>> -> memref<1000x16xf32, #tpu.memory_space<vmem>>
      %dma_start3A_257 = arith.constant 0 : i32
      %dma_start3A_258 = tpu.memref_slice %arg3[%add3A_251, %dma_start3A_257] : memref<1000000x16xf32, #tpu.memory_space<hbm>> -> memref<1000x16xf32, #tpu.memory_space<hbm>>
      %dma_start3A_259 = arith.constant 0 : i32
      %dma_start3A_260 = tpu.memref_slice %arg3[%add3A_251, %dma_start3A_259] : memref<1000000x16xf32, #tpu.memory_space<hbm>> -> memref<1000x16xf32, #tpu.memory_space<hbm>>
      %dma_start3A_261 = arith.constant 0 : i32
      %dma_start3A_262 = arith.constant 0 : i32
      %dma_start3A_263 = tpu.memref_slice %arg4[%dma_start3A_252, %dma_start3A_261, %dma_start3A_262] : memref<8x1000x16xf32, #tpu.memory_space<vmem>> -> memref<1x1000x16xf32, #tpu.memory_space<vmem>>
      %dma_start3A_264 = tpu.memref_squeeze %dma_start3A_263 : memref<1x1000x16xf32, #tpu.memory_space<vmem>> -> memref<1000x16xf32, #tpu.memory_space<vmem>>
      tpu.enqueue_dma source(%dma_start3A_264 : memref<1000x16xf32, #tpu.memory_space<vmem>>) target(%dma_start3A_260 : memref<1000x16xf32, #tpu.memory_space<hbm>>) target_semaphore(%arg5 : memref<!tpu.dma_semaphore, #tpu.memory_space<semaphore_mem>>)
      %add3A_265 = arith.constant 125000 : i32
      %add3A_266 = arith.addi %add3A_265, %mul3A_27 : i32
      %dma_start3A_267 = arith.constant 1 : i32
      %dma_start3A_268 = arith.constant 0 : i32
      %dma_start3A_269 = arith.constant 0 : i32
      %dma_start3A_270 = tpu.memref_slice %arg4[%dma_start3A_267, %dma_start3A_268, %dma_start3A_269] : memref<8x1000x16xf32, #tpu.memory_space<vmem>> -> memref<1x1000x16xf32, #tpu.memory_space<vmem>>
      %dma_start3A_271 = tpu.memref_squeeze %dma_start3A_270 : memref<1x1000x16xf32, #tpu.memory_space<vmem>> -> memref<1000x16xf32, #tpu.memory_space<vmem>>
      %dma_start3A_272 = arith.constant 0 : i32
      %dma_start3A_273 = tpu.memref_slice %arg3[%add3A_266, %dma_start3A_272] : memref<1000000x16xf32, #tpu.memory_space<hbm>> -> memref<1000x16xf32, #tpu.memory_space<hbm>>
      %dma_start3A_274 = arith.constant 0 : i32
      %dma_start3A_275 = tpu.memref_slice %arg3[%add3A_266, %dma_start3A_274] : memref<1000000x16xf32, #tpu.memory_space<hbm>> -> memref<1000x16xf32, #tpu.memory_space<hbm>>
      %dma_start3A_276 = arith.constant 0 : i32
      %dma_start3A_277 = arith.constant 0 : i32
      %dma_start3A_278 = tpu.memref_slice %arg4[%dma_start3A_267, %dma_start3A_276, %dma_start3A_277] : memref<8x1000x16xf32, #tpu.memory_space<vmem>> -> memref<1x1000x16xf32, #tpu.memory_space<vmem>>
      %dma_start3A_279 = tpu.memref_squeeze %dma_start3A_278 : memref<1x1000x16xf32, #tpu.memory_space<vmem>> -> memref<1000x16xf32, #tpu.memory_space<vmem>>
      tpu.enqueue_dma source(%dma_start3A_279 : memref<1000x16xf32, #tpu.memory_space<vmem>>) target(%dma_start3A_275 : memref<1000x16xf32, #tpu.memory_space<hbm>>) target_semaphore(%arg5 : memref<!tpu.dma_semaphore, #tpu.memory_space<semaphore_mem>>)
      %add3A_280 = arith.constant 250000 : i32
      %add3A_281 = arith.addi %add3A_280, %mul3A_27 : i32
      %dma_start3A_282 = arith.constant 2 : i32
      %dma_start3A_283 = arith.constant 0 : i32
      %dma_start3A_284 = arith.constant 0 : i32
      %dma_start3A_285 = tpu.memref_slice %arg4[%dma_start3A_282, %dma_start3A_283, %dma_start3A_284] : memref<8x1000x16xf32, #tpu.memory_space<vmem>> -> memref<1x1000x16xf32, #tpu.memory_space<vmem>>
      %dma_start3A_286 = tpu.memref_squeeze %dma_start3A_285 : memref<1x1000x16xf32, #tpu.memory_space<vmem>> -> memref<1000x16xf32, #tpu.memory_space<vmem>>
      %dma_start3A_287 = arith.constant 0 : i32
      %dma_start3A_288 = tpu.memref_slice %arg3[%add3A_281, %dma_start3A_287] : memref<1000000x16xf32, #tpu.memory_space<hbm>> -> memref<1000x16xf32, #tpu.memory_space<hbm>>
      %dma_start3A_289 = arith.constant 0 : i32
      %dma_start3A_290 = tpu.memref_slice %arg3[%add3A_281, %dma_start3A_289] : memref<1000000x16xf32, #tpu.memory_space<hbm>> -> memref<1000x16xf32, #tpu.memory_space<hbm>>
      %dma_start3A_291 = arith.constant 0 : i32
      %dma_start3A_292 = arith.constant 0 : i32
      %dma_start3A_293 = tpu.memref_slice %arg4[%dma_start3A_282, %dma_start3A_291, %dma_start3A_292] : memref<8x1000x16xf32, #tpu.memory_space<vmem>> -> memref<1x1000x16xf32, #tpu.memory_space<vmem>>
      %dma_start3A_294 = tpu.memref_squeeze %dma_start3A_293 : memref<1x1000x16xf32, #tpu.memory_space<vmem>> -> memref<1000x16xf32, #tpu.memory_space<vmem>>
      tpu.enqueue_dma source(%dma_start3A_294 : memref<1000x16xf32, #tpu.memory_space<vmem>>) target(%dma_start3A_290 : memref<1000x16xf32, #tpu.memory_space<hbm>>) target_semaphore(%arg5 : memref<!tpu.dma_semaphore, #tpu.memory_space<semaphore_mem>>)
      %add3A_295 = arith.constant 375000 : i32
      %add3A_296 = arith.addi %add3A_295, %mul3A_27 : i32
      %dma_start3A_297 = arith.constant 3 : i32
      %dma_start3A_298 = arith.constant 0 : i32
      %dma_start3A_299 = arith.constant 0 : i32
      %dma_start3A_300 = tpu.memref_slice %arg4[%dma_start3A_297, %dma_start3A_298, %dma_start3A_299] : memref<8x1000x16xf32, #tpu.memory_space<vmem>> -> memref<1x1000x16xf32, #tpu.memory_space<vmem>>
      %dma_start3A_301 = tpu.memref_squeeze %dma_start3A_300 : memref<1x1000x16xf32, #tpu.memory_space<vmem>> -> memref<1000x16xf32, #tpu.memory_space<vmem>>
      %dma_start3A_302 = arith.constant 0 : i32
      %dma_start3A_303 = tpu.memref_slice %arg3[%add3A_296, %dma_start3A_302] : memref<1000000x16xf32, #tpu.memory_space<hbm>> -> memref<1000x16xf32, #tpu.memory_space<hbm>>
      %dma_start3A_304 = arith.constant 0 : i32
      %dma_start3A_305 = tpu.memref_slice %arg3[%add3A_296, %dma_start3A_304] : memref<1000000x16xf32, #tpu.memory_space<hbm>> -> memref<1000x16xf32, #tpu.memory_space<hbm>>
      %dma_start3A_306 = arith.constant 0 : i32
      %dma_start3A_307 = arith.constant 0 : i32
      %dma_start3A_308 = tpu.memref_slice %arg4[%dma_start3A_297, %dma_start3A_306, %dma_start3A_307] : memref<8x1000x16xf32, #tpu.memory_space<vmem>> -> memref<1x1000x16xf32, #tpu.memory_space<vmem>>
      %dma_start3A_309 = tpu.memref_squeeze %dma_start3A_308 : memref<1x1000x16xf32, #tpu.memory_space<vmem>> -> memref<1000x16xf32, #tpu.memory_space<vmem>>
      tpu.enqueue_dma source(%dma_start3A_309 : memref<1000x16xf32, #tpu.memory_space<vmem>>) target(%dma_start3A_305 : memref<1000x16xf32, #tpu.memory_space<hbm>>) target_semaphore(%arg5 : memref<!tpu.dma_semaphore, #tpu.memory_space<semaphore_mem>>)
      %add3A_310 = arith.constant 500000 : i32
      %add3A_311 = arith.addi %add3A_310, %mul3A_27 : i32
      %dma_start3A_312 = arith.constant 4 : i32
      %dma_start3A_313 = arith.constant 0 : i32
      %dma_start3A_314 = arith.constant 0 : i32
      %dma_start3A_315 = tpu.memref_slice %arg4[%dma_start3A_312, %dma_start3A_313, %dma_start3A_314] : memref<8x1000x16xf32, #tpu.memory_space<vmem>> -> memref<1x1000x16xf32, #tpu.memory_space<vmem>>
      %dma_start3A_316 = tpu.memref_squeeze %dma_start3A_315 : memref<1x1000x16xf32, #tpu.memory_space<vmem>> -> memref<1000x16xf32, #tpu.memory_space<vmem>>
      %dma_start3A_317 = arith.constant 0 : i32
      %dma_start3A_318 = tpu.memref_slice %arg3[%add3A_311, %dma_start3A_317] : memref<1000000x16xf32, #tpu.memory_space<hbm>> -> memref<1000x16xf32, #tpu.memory_space<hbm>>
      %dma_start3A_319 = arith.constant 0 : i32
      %dma_start3A_320 = tpu.memref_slice %arg3[%add3A_311, %dma_start3A_319] : memref<1000000x16xf32, #tpu.memory_space<hbm>> -> memref<1000x16xf32, #tpu.memory_space<hbm>>
      %dma_start3A_321 = arith.constant 0 : i32
      %dma_start3A_322 = arith.constant 0 : i32
      %dma_start3A_323 = tpu.memref_slice %arg4[%dma_start3A_312, %dma_start3A_321, %dma_start3A_322] : memref<8x1000x16xf32, #tpu.memory_space<vmem>> -> memref<1x1000x16xf32, #tpu.memory_space<vmem>>
      %dma_start3A_324 = tpu.memref_squeeze %dma_start3A_323 : memref<1x1000x16xf32, #tpu.memory_space<vmem>> -> memref<1000x16xf32, #tpu.memory_space<vmem>>
      tpu.enqueue_dma source(%dma_start3A_324 : memref<1000x16xf32, #tpu.memory_space<vmem>>) target(%dma_start3A_320 : memref<1000x16xf32, #tpu.memory_space<hbm>>) target_semaphore(%arg5 : memref<!tpu.dma_semaphore, #tpu.memory_space<semaphore_mem>>)
      %add3A_325 = arith.constant 625000 : i32
      %add3A_326 = arith.addi %add3A_325, %mul3A_27 : i32
      %dma_start3A_327 = arith.constant 5 : i32
      %dma_start3A_328 = arith.constant 0 : i32
      %dma_start3A_329 = arith.constant 0 : i32
      %dma_start3A_330 = tpu.memref_slice %arg4[%dma_start3A_327, %dma_start3A_328, %dma_start3A_329] : memref<8x1000x16xf32, #tpu.memory_space<vmem>> -> memref<1x1000x16xf32, #tpu.memory_space<vmem>>
      %dma_start3A_331 = tpu.memref_squeeze %dma_start3A_330 : memref<1x1000x16xf32, #tpu.memory_space<vmem>> -> memref<1000x16xf32, #tpu.memory_space<vmem>>
      %dma_start3A_332 = arith.constant 0 : i32
      %dma_start3A_333 = tpu.memref_slice %arg3[%add3A_326, %dma_start3A_332] : memref<1000000x16xf32, #tpu.memory_space<hbm>> -> memref<1000x16xf32, #tpu.memory_space<hbm>>
      %dma_start3A_334 = arith.constant 0 : i32
      %dma_start3A_335 = tpu.memref_slice %arg3[%add3A_326, %dma_start3A_334] : memref<1000000x16xf32, #tpu.memory_space<hbm>> -> memref<1000x16xf32, #tpu.memory_space<hbm>>
      %dma_start3A_336 = arith.constant 0 : i32
      %dma_start3A_337 = arith.constant 0 : i32
      %dma_start3A_338 = tpu.memref_slice %arg4[%dma_start3A_327, %dma_start3A_336, %dma_start3A_337] : memref<8x1000x16xf32, #tpu.memory_space<vmem>> -> memref<1x1000x16xf32, #tpu.memory_space<vmem>>
      %dma_start3A_339 = tpu.memref_squeeze %dma_start3A_338 : memref<1x1000x16xf32, #tpu.memory_space<vmem>> -> memref<1000x16xf32, #tpu.memory_space<vmem>>
      tpu.enqueue_dma source(%dma_start3A_339 : memref<1000x16xf32, #tpu.memory_space<vmem>>) target(%dma_start3A_335 : memref<1000x16xf32, #tpu.memory_space<hbm>>) target_semaphore(%arg5 : memref<!tpu.dma_semaphore, #tpu.memory_space<semaphore_mem>>)
      %add3A_340 = arith.constant 750000 : i32
      %add3A_341 = arith.addi %add3A_340, %mul3A_27 : i32
      %dma_start3A_342 = arith.constant 6 : i32
      %dma_start3A_343 = arith.constant 0 : i32
      %dma_start3A_344 = arith.constant 0 : i32
      %dma_start3A_345 = tpu.memref_slice %arg4[%dma_start3A_342, %dma_start3A_343, %dma_start3A_344] : memref<8x1000x16xf32, #tpu.memory_space<vmem>> -> memref<1x1000x16xf32, #tpu.memory_space<vmem>>
      %dma_start3A_346 = tpu.memref_squeeze %dma_start3A_345 : memref<1x1000x16xf32, #tpu.memory_space<vmem>> -> memref<1000x16xf32, #tpu.memory_space<vmem>>
      %dma_start3A_347 = arith.constant 0 : i32
      %dma_start3A_348 = tpu.memref_slice %arg3[%add3A_341, %dma_start3A_347] : memref<1000000x16xf32, #tpu.memory_space<hbm>> -> memref<1000x16xf32, #tpu.memory_space<hbm>>
      %dma_start3A_349 = arith.constant 0 : i32
      %dma_start3A_350 = tpu.memref_slice %arg3[%add3A_341, %dma_start3A_349] : memref<1000000x16xf32, #tpu.memory_space<hbm>> -> memref<1000x16xf32, #tpu.memory_space<hbm>>
      %dma_start3A_351 = arith.constant 0 : i32
      %dma_start3A_352 = arith.constant 0 : i32
      %dma_start3A_353 = tpu.memref_slice %arg4[%dma_start3A_342, %dma_start3A_351, %dma_start3A_352] : memref<8x1000x16xf32, #tpu.memory_space<vmem>> -> memref<1x1000x16xf32, #tpu.memory_space<vmem>>
      %dma_start3A_354 = tpu.memref_squeeze %dma_start3A_353 : memref<1x1000x16xf32, #tpu.memory_space<vmem>> -> memref<1000x16xf32, #tpu.memory_space<vmem>>
      tpu.enqueue_dma source(%dma_start3A_354 : memref<1000x16xf32, #tpu.memory_space<vmem>>) target(%dma_start3A_350 : memref<1000x16xf32, #tpu.memory_space<hbm>>) target_semaphore(%arg5 : memref<!tpu.dma_semaphore, #tpu.memory_space<semaphore_mem>>)
      %add3A_355 = arith.constant 875000 : i32
      %add3A_356 = arith.addi %add3A_355, %mul3A_27 : i32
      %dma_start3A_357 = arith.constant 7 : i32
      %dma_start3A_358 = arith.constant 0 : i32
      %dma_start3A_359 = arith.constant 0 : i32
      %dma_start3A_360 = tpu.memref_slice %arg4[%dma_start3A_357, %dma_start3A_358, %dma_start3A_359] : memref<8x1000x16xf32, #tpu.memory_space<vmem>> -> memref<1x1000x16xf32, #tpu.memory_space<vmem>>
      %dma_start3A_361 = tpu.memref_squeeze %dma_start3A_360 : memref<1x1000x16xf32, #tpu.memory_space<vmem>> -> memref<1000x16xf32, #tpu.memory_space<vmem>>
      %dma_start3A_362 = arith.constant 0 : i32
      %dma_start3A_363 = tpu.memref_slice %arg3[%add3A_356, %dma_start3A_362] : memref<1000000x16xf32, #tpu.memory_space<hbm>> -> memref<1000x16xf32, #tpu.memory_space<hbm>>
      %dma_start3A_364 = arith.constant 0 : i32
      %dma_start3A_365 = tpu.memref_slice %arg3[%add3A_356, %dma_start3A_364] : memref<1000000x16xf32, #tpu.memory_space<hbm>> -> memref<1000x16xf32, #tpu.memory_space<hbm>>
      %dma_start3A_366 = arith.constant 0 : i32
      %dma_start3A_367 = arith.constant 0 : i32
      %dma_start3A_368 = tpu.memref_slice %arg4[%dma_start3A_357, %dma_start3A_366, %dma_start3A_367] : memref<8x1000x16xf32, #tpu.memory_space<vmem>> -> memref<1x1000x16xf32, #tpu.memory_space<vmem>>
      %dma_start3A_369 = tpu.memref_squeeze %dma_start3A_368 : memref<1x1000x16xf32, #tpu.memory_space<vmem>> -> memref<1000x16xf32, #tpu.memory_space<vmem>>
      tpu.enqueue_dma source(%dma_start3A_369 : memref<1000x16xf32, #tpu.memory_space<vmem>>) target(%dma_start3A_365 : memref<1000x16xf32, #tpu.memory_space<hbm>>) target_semaphore(%arg5 : memref<!tpu.dma_semaphore, #tpu.memory_space<semaphore_mem>>)
      %dma_wait3A_370 = arith.constant 0 : i32
      %dma_wait3A_371 = arith.constant 0 : i32
      %dma_wait3A_372 = arith.constant 0 : i32
      %dma_wait3A_373 = tpu.memref_slice %arg4[%dma_wait3A_370, %dma_wait3A_371, %dma_wait3A_372] : memref<8x1000x16xf32, #tpu.memory_space<vmem>> -> memref<1x1000x16xf32, #tpu.memory_space<vmem>>
      %dma_wait3A_374 = tpu.memref_squeeze %dma_wait3A_373 : memref<1x1000x16xf32, #tpu.memory_space<vmem>> -> memref<1000x16xf32, #tpu.memory_space<vmem>>
      %dma_wait3A_375 = arith.constant 0 : i32
      %dma_wait3A_376 = arith.constant 0 : i32
      %dma_wait3A_377 = tpu.memref_slice %arg3[%dma_wait3A_375, %dma_wait3A_376] : memref<1000000x16xf32, #tpu.memory_space<hbm>> -> memref<1000x16xf32, #tpu.memory_space<hbm>>
      %dma_wait3A_378 = arith.constant 0 : i32
      %dma_wait3A_379 = arith.constant 0 : i32
      %dma_wait3A_380 = tpu.memref_slice %arg3[%dma_wait3A_378, %dma_wait3A_379] : memref<1000000x16xf32, #tpu.memory_space<hbm>> -> memref<1000x16xf32, #tpu.memory_space<hbm>>
      %dma_wait3A_381 = arith.constant 0 : i32
      %dma_wait3A_382 = arith.constant 0 : i32
      %dma_wait3A_383 = tpu.memref_slice %arg4[%dma_wait3A_370, %dma_wait3A_381, %dma_wait3A_382] : memref<8x1000x16xf32, #tpu.memory_space<vmem>> -> memref<1x1000x16xf32, #tpu.memory_space<vmem>>
      %dma_wait3A_384 = tpu.memref_squeeze %dma_wait3A_383 : memref<1x1000x16xf32, #tpu.memory_space<vmem>> -> memref<1000x16xf32, #tpu.memory_space<vmem>>
      tpu.wait_dma2 semaphore(%arg5 : memref<!tpu.dma_semaphore, #tpu.memory_space<semaphore_mem>>) src(%dma_wait3A_384 : memref<1000x16xf32, #tpu.memory_space<vmem>>) dst(%dma_wait3A_380 : memref<1000x16xf32, #tpu.memory_space<hbm>>)
      %dma_wait3A_385 = arith.constant 1 : i32
      %dma_wait3A_386 = arith.constant 0 : i32
      %dma_wait3A_387 = arith.constant 0 : i32
      %dma_wait3A_388 = tpu.memref_slice %arg4[%dma_wait3A_385, %dma_wait3A_386, %dma_wait3A_387] : memref<8x1000x16xf32, #tpu.memory_space<vmem>> -> memref<1x1000x16xf32, #tpu.memory_space<vmem>>
      %dma_wait3A_389 = tpu.memref_squeeze %dma_wait3A_388 : memref<1x1000x16xf32, #tpu.memory_space<vmem>> -> memref<1000x16xf32, #tpu.memory_space<vmem>>
      %dma_wait3A_390 = arith.constant 0 : i32
      %dma_wait3A_391 = arith.constant 0 : i32
      %dma_wait3A_392 = tpu.memref_slice %arg3[%dma_wait3A_390, %dma_wait3A_391] : memref<1000000x16xf32, #tpu.memory_space<hbm>> -> memref<1000x16xf32, #tpu.memory_space<hbm>>
      %dma_wait3A_393 = arith.constant 0 : i32
      %dma_wait3A_394 = arith.constant 0 : i32
      %dma_wait3A_395 = tpu.memref_slice %arg3[%dma_wait3A_393, %dma_wait3A_394] : memref<1000000x16xf32, #tpu.memory_space<hbm>> -> memref<1000x16xf32, #tpu.memory_space<hbm>>
      %dma_wait3A_396 = arith.constant 0 : i32
      %dma_wait3A_397 = arith.constant 0 : i32
      %dma_wait3A_398 = tpu.memref_slice %arg4[%dma_wait3A_385, %dma_wait3A_396, %dma_wait3A_397] : memref<8x1000x16xf32, #tpu.memory_space<vmem>> -> memref<1x1000x16xf32, #tpu.memory_space<vmem>>
      %dma_wait3A_399 = tpu.memref_squeeze %dma_wait3A_398 : memref<1x1000x16xf32, #tpu.memory_space<vmem>> -> memref<1000x16xf32, #tpu.memory_space<vmem>>
      tpu.wait_dma2 semaphore(%arg5 : memref<!tpu.dma_semaphore, #tpu.memory_space<semaphore_mem>>) src(%dma_wait3A_399 : memref<1000x16xf32, #tpu.memory_space<vmem>>) dst(%dma_wait3A_395 : memref<1000x16xf32, #tpu.memory_space<hbm>>)
      %dma_wait3A_400 = arith.constant 2 : i32
      %dma_wait3A_401 = arith.constant 0 : i32
      %dma_wait3A_402 = arith.constant 0 : i32
      %dma_wait3A_403 = tpu.memref_slice %arg4[%dma_wait3A_400, %dma_wait3A_401, %dma_wait3A_402] : memref<8x1000x16xf32, #tpu.memory_space<vmem>> -> memref<1x1000x16xf32, #tpu.memory_space<vmem>>
      %dma_wait3A_404 = tpu.memref_squeeze %dma_wait3A_403 : memref<1x1000x16xf32, #tpu.memory_space<vmem>> -> memref<1000x16xf32, #tpu.memory_space<vmem>>
      %dma_wait3A_405 = arith.constant 0 : i32
      %dma_wait3A_406 = arith.constant 0 : i32
      %dma_wait3A_407 = tpu.memref_slice %arg3[%dma_wait3A_405, %dma_wait3A_406] : memref<1000000x16xf32, #tpu.memory_space<hbm>> -> memref<1000x16xf32, #tpu.memory_space<hbm>>
      %dma_wait3A_408 = arith.constant 0 : i32
      %dma_wait3A_409 = arith.constant 0 : i32
      %dma_wait3A_410 = tpu.memref_slice %arg3[%dma_wait3A_408, %dma_wait3A_409] : memref<1000000x16xf32, #tpu.memory_space<hbm>> -> memref<1000x16xf32, #tpu.memory_space<hbm>>
      %dma_wait3A_411 = arith.constant 0 : i32
      %dma_wait3A_412 = arith.constant 0 : i32
      %dma_wait3A_413 = tpu.memref_slice %arg4[%dma_wait3A_400, %dma_wait3A_411, %dma_wait3A_412] : memref<8x1000x16xf32, #tpu.memory_space<vmem>> -> memref<1x1000x16xf32, #tpu.memory_space<vmem>>
      %dma_wait3A_414 = tpu.memref_squeeze %dma_wait3A_413 : memref<1x1000x16xf32, #tpu.memory_space<vmem>> -> memref<1000x16xf32, #tpu.memory_space<vmem>>
      tpu.wait_dma2 semaphore(%arg5 : memref<!tpu.dma_semaphore, #tpu.memory_space<semaphore_mem>>) src(%dma_wait3A_414 : memref<1000x16xf32, #tpu.memory_space<vmem>>) dst(%dma_wait3A_410 : memref<1000x16xf32, #tpu.memory_space<hbm>>)
      %dma_wait3A_415 = arith.constant 3 : i32
      %dma_wait3A_416 = arith.constant 0 : i32
      %dma_wait3A_417 = arith.constant 0 : i32
      %dma_wait3A_418 = tpu.memref_slice %arg4[%dma_wait3A_415, %dma_wait3A_416, %dma_wait3A_417] : memref<8x1000x16xf32, #tpu.memory_space<vmem>> -> memref<1x1000x16xf32, #tpu.memory_space<vmem>>
      %dma_wait3A_419 = tpu.memref_squeeze %dma_wait3A_418 : memref<1x1000x16xf32, #tpu.memory_space<vmem>> -> memref<1000x16xf32, #tpu.memory_space<vmem>>
      %dma_wait3A_420 = arith.constant 0 : i32
      %dma_wait3A_421 = arith.constant 0 : i32
      %dma_wait3A_422 = tpu.memref_slice %arg3[%dma_wait3A_420, %dma_wait3A_421] : memref<1000000x16xf32, #tpu.memory_space<hbm>> -> memref<1000x16xf32, #tpu.memory_space<hbm>>
      %dma_wait3A_423 = arith.constant 0 : i32
      %dma_wait3A_424 = arith.constant 0 : i32
      %dma_wait3A_425 = tpu.memref_slice %arg3[%dma_wait3A_423, %dma_wait3A_424] : memref<1000000x16xf32, #tpu.memory_space<hbm>> -> memref<1000x16xf32, #tpu.memory_space<hbm>>
      %dma_wait3A_426 = arith.constant 0 : i32
      %dma_wait3A_427 = arith.constant 0 : i32
      %dma_wait3A_428 = tpu.memref_slice %arg4[%dma_wait3A_415, %dma_wait3A_426, %dma_wait3A_427] : memref<8x1000x16xf32, #tpu.memory_space<vmem>> -> memref<1x1000x16xf32, #tpu.memory_space<vmem>>
      %dma_wait3A_429 = tpu.memref_squeeze %dma_wait3A_428 : memref<1x1000x16xf32, #tpu.memory_space<vmem>> -> memref<1000x16xf32, #tpu.memory_space<vmem>>
      tpu.wait_dma2 semaphore(%arg5 : memref<!tpu.dma_semaphore, #tpu.memory_space<semaphore_mem>>) src(%dma_wait3A_429 : memref<1000x16xf32, #tpu.memory_space<vmem>>) dst(%dma_wait3A_425 : memref<1000x16xf32, #tpu.memory_space<hbm>>)
      %dma_wait3A_430 = arith.constant 4 : i32
      %dma_wait3A_431 = arith.constant 0 : i32
      %dma_wait3A_432 = arith.constant 0 : i32
      %dma_wait3A_433 = tpu.memref_slice %arg4[%dma_wait3A_430, %dma_wait3A_431, %dma_wait3A_432] : memref<8x1000x16xf32, #tpu.memory_space<vmem>> -> memref<1x1000x16xf32, #tpu.memory_space<vmem>>
      %dma_wait3A_434 = tpu.memref_squeeze %dma_wait3A_433 : memref<1x1000x16xf32, #tpu.memory_space<vmem>> -> memref<1000x16xf32, #tpu.memory_space<vmem>>
      %dma_wait3A_435 = arith.constant 0 : i32
      %dma_wait3A_436 = arith.constant 0 : i32
      %dma_wait3A_437 = tpu.memref_slice %arg3[%dma_wait3A_435, %dma_wait3A_436] : memref<1000000x16xf32, #tpu.memory_space<hbm>> -> memref<1000x16xf32, #tpu.memory_space<hbm>>
      %dma_wait3A_438 = arith.constant 0 : i32
      %dma_wait3A_439 = arith.constant 0 : i32
      %dma_wait3A_440 = tpu.memref_slice %arg3[%dma_wait3A_438, %dma_wait3A_439] : memref<1000000x16xf32, #tpu.memory_space<hbm>> -> memref<1000x16xf32, #tpu.memory_space<hbm>>
      %dma_wait3A_441 = arith.constant 0 : i32
      %dma_wait3A_442 = arith.constant 0 : i32
      %dma_wait3A_443 = tpu.memref_slice %arg4[%dma_wait3A_430, %dma_wait3A_441, %dma_wait3A_442] : memref<8x1000x16xf32, #tpu.memory_space<vmem>> -> memref<1x1000x16xf32, #tpu.memory_space<vmem>>
      %dma_wait3A_444 = tpu.memref_squeeze %dma_wait3A_443 : memref<1x1000x16xf32, #tpu.memory_space<vmem>> -> memref<1000x16xf32, #tpu.memory_space<vmem>>
      tpu.wait_dma2 semaphore(%arg5 : memref<!tpu.dma_semaphore, #tpu.memory_space<semaphore_mem>>) src(%dma_wait3A_444 : memref<1000x16xf32, #tpu.memory_space<vmem>>) dst(%dma_wait3A_440 : memref<1000x16xf32, #tpu.memory_space<hbm>>)
      %dma_wait3A_445 = arith.constant 5 : i32
      %dma_wait3A_446 = arith.constant 0 : i32
      %dma_wait3A_447 = arith.constant 0 : i32
      %dma_wait3A_448 = tpu.memref_slice %arg4[%dma_wait3A_445, %dma_wait3A_446, %dma_wait3A_447] : memref<8x1000x16xf32, #tpu.memory_space<vmem>> -> memref<1x1000x16xf32, #tpu.memory_space<vmem>>
      %dma_wait3A_449 = tpu.memref_squeeze %dma_wait3A_448 : memref<1x1000x16xf32, #tpu.memory_space<vmem>> -> memref<1000x16xf32, #tpu.memory_space<vmem>>
      %dma_wait3A_450 = arith.constant 0 : i32
      %dma_wait3A_451 = arith.constant 0 : i32
      %dma_wait3A_452 = tpu.memref_slice %arg3[%dma_wait3A_450, %dma_wait3A_451] : memref<1000000x16xf32, #tpu.memory_space<hbm>> -> memref<1000x16xf32, #tpu.memory_space<hbm>>
      %dma_wait3A_453 = arith.constant 0 : i32
      %dma_wait3A_454 = arith.constant 0 : i32
      %dma_wait3A_455 = tpu.memref_slice %arg3[%dma_wait3A_453, %dma_wait3A_454] : memref<1000000x16xf32, #tpu.memory_space<hbm>> -> memref<1000x16xf32, #tpu.memory_space<hbm>>
      %dma_wait3A_456 = arith.constant 0 : i32
      %dma_wait3A_457 = arith.constant 0 : i32
      %dma_wait3A_458 = tpu.memref_slice %arg4[%dma_wait3A_445, %dma_wait3A_456, %dma_wait3A_457] : memref<8x1000x16xf32, #tpu.memory_space<vmem>> -> memref<1x1000x16xf32, #tpu.memory_space<vmem>>
      %dma_wait3A_459 = tpu.memref_squeeze %dma_wait3A_458 : memref<1x1000x16xf32, #tpu.memory_space<vmem>> -> memref<1000x16xf32, #tpu.memory_space<vmem>>
      tpu.wait_dma2 semaphore(%arg5 : memref<!tpu.dma_semaphore, #tpu.memory_space<semaphore_mem>>) src(%dma_wait3A_459 : memref<1000x16xf32, #tpu.memory_space<vmem>>) dst(%dma_wait3A_455 : memref<1000x16xf32, #tpu.memory_space<hbm>>)
      %dma_wait3A_460 = arith.constant 6 : i32
      %dma_wait3A_461 = arith.constant 0 : i32
      %dma_wait3A_462 = arith.constant 0 : i32
      %dma_wait3A_463 = tpu.memref_slice %arg4[%dma_wait3A_460, %dma_wait3A_461, %dma_wait3A_462] : memref<8x1000x16xf32, #tpu.memory_space<vmem>> -> memref<1x1000x16xf32, #tpu.memory_space<vmem>>
      %dma_wait3A_464 = tpu.memref_squeeze %dma_wait3A_463 : memref<1x1000x16xf32, #tpu.memory_space<vmem>> -> memref<1000x16xf32, #tpu.memory_space<vmem>>
      %dma_wait3A_465 = arith.constant 0 : i32
      %dma_wait3A_466 = arith.constant 0 : i32
      %dma_wait3A_467 = tpu.memref_slice %arg3[%dma_wait3A_465, %dma_wait3A_466] : memref<1000000x16xf32, #tpu.memory_space<hbm>> -> memref<1000x16xf32, #tpu.memory_space<hbm>>
      %dma_wait3A_468 = arith.constant 0 : i32
      %dma_wait3A_469 = arith.constant 0 : i32
      %dma_wait3A_470 = tpu.memref_slice %arg3[%dma_wait3A_468, %dma_wait3A_469] : memref<1000000x16xf32, #tpu.memory_space<hbm>> -> memref<1000x16xf32, #tpu.memory_space<hbm>>
      %dma_wait3A_471 = arith.constant 0 : i32
      %dma_wait3A_472 = arith.constant 0 : i32
      %dma_wait3A_473 = tpu.memref_slice %arg4[%dma_wait3A_460, %dma_wait3A_471, %dma_wait3A_472] : memref<8x1000x16xf32, #tpu.memory_space<vmem>> -> memref<1x1000x16xf32, #tpu.memory_space<vmem>>
      %dma_wait3A_474 = tpu.memref_squeeze %dma_wait3A_473 : memref<1x1000x16xf32, #tpu.memory_space<vmem>> -> memref<1000x16xf32, #tpu.memory_space<vmem>>
      tpu.wait_dma2 semaphore(%arg5 : memref<!tpu.dma_semaphore, #tpu.memory_space<semaphore_mem>>) src(%dma_wait3A_474 : memref<1000x16xf32, #tpu.memory_space<vmem>>) dst(%dma_wait3A_470 : memref<1000x16xf32, #tpu.memory_space<hbm>>)
      %dma_wait3A_475 = arith.constant 7 : i32
      %dma_wait3A_476 = arith.constant 0 : i32
      %dma_wait3A_477 = arith.constant 0 : i32
      %dma_wait3A_478 = tpu.memref_slice %arg4[%dma_wait3A_475, %dma_wait3A_476, %dma_wait3A_477] : memref<8x1000x16xf32, #tpu.memory_space<vmem>> -> memref<1x1000x16xf32, #tpu.memory_space<vmem>>
      %dma_wait3A_479 = tpu.memref_squeeze %dma_wait3A_478 : memref<1x1000x16xf32, #tpu.memory_space<vmem>> -> memref<1000x16xf32, #tpu.memory_space<vmem>>
      %dma_wait3A_480 = arith.constant 0 : i32
      %dma_wait3A_481 = arith.constant 0 : i32
      %dma_wait3A_482 = tpu.memref_slice %arg3[%dma_wait3A_480, %dma_wait3A_481] : memref<1000000x16xf32, #tpu.memory_space<hbm>> -> memref<1000x16xf32, #tpu.memory_space<hbm>>
      %dma_wait3A_483 = arith.constant 0 : i32
      %dma_wait3A_484 = arith.constant 0 : i32
      %dma_wait3A_485 = tpu.memref_slice %arg3[%dma_wait3A_483, %dma_wait3A_484] : memref<1000000x16xf32, #tpu.memory_space<hbm>> -> memref<1000x16xf32, #tpu.memory_space<hbm>>
      %dma_wait3A_486 = arith.constant 0 : i32
      %dma_wait3A_487 = arith.constant 0 : i32
      %dma_wait3A_488 = tpu.memref_slice %arg4[%dma_wait3A_475, %dma_wait3A_486, %dma_wait3A_487] : memref<8x1000x16xf32, #tpu.memory_space<vmem>> -> memref<1x1000x16xf32, #tpu.memory_space<vmem>>
      %dma_wait3A_489 = tpu.memref_squeeze %dma_wait3A_488 : memref<1x1000x16xf32, #tpu.memory_space<vmem>> -> memref<1000x16xf32, #tpu.memory_space<vmem>>
      tpu.wait_dma2 semaphore(%arg5 : memref<!tpu.dma_semaphore, #tpu.memory_space<semaphore_mem>>) src(%dma_wait3A_489 : memref<1000x16xf32, #tpu.memory_space<vmem>>) dst(%dma_wait3A_485 : memref<1000x16xf32, #tpu.memory_space<hbm>>)
    } else {
    }
    %add3A_12 = arith.constant 64 : i32
    %add3A_13 = arith.addi %add3A, %add3A_12 : i32
    %lt3A_14 = arith.constant 125 : i32
    %lt3A_15 = arith.cmpi slt, %add3A_13, %lt3A_14 : i32
    %convert_element_type3A_16 = arith.extui %lt3A_15 : i1 to i32
    %cond3A_17 = arith.constant 0 : i32
    %cond3A_18 = arith.cmpi ne, %convert_element_type3A_16, %cond3A_17 : i32
    scf.if %cond3A_18 {
      %mul3A_26 = arith.constant 1000 : i32
      %mul3A_27 = arith.muli %add3A_13, %mul3A_26 : i32
      %dma_start3A = arith.constant 0 : i32
      %dma_start3A_28 = arith.constant 0 : i32
      %dma_start3A_29 = arith.constant 0 : i32
      %dma_start3A_30 = tpu.memref_slice %arg4[%dma_start3A, %dma_start3A_28, %dma_start3A_29] : memref<8x1000x16xf32, #tpu.memory_space<vmem>> -> memref<1x1000x16xf32, #tpu.memory_space<vmem>>
      %dma_start3A_31 = tpu.memref_squeeze %dma_start3A_30 : memref<1x1000x16xf32, #tpu.memory_space<vmem>> -> memref<1000x16xf32, #tpu.memory_space<vmem>>
      %dma_start3A_32 = arith.constant 0 : i32
      %dma_start3A_33 = tpu.memref_slice %arg2[%mul3A_27, %dma_start3A_32] : memref<125000x128xf32, #tpu.memory_space<hbm>> -> memref<1000x16xf32, #tpu.memory_space<hbm>>
      %dma_start3A_34 = arith.constant 0 : i32
      %dma_start3A_35 = arith.constant 0 : i32
      %dma_start3A_36 = tpu.memref_slice %arg4[%dma_start3A, %dma_start3A_34, %dma_start3A_35] : memref<8x1000x16xf32, #tpu.memory_space<vmem>> -> memref<1x1000x16xf32, #tpu.memory_space<vmem>>
      %dma_start3A_37 = tpu.memref_squeeze %dma_start3A_36 : memref<1x1000x16xf32, #tpu.memory_space<vmem>> -> memref<1000x16xf32, #tpu.memory_space<vmem>>
      %dma_start3A_38 = arith.constant 0 : i32
      %dma_start3A_39 = tpu.memref_slice %arg2[%mul3A_27, %dma_start3A_38] : memref<125000x128xf32, #tpu.memory_space<hbm>> -> memref<1000x16xf32, #tpu.memory_space<hbm>>
      tpu.enqueue_dma source(%dma_start3A_39 : memref<1000x16xf32, #tpu.memory_space<hbm>>) target(%dma_start3A_37 : memref<1000x16xf32, #tpu.memory_space<vmem>>) target_semaphore(%arg5 : memref<!tpu.dma_semaphore, #tpu.memory_space<semaphore_mem>>)
      %dma_start3A_40 = arith.constant 1 : i32
      %dma_start3A_41 = arith.constant 0 : i32
      %dma_start3A_42 = arith.constant 0 : i32
      %dma_start3A_43 = tpu.memref_slice %arg4[%dma_start3A_40, %dma_start3A_41, %dma_start3A_42] : memref<8x1000x16xf32, #tpu.memory_space<vmem>> -> memref<1x1000x16xf32, #tpu.memory_space<vmem>>
      %dma_start3A_44 = tpu.memref_squeeze %dma_start3A_43 : memref<1x1000x16xf32, #tpu.memory_space<vmem>> -> memref<1000x16xf32, #tpu.memory_space<vmem>>
      %dma_start3A_45 = arith.constant 16 : i32
      %dma_start3A_46 = tpu.memref_slice %arg2[%mul3A_27, %dma_start3A_45] : memref<125000x128xf32, #tpu.memory_space<hbm>> -> memref<1000x16xf32, #tpu.memory_space<hbm>>
      %dma_start3A_47 = arith.constant 0 : i32
      %dma_start3A_48 = arith.constant 0 : i32
      %dma_start3A_49 = tpu.memref_slice %arg4[%dma_start3A_40, %dma_start3A_47, %dma_start3A_48] : memref<8x1000x16xf32, #tpu.memory_space<vmem>> -> memref<1x1000x16xf32, #tpu.memory_space<vmem>>
      %dma_start3A_50 = tpu.memref_squeeze %dma_start3A_49 : memref<1x1000x16xf32, #tpu.memory_space<vmem>> -> memref<1000x16xf32, #tpu.memory_space<vmem>>
      %dma_start3A_51 = arith.constant 16 : i32
      %dma_start3A_52 = tpu.memref_slice %arg2[%mul3A_27, %dma_start3A_51] : memref<125000x128xf32, #tpu.memory_space<hbm>> -> memref<1000x16xf32, #tpu.memory_space<hbm>>
      tpu.enqueue_dma source(%dma_start3A_52 : memref<1000x16xf32, #tpu.memory_space<hbm>>) target(%dma_start3A_50 : memref<1000x16xf32, #tpu.memory_space<vmem>>) target_semaphore(%arg5 : memref<!tpu.dma_semaphore, #tpu.memory_space<semaphore_mem>>)
      %dma_start3A_53 = arith.constant 2 : i32
      %dma_start3A_54 = arith.constant 0 : i32
      %dma_start3A_55 = arith.constant 0 : i32
      %dma_start3A_56 = tpu.memref_slice %arg4[%dma_start3A_53, %dma_start3A_54, %dma_start3A_55] : memref<8x1000x16xf32, #tpu.memory_space<vmem>> -> memref<1x1000x16xf32, #tpu.memory_space<vmem>>
      %dma_start3A_57 = tpu.memref_squeeze %dma_start3A_56 : memref<1x1000x16xf32, #tpu.memory_space<vmem>> -> memref<1000x16xf32, #tpu.memory_space<vmem>>
      %dma_start3A_58 = arith.constant 32 : i32
      %dma_start3A_59 = tpu.memref_slice %arg2[%mul3A_27, %dma_start3A_58] : memref<125000x128xf32, #tpu.memory_space<hbm>> -> memref<1000x16xf32, #tpu.memory_space<hbm>>
      %dma_start3A_60 = arith.constant 0 : i32
      %dma_start3A_61 = arith.constant 0 : i32
      %dma_start3A_62 = tpu.memref_slice %arg4[%dma_start3A_53, %dma_start3A_60, %dma_start3A_61] : memref<8x1000x16xf32, #tpu.memory_space<vmem>> -> memref<1x1000x16xf32, #tpu.memory_space<vmem>>
      %dma_start3A_63 = tpu.memref_squeeze %dma_start3A_62 : memref<1x1000x16xf32, #tpu.memory_space<vmem>> -> memref<1000x16xf32, #tpu.memory_space<vmem>>
      %dma_start3A_64 = arith.constant 32 : i32
      %dma_start3A_65 = tpu.memref_slice %arg2[%mul3A_27, %dma_start3A_64] : memref<125000x128xf32, #tpu.memory_space<hbm>> -> memref<1000x16xf32, #tpu.memory_space<hbm>>
      tpu.enqueue_dma source(%dma_start3A_65 : memref<1000x16xf32, #tpu.memory_space<hbm>>) target(%dma_start3A_63 : memref<1000x16xf32, #tpu.memory_space<vmem>>) target_semaphore(%arg5 : memref<!tpu.dma_semaphore, #tpu.memory_space<semaphore_mem>>)
      %dma_start3A_66 = arith.constant 3 : i32
      %dma_start3A_67 = arith.constant 0 : i32
      %dma_start3A_68 = arith.constant 0 : i32
      %dma_start3A_69 = tpu.memref_slice %arg4[%dma_start3A_66, %dma_start3A_67, %dma_start3A_68] : memref<8x1000x16xf32, #tpu.memory_space<vmem>> -> memref<1x1000x16xf32, #tpu.memory_space<vmem>>
      %dma_start3A_70 = tpu.memref_squeeze %dma_start3A_69 : memref<1x1000x16xf32, #tpu.memory_space<vmem>> -> memref<1000x16xf32, #tpu.memory_space<vmem>>
      %dma_start3A_71 = arith.constant 48 : i32
      %dma_start3A_72 = tpu.memref_slice %arg2[%mul3A_27, %dma_start3A_71] : memref<125000x128xf32, #tpu.memory_space<hbm>> -> memref<1000x16xf32, #tpu.memory_space<hbm>>
      %dma_start3A_73 = arith.constant 0 : i32
      %dma_start3A_74 = arith.constant 0 : i32
      %dma_start3A_75 = tpu.memref_slice %arg4[%dma_start3A_66, %dma_start3A_73, %dma_start3A_74] : memref<8x1000x16xf32, #tpu.memory_space<vmem>> -> memref<1x1000x16xf32, #tpu.memory_space<vmem>>
      %dma_start3A_76 = tpu.memref_squeeze %dma_start3A_75 : memref<1x1000x16xf32, #tpu.memory_space<vmem>> -> memref<1000x16xf32, #tpu.memory_space<vmem>>
      %dma_start3A_77 = arith.constant 48 : i32
      %dma_start3A_78 = tpu.memref_slice %arg2[%mul3A_27, %dma_start3A_77] : memref<125000x128xf32, #tpu.memory_space<hbm>> -> memref<1000x16xf32, #tpu.memory_space<hbm>>
      tpu.enqueue_dma source(%dma_start3A_78 : memref<1000x16xf32, #tpu.memory_space<hbm>>) target(%dma_start3A_76 : memref<1000x16xf32, #tpu.memory_space<vmem>>) target_semaphore(%arg5 : memref<!tpu.dma_semaphore, #tpu.memory_space<semaphore_mem>>)
      %dma_start3A_79 = arith.constant 4 : i32
      %dma_start3A_80 = arith.constant 0 : i32
      %dma_start3A_81 = arith.constant 0 : i32
      %dma_start3A_82 = tpu.memref_slice %arg4[%dma_start3A_79, %dma_start3A_80, %dma_start3A_81] : memref<8x1000x16xf32, #tpu.memory_space<vmem>> -> memref<1x1000x16xf32, #tpu.memory_space<vmem>>
      %dma_start3A_83 = tpu.memref_squeeze %dma_start3A_82 : memref<1x1000x16xf32, #tpu.memory_space<vmem>> -> memref<1000x16xf32, #tpu.memory_space<vmem>>
      %dma_start3A_84 = arith.constant 64 : i32
      %dma_start3A_85 = tpu.memref_slice %arg2[%mul3A_27, %dma_start3A_84] : memref<125000x128xf32, #tpu.memory_space<hbm>> -> memref<1000x16xf32, #tpu.memory_space<hbm>>
      %dma_start3A_86 = arith.constant 0 : i32
      %dma_start3A_87 = arith.constant 0 : i32
      %dma_start3A_88 = tpu.memref_slice %arg4[%dma_start3A_79, %dma_start3A_86, %dma_start3A_87] : memref<8x1000x16xf32, #tpu.memory_space<vmem>> -> memref<1x1000x16xf32, #tpu.memory_space<vmem>>
      %dma_start3A_89 = tpu.memref_squeeze %dma_start3A_88 : memref<1x1000x16xf32, #tpu.memory_space<vmem>> -> memref<1000x16xf32, #tpu.memory_space<vmem>>
      %dma_start3A_90 = arith.constant 64 : i32
      %dma_start3A_91 = tpu.memref_slice %arg2[%mul3A_27, %dma_start3A_90] : memref<125000x128xf32, #tpu.memory_space<hbm>> -> memref<1000x16xf32, #tpu.memory_space<hbm>>
      tpu.enqueue_dma source(%dma_start3A_91 : memref<1000x16xf32, #tpu.memory_space<hbm>>) target(%dma_start3A_89 : memref<1000x16xf32, #tpu.memory_space<vmem>>) target_semaphore(%arg5 : memref<!tpu.dma_semaphore, #tpu.memory_space<semaphore_mem>>)
      %dma_start3A_92 = arith.constant 5 : i32
      %dma_start3A_93 = arith.constant 0 : i32
      %dma_start3A_94 = arith.constant 0 : i32
      %dma_start3A_95 = tpu.memref_slice %arg4[%dma_start3A_92, %dma_start3A_93, %dma_start3A_94] : memref<8x1000x16xf32, #tpu.memory_space<vmem>> -> memref<1x1000x16xf32, #tpu.memory_space<vmem>>
      %dma_start3A_96 = tpu.memref_squeeze %dma_start3A_95 : memref<1x1000x16xf32, #tpu.memory_space<vmem>> -> memref<1000x16xf32, #tpu.memory_space<vmem>>
      %dma_start3A_97 = arith.constant 80 : i32
      %dma_start3A_98 = tpu.memref_slice %arg2[%mul3A_27, %dma_start3A_97] : memref<125000x128xf32, #tpu.memory_space<hbm>> -> memref<1000x16xf32, #tpu.memory_space<hbm>>
      %dma_start3A_99 = arith.constant 0 : i32
      %dma_start3A_100 = arith.constant 0 : i32
      %dma_start3A_101 = tpu.memref_slice %arg4[%dma_start3A_92, %dma_start3A_99, %dma_start3A_100] : memref<8x1000x16xf32, #tpu.memory_space<vmem>> -> memref<1x1000x16xf32, #tpu.memory_space<vmem>>
      %dma_start3A_102 = tpu.memref_squeeze %dma_start3A_101 : memref<1x1000x16xf32, #tpu.memory_space<vmem>> -> memref<1000x16xf32, #tpu.memory_space<vmem>>
      %dma_start3A_103 = arith.constant 80 : i32
      %dma_start3A_104 = tpu.memref_slice %arg2[%mul3A_27, %dma_start3A_103] : memref<125000x128xf32, #tpu.memory_space<hbm>> -> memref<1000x16xf32, #tpu.memory_space<hbm>>
      tpu.enqueue_dma source(%dma_start3A_104 : memref<1000x16xf32, #tpu.memory_space<hbm>>) target(%dma_start3A_102 : memref<1000x16xf32, #tpu.memory_space<vmem>>) target_semaphore(%arg5 : memref<!tpu.dma_semaphore, #tpu.memory_space<semaphore_mem>>)
      %dma_start3A_105 = arith.constant 6 : i32
      %dma_start3A_106 = arith.constant 0 : i32
      %dma_start3A_107 = arith.constant 0 : i32
      %dma_start3A_108 = tpu.memref_slice %arg4[%dma_start3A_105, %dma_start3A_106, %dma_start3A_107] : memref<8x1000x16xf32, #tpu.memory_space<vmem>> -> memref<1x1000x16xf32, #tpu.memory_space<vmem>>
      %dma_start3A_109 = tpu.memref_squeeze %dma_start3A_108 : memref<1x1000x16xf32, #tpu.memory_space<vmem>> -> memref<1000x16xf32, #tpu.memory_space<vmem>>
      %dma_start3A_110 = arith.constant 96 : i32
      %dma_start3A_111 = tpu.memref_slice %arg2[%mul3A_27, %dma_start3A_110] : memref<125000x128xf32, #tpu.memory_space<hbm>> -> memref<1000x16xf32, #tpu.memory_space<hbm>>
      %dma_start3A_112 = arith.constant 0 : i32
      %dma_start3A_113 = arith.constant 0 : i32
      %dma_start3A_114 = tpu.memref_slice %arg4[%dma_start3A_105, %dma_start3A_112, %dma_start3A_113] : memref<8x1000x16xf32, #tpu.memory_space<vmem>> -> memref<1x1000x16xf32, #tpu.memory_space<vmem>>
      %dma_start3A_115 = tpu.memref_squeeze %dma_start3A_114 : memref<1x1000x16xf32, #tpu.memory_space<vmem>> -> memref<1000x16xf32, #tpu.memory_space<vmem>>
      %dma_start3A_116 = arith.constant 96 : i32
      %dma_start3A_117 = tpu.memref_slice %arg2[%mul3A_27, %dma_start3A_116] : memref<125000x128xf32, #tpu.memory_space<hbm>> -> memref<1000x16xf32, #tpu.memory_space<hbm>>
      tpu.enqueue_dma source(%dma_start3A_117 : memref<1000x16xf32, #tpu.memory_space<hbm>>) target(%dma_start3A_115 : memref<1000x16xf32, #tpu.memory_space<vmem>>) target_semaphore(%arg5 : memref<!tpu.dma_semaphore, #tpu.memory_space<semaphore_mem>>)
      %dma_start3A_118 = arith.constant 7 : i32
      %dma_start3A_119 = arith.constant 0 : i32
      %dma_start3A_120 = arith.constant 0 : i32
      %dma_start3A_121 = tpu.memref_slice %arg4[%dma_start3A_118, %dma_start3A_119, %dma_start3A_120] : memref<8x1000x16xf32, #tpu.memory_space<vmem>> -> memref<1x1000x16xf32, #tpu.memory_space<vmem>>
      %dma_start3A_122 = tpu.memref_squeeze %dma_start3A_121 : memref<1x1000x16xf32, #tpu.memory_space<vmem>> -> memref<1000x16xf32, #tpu.memory_space<vmem>>
      %dma_start3A_123 = arith.constant 112 : i32
      %dma_start3A_124 = tpu.memref_slice %arg2[%mul3A_27, %dma_start3A_123] : memref<125000x128xf32, #tpu.memory_space<hbm>> -> memref<1000x16xf32, #tpu.memory_space<hbm>>
      %dma_start3A_125 = arith.constant 0 : i32
      %dma_start3A_126 = arith.constant 0 : i32
      %dma_start3A_127 = tpu.memref_slice %arg4[%dma_start3A_118, %dma_start3A_125, %dma_start3A_126] : memref<8x1000x16xf32, #tpu.memory_space<vmem>> -> memref<1x1000x16xf32, #tpu.memory_space<vmem>>
      %dma_start3A_128 = tpu.memref_squeeze %dma_start3A_127 : memref<1x1000x16xf32, #tpu.memory_space<vmem>> -> memref<1000x16xf32, #tpu.memory_space<vmem>>
      %dma_start3A_129 = arith.constant 112 : i32
      %dma_start3A_130 = tpu.memref_slice %arg2[%mul3A_27, %dma_start3A_129] : memref<125000x128xf32, #tpu.memory_space<hbm>> -> memref<1000x16xf32, #tpu.memory_space<hbm>>
      tpu.enqueue_dma source(%dma_start3A_130 : memref<1000x16xf32, #tpu.memory_space<hbm>>) target(%dma_start3A_128 : memref<1000x16xf32, #tpu.memory_space<vmem>>) target_semaphore(%arg5 : memref<!tpu.dma_semaphore, #tpu.memory_space<semaphore_mem>>)
      %dma_wait3A = arith.constant 0 : i32
      %dma_wait3A_131 = arith.constant 0 : i32
      %dma_wait3A_132 = arith.constant 0 : i32
      %dma_wait3A_133 = tpu.memref_slice %arg4[%dma_wait3A, %dma_wait3A_131, %dma_wait3A_132] : memref<8x1000x16xf32, #tpu.memory_space<vmem>> -> memref<1x1000x16xf32, #tpu.memory_space<vmem>>
      %dma_wait3A_134 = tpu.memref_squeeze %dma_wait3A_133 : memref<1x1000x16xf32, #tpu.memory_space<vmem>> -> memref<1000x16xf32, #tpu.memory_space<vmem>>
      %dma_wait3A_135 = arith.constant 0 : i32
      %dma_wait3A_136 = arith.constant 0 : i32
      %dma_wait3A_137 = tpu.memref_slice %arg2[%dma_wait3A_135, %dma_wait3A_136] : memref<125000x128xf32, #tpu.memory_space<hbm>> -> memref<1000x16xf32, #tpu.memory_space<hbm>>
      %dma_wait3A_138 = arith.constant 0 : i32
      %dma_wait3A_139 = arith.constant 0 : i32
      %dma_wait3A_140 = tpu.memref_slice %arg4[%dma_wait3A, %dma_wait3A_138, %dma_wait3A_139] : memref<8x1000x16xf32, #tpu.memory_space<vmem>> -> memref<1x1000x16xf32, #tpu.memory_space<vmem>>
      %dma_wait3A_141 = tpu.memref_squeeze %dma_wait3A_140 : memref<1x1000x16xf32, #tpu.memory_space<vmem>> -> memref<1000x16xf32, #tpu.memory_space<vmem>>
      %dma_wait3A_142 = arith.constant 0 : i32
      %dma_wait3A_143 = arith.constant 0 : i32
      %dma_wait3A_144 = tpu.memref_slice %arg2[%dma_wait3A_142, %dma_wait3A_143] : memref<125000x128xf32, #tpu.memory_space<hbm>> -> memref<1000x16xf32, #tpu.memory_space<hbm>>
      tpu.wait_dma2 semaphore(%arg5 : memref<!tpu.dma_semaphore, #tpu.memory_space<semaphore_mem>>) src(%dma_wait3A_144 : memref<1000x16xf32, #tpu.memory_space<hbm>>) dst(%dma_wait3A_141 : memref<1000x16xf32, #tpu.memory_space<vmem>>)
      %dma_wait3A_145 = arith.constant 1 : i32
      %dma_wait3A_146 = arith.constant 0 : i32
      %dma_wait3A_147 = arith.constant 0 : i32
      %dma_wait3A_148 = tpu.memref_slice %arg4[%dma_wait3A_145, %dma_wait3A_146, %dma_wait3A_147] : memref<8x1000x16xf32, #tpu.memory_space<vmem>> -> memref<1x1000x16xf32, #tpu.memory_space<vmem>>
      %dma_wait3A_149 = tpu.memref_squeeze %dma_wait3A_148 : memref<1x1000x16xf32, #tpu.memory_space<vmem>> -> memref<1000x16xf32, #tpu.memory_space<vmem>>
      %dma_wait3A_150 = arith.constant 0 : i32
      %dma_wait3A_151 = arith.constant 0 : i32
      %dma_wait3A_152 = tpu.memref_slice %arg2[%dma_wait3A_150, %dma_wait3A_151] : memref<125000x128xf32, #tpu.memory_space<hbm>> -> memref<1000x16xf32, #tpu.memory_space<hbm>>
      %dma_wait3A_153 = arith.constant 0 : i32
      %dma_wait3A_154 = arith.constant 0 : i32
      %dma_wait3A_155 = tpu.memref_slice %arg4[%dma_wait3A_145, %dma_wait3A_153, %dma_wait3A_154] : memref<8x1000x16xf32, #tpu.memory_space<vmem>> -> memref<1x1000x16xf32, #tpu.memory_space<vmem>>
      %dma_wait3A_156 = tpu.memref_squeeze %dma_wait3A_155 : memref<1x1000x16xf32, #tpu.memory_space<vmem>> -> memref<1000x16xf32, #tpu.memory_space<vmem>>
      %dma_wait3A_157 = arith.constant 0 : i32
      %dma_wait3A_158 = arith.constant 0 : i32
      %dma_wait3A_159 = tpu.memref_slice %arg2[%dma_wait3A_157, %dma_wait3A_158] : memref<125000x128xf32, #tpu.memory_space<hbm>> -> memref<1000x16xf32, #tpu.memory_space<hbm>>
      tpu.wait_dma2 semaphore(%arg5 : memref<!tpu.dma_semaphore, #tpu.memory_space<semaphore_mem>>) src(%dma_wait3A_159 : memref<1000x16xf32, #tpu.memory_space<hbm>>) dst(%dma_wait3A_156 : memref<1000x16xf32, #tpu.memory_space<vmem>>)
      %dma_wait3A_160 = arith.constant 2 : i32
      %dma_wait3A_161 = arith.constant 0 : i32
      %dma_wait3A_162 = arith.constant 0 : i32
      %dma_wait3A_163 = tpu.memref_slice %arg4[%dma_wait3A_160, %dma_wait3A_161, %dma_wait3A_162] : memref<8x1000x16xf32, #tpu.memory_space<vmem>> -> memref<1x1000x16xf32, #tpu.memory_space<vmem>>
      %dma_wait3A_164 = tpu.memref_squeeze %dma_wait3A_163 : memref<1x1000x16xf32, #tpu.memory_space<vmem>> -> memref<1000x16xf32, #tpu.memory_space<vmem>>
      %dma_wait3A_165 = arith.constant 0 : i32
      %dma_wait3A_166 = arith.constant 0 : i32
      %dma_wait3A_167 = tpu.memref_slice %arg2[%dma_wait3A_165, %dma_wait3A_166] : memref<125000x128xf32, #tpu.memory_space<hbm>> -> memref<1000x16xf32, #tpu.memory_space<hbm>>
      %dma_wait3A_168 = arith.constant 0 : i32
      %dma_wait3A_169 = arith.constant 0 : i32
      %dma_wait3A_170 = tpu.memref_slice %arg4[%dma_wait3A_160, %dma_wait3A_168, %dma_wait3A_169] : memref<8x1000x16xf32, #tpu.memory_space<vmem>> -> memref<1x1000x16xf32, #tpu.memory_space<vmem>>
      %dma_wait3A_171 = tpu.memref_squeeze %dma_wait3A_170 : memref<1x1000x16xf32, #tpu.memory_space<vmem>> -> memref<1000x16xf32, #tpu.memory_space<vmem>>
      %dma_wait3A_172 = arith.constant 0 : i32
      %dma_wait3A_173 = arith.constant 0 : i32
      %dma_wait3A_174 = tpu.memref_slice %arg2[%dma_wait3A_172, %dma_wait3A_173] : memref<125000x128xf32, #tpu.memory_space<hbm>> -> memref<1000x16xf32, #tpu.memory_space<hbm>>
      tpu.wait_dma2 semaphore(%arg5 : memref<!tpu.dma_semaphore, #tpu.memory_space<semaphore_mem>>) src(%dma_wait3A_174 : memref<1000x16xf32, #tpu.memory_space<hbm>>) dst(%dma_wait3A_171 : memref<1000x16xf32, #tpu.memory_space<vmem>>)
      %dma_wait3A_175 = arith.constant 3 : i32
      %dma_wait3A_176 = arith.constant 0 : i32
      %dma_wait3A_177 = arith.constant 0 : i32
      %dma_wait3A_178 = tpu.memref_slice %arg4[%dma_wait3A_175, %dma_wait3A_176, %dma_wait3A_177] : memref<8x1000x16xf32, #tpu.memory_space<vmem>> -> memref<1x1000x16xf32, #tpu.memory_space<vmem>>
      %dma_wait3A_179 = tpu.memref_squeeze %dma_wait3A_178 : memref<1x1000x16xf32, #tpu.memory_space<vmem>> -> memref<1000x16xf32, #tpu.memory_space<vmem>>
      %dma_wait3A_180 = arith.constant 0 : i32
      %dma_wait3A_181 = arith.constant 0 : i32
      %dma_wait3A_182 = tpu.memref_slice %arg2[%dma_wait3A_180, %dma_wait3A_181] : memref<125000x128xf32, #tpu.memory_space<hbm>> -> memref<1000x16xf32, #tpu.memory_space<hbm>>
      %dma_wait3A_183 = arith.constant 0 : i32
      %dma_wait3A_184 = arith.constant 0 : i32
      %dma_wait3A_185 = tpu.memref_slice %arg4[%dma_wait3A_175, %dma_wait3A_183, %dma_wait3A_184] : memref<8x1000x16xf32, #tpu.memory_space<vmem>> -> memref<1x1000x16xf32, #tpu.memory_space<vmem>>
      %dma_wait3A_186 = tpu.memref_squeeze %dma_wait3A_185 : memref<1x1000x16xf32, #tpu.memory_space<vmem>> -> memref<1000x16xf32, #tpu.memory_space<vmem>>
      %dma_wait3A_187 = arith.constant 0 : i32
      %dma_wait3A_188 = arith.constant 0 : i32
      %dma_wait3A_189 = tpu.memref_slice %arg2[%dma_wait3A_187, %dma_wait3A_188] : memref<125000x128xf32, #tpu.memory_space<hbm>> -> memref<1000x16xf32, #tpu.memory_space<hbm>>
      tpu.wait_dma2 semaphore(%arg5 : memref<!tpu.dma_semaphore, #tpu.memory_space<semaphore_mem>>) src(%dma_wait3A_189 : memref<1000x16xf32, #tpu.memory_space<hbm>>) dst(%dma_wait3A_186 : memref<1000x16xf32, #tpu.memory_space<vmem>>)
      %dma_wait3A_190 = arith.constant 4 : i32
      %dma_wait3A_191 = arith.constant 0 : i32
      %dma_wait3A_192 = arith.constant 0 : i32
      %dma_wait3A_193 = tpu.memref_slice %arg4[%dma_wait3A_190, %dma_wait3A_191, %dma_wait3A_192] : memref<8x1000x16xf32, #tpu.memory_space<vmem>> -> memref<1x1000x16xf32, #tpu.memory_space<vmem>>
      %dma_wait3A_194 = tpu.memref_squeeze %dma_wait3A_193 : memref<1x1000x16xf32, #tpu.memory_space<vmem>> -> memref<1000x16xf32, #tpu.memory_space<vmem>>
      %dma_wait3A_195 = arith.constant 0 : i32
      %dma_wait3A_196 = arith.constant 0 : i32
      %dma_wait3A_197 = tpu.memref_slice %arg2[%dma_wait3A_195, %dma_wait3A_196] : memref<125000x128xf32, #tpu.memory_space<hbm>> -> memref<1000x16xf32, #tpu.memory_space<hbm>>
      %dma_wait3A_198 = arith.constant 0 : i32
      %dma_wait3A_199 = arith.constant 0 : i32
      %dma_wait3A_200 = tpu.memref_slice %arg4[%dma_wait3A_190, %dma_wait3A_198, %dma_wait3A_199] : memref<8x1000x16xf32, #tpu.memory_space<vmem>> -> memref<1x1000x16xf32, #tpu.memory_space<vmem>>
      %dma_wait3A_201 = tpu.memref_squeeze %dma_wait3A_200 : memref<1x1000x16xf32, #tpu.memory_space<vmem>> -> memref<1000x16xf32, #tpu.memory_space<vmem>>
      %dma_wait3A_202 = arith.constant 0 : i32
      %dma_wait3A_203 = arith.constant 0 : i32
      %dma_wait3A_204 = tpu.memref_slice %arg2[%dma_wait3A_202, %dma_wait3A_203] : memref<125000x128xf32, #tpu.memory_space<hbm>> -> memref<1000x16xf32, #tpu.memory_space<hbm>>
      tpu.wait_dma2 semaphore(%arg5 : memref<!tpu.dma_semaphore, #tpu.memory_space<semaphore_mem>>) src(%dma_wait3A_204 : memref<1000x16xf32, #tpu.memory_space<hbm>>) dst(%dma_wait3A_201 : memref<1000x16xf32, #tpu.memory_space<vmem>>)
      %dma_wait3A_205 = arith.constant 5 : i32
      %dma_wait3A_206 = arith.constant 0 : i32
      %dma_wait3A_207 = arith.constant 0 : i32
      %dma_wait3A_208 = tpu.memref_slice %arg4[%dma_wait3A_205, %dma_wait3A_206, %dma_wait3A_207] : memref<8x1000x16xf32, #tpu.memory_space<vmem>> -> memref<1x1000x16xf32, #tpu.memory_space<vmem>>
      %dma_wait3A_209 = tpu.memref_squeeze %dma_wait3A_208 : memref<1x1000x16xf32, #tpu.memory_space<vmem>> -> memref<1000x16xf32, #tpu.memory_space<vmem>>
      %dma_wait3A_210 = arith.constant 0 : i32
      %dma_wait3A_211 = arith.constant 0 : i32
      %dma_wait3A_212 = tpu.memref_slice %arg2[%dma_wait3A_210, %dma_wait3A_211] : memref<125000x128xf32, #tpu.memory_space<hbm>> -> memref<1000x16xf32, #tpu.memory_space<hbm>>
      %dma_wait3A_213 = arith.constant 0 : i32
      %dma_wait3A_214 = arith.constant 0 : i32
      %dma_wait3A_215 = tpu.memref_slice %arg4[%dma_wait3A_205, %dma_wait3A_213, %dma_wait3A_214] : memref<8x1000x16xf32, #tpu.memory_space<vmem>> -> memref<1x1000x16xf32, #tpu.memory_space<vmem>>
      %dma_wait3A_216 = tpu.memref_squeeze %dma_wait3A_215 : memref<1x1000x16xf32, #tpu.memory_space<vmem>> -> memref<1000x16xf32, #tpu.memory_space<vmem>>
      %dma_wait3A_217 = arith.constant 0 : i32
      %dma_wait3A_218 = arith.constant 0 : i32
      %dma_wait3A_219 = tpu.memref_slice %arg2[%dma_wait3A_217, %dma_wait3A_218] : memref<125000x128xf32, #tpu.memory_space<hbm>> -> memref<1000x16xf32, #tpu.memory_space<hbm>>
      tpu.wait_dma2 semaphore(%arg5 : memref<!tpu.dma_semaphore, #tpu.memory_space<semaphore_mem>>) src(%dma_wait3A_219 : memref<1000x16xf32, #tpu.memory_space<hbm>>) dst(%dma_wait3A_216 : memref<1000x16xf32, #tpu.memory_space<vmem>>)
      %dma_wait3A_220 = arith.constant 6 : i32
      %dma_wait3A_221 = arith.constant 0 : i32
      %dma_wait3A_222 = arith.constant 0 : i32
      %dma_wait3A_223 = tpu.memref_slice %arg4[%dma_wait3A_220, %dma_wait3A_221, %dma_wait3A_222] : memref<8x1000x16xf32, #tpu.memory_space<vmem>> -> memref<1x1000x16xf32, #tpu.memory_space<vmem>>
      %dma_wait3A_224 = tpu.memref_squeeze %dma_wait3A_223 : memref<1x1000x16xf32, #tpu.memory_space<vmem>> -> memref<1000x16xf32, #tpu.memory_space<vmem>>
      %dma_wait3A_225 = arith.constant 0 : i32
      %dma_wait3A_226 = arith.constant 0 : i32
      %dma_wait3A_227 = tpu.memref_slice %arg2[%dma_wait3A_225, %dma_wait3A_226] : memref<125000x128xf32, #tpu.memory_space<hbm>> -> memref<1000x16xf32, #tpu.memory_space<hbm>>
      %dma_wait3A_228 = arith.constant 0 : i32
      %dma_wait3A_229 = arith.constant 0 : i32
      %dma_wait3A_230 = tpu.memref_slice %arg4[%dma_wait3A_220, %dma_wait3A_228, %dma_wait3A_229] : memref<8x1000x16xf32, #tpu.memory_space<vmem>> -> memref<1x1000x16xf32, #tpu.memory_space<vmem>>
      %dma_wait3A_231 = tpu.memref_squeeze %dma_wait3A_230 : memref<1x1000x16xf32, #tpu.memory_space<vmem>> -> memref<1000x16xf32, #tpu.memory_space<vmem>>
      %dma_wait3A_232 = arith.constant 0 : i32
      %dma_wait3A_233 = arith.constant 0 : i32
      %dma_wait3A_234 = tpu.memref_slice %arg2[%dma_wait3A_232, %dma_wait3A_233] : memref<125000x128xf32, #tpu.memory_space<hbm>> -> memref<1000x16xf32, #tpu.memory_space<hbm>>
      tpu.wait_dma2 semaphore(%arg5 : memref<!tpu.dma_semaphore, #tpu.memory_space<semaphore_mem>>) src(%dma_wait3A_234 : memref<1000x16xf32, #tpu.memory_space<hbm>>) dst(%dma_wait3A_231 : memref<1000x16xf32, #tpu.memory_space<vmem>>)
      %dma_wait3A_235 = arith.constant 7 : i32
      %dma_wait3A_236 = arith.constant 0 : i32
      %dma_wait3A_237 = arith.constant 0 : i32
      %dma_wait3A_238 = tpu.memref_slice %arg4[%dma_wait3A_235, %dma_wait3A_236, %dma_wait3A_237] : memref<8x1000x16xf32, #tpu.memory_space<vmem>> -> memref<1x1000x16xf32, #tpu.memory_space<vmem>>
      %dma_wait3A_239 = tpu.memref_squeeze %dma_wait3A_238 : memref<1x1000x16xf32, #tpu.memory_space<vmem>> -> memref<1000x16xf32, #tpu.memory_space<vmem>>
      %dma_wait3A_240 = arith.constant 0 : i32
      %dma_wait3A_241 = arith.constant 0 : i32
      %dma_wait3A_242 = tpu.memref_slice %arg2[%dma_wait3A_240, %dma_wait3A_241] : memref<125000x128xf32, #tpu.memory_space<hbm>> -> memref<1000x16xf32, #tpu.memory_space<hbm>>
      %dma_wait3A_243 = arith.constant 0 : i32
      %dma_wait3A_244 = arith.constant 0 : i32
      %dma_wait3A_245 = tpu.memref_slice %arg4[%dma_wait3A_235, %dma_wait3A_243, %dma_wait3A_244] : memref<8x1000x16xf32, #tpu.memory_space<vmem>> -> memref<1x1000x16xf32, #tpu.memory_space<vmem>>
      %dma_wait3A_246 = tpu.memref_squeeze %dma_wait3A_245 : memref<1x1000x16xf32, #tpu.memory_space<vmem>> -> memref<1000x16xf32, #tpu.memory_space<vmem>>
      %dma_wait3A_247 = arith.constant 0 : i32
      %dma_wait3A_248 = arith.constant 0 : i32
      %dma_wait3A_249 = tpu.memref_slice %arg2[%dma_wait3A_247, %dma_wait3A_248] : memref<125000x128xf32, #tpu.memory_space<hbm>> -> memref<1000x16xf32, #tpu.memory_space<hbm>>
      tpu.wait_dma2 semaphore(%arg5 : memref<!tpu.dma_semaphore, #tpu.memory_space<semaphore_mem>>) src(%dma_wait3A_249 : memref<1000x16xf32, #tpu.memory_space<hbm>>) dst(%dma_wait3A_246 : memref<1000x16xf32, #tpu.memory_space<vmem>>)
      %add3A_250 = arith.constant 0 : i32
      %add3A_251 = arith.addi %add3A_250, %mul3A_27 : i32
      %dma_start3A_252 = arith.constant 0 : i32
      %dma_start3A_253 = arith.constant 0 : i32
      %dma_start3A_254 = arith.constant 0 : i32
      %dma_start3A_255 = tpu.memref_slice %arg4[%dma_start3A_252, %dma_start3A_253, %dma_start3A_254] : memref<8x1000x16xf32, #tpu.memory_space<vmem>> -> memref<1x1000x16xf32, #tpu.memory_space<vmem>>
      %dma_start3A_256 = tpu.memref_squeeze %dma_start3A_255 : memref<1x1000x16xf32, #tpu.memory_space<vmem>> -> memref<1000x16xf32, #tpu.memory_space<vmem>>
      %dma_start3A_257 = arith.constant 0 : i32
      %dma_start3A_258 = tpu.memref_slice %arg3[%add3A_251, %dma_start3A_257] : memref<1000000x16xf32, #tpu.memory_space<hbm>> -> memref<1000x16xf32, #tpu.memory_space<hbm>>
      %dma_start3A_259 = arith.constant 0 : i32
      %dma_start3A_260 = tpu.memref_slice %arg3[%add3A_251, %dma_start3A_259] : memref<1000000x16xf32, #tpu.memory_space<hbm>> -> memref<1000x16xf32, #tpu.memory_space<hbm>>
      %dma_start3A_261 = arith.constant 0 : i32
      %dma_start3A_262 = arith.constant 0 : i32
      %dma_start3A_263 = tpu.memref_slice %arg4[%dma_start3A_252, %dma_start3A_261, %dma_start3A_262] : memref<8x1000x16xf32, #tpu.memory_space<vmem>> -> memref<1x1000x16xf32, #tpu.memory_space<vmem>>
      %dma_start3A_264 = tpu.memref_squeeze %dma_start3A_263 : memref<1x1000x16xf32, #tpu.memory_space<vmem>> -> memref<1000x16xf32, #tpu.memory_space<vmem>>
      tpu.enqueue_dma source(%dma_start3A_264 : memref<1000x16xf32, #tpu.memory_space<vmem>>) target(%dma_start3A_260 : memref<1000x16xf32, #tpu.memory_space<hbm>>) target_semaphore(%arg5 : memref<!tpu.dma_semaphore, #tpu.memory_space<semaphore_mem>>)
      %add3A_265 = arith.constant 125000 : i32
      %add3A_266 = arith.addi %add3A_265, %mul3A_27 : i32
      %dma_start3A_267 = arith.constant 1 : i32
      %dma_start3A_268 = arith.constant 0 : i32
      %dma_start3A_269 = arith.constant 0 : i32
      %dma_start3A_270 = tpu.memref_slice %arg4[%dma_start3A_267, %dma_start3A_268, %dma_start3A_269] : memref<8x1000x16xf32, #tpu.memory_space<vmem>> -> memref<1x1000x16xf32, #tpu.memory_space<vmem>>
      %dma_start3A_271 = tpu.memref_squeeze %dma_start3A_270 : memref<1x1000x16xf32, #tpu.memory_space<vmem>> -> memref<1000x16xf32, #tpu.memory_space<vmem>>
      %dma_start3A_272 = arith.constant 0 : i32
      %dma_start3A_273 = tpu.memref_slice %arg3[%add3A_266, %dma_start3A_272] : memref<1000000x16xf32, #tpu.memory_space<hbm>> -> memref<1000x16xf32, #tpu.memory_space<hbm>>
      %dma_start3A_274 = arith.constant 0 : i32
      %dma_start3A_275 = tpu.memref_slice %arg3[%add3A_266, %dma_start3A_274] : memref<1000000x16xf32, #tpu.memory_space<hbm>> -> memref<1000x16xf32, #tpu.memory_space<hbm>>
      %dma_start3A_276 = arith.constant 0 : i32
      %dma_start3A_277 = arith.constant 0 : i32
      %dma_start3A_278 = tpu.memref_slice %arg4[%dma_start3A_267, %dma_start3A_276, %dma_start3A_277] : memref<8x1000x16xf32, #tpu.memory_space<vmem>> -> memref<1x1000x16xf32, #tpu.memory_space<vmem>>
      %dma_start3A_279 = tpu.memref_squeeze %dma_start3A_278 : memref<1x1000x16xf32, #tpu.memory_space<vmem>> -> memref<1000x16xf32, #tpu.memory_space<vmem>>
      tpu.enqueue_dma source(%dma_start3A_279 : memref<1000x16xf32, #tpu.memory_space<vmem>>) target(%dma_start3A_275 : memref<1000x16xf32, #tpu.memory_space<hbm>>) target_semaphore(%arg5 : memref<!tpu.dma_semaphore, #tpu.memory_space<semaphore_mem>>)
      %add3A_280 = arith.constant 250000 : i32
      %add3A_281 = arith.addi %add3A_280, %mul3A_27 : i32
      %dma_start3A_282 = arith.constant 2 : i32
      %dma_start3A_283 = arith.constant 0 : i32
      %dma_start3A_284 = arith.constant 0 : i32
      %dma_start3A_285 = tpu.memref_slice %arg4[%dma_start3A_282, %dma_start3A_283, %dma_start3A_284] : memref<8x1000x16xf32, #tpu.memory_space<vmem>> -> memref<1x1000x16xf32, #tpu.memory_space<vmem>>
      %dma_start3A_286 = tpu.memref_squeeze %dma_start3A_285 : memref<1x1000x16xf32, #tpu.memory_space<vmem>> -> memref<1000x16xf32, #tpu.memory_space<vmem>>
      %dma_start3A_287 = arith.constant 0 : i32
      %dma_start3A_288 = tpu.memref_slice %arg3[%add3A_281, %dma_start3A_287] : memref<1000000x16xf32, #tpu.memory_space<hbm>> -> memref<1000x16xf32, #tpu.memory_space<hbm>>
      %dma_start3A_289 = arith.constant 0 : i32
      %dma_start3A_290 = tpu.memref_slice %arg3[%add3A_281, %dma_start3A_289] : memref<1000000x16xf32, #tpu.memory_space<hbm>> -> memref<1000x16xf32, #tpu.memory_space<hbm>>
      %dma_start3A_291 = arith.constant 0 : i32
      %dma_start3A_292 = arith.constant 0 : i32
      %dma_start3A_293 = tpu.memref_slice %arg4[%dma_start3A_282, %dma_start3A_291, %dma_start3A_292] : memref<8x1000x16xf32, #tpu.memory_space<vmem>> -> memref<1x1000x16xf32, #tpu.memory_space<vmem>>
      %dma_start3A_294 = tpu.memref_squeeze %dma_start3A_293 : memref<1x1000x16xf32, #tpu.memory_space<vmem>> -> memref<1000x16xf32, #tpu.memory_space<vmem>>
      tpu.enqueue_dma source(%dma_start3A_294 : memref<1000x16xf32, #tpu.memory_space<vmem>>) target(%dma_start3A_290 : memref<1000x16xf32, #tpu.memory_space<hbm>>) target_semaphore(%arg5 : memref<!tpu.dma_semaphore, #tpu.memory_space<semaphore_mem>>)
      %add3A_295 = arith.constant 375000 : i32
      %add3A_296 = arith.addi %add3A_295, %mul3A_27 : i32
      %dma_start3A_297 = arith.constant 3 : i32
      %dma_start3A_298 = arith.constant 0 : i32
      %dma_start3A_299 = arith.constant 0 : i32
      %dma_start3A_300 = tpu.memref_slice %arg4[%dma_start3A_297, %dma_start3A_298, %dma_start3A_299] : memref<8x1000x16xf32, #tpu.memory_space<vmem>> -> memref<1x1000x16xf32, #tpu.memory_space<vmem>>
      %dma_start3A_301 = tpu.memref_squeeze %dma_start3A_300 : memref<1x1000x16xf32, #tpu.memory_space<vmem>> -> memref<1000x16xf32, #tpu.memory_space<vmem>>
      %dma_start3A_302 = arith.constant 0 : i32
      %dma_start3A_303 = tpu.memref_slice %arg3[%add3A_296, %dma_start3A_302] : memref<1000000x16xf32, #tpu.memory_space<hbm>> -> memref<1000x16xf32, #tpu.memory_space<hbm>>
      %dma_start3A_304 = arith.constant 0 : i32
      %dma_start3A_305 = tpu.memref_slice %arg3[%add3A_296, %dma_start3A_304] : memref<1000000x16xf32, #tpu.memory_space<hbm>> -> memref<1000x16xf32, #tpu.memory_space<hbm>>
      %dma_start3A_306 = arith.constant 0 : i32
      %dma_start3A_307 = arith.constant 0 : i32
      %dma_start3A_308 = tpu.memref_slice %arg4[%dma_start3A_297, %dma_start3A_306, %dma_start3A_307] : memref<8x1000x16xf32, #tpu.memory_space<vmem>> -> memref<1x1000x16xf32, #tpu.memory_space<vmem>>
      %dma_start3A_309 = tpu.memref_squeeze %dma_start3A_308 : memref<1x1000x16xf32, #tpu.memory_space<vmem>> -> memref<1000x16xf32, #tpu.memory_space<vmem>>
      tpu.enqueue_dma source(%dma_start3A_309 : memref<1000x16xf32, #tpu.memory_space<vmem>>) target(%dma_start3A_305 : memref<1000x16xf32, #tpu.memory_space<hbm>>) target_semaphore(%arg5 : memref<!tpu.dma_semaphore, #tpu.memory_space<semaphore_mem>>)
      %add3A_310 = arith.constant 500000 : i32
      %add3A_311 = arith.addi %add3A_310, %mul3A_27 : i32
      %dma_start3A_312 = arith.constant 4 : i32
      %dma_start3A_313 = arith.constant 0 : i32
      %dma_start3A_314 = arith.constant 0 : i32
      %dma_start3A_315 = tpu.memref_slice %arg4[%dma_start3A_312, %dma_start3A_313, %dma_start3A_314] : memref<8x1000x16xf32, #tpu.memory_space<vmem>> -> memref<1x1000x16xf32, #tpu.memory_space<vmem>>
      %dma_start3A_316 = tpu.memref_squeeze %dma_start3A_315 : memref<1x1000x16xf32, #tpu.memory_space<vmem>> -> memref<1000x16xf32, #tpu.memory_space<vmem>>
      %dma_start3A_317 = arith.constant 0 : i32
      %dma_start3A_318 = tpu.memref_slice %arg3[%add3A_311, %dma_start3A_317] : memref<1000000x16xf32, #tpu.memory_space<hbm>> -> memref<1000x16xf32, #tpu.memory_space<hbm>>
      %dma_start3A_319 = arith.constant 0 : i32
      %dma_start3A_320 = tpu.memref_slice %arg3[%add3A_311, %dma_start3A_319] : memref<1000000x16xf32, #tpu.memory_space<hbm>> -> memref<1000x16xf32, #tpu.memory_space<hbm>>
      %dma_start3A_321 = arith.constant 0 : i32
      %dma_start3A_322 = arith.constant 0 : i32
      %dma_start3A_323 = tpu.memref_slice %arg4[%dma_start3A_312, %dma_start3A_321, %dma_start3A_322] : memref<8x1000x16xf32, #tpu.memory_space<vmem>> -> memref<1x1000x16xf32, #tpu.memory_space<vmem>>
      %dma_start3A_324 = tpu.memref_squeeze %dma_start3A_323 : memref<1x1000x16xf32, #tpu.memory_space<vmem>> -> memref<1000x16xf32, #tpu.memory_space<vmem>>
      tpu.enqueue_dma source(%dma_start3A_324 : memref<1000x16xf32, #tpu.memory_space<vmem>>) target(%dma_start3A_320 : memref<1000x16xf32, #tpu.memory_space<hbm>>) target_semaphore(%arg5 : memref<!tpu.dma_semaphore, #tpu.memory_space<semaphore_mem>>)
      %add3A_325 = arith.constant 625000 : i32
      %add3A_326 = arith.addi %add3A_325, %mul3A_27 : i32
      %dma_start3A_327 = arith.constant 5 : i32
      %dma_start3A_328 = arith.constant 0 : i32
      %dma_start3A_329 = arith.constant 0 : i32
      %dma_start3A_330 = tpu.memref_slice %arg4[%dma_start3A_327, %dma_start3A_328, %dma_start3A_329] : memref<8x1000x16xf32, #tpu.memory_space<vmem>> -> memref<1x1000x16xf32, #tpu.memory_space<vmem>>
      %dma_start3A_331 = tpu.memref_squeeze %dma_start3A_330 : memref<1x1000x16xf32, #tpu.memory_space<vmem>> -> memref<1000x16xf32, #tpu.memory_space<vmem>>
      %dma_start3A_332 = arith.constant 0 : i32
      %dma_start3A_333 = tpu.memref_slice %arg3[%add3A_326, %dma_start3A_332] : memref<1000000x16xf32, #tpu.memory_space<hbm>> -> memref<1000x16xf32, #tpu.memory_space<hbm>>
      %dma_start3A_334 = arith.constant 0 : i32
      %dma_start3A_335 = tpu.memref_slice %arg3[%add3A_326, %dma_start3A_334] : memref<1000000x16xf32, #tpu.memory_space<hbm>> -> memref<1000x16xf32, #tpu.memory_space<hbm>>
      %dma_start3A_336 = arith.constant 0 : i32
      %dma_start3A_337 = arith.constant 0 : i32
      %dma_start3A_338 = tpu.memref_slice %arg4[%dma_start3A_327, %dma_start3A_336, %dma_start3A_337] : memref<8x1000x16xf32, #tpu.memory_space<vmem>> -> memref<1x1000x16xf32, #tpu.memory_space<vmem>>
      %dma_start3A_339 = tpu.memref_squeeze %dma_start3A_338 : memref<1x1000x16xf32, #tpu.memory_space<vmem>> -> memref<1000x16xf32, #tpu.memory_space<vmem>>
      tpu.enqueue_dma source(%dma_start3A_339 : memref<1000x16xf32, #tpu.memory_space<vmem>>) target(%dma_start3A_335 : memref<1000x16xf32, #tpu.memory_space<hbm>>) target_semaphore(%arg5 : memref<!tpu.dma_semaphore, #tpu.memory_space<semaphore_mem>>)
      %add3A_340 = arith.constant 750000 : i32
      %add3A_341 = arith.addi %add3A_340, %mul3A_27 : i32
      %dma_start3A_342 = arith.constant 6 : i32
      %dma_start3A_343 = arith.constant 0 : i32
      %dma_start3A_344 = arith.constant 0 : i32
      %dma_start3A_345 = tpu.memref_slice %arg4[%dma_start3A_342, %dma_start3A_343, %dma_start3A_344] : memref<8x1000x16xf32, #tpu.memory_space<vmem>> -> memref<1x1000x16xf32, #tpu.memory_space<vmem>>
      %dma_start3A_346 = tpu.memref_squeeze %dma_start3A_345 : memref<1x1000x16xf32, #tpu.memory_space<vmem>> -> memref<1000x16xf32, #tpu.memory_space<vmem>>
      %dma_start3A_347 = arith.constant 0 : i32
      %dma_start3A_348 = tpu.memref_slice %arg3[%add3A_341, %dma_start3A_347] : memref<1000000x16xf32, #tpu.memory_space<hbm>> -> memref<1000x16xf32, #tpu.memory_space<hbm>>
      %dma_start3A_349 = arith.constant 0 : i32
      %dma_start3A_350 = tpu.memref_slice %arg3[%add3A_341, %dma_start3A_349] : memref<1000000x16xf32, #tpu.memory_space<hbm>> -> memref<1000x16xf32, #tpu.memory_space<hbm>>
      %dma_start3A_351 = arith.constant 0 : i32
      %dma_start3A_352 = arith.constant 0 : i32
      %dma_start3A_353 = tpu.memref_slice %arg4[%dma_start3A_342, %dma_start3A_351, %dma_start3A_352] : memref<8x1000x16xf32, #tpu.memory_space<vmem>> -> memref<1x1000x16xf32, #tpu.memory_space<vmem>>
      %dma_start3A_354 = tpu.memref_squeeze %dma_start3A_353 : memref<1x1000x16xf32, #tpu.memory_space<vmem>> -> memref<1000x16xf32, #tpu.memory_space<vmem>>
      tpu.enqueue_dma source(%dma_start3A_354 : memref<1000x16xf32, #tpu.memory_space<vmem>>) target(%dma_start3A_350 : memref<1000x16xf32, #tpu.memory_space<hbm>>) target_semaphore(%arg5 : memref<!tpu.dma_semaphore, #tpu.memory_space<semaphore_mem>>)
      %add3A_355 = arith.constant 875000 : i32
      %add3A_356 = arith.addi %add3A_355, %mul3A_27 : i32
      %dma_start3A_357 = arith.constant 7 : i32
      %dma_start3A_358 = arith.constant 0 : i32
      %dma_start3A_359 = arith.constant 0 : i32
      %dma_start3A_360 = tpu.memref_slice %arg4[%dma_start3A_357, %dma_start3A_358, %dma_start3A_359] : memref<8x1000x16xf32, #tpu.memory_space<vmem>> -> memref<1x1000x16xf32, #tpu.memory_space<vmem>>
      %dma_start3A_361 = tpu.memref_squeeze %dma_start3A_360 : memref<1x1000x16xf32, #tpu.memory_space<vmem>> -> memref<1000x16xf32, #tpu.memory_space<vmem>>
      %dma_start3A_362 = arith.constant 0 : i32
      %dma_start3A_363 = tpu.memref_slice %arg3[%add3A_356, %dma_start3A_362] : memref<1000000x16xf32, #tpu.memory_space<hbm>> -> memref<1000x16xf32, #tpu.memory_space<hbm>>
      %dma_start3A_364 = arith.constant 0 : i32
      %dma_start3A_365 = tpu.memref_slice %arg3[%add3A_356, %dma_start3A_364] : memref<1000000x16xf32, #tpu.memory_space<hbm>> -> memref<1000x16xf32, #tpu.memory_space<hbm>>
      %dma_start3A_366 = arith.constant 0 : i32
      %dma_start3A_367 = arith.constant 0 : i32
      %dma_start3A_368 = tpu.memref_slice %arg4[%dma_start3A_357, %dma_start3A_366, %dma_start3A_367] : memref<8x1000x16xf32, #tpu.memory_space<vmem>> -> memref<1x1000x16xf32, #tpu.memory_space<vmem>>
      %dma_start3A_369 = tpu.memref_squeeze %dma_start3A_368 : memref<1x1000x16xf32, #tpu.memory_space<vmem>> -> memref<1000x16xf32, #tpu.memory_space<vmem>>
      tpu.enqueue_dma source(%dma_start3A_369 : memref<1000x16xf32, #tpu.memory_space<vmem>>) target(%dma_start3A_365 : memref<1000x16xf32, #tpu.memory_space<hbm>>) target_semaphore(%arg5 : memref<!tpu.dma_semaphore, #tpu.memory_space<semaphore_mem>>)
      %dma_wait3A_370 = arith.constant 0 : i32
      %dma_wait3A_371 = arith.constant 0 : i32
      %dma_wait3A_372 = arith.constant 0 : i32
      %dma_wait3A_373 = tpu.memref_slice %arg4[%dma_wait3A_370, %dma_wait3A_371, %dma_wait3A_372] : memref<8x1000x16xf32, #tpu.memory_space<vmem>> -> memref<1x1000x16xf32, #tpu.memory_space<vmem>>
      %dma_wait3A_374 = tpu.memref_squeeze %dma_wait3A_373 : memref<1x1000x16xf32, #tpu.memory_space<vmem>> -> memref<1000x16xf32, #tpu.memory_space<vmem>>
      %dma_wait3A_375 = arith.constant 0 : i32
      %dma_wait3A_376 = arith.constant 0 : i32
      %dma_wait3A_377 = tpu.memref_slice %arg3[%dma_wait3A_375, %dma_wait3A_376] : memref<1000000x16xf32, #tpu.memory_space<hbm>> -> memref<1000x16xf32, #tpu.memory_space<hbm>>
      %dma_wait3A_378 = arith.constant 0 : i32
      %dma_wait3A_379 = arith.constant 0 : i32
      %dma_wait3A_380 = tpu.memref_slice %arg3[%dma_wait3A_378, %dma_wait3A_379] : memref<1000000x16xf32, #tpu.memory_space<hbm>> -> memref<1000x16xf32, #tpu.memory_space<hbm>>
      %dma_wait3A_381 = arith.constant 0 : i32
      %dma_wait3A_382 = arith.constant 0 : i32
      %dma_wait3A_383 = tpu.memref_slice %arg4[%dma_wait3A_370, %dma_wait3A_381, %dma_wait3A_382] : memref<8x1000x16xf32, #tpu.memory_space<vmem>> -> memref<1x1000x16xf32, #tpu.memory_space<vmem>>
      %dma_wait3A_384 = tpu.memref_squeeze %dma_wait3A_383 : memref<1x1000x16xf32, #tpu.memory_space<vmem>> -> memref<1000x16xf32, #tpu.memory_space<vmem>>
      tpu.wait_dma2 semaphore(%arg5 : memref<!tpu.dma_semaphore, #tpu.memory_space<semaphore_mem>>) src(%dma_wait3A_384 : memref<1000x16xf32, #tpu.memory_space<vmem>>) dst(%dma_wait3A_380 : memref<1000x16xf32, #tpu.memory_space<hbm>>)
      %dma_wait3A_385 = arith.constant 1 : i32
      %dma_wait3A_386 = arith.constant 0 : i32
      %dma_wait3A_387 = arith.constant 0 : i32
      %dma_wait3A_388 = tpu.memref_slice %arg4[%dma_wait3A_385, %dma_wait3A_386, %dma_wait3A_387] : memref<8x1000x16xf32, #tpu.memory_space<vmem>> -> memref<1x1000x16xf32, #tpu.memory_space<vmem>>
      %dma_wait3A_389 = tpu.memref_squeeze %dma_wait3A_388 : memref<1x1000x16xf32, #tpu.memory_space<vmem>> -> memref<1000x16xf32, #tpu.memory_space<vmem>>
      %dma_wait3A_390 = arith.constant 0 : i32
      %dma_wait3A_391 = arith.constant 0 : i32
      %dma_wait3A_392 = tpu.memref_slice %arg3[%dma_wait3A_390, %dma_wait3A_391] : memref<1000000x16xf32, #tpu.memory_space<hbm>> -> memref<1000x16xf32, #tpu.memory_space<hbm>>
      %dma_wait3A_393 = arith.constant 0 : i32
      %dma_wait3A_394 = arith.constant 0 : i32
      %dma_wait3A_395 = tpu.memref_slice %arg3[%dma_wait3A_393, %dma_wait3A_394] : memref<1000000x16xf32, #tpu.memory_space<hbm>> -> memref<1000x16xf32, #tpu.memory_space<hbm>>
      %dma_wait3A_396 = arith.constant 0 : i32
      %dma_wait3A_397 = arith.constant 0 : i32
      %dma_wait3A_398 = tpu.memref_slice %arg4[%dma_wait3A_385, %dma_wait3A_396, %dma_wait3A_397] : memref<8x1000x16xf32, #tpu.memory_space<vmem>> -> memref<1x1000x16xf32, #tpu.memory_space<vmem>>
      %dma_wait3A_399 = tpu.memref_squeeze %dma_wait3A_398 : memref<1x1000x16xf32, #tpu.memory_space<vmem>> -> memref<1000x16xf32, #tpu.memory_space<vmem>>
      tpu.wait_dma2 semaphore(%arg5 : memref<!tpu.dma_semaphore, #tpu.memory_space<semaphore_mem>>) src(%dma_wait3A_399 : memref<1000x16xf32, #tpu.memory_space<vmem>>) dst(%dma_wait3A_395 : memref<1000x16xf32, #tpu.memory_space<hbm>>)
      %dma_wait3A_400 = arith.constant 2 : i32
      %dma_wait3A_401 = arith.constant 0 : i32
      %dma_wait3A_402 = arith.constant 0 : i32
      %dma_wait3A_403 = tpu.memref_slice %arg4[%dma_wait3A_400, %dma_wait3A_401, %dma_wait3A_402] : memref<8x1000x16xf32, #tpu.memory_space<vmem>> -> memref<1x1000x16xf32, #tpu.memory_space<vmem>>
      %dma_wait3A_404 = tpu.memref_squeeze %dma_wait3A_403 : memref<1x1000x16xf32, #tpu.memory_space<vmem>> -> memref<1000x16xf32, #tpu.memory_space<vmem>>
      %dma_wait3A_405 = arith.constant 0 : i32
      %dma_wait3A_406 = arith.constant 0 : i32
      %dma_wait3A_407 = tpu.memref_slice %arg3[%dma_wait3A_405, %dma_wait3A_406] : memref<1000000x16xf32, #tpu.memory_space<hbm>> -> memref<1000x16xf32, #tpu.memory_space<hbm>>
      %dma_wait3A_408 = arith.constant 0 : i32
      %dma_wait3A_409 = arith.constant 0 : i32
      %dma_wait3A_410 = tpu.memref_slice %arg3[%dma_wait3A_408, %dma_wait3A_409] : memref<1000000x16xf32, #tpu.memory_space<hbm>> -> memref<1000x16xf32, #tpu.memory_space<hbm>>
      %dma_wait3A_411 = arith.constant 0 : i32
      %dma_wait3A_412 = arith.constant 0 : i32
      %dma_wait3A_413 = tpu.memref_slice %arg4[%dma_wait3A_400, %dma_wait3A_411, %dma_wait3A_412] : memref<8x1000x16xf32, #tpu.memory_space<vmem>> -> memref<1x1000x16xf32, #tpu.memory_space<vmem>>
      %dma_wait3A_414 = tpu.memref_squeeze %dma_wait3A_413 : memref<1x1000x16xf32, #tpu.memory_space<vmem>> -> memref<1000x16xf32, #tpu.memory_space<vmem>>
      tpu.wait_dma2 semaphore(%arg5 : memref<!tpu.dma_semaphore, #tpu.memory_space<semaphore_mem>>) src(%dma_wait3A_414 : memref<1000x16xf32, #tpu.memory_space<vmem>>) dst(%dma_wait3A_410 : memref<1000x16xf32, #tpu.memory_space<hbm>>)
      %dma_wait3A_415 = arith.constant 3 : i32
      %dma_wait3A_416 = arith.constant 0 : i32
      %dma_wait3A_417 = arith.constant 0 : i32
      %dma_wait3A_418 = tpu.memref_slice %arg4[%dma_wait3A_415, %dma_wait3A_416, %dma_wait3A_417] : memref<8x1000x16xf32, #tpu.memory_space<vmem>> -> memref<1x1000x16xf32, #tpu.memory_space<vmem>>
      %dma_wait3A_419 = tpu.memref_squeeze %dma_wait3A_418 : memref<1x1000x16xf32, #tpu.memory_space<vmem>> -> memref<1000x16xf32, #tpu.memory_space<vmem>>
      %dma_wait3A_420 = arith.constant 0 : i32
      %dma_wait3A_421 = arith.constant 0 : i32
      %dma_wait3A_422 = tpu.memref_slice %arg3[%dma_wait3A_420, %dma_wait3A_421] : memref<1000000x16xf32, #tpu.memory_space<hbm>> -> memref<1000x16xf32, #tpu.memory_space<hbm>>
      %dma_wait3A_423 = arith.constant 0 : i32
      %dma_wait3A_424 = arith.constant 0 : i32
      %dma_wait3A_425 = tpu.memref_slice %arg3[%dma_wait3A_423, %dma_wait3A_424] : memref<1000000x16xf32, #tpu.memory_space<hbm>> -> memref<1000x16xf32, #tpu.memory_space<hbm>>
      %dma_wait3A_426 = arith.constant 0 : i32
      %dma_wait3A_427 = arith.constant 0 : i32
      %dma_wait3A_428 = tpu.memref_slice %arg4[%dma_wait3A_415, %dma_wait3A_426, %dma_wait3A_427] : memref<8x1000x16xf32, #tpu.memory_space<vmem>> -> memref<1x1000x16xf32, #tpu.memory_space<vmem>>
      %dma_wait3A_429 = tpu.memref_squeeze %dma_wait3A_428 : memref<1x1000x16xf32, #tpu.memory_space<vmem>> -> memref<1000x16xf32, #tpu.memory_space<vmem>>
      tpu.wait_dma2 semaphore(%arg5 : memref<!tpu.dma_semaphore, #tpu.memory_space<semaphore_mem>>) src(%dma_wait3A_429 : memref<1000x16xf32, #tpu.memory_space<vmem>>) dst(%dma_wait3A_425 : memref<1000x16xf32, #tpu.memory_space<hbm>>)
      %dma_wait3A_430 = arith.constant 4 : i32
      %dma_wait3A_431 = arith.constant 0 : i32
      %dma_wait3A_432 = arith.constant 0 : i32
      %dma_wait3A_433 = tpu.memref_slice %arg4[%dma_wait3A_430, %dma_wait3A_431, %dma_wait3A_432] : memref<8x1000x16xf32, #tpu.memory_space<vmem>> -> memref<1x1000x16xf32, #tpu.memory_space<vmem>>
      %dma_wait3A_434 = tpu.memref_squeeze %dma_wait3A_433 : memref<1x1000x16xf32, #tpu.memory_space<vmem>> -> memref<1000x16xf32, #tpu.memory_space<vmem>>
      %dma_wait3A_435 = arith.constant 0 : i32
      %dma_wait3A_436 = arith.constant 0 : i32
      %dma_wait3A_437 = tpu.memref_slice %arg3[%dma_wait3A_435, %dma_wait3A_436] : memref<1000000x16xf32, #tpu.memory_space<hbm>> -> memref<1000x16xf32, #tpu.memory_space<hbm>>
      %dma_wait3A_438 = arith.constant 0 : i32
      %dma_wait3A_439 = arith.constant 0 : i32
      %dma_wait3A_440 = tpu.memref_slice %arg3[%dma_wait3A_438, %dma_wait3A_439] : memref<1000000x16xf32, #tpu.memory_space<hbm>> -> memref<1000x16xf32, #tpu.memory_space<hbm>>
      %dma_wait3A_441 = arith.constant 0 : i32
      %dma_wait3A_442 = arith.constant 0 : i32
      %dma_wait3A_443 = tpu.memref_slice %arg4[%dma_wait3A_430, %dma_wait3A_441, %dma_wait3A_442] : memref<8x1000x16xf32, #tpu.memory_space<vmem>> -> memref<1x1000x16xf32, #tpu.memory_space<vmem>>
      %dma_wait3A_444 = tpu.memref_squeeze %dma_wait3A_443 : memref<1x1000x16xf32, #tpu.memory_space<vmem>> -> memref<1000x16xf32, #tpu.memory_space<vmem>>
      tpu.wait_dma2 semaphore(%arg5 : memref<!tpu.dma_semaphore, #tpu.memory_space<semaphore_mem>>) src(%dma_wait3A_444 : memref<1000x16xf32, #tpu.memory_space<vmem>>) dst(%dma_wait3A_440 : memref<1000x16xf32, #tpu.memory_space<hbm>>)
      %dma_wait3A_445 = arith.constant 5 : i32
      %dma_wait3A_446 = arith.constant 0 : i32
      %dma_wait3A_447 = arith.constant 0 : i32
      %dma_wait3A_448 = tpu.memref_slice %arg4[%dma_wait3A_445, %dma_wait3A_446, %dma_wait3A_447] : memref<8x1000x16xf32, #tpu.memory_space<vmem>> -> memref<1x1000x16xf32, #tpu.memory_space<vmem>>
      %dma_wait3A_449 = tpu.memref_squeeze %dma_wait3A_448 : memref<1x1000x16xf32, #tpu.memory_space<vmem>> -> memref<1000x16xf32, #tpu.memory_space<vmem>>
      %dma_wait3A_450 = arith.constant 0 : i32
      %dma_wait3A_451 = arith.constant 0 : i32
      %dma_wait3A_452 = tpu.memref_slice %arg3[%dma_wait3A_450, %dma_wait3A_451] : memref<1000000x16xf32, #tpu.memory_space<hbm>> -> memref<1000x16xf32, #tpu.memory_space<hbm>>
      %dma_wait3A_453 = arith.constant 0 : i32
      %dma_wait3A_454 = arith.constant 0 : i32
      %dma_wait3A_455 = tpu.memref_slice %arg3[%dma_wait3A_453, %dma_wait3A_454] : memref<1000000x16xf32, #tpu.memory_space<hbm>> -> memref<1000x16xf32, #tpu.memory_space<hbm>>
      %dma_wait3A_456 = arith.constant 0 : i32
      %dma_wait3A_457 = arith.constant 0 : i32
      %dma_wait3A_458 = tpu.memref_slice %arg4[%dma_wait3A_445, %dma_wait3A_456, %dma_wait3A_457] : memref<8x1000x16xf32, #tpu.memory_space<vmem>> -> memref<1x1000x16xf32, #tpu.memory_space<vmem>>
      %dma_wait3A_459 = tpu.memref_squeeze %dma_wait3A_458 : memref<1x1000x16xf32, #tpu.memory_space<vmem>> -> memref<1000x16xf32, #tpu.memory_space<vmem>>
      tpu.wait_dma2 semaphore(%arg5 : memref<!tpu.dma_semaphore, #tpu.memory_space<semaphore_mem>>) src(%dma_wait3A_459 : memref<1000x16xf32, #tpu.memory_space<vmem>>) dst(%dma_wait3A_455 : memref<1000x16xf32, #tpu.memory_space<hbm>>)
      %dma_wait3A_460 = arith.constant 6 : i32
      %dma_wait3A_461 = arith.constant 0 : i32
      %dma_wait3A_462 = arith.constant 0 : i32
      %dma_wait3A_463 = tpu.memref_slice %arg4[%dma_wait3A_460, %dma_wait3A_461, %dma_wait3A_462] : memref<8x1000x16xf32, #tpu.memory_space<vmem>> -> memref<1x1000x16xf32, #tpu.memory_space<vmem>>
      %dma_wait3A_464 = tpu.memref_squeeze %dma_wait3A_463 : memref<1x1000x16xf32, #tpu.memory_space<vmem>> -> memref<1000x16xf32, #tpu.memory_space<vmem>>
      %dma_wait3A_465 = arith.constant 0 : i32
      %dma_wait3A_466 = arith.constant 0 : i32
      %dma_wait3A_467 = tpu.memref_slice %arg3[%dma_wait3A_465, %dma_wait3A_466] : memref<1000000x16xf32, #tpu.memory_space<hbm>> -> memref<1000x16xf32, #tpu.memory_space<hbm>>
      %dma_wait3A_468 = arith.constant 0 : i32
      %dma_wait3A_469 = arith.constant 0 : i32
      %dma_wait3A_470 = tpu.memref_slice %arg3[%dma_wait3A_468, %dma_wait3A_469] : memref<1000000x16xf32, #tpu.memory_space<hbm>> -> memref<1000x16xf32, #tpu.memory_space<hbm>>
      %dma_wait3A_471 = arith.constant 0 : i32
      %dma_wait3A_472 = arith.constant 0 : i32
      %dma_wait3A_473 = tpu.memref_slice %arg4[%dma_wait3A_460, %dma_wait3A_471, %dma_wait3A_472] : memref<8x1000x16xf32, #tpu.memory_space<vmem>> -> memref<1x1000x16xf32, #tpu.memory_space<vmem>>
      %dma_wait3A_474 = tpu.memref_squeeze %dma_wait3A_473 : memref<1x1000x16xf32, #tpu.memory_space<vmem>> -> memref<1000x16xf32, #tpu.memory_space<vmem>>
      tpu.wait_dma2 semaphore(%arg5 : memref<!tpu.dma_semaphore, #tpu.memory_space<semaphore_mem>>) src(%dma_wait3A_474 : memref<1000x16xf32, #tpu.memory_space<vmem>>) dst(%dma_wait3A_470 : memref<1000x16xf32, #tpu.memory_space<hbm>>)
      %dma_wait3A_475 = arith.constant 7 : i32
      %dma_wait3A_476 = arith.constant 0 : i32
      %dma_wait3A_477 = arith.constant 0 : i32
      %dma_wait3A_478 = tpu.memref_slice %arg4[%dma_wait3A_475, %dma_wait3A_476, %dma_wait3A_477] : memref<8x1000x16xf32, #tpu.memory_space<vmem>> -> memref<1x1000x16xf32, #tpu.memory_space<vmem>>
      %dma_wait3A_479 = tpu.memref_squeeze %dma_wait3A_478 : memref<1x1000x16xf32, #tpu.memory_space<vmem>> -> memref<1000x16xf32, #tpu.memory_space<vmem>>
      %dma_wait3A_480 = arith.constant 0 : i32
      %dma_wait3A_481 = arith.constant 0 : i32
      %dma_wait3A_482 = tpu.memref_slice %arg3[%dma_wait3A_480, %dma_wait3A_481] : memref<1000000x16xf32, #tpu.memory_space<hbm>> -> memref<1000x16xf32, #tpu.memory_space<hbm>>
      %dma_wait3A_483 = arith.constant 0 : i32
      %dma_wait3A_484 = arith.constant 0 : i32
      %dma_wait3A_485 = tpu.memref_slice %arg3[%dma_wait3A_483, %dma_wait3A_484] : memref<1000000x16xf32, #tpu.memory_space<hbm>> -> memref<1000x16xf32, #tpu.memory_space<hbm>>
      %dma_wait3A_486 = arith.constant 0 : i32
      %dma_wait3A_487 = arith.constant 0 : i32
      %dma_wait3A_488 = tpu.memref_slice %arg4[%dma_wait3A_475, %dma_wait3A_486, %dma_wait3A_487] : memref<8x1000x16xf32, #tpu.memory_space<vmem>> -> memref<1x1000x16xf32, #tpu.memory_space<vmem>>
      %dma_wait3A_489 = tpu.memref_squeeze %dma_wait3A_488 : memref<1x1000x16xf32, #tpu.memory_space<vmem>> -> memref<1000x16xf32, #tpu.memory_space<vmem>>
      tpu.wait_dma2 semaphore(%arg5 : memref<!tpu.dma_semaphore, #tpu.memory_space<semaphore_mem>>) src(%dma_wait3A_489 : memref<1000x16xf32, #tpu.memory_space<vmem>>) dst(%dma_wait3A_485 : memref<1000x16xf32, #tpu.memory_space<hbm>>)
    } else {
    }
    %add3A_19 = arith.constant 96 : i32
    %add3A_20 = arith.addi %add3A, %add3A_19 : i32
    %lt3A_21 = arith.constant 125 : i32
    %lt3A_22 = arith.cmpi slt, %add3A_20, %lt3A_21 : i32
    %convert_element_type3A_23 = arith.extui %lt3A_22 : i1 to i32
    %cond3A_24 = arith.constant 0 : i32
    %cond3A_25 = arith.cmpi ne, %convert_element_type3A_23, %cond3A_24 : i32
    scf.if %cond3A_25 {
      %mul3A_26 = arith.constant 1000 : i32
      %mul3A_27 = arith.muli %add3A_20, %mul3A_26 : i32
      %dma_start3A = arith.constant 0 : i32
      %dma_start3A_28 = arith.constant 0 : i32
      %dma_start3A_29 = arith.constant 0 : i32
      %dma_start3A_30 = tpu.memref_slice %arg4[%dma_start3A, %dma_start3A_28, %dma_start3A_29] : memref<8x1000x16xf32, #tpu.memory_space<vmem>> -> memref<1x1000x16xf32, #tpu.memory_space<vmem>>
      %dma_start3A_31 = tpu.memref_squeeze %dma_start3A_30 : memref<1x1000x16xf32, #tpu.memory_space<vmem>> -> memref<1000x16xf32, #tpu.memory_space<vmem>>
      %dma_start3A_32 = arith.constant 0 : i32
      %dma_start3A_33 = tpu.memref_slice %arg2[%mul3A_27, %dma_start3A_32] : memref<125000x128xf32, #tpu.memory_space<hbm>> -> memref<1000x16xf32, #tpu.memory_space<hbm>>
      %dma_start3A_34 = arith.constant 0 : i32
      %dma_start3A_35 = arith.constant 0 : i32
      %dma_start3A_36 = tpu.memref_slice %arg4[%dma_start3A, %dma_start3A_34, %dma_start3A_35] : memref<8x1000x16xf32, #tpu.memory_space<vmem>> -> memref<1x1000x16xf32, #tpu.memory_space<vmem>>
      %dma_start3A_37 = tpu.memref_squeeze %dma_start3A_36 : memref<1x1000x16xf32, #tpu.memory_space<vmem>> -> memref<1000x16xf32, #tpu.memory_space<vmem>>
      %dma_start3A_38 = arith.constant 0 : i32
      %dma_start3A_39 = tpu.memref_slice %arg2[%mul3A_27, %dma_start3A_38] : memref<125000x128xf32, #tpu.memory_space<hbm>> -> memref<1000x16xf32, #tpu.memory_space<hbm>>
      tpu.enqueue_dma source(%dma_start3A_39 : memref<1000x16xf32, #tpu.memory_space<hbm>>) target(%dma_start3A_37 : memref<1000x16xf32, #tpu.memory_space<vmem>>) target_semaphore(%arg5 : memref<!tpu.dma_semaphore, #tpu.memory_space<semaphore_mem>>)
      %dma_start3A_40 = arith.constant 1 : i32
      %dma_start3A_41 = arith.constant 0 : i32
      %dma_start3A_42 = arith.constant 0 : i32
      %dma_start3A_43 = tpu.memref_slice %arg4[%dma_start3A_40, %dma_start3A_41, %dma_start3A_42] : memref<8x1000x16xf32, #tpu.memory_space<vmem>> -> memref<1x1000x16xf32, #tpu.memory_space<vmem>>
      %dma_start3A_44 = tpu.memref_squeeze %dma_start3A_43 : memref<1x1000x16xf32, #tpu.memory_space<vmem>> -> memref<1000x16xf32, #tpu.memory_space<vmem>>
      %dma_start3A_45 = arith.constant 16 : i32
      %dma_start3A_46 = tpu.memref_slice %arg2[%mul3A_27, %dma_start3A_45] : memref<125000x128xf32, #tpu.memory_space<hbm>> -> memref<1000x16xf32, #tpu.memory_space<hbm>>
      %dma_start3A_47 = arith.constant 0 : i32
      %dma_start3A_48 = arith.constant 0 : i32
      %dma_start3A_49 = tpu.memref_slice %arg4[%dma_start3A_40, %dma_start3A_47, %dma_start3A_48] : memref<8x1000x16xf32, #tpu.memory_space<vmem>> -> memref<1x1000x16xf32, #tpu.memory_space<vmem>>
      %dma_start3A_50 = tpu.memref_squeeze %dma_start3A_49 : memref<1x1000x16xf32, #tpu.memory_space<vmem>> -> memref<1000x16xf32, #tpu.memory_space<vmem>>
      %dma_start3A_51 = arith.constant 16 : i32
      %dma_start3A_52 = tpu.memref_slice %arg2[%mul3A_27, %dma_start3A_51] : memref<125000x128xf32, #tpu.memory_space<hbm>> -> memref<1000x16xf32, #tpu.memory_space<hbm>>
      tpu.enqueue_dma source(%dma_start3A_52 : memref<1000x16xf32, #tpu.memory_space<hbm>>) target(%dma_start3A_50 : memref<1000x16xf32, #tpu.memory_space<vmem>>) target_semaphore(%arg5 : memref<!tpu.dma_semaphore, #tpu.memory_space<semaphore_mem>>)
      %dma_start3A_53 = arith.constant 2 : i32
      %dma_start3A_54 = arith.constant 0 : i32
      %dma_start3A_55 = arith.constant 0 : i32
      %dma_start3A_56 = tpu.memref_slice %arg4[%dma_start3A_53, %dma_start3A_54, %dma_start3A_55] : memref<8x1000x16xf32, #tpu.memory_space<vmem>> -> memref<1x1000x16xf32, #tpu.memory_space<vmem>>
      %dma_start3A_57 = tpu.memref_squeeze %dma_start3A_56 : memref<1x1000x16xf32, #tpu.memory_space<vmem>> -> memref<1000x16xf32, #tpu.memory_space<vmem>>
      %dma_start3A_58 = arith.constant 32 : i32
      %dma_start3A_59 = tpu.memref_slice %arg2[%mul3A_27, %dma_start3A_58] : memref<125000x128xf32, #tpu.memory_space<hbm>> -> memref<1000x16xf32, #tpu.memory_space<hbm>>
      %dma_start3A_60 = arith.constant 0 : i32
      %dma_start3A_61 = arith.constant 0 : i32
      %dma_start3A_62 = tpu.memref_slice %arg4[%dma_start3A_53, %dma_start3A_60, %dma_start3A_61] : memref<8x1000x16xf32, #tpu.memory_space<vmem>> -> memref<1x1000x16xf32, #tpu.memory_space<vmem>>
      %dma_start3A_63 = tpu.memref_squeeze %dma_start3A_62 : memref<1x1000x16xf32, #tpu.memory_space<vmem>> -> memref<1000x16xf32, #tpu.memory_space<vmem>>
      %dma_start3A_64 = arith.constant 32 : i32
      %dma_start3A_65 = tpu.memref_slice %arg2[%mul3A_27, %dma_start3A_64] : memref<125000x128xf32, #tpu.memory_space<hbm>> -> memref<1000x16xf32, #tpu.memory_space<hbm>>
      tpu.enqueue_dma source(%dma_start3A_65 : memref<1000x16xf32, #tpu.memory_space<hbm>>) target(%dma_start3A_63 : memref<1000x16xf32, #tpu.memory_space<vmem>>) target_semaphore(%arg5 : memref<!tpu.dma_semaphore, #tpu.memory_space<semaphore_mem>>)
      %dma_start3A_66 = arith.constant 3 : i32
      %dma_start3A_67 = arith.constant 0 : i32
      %dma_start3A_68 = arith.constant 0 : i32
      %dma_start3A_69 = tpu.memref_slice %arg4[%dma_start3A_66, %dma_start3A_67, %dma_start3A_68] : memref<8x1000x16xf32, #tpu.memory_space<vmem>> -> memref<1x1000x16xf32, #tpu.memory_space<vmem>>
      %dma_start3A_70 = tpu.memref_squeeze %dma_start3A_69 : memref<1x1000x16xf32, #tpu.memory_space<vmem>> -> memref<1000x16xf32, #tpu.memory_space<vmem>>
      %dma_start3A_71 = arith.constant 48 : i32
      %dma_start3A_72 = tpu.memref_slice %arg2[%mul3A_27, %dma_start3A_71] : memref<125000x128xf32, #tpu.memory_space<hbm>> -> memref<1000x16xf32, #tpu.memory_space<hbm>>
      %dma_start3A_73 = arith.constant 0 : i32
      %dma_start3A_74 = arith.constant 0 : i32
      %dma_start3A_75 = tpu.memref_slice %arg4[%dma_start3A_66, %dma_start3A_73, %dma_start3A_74] : memref<8x1000x16xf32, #tpu.memory_space<vmem>> -> memref<1x1000x16xf32, #tpu.memory_space<vmem>>
      %dma_start3A_76 = tpu.memref_squeeze %dma_start3A_75 : memref<1x1000x16xf32, #tpu.memory_space<vmem>> -> memref<1000x16xf32, #tpu.memory_space<vmem>>
      %dma_start3A_77 = arith.constant 48 : i32
      %dma_start3A_78 = tpu.memref_slice %arg2[%mul3A_27, %dma_start3A_77] : memref<125000x128xf32, #tpu.memory_space<hbm>> -> memref<1000x16xf32, #tpu.memory_space<hbm>>
      tpu.enqueue_dma source(%dma_start3A_78 : memref<1000x16xf32, #tpu.memory_space<hbm>>) target(%dma_start3A_76 : memref<1000x16xf32, #tpu.memory_space<vmem>>) target_semaphore(%arg5 : memref<!tpu.dma_semaphore, #tpu.memory_space<semaphore_mem>>)
      %dma_start3A_79 = arith.constant 4 : i32
      %dma_start3A_80 = arith.constant 0 : i32
      %dma_start3A_81 = arith.constant 0 : i32
      %dma_start3A_82 = tpu.memref_slice %arg4[%dma_start3A_79, %dma_start3A_80, %dma_start3A_81] : memref<8x1000x16xf32, #tpu.memory_space<vmem>> -> memref<1x1000x16xf32, #tpu.memory_space<vmem>>
      %dma_start3A_83 = tpu.memref_squeeze %dma_start3A_82 : memref<1x1000x16xf32, #tpu.memory_space<vmem>> -> memref<1000x16xf32, #tpu.memory_space<vmem>>
      %dma_start3A_84 = arith.constant 64 : i32
      %dma_start3A_85 = tpu.memref_slice %arg2[%mul3A_27, %dma_start3A_84] : memref<125000x128xf32, #tpu.memory_space<hbm>> -> memref<1000x16xf32, #tpu.memory_space<hbm>>
      %dma_start3A_86 = arith.constant 0 : i32
      %dma_start3A_87 = arith.constant 0 : i32
      %dma_start3A_88 = tpu.memref_slice %arg4[%dma_start3A_79, %dma_start3A_86, %dma_start3A_87] : memref<8x1000x16xf32, #tpu.memory_space<vmem>> -> memref<1x1000x16xf32, #tpu.memory_space<vmem>>
      %dma_start3A_89 = tpu.memref_squeeze %dma_start3A_88 : memref<1x1000x16xf32, #tpu.memory_space<vmem>> -> memref<1000x16xf32, #tpu.memory_space<vmem>>
      %dma_start3A_90 = arith.constant 64 : i32
      %dma_start3A_91 = tpu.memref_slice %arg2[%mul3A_27, %dma_start3A_90] : memref<125000x128xf32, #tpu.memory_space<hbm>> -> memref<1000x16xf32, #tpu.memory_space<hbm>>
      tpu.enqueue_dma source(%dma_start3A_91 : memref<1000x16xf32, #tpu.memory_space<hbm>>) target(%dma_start3A_89 : memref<1000x16xf32, #tpu.memory_space<vmem>>) target_semaphore(%arg5 : memref<!tpu.dma_semaphore, #tpu.memory_space<semaphore_mem>>)
      %dma_start3A_92 = arith.constant 5 : i32
      %dma_start3A_93 = arith.constant 0 : i32
      %dma_start3A_94 = arith.constant 0 : i32
      %dma_start3A_95 = tpu.memref_slice %arg4[%dma_start3A_92, %dma_start3A_93, %dma_start3A_94] : memref<8x1000x16xf32, #tpu.memory_space<vmem>> -> memref<1x1000x16xf32, #tpu.memory_space<vmem>>
      %dma_start3A_96 = tpu.memref_squeeze %dma_start3A_95 : memref<1x1000x16xf32, #tpu.memory_space<vmem>> -> memref<1000x16xf32, #tpu.memory_space<vmem>>
      %dma_start3A_97 = arith.constant 80 : i32
      %dma_start3A_98 = tpu.memref_slice %arg2[%mul3A_27, %dma_start3A_97] : memref<125000x128xf32, #tpu.memory_space<hbm>> -> memref<1000x16xf32, #tpu.memory_space<hbm>>
      %dma_start3A_99 = arith.constant 0 : i32
      %dma_start3A_100 = arith.constant 0 : i32
      %dma_start3A_101 = tpu.memref_slice %arg4[%dma_start3A_92, %dma_start3A_99, %dma_start3A_100] : memref<8x1000x16xf32, #tpu.memory_space<vmem>> -> memref<1x1000x16xf32, #tpu.memory_space<vmem>>
      %dma_start3A_102 = tpu.memref_squeeze %dma_start3A_101 : memref<1x1000x16xf32, #tpu.memory_space<vmem>> -> memref<1000x16xf32, #tpu.memory_space<vmem>>
      %dma_start3A_103 = arith.constant 80 : i32
      %dma_start3A_104 = tpu.memref_slice %arg2[%mul3A_27, %dma_start3A_103] : memref<125000x128xf32, #tpu.memory_space<hbm>> -> memref<1000x16xf32, #tpu.memory_space<hbm>>
      tpu.enqueue_dma source(%dma_start3A_104 : memref<1000x16xf32, #tpu.memory_space<hbm>>) target(%dma_start3A_102 : memref<1000x16xf32, #tpu.memory_space<vmem>>) target_semaphore(%arg5 : memref<!tpu.dma_semaphore, #tpu.memory_space<semaphore_mem>>)
      %dma_start3A_105 = arith.constant 6 : i32
      %dma_start3A_106 = arith.constant 0 : i32
      %dma_start3A_107 = arith.constant 0 : i32
      %dma_start3A_108 = tpu.memref_slice %arg4[%dma_start3A_105, %dma_start3A_106, %dma_start3A_107] : memref<8x1000x16xf32, #tpu.memory_space<vmem>> -> memref<1x1000x16xf32, #tpu.memory_space<vmem>>
      %dma_start3A_109 = tpu.memref_squeeze %dma_start3A_108 : memref<1x1000x16xf32, #tpu.memory_space<vmem>> -> memref<1000x16xf32, #tpu.memory_space<vmem>>
      %dma_start3A_110 = arith.constant 96 : i32
      %dma_start3A_111 = tpu.memref_slice %arg2[%mul3A_27, %dma_start3A_110] : memref<125000x128xf32, #tpu.memory_space<hbm>> -> memref<1000x16xf32, #tpu.memory_space<hbm>>
      %dma_start3A_112 = arith.constant 0 : i32
      %dma_start3A_113 = arith.constant 0 : i32
      %dma_start3A_114 = tpu.memref_slice %arg4[%dma_start3A_105, %dma_start3A_112, %dma_start3A_113] : memref<8x1000x16xf32, #tpu.memory_space<vmem>> -> memref<1x1000x16xf32, #tpu.memory_space<vmem>>
      %dma_start3A_115 = tpu.memref_squeeze %dma_start3A_114 : memref<1x1000x16xf32, #tpu.memory_space<vmem>> -> memref<1000x16xf32, #tpu.memory_space<vmem>>
      %dma_start3A_116 = arith.constant 96 : i32
      %dma_start3A_117 = tpu.memref_slice %arg2[%mul3A_27, %dma_start3A_116] : memref<125000x128xf32, #tpu.memory_space<hbm>> -> memref<1000x16xf32, #tpu.memory_space<hbm>>
      tpu.enqueue_dma source(%dma_start3A_117 : memref<1000x16xf32, #tpu.memory_space<hbm>>) target(%dma_start3A_115 : memref<1000x16xf32, #tpu.memory_space<vmem>>) target_semaphore(%arg5 : memref<!tpu.dma_semaphore, #tpu.memory_space<semaphore_mem>>)
      %dma_start3A_118 = arith.constant 7 : i32
      %dma_start3A_119 = arith.constant 0 : i32
      %dma_start3A_120 = arith.constant 0 : i32
      %dma_start3A_121 = tpu.memref_slice %arg4[%dma_start3A_118, %dma_start3A_119, %dma_start3A_120] : memref<8x1000x16xf32, #tpu.memory_space<vmem>> -> memref<1x1000x16xf32, #tpu.memory_space<vmem>>
      %dma_start3A_122 = tpu.memref_squeeze %dma_start3A_121 : memref<1x1000x16xf32, #tpu.memory_space<vmem>> -> memref<1000x16xf32, #tpu.memory_space<vmem>>
      %dma_start3A_123 = arith.constant 112 : i32
      %dma_start3A_124 = tpu.memref_slice %arg2[%mul3A_27, %dma_start3A_123] : memref<125000x128xf32, #tpu.memory_space<hbm>> -> memref<1000x16xf32, #tpu.memory_space<hbm>>
      %dma_start3A_125 = arith.constant 0 : i32
      %dma_start3A_126 = arith.constant 0 : i32
      %dma_start3A_127 = tpu.memref_slice %arg4[%dma_start3A_118, %dma_start3A_125, %dma_start3A_126] : memref<8x1000x16xf32, #tpu.memory_space<vmem>> -> memref<1x1000x16xf32, #tpu.memory_space<vmem>>
      %dma_start3A_128 = tpu.memref_squeeze %dma_start3A_127 : memref<1x1000x16xf32, #tpu.memory_space<vmem>> -> memref<1000x16xf32, #tpu.memory_space<vmem>>
      %dma_start3A_129 = arith.constant 112 : i32
      %dma_start3A_130 = tpu.memref_slice %arg2[%mul3A_27, %dma_start3A_129] : memref<125000x128xf32, #tpu.memory_space<hbm>> -> memref<1000x16xf32, #tpu.memory_space<hbm>>
      tpu.enqueue_dma source(%dma_start3A_130 : memref<1000x16xf32, #tpu.memory_space<hbm>>) target(%dma_start3A_128 : memref<1000x16xf32, #tpu.memory_space<vmem>>) target_semaphore(%arg5 : memref<!tpu.dma_semaphore, #tpu.memory_space<semaphore_mem>>)
      %dma_wait3A = arith.constant 0 : i32
      %dma_wait3A_131 = arith.constant 0 : i32
      %dma_wait3A_132 = arith.constant 0 : i32
      %dma_wait3A_133 = tpu.memref_slice %arg4[%dma_wait3A, %dma_wait3A_131, %dma_wait3A_132] : memref<8x1000x16xf32, #tpu.memory_space<vmem>> -> memref<1x1000x16xf32, #tpu.memory_space<vmem>>
      %dma_wait3A_134 = tpu.memref_squeeze %dma_wait3A_133 : memref<1x1000x16xf32, #tpu.memory_space<vmem>> -> memref<1000x16xf32, #tpu.memory_space<vmem>>
      %dma_wait3A_135 = arith.constant 0 : i32
      %dma_wait3A_136 = arith.constant 0 : i32
      %dma_wait3A_137 = tpu.memref_slice %arg2[%dma_wait3A_135, %dma_wait3A_136] : memref<125000x128xf32, #tpu.memory_space<hbm>> -> memref<1000x16xf32, #tpu.memory_space<hbm>>
      %dma_wait3A_138 = arith.constant 0 : i32
      %dma_wait3A_139 = arith.constant 0 : i32
      %dma_wait3A_140 = tpu.memref_slice %arg4[%dma_wait3A, %dma_wait3A_138, %dma_wait3A_139] : memref<8x1000x16xf32, #tpu.memory_space<vmem>> -> memref<1x1000x16xf32, #tpu.memory_space<vmem>>
      %dma_wait3A_141 = tpu.memref_squeeze %dma_wait3A_140 : memref<1x1000x16xf32, #tpu.memory_space<vmem>> -> memref<1000x16xf32, #tpu.memory_space<vmem>>
      %dma_wait3A_142 = arith.constant 0 : i32
      %dma_wait3A_143 = arith.constant 0 : i32
      %dma_wait3A_144 = tpu.memref_slice %arg2[%dma_wait3A_142, %dma_wait3A_143] : memref<125000x128xf32, #tpu.memory_space<hbm>> -> memref<1000x16xf32, #tpu.memory_space<hbm>>
      tpu.wait_dma2 semaphore(%arg5 : memref<!tpu.dma_semaphore, #tpu.memory_space<semaphore_mem>>) src(%dma_wait3A_144 : memref<1000x16xf32, #tpu.memory_space<hbm>>) dst(%dma_wait3A_141 : memref<1000x16xf32, #tpu.memory_space<vmem>>)
      %dma_wait3A_145 = arith.constant 1 : i32
      %dma_wait3A_146 = arith.constant 0 : i32
      %dma_wait3A_147 = arith.constant 0 : i32
      %dma_wait3A_148 = tpu.memref_slice %arg4[%dma_wait3A_145, %dma_wait3A_146, %dma_wait3A_147] : memref<8x1000x16xf32, #tpu.memory_space<vmem>> -> memref<1x1000x16xf32, #tpu.memory_space<vmem>>
      %dma_wait3A_149 = tpu.memref_squeeze %dma_wait3A_148 : memref<1x1000x16xf32, #tpu.memory_space<vmem>> -> memref<1000x16xf32, #tpu.memory_space<vmem>>
      %dma_wait3A_150 = arith.constant 0 : i32
      %dma_wait3A_151 = arith.constant 0 : i32
      %dma_wait3A_152 = tpu.memref_slice %arg2[%dma_wait3A_150, %dma_wait3A_151] : memref<125000x128xf32, #tpu.memory_space<hbm>> -> memref<1000x16xf32, #tpu.memory_space<hbm>>
      %dma_wait3A_153 = arith.constant 0 : i32
      %dma_wait3A_154 = arith.constant 0 : i32
      %dma_wait3A_155 = tpu.memref_slice %arg4[%dma_wait3A_145, %dma_wait3A_153, %dma_wait3A_154] : memref<8x1000x16xf32, #tpu.memory_space<vmem>> -> memref<1x1000x16xf32, #tpu.memory_space<vmem>>
      %dma_wait3A_156 = tpu.memref_squeeze %dma_wait3A_155 : memref<1x1000x16xf32, #tpu.memory_space<vmem>> -> memref<1000x16xf32, #tpu.memory_space<vmem>>
      %dma_wait3A_157 = arith.constant 0 : i32
      %dma_wait3A_158 = arith.constant 0 : i32
      %dma_wait3A_159 = tpu.memref_slice %arg2[%dma_wait3A_157, %dma_wait3A_158] : memref<125000x128xf32, #tpu.memory_space<hbm>> -> memref<1000x16xf32, #tpu.memory_space<hbm>>
      tpu.wait_dma2 semaphore(%arg5 : memref<!tpu.dma_semaphore, #tpu.memory_space<semaphore_mem>>) src(%dma_wait3A_159 : memref<1000x16xf32, #tpu.memory_space<hbm>>) dst(%dma_wait3A_156 : memref<1000x16xf32, #tpu.memory_space<vmem>>)
      %dma_wait3A_160 = arith.constant 2 : i32
      %dma_wait3A_161 = arith.constant 0 : i32
      %dma_wait3A_162 = arith.constant 0 : i32
      %dma_wait3A_163 = tpu.memref_slice %arg4[%dma_wait3A_160, %dma_wait3A_161, %dma_wait3A_162] : memref<8x1000x16xf32, #tpu.memory_space<vmem>> -> memref<1x1000x16xf32, #tpu.memory_space<vmem>>
      %dma_wait3A_164 = tpu.memref_squeeze %dma_wait3A_163 : memref<1x1000x16xf32, #tpu.memory_space<vmem>> -> memref<1000x16xf32, #tpu.memory_space<vmem>>
      %dma_wait3A_165 = arith.constant 0 : i32
      %dma_wait3A_166 = arith.constant 0 : i32
      %dma_wait3A_167 = tpu.memref_slice %arg2[%dma_wait3A_165, %dma_wait3A_166] : memref<125000x128xf32, #tpu.memory_space<hbm>> -> memref<1000x16xf32, #tpu.memory_space<hbm>>
      %dma_wait3A_168 = arith.constant 0 : i32
      %dma_wait3A_169 = arith.constant 0 : i32
      %dma_wait3A_170 = tpu.memref_slice %arg4[%dma_wait3A_160, %dma_wait3A_168, %dma_wait3A_169] : memref<8x1000x16xf32, #tpu.memory_space<vmem>> -> memref<1x1000x16xf32, #tpu.memory_space<vmem>>
      %dma_wait3A_171 = tpu.memref_squeeze %dma_wait3A_170 : memref<1x1000x16xf32, #tpu.memory_space<vmem>> -> memref<1000x16xf32, #tpu.memory_space<vmem>>
      %dma_wait3A_172 = arith.constant 0 : i32
      %dma_wait3A_173 = arith.constant 0 : i32
      %dma_wait3A_174 = tpu.memref_slice %arg2[%dma_wait3A_172, %dma_wait3A_173] : memref<125000x128xf32, #tpu.memory_space<hbm>> -> memref<1000x16xf32, #tpu.memory_space<hbm>>
      tpu.wait_dma2 semaphore(%arg5 : memref<!tpu.dma_semaphore, #tpu.memory_space<semaphore_mem>>) src(%dma_wait3A_174 : memref<1000x16xf32, #tpu.memory_space<hbm>>) dst(%dma_wait3A_171 : memref<1000x16xf32, #tpu.memory_space<vmem>>)
      %dma_wait3A_175 = arith.constant 3 : i32
      %dma_wait3A_176 = arith.constant 0 : i32
      %dma_wait3A_177 = arith.constant 0 : i32
      %dma_wait3A_178 = tpu.memref_slice %arg4[%dma_wait3A_175, %dma_wait3A_176, %dma_wait3A_177] : memref<8x1000x16xf32, #tpu.memory_space<vmem>> -> memref<1x1000x16xf32, #tpu.memory_space<vmem>>
      %dma_wait3A_179 = tpu.memref_squeeze %dma_wait3A_178 : memref<1x1000x16xf32, #tpu.memory_space<vmem>> -> memref<1000x16xf32, #tpu.memory_space<vmem>>
      %dma_wait3A_180 = arith.constant 0 : i32
      %dma_wait3A_181 = arith.constant 0 : i32
      %dma_wait3A_182 = tpu.memref_slice %arg2[%dma_wait3A_180, %dma_wait3A_181] : memref<125000x128xf32, #tpu.memory_space<hbm>> -> memref<1000x16xf32, #tpu.memory_space<hbm>>
      %dma_wait3A_183 = arith.constant 0 : i32
      %dma_wait3A_184 = arith.constant 0 : i32
      %dma_wait3A_185 = tpu.memref_slice %arg4[%dma_wait3A_175, %dma_wait3A_183, %dma_wait3A_184] : memref<8x1000x16xf32, #tpu.memory_space<vmem>> -> memref<1x1000x16xf32, #tpu.memory_space<vmem>>
      %dma_wait3A_186 = tpu.memref_squeeze %dma_wait3A_185 : memref<1x1000x16xf32, #tpu.memory_space<vmem>> -> memref<1000x16xf32, #tpu.memory_space<vmem>>
      %dma_wait3A_187 = arith.constant 0 : i32
      %dma_wait3A_188 = arith.constant 0 : i32
      %dma_wait3A_189 = tpu.memref_slice %arg2[%dma_wait3A_187, %dma_wait3A_188] : memref<125000x128xf32, #tpu.memory_space<hbm>> -> memref<1000x16xf32, #tpu.memory_space<hbm>>
      tpu.wait_dma2 semaphore(%arg5 : memref<!tpu.dma_semaphore, #tpu.memory_space<semaphore_mem>>) src(%dma_wait3A_189 : memref<1000x16xf32, #tpu.memory_space<hbm>>) dst(%dma_wait3A_186 : memref<1000x16xf32, #tpu.memory_space<vmem>>)
      %dma_wait3A_190 = arith.constant 4 : i32
      %dma_wait3A_191 = arith.constant 0 : i32
      %dma_wait3A_192 = arith.constant 0 : i32
      %dma_wait3A_193 = tpu.memref_slice %arg4[%dma_wait3A_190, %dma_wait3A_191, %dma_wait3A_192] : memref<8x1000x16xf32, #tpu.memory_space<vmem>> -> memref<1x1000x16xf32, #tpu.memory_space<vmem>>
      %dma_wait3A_194 = tpu.memref_squeeze %dma_wait3A_193 : memref<1x1000x16xf32, #tpu.memory_space<vmem>> -> memref<1000x16xf32, #tpu.memory_space<vmem>>
      %dma_wait3A_195 = arith.constant 0 : i32
      %dma_wait3A_196 = arith.constant 0 : i32
      %dma_wait3A_197 = tpu.memref_slice %arg2[%dma_wait3A_195, %dma_wait3A_196] : memref<125000x128xf32, #tpu.memory_space<hbm>> -> memref<1000x16xf32, #tpu.memory_space<hbm>>
      %dma_wait3A_198 = arith.constant 0 : i32
      %dma_wait3A_199 = arith.constant 0 : i32
      %dma_wait3A_200 = tpu.memref_slice %arg4[%dma_wait3A_190, %dma_wait3A_198, %dma_wait3A_199] : memref<8x1000x16xf32, #tpu.memory_space<vmem>> -> memref<1x1000x16xf32, #tpu.memory_space<vmem>>
      %dma_wait3A_201 = tpu.memref_squeeze %dma_wait3A_200 : memref<1x1000x16xf32, #tpu.memory_space<vmem>> -> memref<1000x16xf32, #tpu.memory_space<vmem>>
      %dma_wait3A_202 = arith.constant 0 : i32
      %dma_wait3A_203 = arith.constant 0 : i32
      %dma_wait3A_204 = tpu.memref_slice %arg2[%dma_wait3A_202, %dma_wait3A_203] : memref<125000x128xf32, #tpu.memory_space<hbm>> -> memref<1000x16xf32, #tpu.memory_space<hbm>>
      tpu.wait_dma2 semaphore(%arg5 : memref<!tpu.dma_semaphore, #tpu.memory_space<semaphore_mem>>) src(%dma_wait3A_204 : memref<1000x16xf32, #tpu.memory_space<hbm>>) dst(%dma_wait3A_201 : memref<1000x16xf32, #tpu.memory_space<vmem>>)
      %dma_wait3A_205 = arith.constant 5 : i32
      %dma_wait3A_206 = arith.constant 0 : i32
      %dma_wait3A_207 = arith.constant 0 : i32
      %dma_wait3A_208 = tpu.memref_slice %arg4[%dma_wait3A_205, %dma_wait3A_206, %dma_wait3A_207] : memref<8x1000x16xf32, #tpu.memory_space<vmem>> -> memref<1x1000x16xf32, #tpu.memory_space<vmem>>
      %dma_wait3A_209 = tpu.memref_squeeze %dma_wait3A_208 : memref<1x1000x16xf32, #tpu.memory_space<vmem>> -> memref<1000x16xf32, #tpu.memory_space<vmem>>
      %dma_wait3A_210 = arith.constant 0 : i32
      %dma_wait3A_211 = arith.constant 0 : i32
      %dma_wait3A_212 = tpu.memref_slice %arg2[%dma_wait3A_210, %dma_wait3A_211] : memref<125000x128xf32, #tpu.memory_space<hbm>> -> memref<1000x16xf32, #tpu.memory_space<hbm>>
      %dma_wait3A_213 = arith.constant 0 : i32
      %dma_wait3A_214 = arith.constant 0 : i32
      %dma_wait3A_215 = tpu.memref_slice %arg4[%dma_wait3A_205, %dma_wait3A_213, %dma_wait3A_214] : memref<8x1000x16xf32, #tpu.memory_space<vmem>> -> memref<1x1000x16xf32, #tpu.memory_space<vmem>>
      %dma_wait3A_216 = tpu.memref_squeeze %dma_wait3A_215 : memref<1x1000x16xf32, #tpu.memory_space<vmem>> -> memref<1000x16xf32, #tpu.memory_space<vmem>>
      %dma_wait3A_217 = arith.constant 0 : i32
      %dma_wait3A_218 = arith.constant 0 : i32
      %dma_wait3A_219 = tpu.memref_slice %arg2[%dma_wait3A_217, %dma_wait3A_218] : memref<125000x128xf32, #tpu.memory_space<hbm>> -> memref<1000x16xf32, #tpu.memory_space<hbm>>
      tpu.wait_dma2 semaphore(%arg5 : memref<!tpu.dma_semaphore, #tpu.memory_space<semaphore_mem>>) src(%dma_wait3A_219 : memref<1000x16xf32, #tpu.memory_space<hbm>>) dst(%dma_wait3A_216 : memref<1000x16xf32, #tpu.memory_space<vmem>>)
      %dma_wait3A_220 = arith.constant 6 : i32
      %dma_wait3A_221 = arith.constant 0 : i32
      %dma_wait3A_222 = arith.constant 0 : i32
      %dma_wait3A_223 = tpu.memref_slice %arg4[%dma_wait3A_220, %dma_wait3A_221, %dma_wait3A_222] : memref<8x1000x16xf32, #tpu.memory_space<vmem>> -> memref<1x1000x16xf32, #tpu.memory_space<vmem>>
      %dma_wait3A_224 = tpu.memref_squeeze %dma_wait3A_223 : memref<1x1000x16xf32, #tpu.memory_space<vmem>> -> memref<1000x16xf32, #tpu.memory_space<vmem>>
      %dma_wait3A_225 = arith.constant 0 : i32
      %dma_wait3A_226 = arith.constant 0 : i32
      %dma_wait3A_227 = tpu.memref_slice %arg2[%dma_wait3A_225, %dma_wait3A_226] : memref<125000x128xf32, #tpu.memory_space<hbm>> -> memref<1000x16xf32, #tpu.memory_space<hbm>>
      %dma_wait3A_228 = arith.constant 0 : i32
      %dma_wait3A_229 = arith.constant 0 : i32
      %dma_wait3A_230 = tpu.memref_slice %arg4[%dma_wait3A_220, %dma_wait3A_228, %dma_wait3A_229] : memref<8x1000x16xf32, #tpu.memory_space<vmem>> -> memref<1x1000x16xf32, #tpu.memory_space<vmem>>
      %dma_wait3A_231 = tpu.memref_squeeze %dma_wait3A_230 : memref<1x1000x16xf32, #tpu.memory_space<vmem>> -> memref<1000x16xf32, #tpu.memory_space<vmem>>
      %dma_wait3A_232 = arith.constant 0 : i32
      %dma_wait3A_233 = arith.constant 0 : i32
      %dma_wait3A_234 = tpu.memref_slice %arg2[%dma_wait3A_232, %dma_wait3A_233] : memref<125000x128xf32, #tpu.memory_space<hbm>> -> memref<1000x16xf32, #tpu.memory_space<hbm>>
      tpu.wait_dma2 semaphore(%arg5 : memref<!tpu.dma_semaphore, #tpu.memory_space<semaphore_mem>>) src(%dma_wait3A_234 : memref<1000x16xf32, #tpu.memory_space<hbm>>) dst(%dma_wait3A_231 : memref<1000x16xf32, #tpu.memory_space<vmem>>)
      %dma_wait3A_235 = arith.constant 7 : i32
      %dma_wait3A_236 = arith.constant 0 : i32
      %dma_wait3A_237 = arith.constant 0 : i32
      %dma_wait3A_238 = tpu.memref_slice %arg4[%dma_wait3A_235, %dma_wait3A_236, %dma_wait3A_237] : memref<8x1000x16xf32, #tpu.memory_space<vmem>> -> memref<1x1000x16xf32, #tpu.memory_space<vmem>>
      %dma_wait3A_239 = tpu.memref_squeeze %dma_wait3A_238 : memref<1x1000x16xf32, #tpu.memory_space<vmem>> -> memref<1000x16xf32, #tpu.memory_space<vmem>>
      %dma_wait3A_240 = arith.constant 0 : i32
      %dma_wait3A_241 = arith.constant 0 : i32
      %dma_wait3A_242 = tpu.memref_slice %arg2[%dma_wait3A_240, %dma_wait3A_241] : memref<125000x128xf32, #tpu.memory_space<hbm>> -> memref<1000x16xf32, #tpu.memory_space<hbm>>
      %dma_wait3A_243 = arith.constant 0 : i32
      %dma_wait3A_244 = arith.constant 0 : i32
      %dma_wait3A_245 = tpu.memref_slice %arg4[%dma_wait3A_235, %dma_wait3A_243, %dma_wait3A_244] : memref<8x1000x16xf32, #tpu.memory_space<vmem>> -> memref<1x1000x16xf32, #tpu.memory_space<vmem>>
      %dma_wait3A_246 = tpu.memref_squeeze %dma_wait3A_245 : memref<1x1000x16xf32, #tpu.memory_space<vmem>> -> memref<1000x16xf32, #tpu.memory_space<vmem>>
      %dma_wait3A_247 = arith.constant 0 : i32
      %dma_wait3A_248 = arith.constant 0 : i32
      %dma_wait3A_249 = tpu.memref_slice %arg2[%dma_wait3A_247, %dma_wait3A_248] : memref<125000x128xf32, #tpu.memory_space<hbm>> -> memref<1000x16xf32, #tpu.memory_space<hbm>>
      tpu.wait_dma2 semaphore(%arg5 : memref<!tpu.dma_semaphore, #tpu.memory_space<semaphore_mem>>) src(%dma_wait3A_249 : memref<1000x16xf32, #tpu.memory_space<hbm>>) dst(%dma_wait3A_246 : memref<1000x16xf32, #tpu.memory_space<vmem>>)
      %add3A_250 = arith.constant 0 : i32
      %add3A_251 = arith.addi %add3A_250, %mul3A_27 : i32
      %dma_start3A_252 = arith.constant 0 : i32
      %dma_start3A_253 = arith.constant 0 : i32
      %dma_start3A_254 = arith.constant 0 : i32
      %dma_start3A_255 = tpu.memref_slice %arg4[%dma_start3A_252, %dma_start3A_253, %dma_start3A_254] : memref<8x1000x16xf32, #tpu.memory_space<vmem>> -> memref<1x1000x16xf32, #tpu.memory_space<vmem>>
      %dma_start3A_256 = tpu.memref_squeeze %dma_start3A_255 : memref<1x1000x16xf32, #tpu.memory_space<vmem>> -> memref<1000x16xf32, #tpu.memory_space<vmem>>
      %dma_start3A_257 = arith.constant 0 : i32
      %dma_start3A_258 = tpu.memref_slice %arg3[%add3A_251, %dma_start3A_257] : memref<1000000x16xf32, #tpu.memory_space<hbm>> -> memref<1000x16xf32, #tpu.memory_space<hbm>>
      %dma_start3A_259 = arith.constant 0 : i32
      %dma_start3A_260 = tpu.memref_slice %arg3[%add3A_251, %dma_start3A_259] : memref<1000000x16xf32, #tpu.memory_space<hbm>> -> memref<1000x16xf32, #tpu.memory_space<hbm>>
      %dma_start3A_261 = arith.constant 0 : i32
      %dma_start3A_262 = arith.constant 0 : i32
      %dma_start3A_263 = tpu.memref_slice %arg4[%dma_start3A_252, %dma_start3A_261, %dma_start3A_262] : memref<8x1000x16xf32, #tpu.memory_space<vmem>> -> memref<1x1000x16xf32, #tpu.memory_space<vmem>>
      %dma_start3A_264 = tpu.memref_squeeze %dma_start3A_263 : memref<1x1000x16xf32, #tpu.memory_space<vmem>> -> memref<1000x16xf32, #tpu.memory_space<vmem>>
      tpu.enqueue_dma source(%dma_start3A_264 : memref<1000x16xf32, #tpu.memory_space<vmem>>) target(%dma_start3A_260 : memref<1000x16xf32, #tpu.memory_space<hbm>>) target_semaphore(%arg5 : memref<!tpu.dma_semaphore, #tpu.memory_space<semaphore_mem>>)
      %add3A_265 = arith.constant 125000 : i32
      %add3A_266 = arith.addi %add3A_265, %mul3A_27 : i32
      %dma_start3A_267 = arith.constant 1 : i32
      %dma_start3A_268 = arith.constant 0 : i32
      %dma_start3A_269 = arith.constant 0 : i32
      %dma_start3A_270 = tpu.memref_slice %arg4[%dma_start3A_267, %dma_start3A_268, %dma_start3A_269] : memref<8x1000x16xf32, #tpu.memory_space<vmem>> -> memref<1x1000x16xf32, #tpu.memory_space<vmem>>
      %dma_start3A_271 = tpu.memref_squeeze %dma_start3A_270 : memref<1x1000x16xf32, #tpu.memory_space<vmem>> -> memref<1000x16xf32, #tpu.memory_space<vmem>>
      %dma_start3A_272 = arith.constant 0 : i32
      %dma_start3A_273 = tpu.memref_slice %arg3[%add3A_266, %dma_start3A_272] : memref<1000000x16xf32, #tpu.memory_space<hbm>> -> memref<1000x16xf32, #tpu.memory_space<hbm>>
      %dma_start3A_274 = arith.constant 0 : i32
      %dma_start3A_275 = tpu.memref_slice %arg3[%add3A_266, %dma_start3A_274] : memref<1000000x16xf32, #tpu.memory_space<hbm>> -> memref<1000x16xf32, #tpu.memory_space<hbm>>
      %dma_start3A_276 = arith.constant 0 : i32
      %dma_start3A_277 = arith.constant 0 : i32
      %dma_start3A_278 = tpu.memref_slice %arg4[%dma_start3A_267, %dma_start3A_276, %dma_start3A_277] : memref<8x1000x16xf32, #tpu.memory_space<vmem>> -> memref<1x1000x16xf32, #tpu.memory_space<vmem>>
      %dma_start3A_279 = tpu.memref_squeeze %dma_start3A_278 : memref<1x1000x16xf32, #tpu.memory_space<vmem>> -> memref<1000x16xf32, #tpu.memory_space<vmem>>
      tpu.enqueue_dma source(%dma_start3A_279 : memref<1000x16xf32, #tpu.memory_space<vmem>>) target(%dma_start3A_275 : memref<1000x16xf32, #tpu.memory_space<hbm>>) target_semaphore(%arg5 : memref<!tpu.dma_semaphore, #tpu.memory_space<semaphore_mem>>)
      %add3A_280 = arith.constant 250000 : i32
      %add3A_281 = arith.addi %add3A_280, %mul3A_27 : i32
      %dma_start3A_282 = arith.constant 2 : i32
      %dma_start3A_283 = arith.constant 0 : i32
      %dma_start3A_284 = arith.constant 0 : i32
      %dma_start3A_285 = tpu.memref_slice %arg4[%dma_start3A_282, %dma_start3A_283, %dma_start3A_284] : memref<8x1000x16xf32, #tpu.memory_space<vmem>> -> memref<1x1000x16xf32, #tpu.memory_space<vmem>>
      %dma_start3A_286 = tpu.memref_squeeze %dma_start3A_285 : memref<1x1000x16xf32, #tpu.memory_space<vmem>> -> memref<1000x16xf32, #tpu.memory_space<vmem>>
      %dma_start3A_287 = arith.constant 0 : i32
      %dma_start3A_288 = tpu.memref_slice %arg3[%add3A_281, %dma_start3A_287] : memref<1000000x16xf32, #tpu.memory_space<hbm>> -> memref<1000x16xf32, #tpu.memory_space<hbm>>
      %dma_start3A_289 = arith.constant 0 : i32
      %dma_start3A_290 = tpu.memref_slice %arg3[%add3A_281, %dma_start3A_289] : memref<1000000x16xf32, #tpu.memory_space<hbm>> -> memref<1000x16xf32, #tpu.memory_space<hbm>>
      %dma_start3A_291 = arith.constant 0 : i32
      %dma_start3A_292 = arith.constant 0 : i32
      %dma_start3A_293 = tpu.memref_slice %arg4[%dma_start3A_282, %dma_start3A_291, %dma_start3A_292] : memref<8x1000x16xf32, #tpu.memory_space<vmem>> -> memref<1x1000x16xf32, #tpu.memory_space<vmem>>
      %dma_start3A_294 = tpu.memref_squeeze %dma_start3A_293 : memref<1x1000x16xf32, #tpu.memory_space<vmem>> -> memref<1000x16xf32, #tpu.memory_space<vmem>>
      tpu.enqueue_dma source(%dma_start3A_294 : memref<1000x16xf32, #tpu.memory_space<vmem>>) target(%dma_start3A_290 : memref<1000x16xf32, #tpu.memory_space<hbm>>) target_semaphore(%arg5 : memref<!tpu.dma_semaphore, #tpu.memory_space<semaphore_mem>>)
      %add3A_295 = arith.constant 375000 : i32
      %add3A_296 = arith.addi %add3A_295, %mul3A_27 : i32
      %dma_start3A_297 = arith.constant 3 : i32
      %dma_start3A_298 = arith.constant 0 : i32
      %dma_start3A_299 = arith.constant 0 : i32
      %dma_start3A_300 = tpu.memref_slice %arg4[%dma_start3A_297, %dma_start3A_298, %dma_start3A_299] : memref<8x1000x16xf32, #tpu.memory_space<vmem>> -> memref<1x1000x16xf32, #tpu.memory_space<vmem>>
      %dma_start3A_301 = tpu.memref_squeeze %dma_start3A_300 : memref<1x1000x16xf32, #tpu.memory_space<vmem>> -> memref<1000x16xf32, #tpu.memory_space<vmem>>
      %dma_start3A_302 = arith.constant 0 : i32
      %dma_start3A_303 = tpu.memref_slice %arg3[%add3A_296, %dma_start3A_302] : memref<1000000x16xf32, #tpu.memory_space<hbm>> -> memref<1000x16xf32, #tpu.memory_space<hbm>>
      %dma_start3A_304 = arith.constant 0 : i32
      %dma_start3A_305 = tpu.memref_slice %arg3[%add3A_296, %dma_start3A_304] : memref<1000000x16xf32, #tpu.memory_space<hbm>> -> memref<1000x16xf32, #tpu.memory_space<hbm>>
      %dma_start3A_306 = arith.constant 0 : i32
      %dma_start3A_307 = arith.constant 0 : i32
      %dma_start3A_308 = tpu.memref_slice %arg4[%dma_start3A_297, %dma_start3A_306, %dma_start3A_307] : memref<8x1000x16xf32, #tpu.memory_space<vmem>> -> memref<1x1000x16xf32, #tpu.memory_space<vmem>>
      %dma_start3A_309 = tpu.memref_squeeze %dma_start3A_308 : memref<1x1000x16xf32, #tpu.memory_space<vmem>> -> memref<1000x16xf32, #tpu.memory_space<vmem>>
      tpu.enqueue_dma source(%dma_start3A_309 : memref<1000x16xf32, #tpu.memory_space<vmem>>) target(%dma_start3A_305 : memref<1000x16xf32, #tpu.memory_space<hbm>>) target_semaphore(%arg5 : memref<!tpu.dma_semaphore, #tpu.memory_space<semaphore_mem>>)
      %add3A_310 = arith.constant 500000 : i32
      %add3A_311 = arith.addi %add3A_310, %mul3A_27 : i32
      %dma_start3A_312 = arith.constant 4 : i32
      %dma_start3A_313 = arith.constant 0 : i32
      %dma_start3A_314 = arith.constant 0 : i32
      %dma_start3A_315 = tpu.memref_slice %arg4[%dma_start3A_312, %dma_start3A_313, %dma_start3A_314] : memref<8x1000x16xf32, #tpu.memory_space<vmem>> -> memref<1x1000x16xf32, #tpu.memory_space<vmem>>
      %dma_start3A_316 = tpu.memref_squeeze %dma_start3A_315 : memref<1x1000x16xf32, #tpu.memory_space<vmem>> -> memref<1000x16xf32, #tpu.memory_space<vmem>>
      %dma_start3A_317 = arith.constant 0 : i32
      %dma_start3A_318 = tpu.memref_slice %arg3[%add3A_311, %dma_start3A_317] : memref<1000000x16xf32, #tpu.memory_space<hbm>> -> memref<1000x16xf32, #tpu.memory_space<hbm>>
      %dma_start3A_319 = arith.constant 0 : i32
      %dma_start3A_320 = tpu.memref_slice %arg3[%add3A_311, %dma_start3A_319] : memref<1000000x16xf32, #tpu.memory_space<hbm>> -> memref<1000x16xf32, #tpu.memory_space<hbm>>
      %dma_start3A_321 = arith.constant 0 : i32
      %dma_start3A_322 = arith.constant 0 : i32
      %dma_start3A_323 = tpu.memref_slice %arg4[%dma_start3A_312, %dma_start3A_321, %dma_start3A_322] : memref<8x1000x16xf32, #tpu.memory_space<vmem>> -> memref<1x1000x16xf32, #tpu.memory_space<vmem>>
      %dma_start3A_324 = tpu.memref_squeeze %dma_start3A_323 : memref<1x1000x16xf32, #tpu.memory_space<vmem>> -> memref<1000x16xf32, #tpu.memory_space<vmem>>
      tpu.enqueue_dma source(%dma_start3A_324 : memref<1000x16xf32, #tpu.memory_space<vmem>>) target(%dma_start3A_320 : memref<1000x16xf32, #tpu.memory_space<hbm>>) target_semaphore(%arg5 : memref<!tpu.dma_semaphore, #tpu.memory_space<semaphore_mem>>)
      %add3A_325 = arith.constant 625000 : i32
      %add3A_326 = arith.addi %add3A_325, %mul3A_27 : i32
      %dma_start3A_327 = arith.constant 5 : i32
      %dma_start3A_328 = arith.constant 0 : i32
      %dma_start3A_329 = arith.constant 0 : i32
      %dma_start3A_330 = tpu.memref_slice %arg4[%dma_start3A_327, %dma_start3A_328, %dma_start3A_329] : memref<8x1000x16xf32, #tpu.memory_space<vmem>> -> memref<1x1000x16xf32, #tpu.memory_space<vmem>>
      %dma_start3A_331 = tpu.memref_squeeze %dma_start3A_330 : memref<1x1000x16xf32, #tpu.memory_space<vmem>> -> memref<1000x16xf32, #tpu.memory_space<vmem>>
      %dma_start3A_332 = arith.constant 0 : i32
      %dma_start3A_333 = tpu.memref_slice %arg3[%add3A_326, %dma_start3A_332] : memref<1000000x16xf32, #tpu.memory_space<hbm>> -> memref<1000x16xf32, #tpu.memory_space<hbm>>
      %dma_start3A_334 = arith.constant 0 : i32
      %dma_start3A_335 = tpu.memref_slice %arg3[%add3A_326, %dma_start3A_334] : memref<1000000x16xf32, #tpu.memory_space<hbm>> -> memref<1000x16xf32, #tpu.memory_space<hbm>>
      %dma_start3A_336 = arith.constant 0 : i32
      %dma_start3A_337 = arith.constant 0 : i32
      %dma_start3A_338 = tpu.memref_slice %arg4[%dma_start3A_327, %dma_start3A_336, %dma_start3A_337] : memref<8x1000x16xf32, #tpu.memory_space<vmem>> -> memref<1x1000x16xf32, #tpu.memory_space<vmem>>
      %dma_start3A_339 = tpu.memref_squeeze %dma_start3A_338 : memref<1x1000x16xf32, #tpu.memory_space<vmem>> -> memref<1000x16xf32, #tpu.memory_space<vmem>>
      tpu.enqueue_dma source(%dma_start3A_339 : memref<1000x16xf32, #tpu.memory_space<vmem>>) target(%dma_start3A_335 : memref<1000x16xf32, #tpu.memory_space<hbm>>) target_semaphore(%arg5 : memref<!tpu.dma_semaphore, #tpu.memory_space<semaphore_mem>>)
      %add3A_340 = arith.constant 750000 : i32
      %add3A_341 = arith.addi %add3A_340, %mul3A_27 : i32
      %dma_start3A_342 = arith.constant 6 : i32
      %dma_start3A_343 = arith.constant 0 : i32
      %dma_start3A_344 = arith.constant 0 : i32
      %dma_start3A_345 = tpu.memref_slice %arg4[%dma_start3A_342, %dma_start3A_343, %dma_start3A_344] : memref<8x1000x16xf32, #tpu.memory_space<vmem>> -> memref<1x1000x16xf32, #tpu.memory_space<vmem>>
      %dma_start3A_346 = tpu.memref_squeeze %dma_start3A_345 : memref<1x1000x16xf32, #tpu.memory_space<vmem>> -> memref<1000x16xf32, #tpu.memory_space<vmem>>
      %dma_start3A_347 = arith.constant 0 : i32
      %dma_start3A_348 = tpu.memref_slice %arg3[%add3A_341, %dma_start3A_347] : memref<1000000x16xf32, #tpu.memory_space<hbm>> -> memref<1000x16xf32, #tpu.memory_space<hbm>>
      %dma_start3A_349 = arith.constant 0 : i32
      %dma_start3A_350 = tpu.memref_slice %arg3[%add3A_341, %dma_start3A_349] : memref<1000000x16xf32, #tpu.memory_space<hbm>> -> memref<1000x16xf32, #tpu.memory_space<hbm>>
      %dma_start3A_351 = arith.constant 0 : i32
      %dma_start3A_352 = arith.constant 0 : i32
      %dma_start3A_353 = tpu.memref_slice %arg4[%dma_start3A_342, %dma_start3A_351, %dma_start3A_352] : memref<8x1000x16xf32, #tpu.memory_space<vmem>> -> memref<1x1000x16xf32, #tpu.memory_space<vmem>>
      %dma_start3A_354 = tpu.memref_squeeze %dma_start3A_353 : memref<1x1000x16xf32, #tpu.memory_space<vmem>> -> memref<1000x16xf32, #tpu.memory_space<vmem>>
      tpu.enqueue_dma source(%dma_start3A_354 : memref<1000x16xf32, #tpu.memory_space<vmem>>) target(%dma_start3A_350 : memref<1000x16xf32, #tpu.memory_space<hbm>>) target_semaphore(%arg5 : memref<!tpu.dma_semaphore, #tpu.memory_space<semaphore_mem>>)
      %add3A_355 = arith.constant 875000 : i32
      %add3A_356 = arith.addi %add3A_355, %mul3A_27 : i32
      %dma_start3A_357 = arith.constant 7 : i32
      %dma_start3A_358 = arith.constant 0 : i32
      %dma_start3A_359 = arith.constant 0 : i32
      %dma_start3A_360 = tpu.memref_slice %arg4[%dma_start3A_357, %dma_start3A_358, %dma_start3A_359] : memref<8x1000x16xf32, #tpu.memory_space<vmem>> -> memref<1x1000x16xf32, #tpu.memory_space<vmem>>
      %dma_start3A_361 = tpu.memref_squeeze %dma_start3A_360 : memref<1x1000x16xf32, #tpu.memory_space<vmem>> -> memref<1000x16xf32, #tpu.memory_space<vmem>>
      %dma_start3A_362 = arith.constant 0 : i32
      %dma_start3A_363 = tpu.memref_slice %arg3[%add3A_356, %dma_start3A_362] : memref<1000000x16xf32, #tpu.memory_space<hbm>> -> memref<1000x16xf32, #tpu.memory_space<hbm>>
      %dma_start3A_364 = arith.constant 0 : i32
      %dma_start3A_365 = tpu.memref_slice %arg3[%add3A_356, %dma_start3A_364] : memref<1000000x16xf32, #tpu.memory_space<hbm>> -> memref<1000x16xf32, #tpu.memory_space<hbm>>
      %dma_start3A_366 = arith.constant 0 : i32
      %dma_start3A_367 = arith.constant 0 : i32
      %dma_start3A_368 = tpu.memref_slice %arg4[%dma_start3A_357, %dma_start3A_366, %dma_start3A_367] : memref<8x1000x16xf32, #tpu.memory_space<vmem>> -> memref<1x1000x16xf32, #tpu.memory_space<vmem>>
      %dma_start3A_369 = tpu.memref_squeeze %dma_start3A_368 : memref<1x1000x16xf32, #tpu.memory_space<vmem>> -> memref<1000x16xf32, #tpu.memory_space<vmem>>
      tpu.enqueue_dma source(%dma_start3A_369 : memref<1000x16xf32, #tpu.memory_space<vmem>>) target(%dma_start3A_365 : memref<1000x16xf32, #tpu.memory_space<hbm>>) target_semaphore(%arg5 : memref<!tpu.dma_semaphore, #tpu.memory_space<semaphore_mem>>)
      %dma_wait3A_370 = arith.constant 0 : i32
      %dma_wait3A_371 = arith.constant 0 : i32
      %dma_wait3A_372 = arith.constant 0 : i32
      %dma_wait3A_373 = tpu.memref_slice %arg4[%dma_wait3A_370, %dma_wait3A_371, %dma_wait3A_372] : memref<8x1000x16xf32, #tpu.memory_space<vmem>> -> memref<1x1000x16xf32, #tpu.memory_space<vmem>>
      %dma_wait3A_374 = tpu.memref_squeeze %dma_wait3A_373 : memref<1x1000x16xf32, #tpu.memory_space<vmem>> -> memref<1000x16xf32, #tpu.memory_space<vmem>>
      %dma_wait3A_375 = arith.constant 0 : i32
      %dma_wait3A_376 = arith.constant 0 : i32
      %dma_wait3A_377 = tpu.memref_slice %arg3[%dma_wait3A_375, %dma_wait3A_376] : memref<1000000x16xf32, #tpu.memory_space<hbm>> -> memref<1000x16xf32, #tpu.memory_space<hbm>>
      %dma_wait3A_378 = arith.constant 0 : i32
      %dma_wait3A_379 = arith.constant 0 : i32
      %dma_wait3A_380 = tpu.memref_slice %arg3[%dma_wait3A_378, %dma_wait3A_379] : memref<1000000x16xf32, #tpu.memory_space<hbm>> -> memref<1000x16xf32, #tpu.memory_space<hbm>>
      %dma_wait3A_381 = arith.constant 0 : i32
      %dma_wait3A_382 = arith.constant 0 : i32
      %dma_wait3A_383 = tpu.memref_slice %arg4[%dma_wait3A_370, %dma_wait3A_381, %dma_wait3A_382] : memref<8x1000x16xf32, #tpu.memory_space<vmem>> -> memref<1x1000x16xf32, #tpu.memory_space<vmem>>
      %dma_wait3A_384 = tpu.memref_squeeze %dma_wait3A_383 : memref<1x1000x16xf32, #tpu.memory_space<vmem>> -> memref<1000x16xf32, #tpu.memory_space<vmem>>
      tpu.wait_dma2 semaphore(%arg5 : memref<!tpu.dma_semaphore, #tpu.memory_space<semaphore_mem>>) src(%dma_wait3A_384 : memref<1000x16xf32, #tpu.memory_space<vmem>>) dst(%dma_wait3A_380 : memref<1000x16xf32, #tpu.memory_space<hbm>>)
      %dma_wait3A_385 = arith.constant 1 : i32
      %dma_wait3A_386 = arith.constant 0 : i32
      %dma_wait3A_387 = arith.constant 0 : i32
      %dma_wait3A_388 = tpu.memref_slice %arg4[%dma_wait3A_385, %dma_wait3A_386, %dma_wait3A_387] : memref<8x1000x16xf32, #tpu.memory_space<vmem>> -> memref<1x1000x16xf32, #tpu.memory_space<vmem>>
      %dma_wait3A_389 = tpu.memref_squeeze %dma_wait3A_388 : memref<1x1000x16xf32, #tpu.memory_space<vmem>> -> memref<1000x16xf32, #tpu.memory_space<vmem>>
      %dma_wait3A_390 = arith.constant 0 : i32
      %dma_wait3A_391 = arith.constant 0 : i32
      %dma_wait3A_392 = tpu.memref_slice %arg3[%dma_wait3A_390, %dma_wait3A_391] : memref<1000000x16xf32, #tpu.memory_space<hbm>> -> memref<1000x16xf32, #tpu.memory_space<hbm>>
      %dma_wait3A_393 = arith.constant 0 : i32
      %dma_wait3A_394 = arith.constant 0 : i32
      %dma_wait3A_395 = tpu.memref_slice %arg3[%dma_wait3A_393, %dma_wait3A_394] : memref<1000000x16xf32, #tpu.memory_space<hbm>> -> memref<1000x16xf32, #tpu.memory_space<hbm>>
      %dma_wait3A_396 = arith.constant 0 : i32
      %dma_wait3A_397 = arith.constant 0 : i32
      %dma_wait3A_398 = tpu.memref_slice %arg4[%dma_wait3A_385, %dma_wait3A_396, %dma_wait3A_397] : memref<8x1000x16xf32, #tpu.memory_space<vmem>> -> memref<1x1000x16xf32, #tpu.memory_space<vmem>>
      %dma_wait3A_399 = tpu.memref_squeeze %dma_wait3A_398 : memref<1x1000x16xf32, #tpu.memory_space<vmem>> -> memref<1000x16xf32, #tpu.memory_space<vmem>>
      tpu.wait_dma2 semaphore(%arg5 : memref<!tpu.dma_semaphore, #tpu.memory_space<semaphore_mem>>) src(%dma_wait3A_399 : memref<1000x16xf32, #tpu.memory_space<vmem>>) dst(%dma_wait3A_395 : memref<1000x16xf32, #tpu.memory_space<hbm>>)
      %dma_wait3A_400 = arith.constant 2 : i32
      %dma_wait3A_401 = arith.constant 0 : i32
      %dma_wait3A_402 = arith.constant 0 : i32
      %dma_wait3A_403 = tpu.memref_slice %arg4[%dma_wait3A_400, %dma_wait3A_401, %dma_wait3A_402] : memref<8x1000x16xf32, #tpu.memory_space<vmem>> -> memref<1x1000x16xf32, #tpu.memory_space<vmem>>
      %dma_wait3A_404 = tpu.memref_squeeze %dma_wait3A_403 : memref<1x1000x16xf32, #tpu.memory_space<vmem>> -> memref<1000x16xf32, #tpu.memory_space<vmem>>
      %dma_wait3A_405 = arith.constant 0 : i32
      %dma_wait3A_406 = arith.constant 0 : i32
      %dma_wait3A_407 = tpu.memref_slice %arg3[%dma_wait3A_405, %dma_wait3A_406] : memref<1000000x16xf32, #tpu.memory_space<hbm>> -> memref<1000x16xf32, #tpu.memory_space<hbm>>
      %dma_wait3A_408 = arith.constant 0 : i32
      %dma_wait3A_409 = arith.constant 0 : i32
      %dma_wait3A_410 = tpu.memref_slice %arg3[%dma_wait3A_408, %dma_wait3A_409] : memref<1000000x16xf32, #tpu.memory_space<hbm>> -> memref<1000x16xf32, #tpu.memory_space<hbm>>
      %dma_wait3A_411 = arith.constant 0 : i32
      %dma_wait3A_412 = arith.constant 0 : i32
      %dma_wait3A_413 = tpu.memref_slice %arg4[%dma_wait3A_400, %dma_wait3A_411, %dma_wait3A_412] : memref<8x1000x16xf32, #tpu.memory_space<vmem>> -> memref<1x1000x16xf32, #tpu.memory_space<vmem>>
      %dma_wait3A_414 = tpu.memref_squeeze %dma_wait3A_413 : memref<1x1000x16xf32, #tpu.memory_space<vmem>> -> memref<1000x16xf32, #tpu.memory_space<vmem>>
      tpu.wait_dma2 semaphore(%arg5 : memref<!tpu.dma_semaphore, #tpu.memory_space<semaphore_mem>>) src(%dma_wait3A_414 : memref<1000x16xf32, #tpu.memory_space<vmem>>) dst(%dma_wait3A_410 : memref<1000x16xf32, #tpu.memory_space<hbm>>)
      %dma_wait3A_415 = arith.constant 3 : i32
      %dma_wait3A_416 = arith.constant 0 : i32
      %dma_wait3A_417 = arith.constant 0 : i32
      %dma_wait3A_418 = tpu.memref_slice %arg4[%dma_wait3A_415, %dma_wait3A_416, %dma_wait3A_417] : memref<8x1000x16xf32, #tpu.memory_space<vmem>> -> memref<1x1000x16xf32, #tpu.memory_space<vmem>>
      %dma_wait3A_419 = tpu.memref_squeeze %dma_wait3A_418 : memref<1x1000x16xf32, #tpu.memory_space<vmem>> -> memref<1000x16xf32, #tpu.memory_space<vmem>>
      %dma_wait3A_420 = arith.constant 0 : i32
      %dma_wait3A_421 = arith.constant 0 : i32
      %dma_wait3A_422 = tpu.memref_slice %arg3[%dma_wait3A_420, %dma_wait3A_421] : memref<1000000x16xf32, #tpu.memory_space<hbm>> -> memref<1000x16xf32, #tpu.memory_space<hbm>>
      %dma_wait3A_423 = arith.constant 0 : i32
      %dma_wait3A_424 = arith.constant 0 : i32
      %dma_wait3A_425 = tpu.memref_slice %arg3[%dma_wait3A_423, %dma_wait3A_424] : memref<1000000x16xf32, #tpu.memory_space<hbm>> -> memref<1000x16xf32, #tpu.memory_space<hbm>>
      %dma_wait3A_426 = arith.constant 0 : i32
      %dma_wait3A_427 = arith.constant 0 : i32
      %dma_wait3A_428 = tpu.memref_slice %arg4[%dma_wait3A_415, %dma_wait3A_426, %dma_wait3A_427] : memref<8x1000x16xf32, #tpu.memory_space<vmem>> -> memref<1x1000x16xf32, #tpu.memory_space<vmem>>
      %dma_wait3A_429 = tpu.memref_squeeze %dma_wait3A_428 : memref<1x1000x16xf32, #tpu.memory_space<vmem>> -> memref<1000x16xf32, #tpu.memory_space<vmem>>
      tpu.wait_dma2 semaphore(%arg5 : memref<!tpu.dma_semaphore, #tpu.memory_space<semaphore_mem>>) src(%dma_wait3A_429 : memref<1000x16xf32, #tpu.memory_space<vmem>>) dst(%dma_wait3A_425 : memref<1000x16xf32, #tpu.memory_space<hbm>>)
      %dma_wait3A_430 = arith.constant 4 : i32
      %dma_wait3A_431 = arith.constant 0 : i32
      %dma_wait3A_432 = arith.constant 0 : i32
      %dma_wait3A_433 = tpu.memref_slice %arg4[%dma_wait3A_430, %dma_wait3A_431, %dma_wait3A_432] : memref<8x1000x16xf32, #tpu.memory_space<vmem>> -> memref<1x1000x16xf32, #tpu.memory_space<vmem>>
      %dma_wait3A_434 = tpu.memref_squeeze %dma_wait3A_433 : memref<1x1000x16xf32, #tpu.memory_space<vmem>> -> memref<1000x16xf32, #tpu.memory_space<vmem>>
      %dma_wait3A_435 = arith.constant 0 : i32
      %dma_wait3A_436 = arith.constant 0 : i32
      %dma_wait3A_437 = tpu.memref_slice %arg3[%dma_wait3A_435, %dma_wait3A_436] : memref<1000000x16xf32, #tpu.memory_space<hbm>> -> memref<1000x16xf32, #tpu.memory_space<hbm>>
      %dma_wait3A_438 = arith.constant 0 : i32
      %dma_wait3A_439 = arith.constant 0 : i32
      %dma_wait3A_440 = tpu.memref_slice %arg3[%dma_wait3A_438, %dma_wait3A_439] : memref<1000000x16xf32, #tpu.memory_space<hbm>> -> memref<1000x16xf32, #tpu.memory_space<hbm>>
      %dma_wait3A_441 = arith.constant 0 : i32
      %dma_wait3A_442 = arith.constant 0 : i32
      %dma_wait3A_443 = tpu.memref_slice %arg4[%dma_wait3A_430, %dma_wait3A_441, %dma_wait3A_442] : memref<8x1000x16xf32, #tpu.memory_space<vmem>> -> memref<1x1000x16xf32, #tpu.memory_space<vmem>>
      %dma_wait3A_444 = tpu.memref_squeeze %dma_wait3A_443 : memref<1x1000x16xf32, #tpu.memory_space<vmem>> -> memref<1000x16xf32, #tpu.memory_space<vmem>>
      tpu.wait_dma2 semaphore(%arg5 : memref<!tpu.dma_semaphore, #tpu.memory_space<semaphore_mem>>) src(%dma_wait3A_444 : memref<1000x16xf32, #tpu.memory_space<vmem>>) dst(%dma_wait3A_440 : memref<1000x16xf32, #tpu.memory_space<hbm>>)
      %dma_wait3A_445 = arith.constant 5 : i32
      %dma_wait3A_446 = arith.constant 0 : i32
      %dma_wait3A_447 = arith.constant 0 : i32
      %dma_wait3A_448 = tpu.memref_slice %arg4[%dma_wait3A_445, %dma_wait3A_446, %dma_wait3A_447] : memref<8x1000x16xf32, #tpu.memory_space<vmem>> -> memref<1x1000x16xf32, #tpu.memory_space<vmem>>
      %dma_wait3A_449 = tpu.memref_squeeze %dma_wait3A_448 : memref<1x1000x16xf32, #tpu.memory_space<vmem>> -> memref<1000x16xf32, #tpu.memory_space<vmem>>
      %dma_wait3A_450 = arith.constant 0 : i32
      %dma_wait3A_451 = arith.constant 0 : i32
      %dma_wait3A_452 = tpu.memref_slice %arg3[%dma_wait3A_450, %dma_wait3A_451] : memref<1000000x16xf32, #tpu.memory_space<hbm>> -> memref<1000x16xf32, #tpu.memory_space<hbm>>
      %dma_wait3A_453 = arith.constant 0 : i32
      %dma_wait3A_454 = arith.constant 0 : i32
      %dma_wait3A_455 = tpu.memref_slice %arg3[%dma_wait3A_453, %dma_wait3A_454] : memref<1000000x16xf32, #tpu.memory_space<hbm>> -> memref<1000x16xf32, #tpu.memory_space<hbm>>
      %dma_wait3A_456 = arith.constant 0 : i32
      %dma_wait3A_457 = arith.constant 0 : i32
      %dma_wait3A_458 = tpu.memref_slice %arg4[%dma_wait3A_445, %dma_wait3A_456, %dma_wait3A_457] : memref<8x1000x16xf32, #tpu.memory_space<vmem>> -> memref<1x1000x16xf32, #tpu.memory_space<vmem>>
      %dma_wait3A_459 = tpu.memref_squeeze %dma_wait3A_458 : memref<1x1000x16xf32, #tpu.memory_space<vmem>> -> memref<1000x16xf32, #tpu.memory_space<vmem>>
      tpu.wait_dma2 semaphore(%arg5 : memref<!tpu.dma_semaphore, #tpu.memory_space<semaphore_mem>>) src(%dma_wait3A_459 : memref<1000x16xf32, #tpu.memory_space<vmem>>) dst(%dma_wait3A_455 : memref<1000x16xf32, #tpu.memory_space<hbm>>)
      %dma_wait3A_460 = arith.constant 6 : i32
      %dma_wait3A_461 = arith.constant 0 : i32
      %dma_wait3A_462 = arith.constant 0 : i32
      %dma_wait3A_463 = tpu.memref_slice %arg4[%dma_wait3A_460, %dma_wait3A_461, %dma_wait3A_462] : memref<8x1000x16xf32, #tpu.memory_space<vmem>> -> memref<1x1000x16xf32, #tpu.memory_space<vmem>>
      %dma_wait3A_464 = tpu.memref_squeeze %dma_wait3A_463 : memref<1x1000x16xf32, #tpu.memory_space<vmem>> -> memref<1000x16xf32, #tpu.memory_space<vmem>>
      %dma_wait3A_465 = arith.constant 0 : i32
      %dma_wait3A_466 = arith.constant 0 : i32
      %dma_wait3A_467 = tpu.memref_slice %arg3[%dma_wait3A_465, %dma_wait3A_466] : memref<1000000x16xf32, #tpu.memory_space<hbm>> -> memref<1000x16xf32, #tpu.memory_space<hbm>>
      %dma_wait3A_468 = arith.constant 0 : i32
      %dma_wait3A_469 = arith.constant 0 : i32
      %dma_wait3A_470 = tpu.memref_slice %arg3[%dma_wait3A_468, %dma_wait3A_469] : memref<1000000x16xf32, #tpu.memory_space<hbm>> -> memref<1000x16xf32, #tpu.memory_space<hbm>>
      %dma_wait3A_471 = arith.constant 0 : i32
      %dma_wait3A_472 = arith.constant 0 : i32
      %dma_wait3A_473 = tpu.memref_slice %arg4[%dma_wait3A_460, %dma_wait3A_471, %dma_wait3A_472] : memref<8x1000x16xf32, #tpu.memory_space<vmem>> -> memref<1x1000x16xf32, #tpu.memory_space<vmem>>
      %dma_wait3A_474 = tpu.memref_squeeze %dma_wait3A_473 : memref<1x1000x16xf32, #tpu.memory_space<vmem>> -> memref<1000x16xf32, #tpu.memory_space<vmem>>
      tpu.wait_dma2 semaphore(%arg5 : memref<!tpu.dma_semaphore, #tpu.memory_space<semaphore_mem>>) src(%dma_wait3A_474 : memref<1000x16xf32, #tpu.memory_space<vmem>>) dst(%dma_wait3A_470 : memref<1000x16xf32, #tpu.memory_space<hbm>>)
      %dma_wait3A_475 = arith.constant 7 : i32
      %dma_wait3A_476 = arith.constant 0 : i32
      %dma_wait3A_477 = arith.constant 0 : i32
      %dma_wait3A_478 = tpu.memref_slice %arg4[%dma_wait3A_475, %dma_wait3A_476, %dma_wait3A_477] : memref<8x1000x16xf32, #tpu.memory_space<vmem>> -> memref<1x1000x16xf32, #tpu.memory_space<vmem>>
      %dma_wait3A_479 = tpu.memref_squeeze %dma_wait3A_478 : memref<1x1000x16xf32, #tpu.memory_space<vmem>> -> memref<1000x16xf32, #tpu.memory_space<vmem>>
      %dma_wait3A_480 = arith.constant 0 : i32
      %dma_wait3A_481 = arith.constant 0 : i32
      %dma_wait3A_482 = tpu.memref_slice %arg3[%dma_wait3A_480, %dma_wait3A_481] : memref<1000000x16xf32, #tpu.memory_space<hbm>> -> memref<1000x16xf32, #tpu.memory_space<hbm>>
      %dma_wait3A_483 = arith.constant 0 : i32
      %dma_wait3A_484 = arith.constant 0 : i32
      %dma_wait3A_485 = tpu.memref_slice %arg3[%dma_wait3A_483, %dma_wait3A_484] : memref<1000000x16xf32, #tpu.memory_space<hbm>> -> memref<1000x16xf32, #tpu.memory_space<hbm>>
      %dma_wait3A_486 = arith.constant 0 : i32
      %dma_wait3A_487 = arith.constant 0 : i32
      %dma_wait3A_488 = tpu.memref_slice %arg4[%dma_wait3A_475, %dma_wait3A_486, %dma_wait3A_487] : memref<8x1000x16xf32, #tpu.memory_space<vmem>> -> memref<1x1000x16xf32, #tpu.memory_space<vmem>>
      %dma_wait3A_489 = tpu.memref_squeeze %dma_wait3A_488 : memref<1x1000x16xf32, #tpu.memory_space<vmem>> -> memref<1000x16xf32, #tpu.memory_space<vmem>>
      tpu.wait_dma2 semaphore(%arg5 : memref<!tpu.dma_semaphore, #tpu.memory_space<semaphore_mem>>) src(%dma_wait3A_489 : memref<1000x16xf32, #tpu.memory_space<vmem>>) dst(%dma_wait3A_485 : memref<1000x16xf32, #tpu.memory_space<hbm>>)
    } else {
    }
    return
  }
}

module attributes {stable_mosaic.version = 14 : i64} {
  func.func @_fold_body(%arg0: i32, %arg1: memref<8000x64xf32, #tpu.memory_space<vmem>>, %arg2: memref<128x64xf32, #tpu.memory_space<vmem>>, %arg3: memref<5x128xf32, #tpu.memory_space<vmem>>, %arg4: memref<1000x128xf32, #tpu.memory_space<vmem>>) attributes {dimension_semantics = [#tpu.dimension_semantics<arbitrary>], iteration_bounds = array<i64: 125>, scalar_prefetch = 0 : i64, scratch_operands = 0 : i64, tpu.core_type = #tpu.core_type<tc>, window_params = [{transform_indices = @transform_0, window_bounds = array<i64: 8000, 64>}, {pipeline_mode = #tpu.pipeline_mode<synchronous>, transform_indices = @transform_1, window_bounds = array<i64: 128, 64>}, {pipeline_mode = #tpu.pipeline_mode<synchronous>, transform_indices = @transform_2, window_bounds = array<i64: 5, 128>}, {transform_indices = @transform_3, window_bounds = array<i64: 1000, 128>}]} {
    %get3A = arith.constant 0 : index
    %get3A_0 = arith.constant 0 : index
    %get3A_1 = vector.load %arg3[%get3A, %get3A_0] : memref<5x128xf32, #tpu.memory_space<vmem>>, vector<5x128xf32>
    %broadcast_in_dim3A = arith.constant 0.000000e+00 : f32
    %broadcast_in_dim3A_2 = vector.broadcast %broadcast_in_dim3A : f32 to vector<11x128xf32>
    %concatenate3A = tpu.concatenate %get3A_1, %broadcast_in_dim3A_2 in 0 : vector<5x128xf32>, vector<11x128xf32> -> vector<16x128xf32>
    %get3A_3 = arith.constant 0 : index
    %get3A_4 = arith.constant 0 : index
    %get3A_5 = vector.load %arg2[%get3A_3, %get3A_4] : memref<128x64xf32, #tpu.memory_space<vmem>>, vector<128x64xf32>
    %dot_general3A = arith.constant dense<0.000000e+00> : vector<16x64xf32>
    %dot_general3A_6 = tpu.matmul %concatenate3A, %get3A_5, %dot_general3A {dimension_numbers = #tpu.dot_dimension_numbers<[1], [0], [0], [1], [0, 0, 1, 1], [], []>, precision = #tpu.contract_precision<fp32>, transpose_lhs_hint = false} : vector<16x128xf32>, vector<128x64xf32>, vector<16x64xf32> -> vector<16x64xf32>
    %get3A_7 = arith.constant 0 : index
    %get3A_8 = arith.constant 0 : index
    %get3A_9 = vector.load %arg1[%get3A_7, %get3A_8] : memref<8000x64xf32, #tpu.memory_space<vmem>>, vector<8000x64xf32>
    %convert_element_type3A = arith.truncf %get3A_9 : vector<8000x64xf32> to vector<8000x64xbf16>
    %convert_element_type3A_10 = arith.truncf %dot_general3A_6 : vector<16x64xf32> to vector<16x64xbf16>
    %dot_general3A_11 = arith.constant dense<0.000000e+00> : vector<8000x16xf32>
    %dot_general3A_12 = tpu.matmul %convert_element_type3A, %convert_element_type3A_10, %dot_general3A_11 {dimension_numbers = #tpu.dot_dimension_numbers<[1], [1], [0], [0], [0, 0, 1, 0], [], []>, transpose_lhs_hint = false} : vector<8000x64xbf16>, vector<16x64xbf16>, vector<8000x16xf32> -> vector<8000x16xf32>
    %slice3A = vector.extract_strided_slice %dot_general3A_12 {offsets = [0, 0], sizes = [1000, 16], strides = [1, 1]} : vector<8000x16xf32> to vector<1000x16xf32>
    %swap3A = arith.constant 0 : index
    %swap3A_13 = arith.constant 0 : index
    %swap3A_14 = vector.load %arg4[%swap3A, %swap3A_13] : memref<1000x128xf32, #tpu.memory_space<vmem>>, vector<1000x16xf32>
    tpu.vector_store %arg4[%swap3A, %swap3A_13], %slice3A {strides = array<i32>} : memref<1000x128xf32, #tpu.memory_space<vmem>>, vector<1000x16xf32>,
    %slice3A_15 = vector.extract_strided_slice %dot_general3A_12 {offsets = [1000, 0], sizes = [1000, 16], strides = [1, 1]} : vector<8000x16xf32> to vector<1000x16xf32>
    %swap3A_16 = arith.constant 0 : index
    %swap3A_17 = arith.constant 16 : index
    %swap3A_18 = vector.load %arg4[%swap3A_16, %swap3A_17] : memref<1000x128xf32, #tpu.memory_space<vmem>>, vector<1000x16xf32>
    tpu.vector_store %arg4[%swap3A_16, %swap3A_17], %slice3A_15 {strides = array<i32>} : memref<1000x128xf32, #tpu.memory_space<vmem>>, vector<1000x16xf32>,
    %slice3A_19 = vector.extract_strided_slice %dot_general3A_12 {offsets = [2000, 0], sizes = [1000, 16], strides = [1, 1]} : vector<8000x16xf32> to vector<1000x16xf32>
    %swap3A_20 = arith.constant 0 : index
    %swap3A_21 = arith.constant 32 : index
    %swap3A_22 = vector.load %arg4[%swap3A_20, %swap3A_21] : memref<1000x128xf32, #tpu.memory_space<vmem>>, vector<1000x16xf32>
    tpu.vector_store %arg4[%swap3A_20, %swap3A_21], %slice3A_19 {strides = array<i32>} : memref<1000x128xf32, #tpu.memory_space<vmem>>, vector<1000x16xf32>,
    %slice3A_23 = vector.extract_strided_slice %dot_general3A_12 {offsets = [3000, 0], sizes = [1000, 16], strides = [1, 1]} : vector<8000x16xf32> to vector<1000x16xf32>
    %swap3A_24 = arith.constant 0 : index
    %swap3A_25 = arith.constant 48 : index
    %swap3A_26 = vector.load %arg4[%swap3A_24, %swap3A_25] : memref<1000x128xf32, #tpu.memory_space<vmem>>, vector<1000x16xf32>
    tpu.vector_store %arg4[%swap3A_24, %swap3A_25], %slice3A_23 {strides = array<i32>} : memref<1000x128xf32, #tpu.memory_space<vmem>>, vector<1000x16xf32>,
    %slice3A_27 = vector.extract_strided_slice %dot_general3A_12 {offsets = [4000, 0], sizes = [1000, 16], strides = [1, 1]} : vector<8000x16xf32> to vector<1000x16xf32>
    %swap3A_28 = arith.constant 0 : index
    %swap3A_29 = arith.constant 64 : index
    %swap3A_30 = vector.load %arg4[%swap3A_28, %swap3A_29] : memref<1000x128xf32, #tpu.memory_space<vmem>>, vector<1000x16xf32>
    tpu.vector_store %arg4[%swap3A_28, %swap3A_29], %slice3A_27 {strides = array<i32>} : memref<1000x128xf32, #tpu.memory_space<vmem>>, vector<1000x16xf32>,
    %slice3A_31 = vector.extract_strided_slice %dot_general3A_12 {offsets = [5000, 0], sizes = [1000, 16], strides = [1, 1]} : vector<8000x16xf32> to vector<1000x16xf32>
    %swap3A_32 = arith.constant 0 : index
    %swap3A_33 = arith.constant 80 : index
    %swap3A_34 = vector.load %arg4[%swap3A_32, %swap3A_33] : memref<1000x128xf32, #tpu.memory_space<vmem>>, vector<1000x16xf32>
    tpu.vector_store %arg4[%swap3A_32, %swap3A_33], %slice3A_31 {strides = array<i32>} : memref<1000x128xf32, #tpu.memory_space<vmem>>, vector<1000x16xf32>,
    %slice3A_35 = vector.extract_strided_slice %dot_general3A_12 {offsets = [6000, 0], sizes = [1000, 16], strides = [1, 1]} : vector<8000x16xf32> to vector<1000x16xf32>
    %swap3A_36 = arith.constant 0 : index
    %swap3A_37 = arith.constant 96 : index
    %swap3A_38 = vector.load %arg4[%swap3A_36, %swap3A_37] : memref<1000x128xf32, #tpu.memory_space<vmem>>, vector<1000x16xf32>
    tpu.vector_store %arg4[%swap3A_36, %swap3A_37], %slice3A_35 {strides = array<i32>} : memref<1000x128xf32, #tpu.memory_space<vmem>>, vector<1000x16xf32>,
    %slice3A_39 = vector.extract_strided_slice %dot_general3A_12 {offsets = [7000, 0], sizes = [1000, 16], strides = [1, 1]} : vector<8000x16xf32> to vector<1000x16xf32>
    %swap3A_40 = arith.constant 0 : index
    %swap3A_41 = arith.constant 112 : index
    %swap3A_42 = vector.load %arg4[%swap3A_40, %swap3A_41] : memref<1000x128xf32, #tpu.memory_space<vmem>>, vector<1000x16xf32>
    tpu.vector_store %arg4[%swap3A_40, %swap3A_41], %slice3A_39 {strides = array<i32>} : memref<1000x128xf32, #tpu.memory_space<vmem>>, vector<1000x16xf32>,
    return
  }
  func.func @transform_0(%arg0: i32) -> (i32, i32) {
    %c0_i32 = arith.constant 0 : i32
    %c0_i32_0 = arith.constant 0 : i32
    return %arg0, %c0_i32 : i32, i32
  }
  func.func @transform_1(%arg0: i32) -> (i32, i32) {
    %c0_i32 = arith.constant 0 : i32
    %c0_i32_0 = arith.constant 0 : i32
    %c0_i32_1 = arith.constant 0 : i32
    return %c0_i32, %c0_i32_0 : i32, i32
  }
  func.func @transform_2(%arg0: i32) -> (i32, i32) {
    %c0_i32 = arith.constant 0 : i32
    %c0_i32_0 = arith.constant 0 : i32
    %c0_i32_1 = arith.constant 0 : i32
    return %c0_i32, %c0_i32_0 : i32, i32
  }
  func.func @transform_3(%arg0: i32) -> (i32, i32) {
    %c0_i32 = arith.constant 0 : i32
    %c0_i32_0 = arith.constant 0 : i32
    return %arg0, %c0_i32 : i32, i32
  }
}

module attributes {stable_mosaic.version = 14 : i64} {
  func.func @_finish_body(%arg0: memref<4096x16xf32, #tpu.memory_space<vmem>>, %arg1: memref<5x128xf32, #tpu.memory_space<vmem>>, %arg2: memref<1x128xf32, #tpu.memory_space<vmem>>, %arg3: memref<1x5xf32, #tpu.memory_space<vmem>>, %arg4: memref<4096x5xf32, #tpu.memory_space<vmem>>) attributes {dimension_semantics = [], scalar_prefetch = 0 : i64, scratch_operands = 0 : i64, tpu.core_type = #tpu.core_type<tc>} {
    %get3A = arith.constant 0 : index
    %get3A_0 = arith.constant 0 : index
    %get3A_1 = vector.load %arg2[%get3A, %get3A_0] : memref<1x128xf32, #tpu.memory_space<vmem>>, vector<1x128xf32>
    %get3A_2 = arith.constant 0 : index
    %get3A_3 = arith.constant 0 : index
    %get3A_4 = vector.load %arg1[%get3A_2, %get3A_3] : memref<5x128xf32, #tpu.memory_space<vmem>>, vector<5x128xf32>
    %dot_general3A = arith.constant dense<0.000000e+00> : vector<1x5xf32>
    %dot_general3A_5 = tpu.matmul %get3A_1, %get3A_4, %dot_general3A {dimension_numbers = #tpu.dot_dimension_numbers<[1], [1], [0], [0], [0, 0, 1, 0], [], []>, precision = #tpu.contract_precision<fp32>, transpose_lhs_hint = false} : vector<1x128xf32>, vector<5x128xf32>, vector<1x5xf32> -> vector<1x5xf32>
    %get3A_6 = arith.constant 0 : index
    %get3A_7 = arith.constant 0 : index
    %get3A_8 = vector.load %arg3[%get3A_6, %get3A_7] : memref<1x5xf32, #tpu.memory_space<vmem>>, vector<1x5xf32>
    %add3A = arith.addf %dot_general3A_5, %get3A_8 : vector<1x5xf32>
    %get3A_9 = arith.constant 0 : index
    %get3A_10 = arith.constant 0 : index
    %get3A_11 = vector.load %arg0[%get3A_9, %get3A_10] : memref<4096x16xf32, #tpu.memory_space<vmem>>, vector<4096x16xf32>
    %slice3A = vector.extract_strided_slice %get3A_11 {offsets = [0, 0], sizes = [4096, 5], strides = [1, 1]} : vector<4096x16xf32> to vector<4096x5xf32>
    %mul3A = arith.constant 5.000000e-03 : f32
    %mul3A_12 = vector.broadcast %mul3A : f32 to vector<4096x5xf32>
    %mul3A_13 = arith.mulf %slice3A, %mul3A_12 : vector<4096x5xf32>
    %add3A_14 = vector.broadcast %add3A : vector<1x5xf32> to vector<4096x5xf32>
    %add3A_15 = arith.addf %mul3A_13, %add3A_14 : vector<4096x5xf32>
    %reduce_max3A = arith.constant dense<0xFF800000> : vector<4096xf32>
    %reduce_max3A_16 = vector.multi_reduction <maximumf>, %add3A_15, %reduce_max3A [1] : vector<4096x5xf32> to vector<4096xf32>
    %broadcast_in_dim3A = vector.shape_cast %reduce_max3A_16 : vector<4096xf32> to vector<4096x1xf32>
    %sub3A = vector.broadcast %broadcast_in_dim3A : vector<4096x1xf32> to vector<4096x5xf32>
    %sub3A_17 = arith.subf %add3A_15, %sub3A : vector<4096x5xf32>
    %exp3A = math.exp %sub3A_17 : vector<4096x5xf32>
    %reduce_sum3A = arith.constant dense<0.000000e+00> : vector<4096xf32>
    %reduce_sum3A_18 = vector.multi_reduction <add>, %exp3A, %reduce_sum3A [1] : vector<4096x5xf32> to vector<4096xf32>
    %broadcast_in_dim3A_19 = vector.shape_cast %reduce_sum3A_18 : vector<4096xf32> to vector<4096x1xf32>
    %div3A = vector.broadcast %broadcast_in_dim3A_19 : vector<4096x1xf32> to vector<4096x5xf32>
    %div3A_20 = arith.divf %exp3A, %div3A : vector<4096x5xf32>
    %swap3A = arith.constant 0 : index
    %swap3A_21 = arith.constant 0 : index
    %swap3A_22 = vector.load %arg4[%swap3A, %swap3A_21] : memref<4096x5xf32, #tpu.memory_space<vmem>>, vector<4096x5xf32>
    tpu.vector_store %arg4[%swap3A, %swap3A_21], %div3A_20 {strides = array<i32>} : memref<4096x5xf32, #tpu.memory_space<vmem>>, vector<4096x5xf32>,
    return
  }
}

</mosaic_0001>

<sc_bundles>
// kernel: kernel.6.cloned.1.call-start
scs
__scs_entry_jumppad:
0x0: {  	(pc) =	sbr.rel $0x88, $3  }
0x1: {  	(tag) =	ssettag $0x0;
	lr =	simm.s32 $0x1  }
0x2: {  	[smem:$0x3F9B] =	sst lr;
	_ =	strace $0xD0000000  }
0x3: {  	_ = 	snop  }
0x4: {  	_ = 	snop  }
0x5: {  	_ = 	snop  }
0x6: {  	_ = 	snop  }
0x7: {  	_ = 	snop  }
__scs_overlays_trampoline_lowered:
0x8: {  	[smem:$0x3FAA] =	sst s0  }
0x9: {  	[smem:$0x3FAB] =	sst s1  }
0xa: {  	[smem:$0x3FAC] =	sst s2  }
0xb: {  	[smem:$0x3FAD] =	sst s3  }
0xc: {  	[smem:$0x3FAE] =	sst s4  }
0xd: {  	[smem:$0x3FAF] =	sst s5  }
0xe: {  	[smem:$0x3FB0] =	sst s6  }
0xf: {  	[smem:$0x3FB1] =	sst s7  }
0x10: {  	[smem:$0x3FB2] =	sst s8  }
0x11: {  	[smem:$0x3FB3] =	sst s9;
	s0 =	simm.s32 @!p0 $0x0  }
0x12: {  	s1 =	sld [smem:$0x3F99];
	s0 =	simm.s32 @p0 $0x1  }
0x13: {  	[smem:$0x3FB4] =	sst s0;
	s0 =	simm.s32 @!p1 $0x0  }
0x14: {  	s2 =	sld [smem:$0x3F98];
	s0 =	simm.s32 @p1 $0x1  }
0x15: {  	[smem:$0x3FB5] =	sst s0;
	s0 =	simm.s32 @!p2 $0x0  }
0x16: {  	s3 =	sld [smem:$0x3FDB];
	s0 =	simm.s32 @p2 $0x1  }
0x17: {  	s4 =	simm.s32 $0x1BF5;
	[smem:$0x3FB7] =	sst s0  }
0x18: {  	s0 =	sld [smem:$0x3F9A];
	_ =	swait.ge [sflag:s4], $0x0  }
0x19: {  	s7 =	sld [smem:$0x3F9B]  }
0x1a: {  	s8 =	sadd.s32 $0xFFFFE003, lr  }
0x1b: {  	s9 =	sadd.s32 $0xFFFFFEF7, lr;
	s5 =	simm.s32 $0xFFFFFFFF;
	p2 =	slt.u32 s8, $0xFFFFF086  }
0x1c: {  	p1 =	slt.u32 s9, $0xF7A;
	s5 =	simm.s32 @!p2 $0x0  }
0x1d: {  	s5 =	simm.s32 @p1 $0x1;
	p0 =	seq.s32 s7, s2  }
0x1e: {  	s7 =	smul.u32 @!p0 $0xF7A, s2;
	p2 =	seq.s32 @!p0 s5, $0x0  }
0x1f: {  	s9 =	smul.u32 $0xF7A, s1;
	s8 =	simm.s32 @!p0 $0x1BF5;
	p2 =	por !p2, p0  }
0x20: {  	[sflag:s8] =	ssyncset.s32 @!p0 $0xFFFFF086;
	s6 =	sadd.s32 @!p0 s3, s7;
	s7 =	simm.s32 @!p0 $0x108  }
0x21: {  	s3 =	sadd.s32 s3, s9;
	s6 =	sadd.s32 @!p0 $0x88, s6;
	s7 =	simm.s32 @p2 $0x1082  }
0x22: {  	[simem:s7], [sflag:s8] =	dma.local @!p0 [hbm:s6], $0xF7A  }
0x23: {  	s9 =	sor.u32 $0xD0000000, s2;
	s6 =	simm.s32 $0x108;
	_ =	swait.ge @!p0 [sflag:s8], $0x0  }
0x24: {  	s3 =	sadd.s32 $0x88, s3;
	s6 =	simm.s32 @!p1 $0x1082;
	[sflag:s4] =	ssyncset.s32 $0xFFFFF086  }
0x25: {  	[simem:s6], [sflag:s4] =	dma.local [hbm:s3], $0xF7A  }
0x26: {  	[smem:$0x3F9B] =	sst s1;
	(tag) =	ssettag s2;
	_ =	strace s9  }
0x27: {  	s1 =	sld [smem:$0x3FAB]  }
0x28: {  	s2 =	sld [smem:$0x3FAC]  }
0x29: {  	s4 =	sld [smem:$0x3FAE]  }
0x2a: {  	p0 =	seq.s32 s5, $0x0;
	s5 =	sld [smem:$0x3FAF]  }
0x2b: {  	s6 =	sld [smem:$0x3FB0]  }
0x2c: {  	s7 =	sld [smem:$0x3FB1]  }
0x2d: {  	s3 =	simm.s32 $0x108;
	s8 =	sld [smem:$0x3FB2]  }
0x2e: {  	s3 =	simm.s32 @!p0 $0x1082;
	s9 =	sld [smem:$0x3FB3]  }
0x2f: {  	lr =	sadd.s32 s0, s3;
	s0 =	sld [smem:$0x3FAA]  }
0x30: {  	s3 =	sld [smem:$0x3FAD]  }
0x31: {  	[smem:$0x3FB6] =	sst s10  }
0x32: {  	s10 =	sld [smem:$0x3FB4];
	_ =	sdelay $0x3  }
0x33: {  	p0 =	seq.s32 s10, $0x1;
	s10 =	sld [smem:$0x3FB6];
	_ =	sdelay $0x3  }
0x34: {  	[smem:$0x3FB6] =	sst s10  }
0x35: {  	s10 =	sld [smem:$0x3FB5];
	_ =	sdelay $0x3  }
0x36: {  	p1 =	seq.s32 s10, $0x1;
	s10 =	sld [smem:$0x3FB6];
	_ =	sdelay $0x3  }
0x37: {  	[smem:$0x3FB6] =	sst s10  }
0x38: {  	s10 =	sld [smem:$0x3FB7]  }
0x39: {  	_ = 	snop;
	(pc) =	sbr.ind lr, $3  }
0x3a: {  	_ = 	snop  }
0x3b: {  	_ = 	snop  }
0x3c: {  	p2 =	seq.s32 s10, $0x1;
	s10 =	sld [smem:$0x3FB6]  }
0x3d: {  	_ =	shalt  }
0x3e: {  	_ =	shalt  }
0x3f: {  	_ =	shalt  }
0x40: {  	_ =	shalt  }
0x41: {  	_ =	shalt  }
0x42: {  	_ =	shalt  }
0x43: {  	_ =	shalt  }
0x44: {  	_ =	shalt  }
0x45: {  	_ =	shalt  }
0x46: {  	_ =	shalt  }
0x47: {  	_ =	shalt  }
0x48: {  	_ =	shalt  }
0x49: {  	_ =	shalt  }
0x4a: {  	_ =	shalt  }
0x4b: {  	_ =	shalt  }
0x4c: {  	_ =	shalt  }
0x4d: {  	_ =	shalt  }
0x4e: {  	_ =	shalt  }
0x4f: {  	_ =	shalt  }
0x50: {  	_ =	shalt  }
0x51: {  	_ =	shalt  }
0x52: {  	_ =	shalt  }
0x53: {  	_ =	shalt  }
0x54: {  	_ =	shalt  }
0x55: {  	_ =	shalt  }
0x56: {  	_ =	shalt  }
0x57: {  	_ =	shalt  }
0x58: {  	_ =	shalt  }
0x59: {  	_ =	shalt  }
0x5a: {  	_ =	shalt  }
0x5b: {  	_ =	shalt  }
0x5c: {  	_ =	shalt  }
0x5d: {  	_ =	shalt  }
0x5e: {  	_ =	shalt  }
0x5f: {  	_ =	shalt  }
0x60: {  	_ =	shalt  }
0x61: {  	_ =	shalt  }
0x62: {  	_ =	shalt  }
0x63: {  	_ =	shalt  }
0x64: {  	_ =	shalt  }
0x65: {  	_ =	shalt  }
0x66: {  	_ =	shalt  }
0x67: {  	_ =	shalt  }
0x68: {  	_ =	shalt  }
0x69: {  	_ =	shalt  }
0x6a: {  	_ =	shalt  }
0x6b: {  	_ =	shalt  }
0x6c: {  	_ =	shalt  }
0x6d: {  	_ =	shalt  }
0x6e: {  	_ =	shalt  }
0x6f: {  	_ =	shalt  }
0x70: {  	_ =	shalt  }
0x71: {  	_ =	shalt  }
0x72: {  	_ =	shalt  }
0x73: {  	_ =	shalt  }
0x74: {  	_ =	shalt  }
0x75: {  	_ =	shalt  }
0x76: {  	_ =	shalt  }
0x77: {  	_ =	shalt  }
0x78: {  	_ =	shalt  }
0x79: {  	_ =	shalt  }
0x7a: {  	_ =	shalt  }
0x7b: {  	_ =	shalt  }
0x7c: {  	_ =	shalt  }
0x7d: {  	_ =	shalt  }
0x7e: {  	_ =	shalt  }
0x7f: {  	_ =	shalt  }
0x80: {  	_ =	shalt  }
0x81: {  	_ =	shalt  }
0x82: {  	_ =	shalt  }
0x83: {  	_ =	shalt  }
0x84: {  	_ =	shalt  }
0x85: {  	_ =	shalt  }
0x86: {  	_ =	shalt  }
0x87: {  	_ =	shalt  }
.Lfunc_end0:
.L_simem_size_0:
called_computation_lowered:
.L_overlay_start_0:
0x88: {  	s2 =	sld [smem:$0x3FD9]  }
0x89: {  	s3 =	sld [smem:$0x3FFE];
	_ =	sdelay $0x1  }
0x8a: {  	s1 =	srdreg.scid  }
0x8b: {  	s0 =	sand.u32 $0x1, s1  }
0x8c: {  	s16 =	sshll.u32 s0, $0xA;
	s2 =	sadd.s32 s3, s2  }
0x8d: {  	s2 =	sadd.s32 s2, s16  }
0x8e: {  	[smem:$0x3FC2] =	sst s2  }
0x8f: {  	_ = 	snop  }
0x90: {  	(tm) =	ssettm $0x1  }
0x91: {  	s17 =	sld [smem:$0x3FFB];
	_ =	sdelay $0x3  }
0x92: {  	_ =	strace s17  }
0x93: {  	s2 =	sld [smem:$0x3FFC];
	_ =	sdelay $0x3  }
0x94: {  	_ =	strace s2  }
0x95: {  	s2 =	sld [smem:$0x3FFD];
	_ =	sdelay $0x3  }
0x96: {  	_ =	strace s2  }
0x97: {  	_ =	strace $0x8FFFFFFF  }
0x98: {  	s18 =	sld [smem:$0x3FDB];
	_ =	sdelay $0x1  }
0x99: {  	s19 =	simm.s32 $_scs_section_size  }
0x9a: {  	s4 =	simm.s32 $_size__tile_overlayer_lowered;
	s5 =	simm.s32 $_tile_overlayer_lowered  }
0x9b: {  	s22 =	simm.s32 $0x1BFF;
	s21 =	sshll.u32 s5, $0x1;
	s2 =	sadd.s32 s19, s18  }
0x9c: {  	s6 =	simm.s32 $0x0;
	s20 =	sshll.u32 s4, $0x1;
	s4 =	sadd.s32 s21, s2  }
0x9d: {  	[timem:s6], [sflag:s22] =	dma.local [hbm:s4], s20  }
0x9e: {  	_ =	swait.ge [sflag:s22], s20  }
0x9f: {  	s3 =	ssub.s32 $0x0, s20;
	[sflag:s22] =	ssyncset.done $0x0  }
0xa0: {  	[sflag:s22] =	ssyncadd.s32 s3;
	_ =	sdelay $0x1  }
0xa1: {  	s23 =	simm.s32 $0x1B8B  }
0xa2: {  	_ =	swait.ge [sflag:s23], $0x1  }
0xa3: {  	[sflag:s23] =	ssyncset.done $0x0  }
0xa4: {  	s25 =	simm.s32 $0x1B8E;
	s24 =	sld [smem:$0x3FFE];
	[sflag:s23] =	ssyncadd.s32 $0xFFFFFFFF  }
0xa5: {  	s26 =	simm.s32 $execute0_lowered;
	[smem:$0x3FD2] =	sst s25  }
0xa6: {  	s4 =	sshll.u32 s26, $0x1;
	_ =	strace $0x80000046;
	[dreg:$0x1] =	wrdreg $0xFFFFFFFF  }
0xa7: {  	s28 =	simm.s32 $_size_execute0_lowered;
	s2 =	sadd.s32 s2, s4;
	[dreg:$0x0] =	wrdreg $0x0  }
0xa8: {  	s4 =	sshll.u32 s28, $0x1;
	[dreg:$0x2] =	wrdreg s2  }
0xa9: {  	[dreg:$0x3] =	wrdreg s4  }
0xaa: {  	[dreg:$0x4] =	wrdreg $0xC0  }
0xab: {  	_ =	task [dreg:s6], $0x5FFFF  }
0xac: {  	[dreg:$0x1] =	wrdreg $0xFFFFFFFF  }
0xad: {  	[dreg:$0x0] =	wrdreg $0x60  }
0xae: {  	[dreg:$0x2] =	wrdreg s24  }
0xaf: {  	[dreg:$0x3] =	wrdreg $0x9  }
0xb0: {  	_ =	task.clear_ibuf [dreg:s6], $0x4FFFF;
	_ =	strace $0x90000046  }
0xb1: {  	s29 =	simm.s32 $0x9;
	_ =	strace $0x80000048  }
0xb2: {  	_ =	swait.ge [sflag:s29], $0x1  }
0xb3: {  	[sflag:s29] =	ssyncadd.s32 $0xFFFFFFFF  }
0xb4: {  	_ =	strace $0x90000048  }
0xb5: {  	_ =	sfence  }
0xb6: {  	s30 =	sld [smem:$0x0];
	_ =	sdelay $0x2  }
0xb7: {  	s31 =	sshll.u32 s1, $0xD;
	s1 =	sshrl.u32 s1, $0x2  }
0xb8: {  	s3 =	sand.u32 $0x4000, s31;
	s1 =	sadd.s32 s1, s30  }
0xb9: {  	s0 =	sor.u32 s3, s0;
	s1 =	sshll.u32 s1, $0x11  }
0xba: {  	s0 =	sor.u32 s1, s0  }
0xbb: {  	s0 =	sadd.s32 $0x8F2B, s0  }
0xbc: {  	[sflag:s0] =	ssyncadd.remote.s32 $0x1  }
0xbd: {  	_ =	sfence.sel $0xFFFF  }
0xbe: {  	[dreg:$0x0] =	wrdreg $0xFFFFFFFF;
	(pc) =	sbr.abs _section_cstart, $3  }
0xbf: {  	[dreg:$0x1] =	wrdreg $0xFFFFFFFF  }
0xc0: {  	_ =	task.clear_ibuf [dreg:s6], $0x2FFFF;
	_ =	strace $0x9FFFFFFF  }
0xc1: {  	(tm) =	ssettm $0x7FFFFFFF  }
tec
execute0_lowered:
.L_overlay_start_1:
0x0: {  	(tag) =	ssettag $0x1  }
0x1: {  	s1 =	rddreg [dreg:$0x0]  }
0x2: {  	s0 =	srdreg.scid;
	s3 =	stileid.u32;
	s2 =	simm.s32 $0x0  }
0x3: {  	s0 =	sand.u32 $0x1, s0;
	s3 =	sshll.u32 s3, $0x1;
	[smem:$0x7FF] =	sst s2  }
0x4: {  	s6 =	sadd.s32 $0xF43800, s1;
	s4 =	sadd.s32 $0x1400, s1;
	s3 =	sor.u32 s0, s3  }
0x5: {  	s9 =	sadd.s32 $0xF43806, s1;
	s0 =	ssub.s32 $0x2, s0;
	s5 =	smul.u32 $0x3E80, s3  }
0x6: {  	s11 =	sadd.s32 $0xF4380A, s1;
	_ =	strace $0x80000047;
	s7 =	sshrl.u32 s0, $0x1  }
0x7: {  	s0 =	ssub.s32 s0, s7;
	s7 =	sadd.s32 $0xF43802, s1;
	s22 =	sadd.s32 s6, s5  }
0x8: {  	s13 =	smul.u32 $0x7D0, s3;
	s8 =	sadd.s32 s5, s7;
	[dreg:$0x2] =	wrdreg s22  }
0x9: {  	s14 =	sor.u32 $0x20, s3;
	s12 =	sadd.s32 s5, s9;
	[dreg:$0x3] =	wrdreg s8  }
0xa: {  	s25 =	smul.u32 $0x3E80, s14;
	s24 =	sadd.s32 s5, s11;
	[dreg:$0x5] =	wrdreg s12  }
0xb: {  	s13 =	sadd.s32 s4, s13;
	[dreg:$0x7] =	wrdreg s24  }
0xc: {  	[dreg:$0xa] =	wrdreg s13;
	s17 =	sadd.s32 s25, s7  }
0xd: {  	s26 =	smul.u32 $0x7D0, s14;
	s19 =	sadd.s32 s25, s9;
	[dreg:$0xc] =	wrdreg s17  }
0xe: {  	s8 =	sadd.s32 $0xF43804, s1;
	s21 =	sadd.s32 s25, s11;
	[dreg:$0xe] =	wrdreg s19  }
0xf: {  	s12 =	sadd.s32 $0xF4380C, s1;
	s10 =	sadd.s32 s5, s8;
	[dreg:$0x10] =	wrdreg s21  }
0x10: {  	s24 =	sshrl.u32 s25, $0x3;
	s15 =	sadd.s32 s5, s12;
	[dreg:$0x4] =	wrdreg s10  }
0x11: {  	s18 =	sadd.s32 s25, s8;
	s22 =	sadd.s32 s25, s12;
	[dreg:$0x8] =	wrdreg s15  }
0x12: {  	s10 =	sadd.s32 $0xF43808, s1;
	s1 =	sadd.s32 $0xF4380E, s1;
	[dreg:$0xd] =	wrdreg s18  }
0x13: {  	[dreg:$0x11] =	wrdreg s22;
	s23 =	sadd.s32 s5, s10;
	s16 =	sadd.s32 s5, s1  }
0x14: {  	s5 =	sshrl.u32 s5, $0x3;
	s20 =	sadd.s32 s25, s10;
	[dreg:$0x6] =	wrdreg s23  }
0x15: {  	[dreg:$0x9] =	wrdreg s16;
	s13 =	sadd.s32 s4, s5;
	s16 =	sadd.s32 s6, s25  }
0x16: {  	[dreg:$0xf] =	wrdreg s20;
	s23 =	sadd.s32 s25, s1;
	s25 =	sor.u32 $0x40, s3  }
0x17: {  	s5 =	sadd.s32 s4, s26;
	[dreg:$0xb] =	wrdreg s16;
	s26 =	smul.u32 $0x3E80, s25  }
0x18: {  	[dreg:$0x12] =	wrdreg s23  }
0x19: {  	[dreg:$0x13] =	wrdreg s5;
	s18 =	sadd.s32 s6, s26  }
0x1a: {  	s19 =	sadd.s32 s26, s7;
	[dreg:$0x14] =	wrdreg s18  }
0x1b: {  	s28 =	simm.s32 $0xFA00;
	s20 =	sadd.s32 s26, s8;
	[dreg:$0x15] =	wrdreg s19  }
0x1c: {  	p0 =	sgt.u32 s3, $0x1C;
	s21 =	sadd.s32 s26, s9;
	[dreg:$0x16] =	wrdreg s20  }
0x1d: {  	s14 =	sadd.s32 s4, s24;
	s22 =	sadd.s32 s26, s10;
	[dreg:$0x17] =	wrdreg s21  }
0x1e: {  	s3 =	sor.u32 $0x60, s3;
	s23 =	sadd.s32 s26, s11;
	[dreg:$0x18] =	wrdreg s22  }
0x1f: {  	s15 =	smul.u32 $0x7D0, s25;
	s24 =	sadd.s32 s26, s12;
	[dreg:$0x19] =	wrdreg s23  }
0x20: {  	s17 =	smul.u32 $0x3E80, s3;
	s5 =	sadd.s32 s26, s1;
	[dreg:$0x1a] =	wrdreg s24  }
0x21: {  	s25 =	sshrl.u32 s26, $0x3;
	s26 =	sadd.s32 s4, s15;
	[dreg:$0x1b] =	wrdreg s5  }
0x22: {  	s29 =	simm.s32 $0x13880;
	s6 =	sadd.s32 s6, s17;
	[dreg:$0x1c] =	wrdreg s26  }
0x23: {  	s30 =	simm.s32 $0x17700;
	s7 =	sadd.s32 s17, s7;
	[dreg:$0x1d] =	wrdreg s6  }
0x24: {  	s31 =	simm.s32 $0x1B580;
	s8 =	sadd.s32 s17, s8;
	[dreg:$0x1e] =	wrdreg s7  }
0x25: {  	s3 =	smul.u32 $0x7D0, s3;
	s9 =	sadd.s32 s17, s9;
	[dreg:$0x1f] =	wrdreg s8  }
0x26: {  	s15 =	sadd.s32 s17, s10;
	s16 =	sadd.s32 s17, s11;
	[smem:$0x7EE] =	sst s9  }
0x27: {  	s1 =	sadd.s32 s17, s1;
	s10 =	sadd.s32 $0x1312D0, s14;
	[smem:$0x7EF] =	sst s15  }
0x28: {  	s11 =	sadd.s32 $0x16E360, s14;
	s20 =	sadd.s32 s4, s25;
	[smem:$0x7F0] =	sst s16  }
0x29: {  	s18 =	sadd.s32 s17, s12;
	[smem:$0x7F2] =	sst s1;
	s19 =	sadd.s32 s4, s3  }
0x2a: {  	s21 =	sshrl.u32 s17, $0x3;
	s22 =	sadd.s32 $0x3D090, s13;
	s23 =	sadd.s32 $0x7A120, s13  }
0x2b: {  	s24 =	sadd.s32 $0xB71B0, s13;
	s3 =	sadd.s32 $0xF4240, s13;
	[smem:$0x7F1] =	sst s18  }
0x2c: {  	s5 =	sadd.s32 $0x1AB3F0, s13;
	s6 =	sadd.s32 $0x3D090, s14;
	[smem:$0x7F3] =	sst s19  }
0x2d: {  	s7 =	sadd.s32 $0x7A120, s14;
	s8 =	sadd.s32 $0xB71B0, s14;
	[smem:$0x7F4] =	sst s22  }
0x2e: {  	s9 =	sadd.s32 $0x16E360, s13;
	s12 =	sadd.s32 $0xF4240, s14;
	[smem:$0x7F5] =	sst s23  }
0x2f: {  	[smem:$0x7F6] =	sst s24;
	s21 =	sadd.s32 s4, s21;
	s4 =	sadd.s32 $0x1312D0, s13  }
0x30: {  	s13 =	sadd.s32 $0x1AB3F0, s14;
	s14 =	sadd.s32 $0x3D090, s20;
	s25 =	sadd.s32 $0x3D090, s21  }
0x31: {  	s15 =	sadd.s32 $0x7A120, s20;
	s26 =	sadd.s32 $0x7A120, s21;
	[smem:$0x7F7] =	sst s25  }
0x32: {  	s16 =	sadd.s32 $0xB71B0, s20;
	s22 =	sadd.s32 $0xB71B0, s21;
	[smem:$0x7F8] =	sst s26  }
0x33: {  	s17 =	sadd.s32 $0x1312D0, s20;
	s23 =	sadd.s32 $0xF4240, s21;
	[smem:$0x7F9] =	sst s22  }
0x34: {  	s18 =	sadd.s32 $0xF4240, s20;
	s24 =	sadd.s32 $0x1312D0, s21;
	[smem:$0x7FA] =	sst s23  }
.Ltmp0:
0x35: {  	s19 =	sadd.s32 $0x1AB3F0, s20;
	[smem:$0x7FB] =	sst s24;
	(pc) =	sbr.rel .LBB2_1-.Ltmp0, $4  }
0x36: {  	s20 =	sadd.s32 $0x16E360, s20;
	s25 =	sadd.s32 $0x16E360, s21;
	s26 =	sadd.s32 $0x1AB3F0, s21  }
0x37: {  	s21 =	smax.u32 s0, $0x1;
	s22 =	simm.s32 $0x10;
	s23 =	simm.s32 $0x80  }
0x38: {  	s24 =	simm.s32 $0x3E80;
	s0 =	simm.s32 $0x1;
	[smem:$0x7FC] =	sst s25  }
0x39: {  	[smem:$0x7FD] =	sst s26;
	s25 =	simm.s32 $0x7D00;
	s26 =	simm.s32 $0xBB80  }
.LBB2_3:
0x3a: {  	s21 =	sadd.s32 $0xFFFFFFFF, s21  }
0x3b: {  	p1 =	sne.s32 s21, $0x0  }
.Ltmp1:
0x3c: {  	_ = 	snop;
	(pc) =	sbr.rel @!p1 .LBB2_4-.Ltmp1, $1  }
0x3d: {  	_ =	sdelay $0x3  }
.LBB2_1:
0x3e: {  	s1 =	rddreg [dreg:$0x2]  }
0x3f: {  	[tilespmem:s2], [sflag:$0x1] =	stream.strided.gather [hbm4b:s1+s22], $0x3E80, s23, s22, $0x38;
	[tilespmem:$0x1F400] =	vst v63  }
0x40: {  	s1 =	rddreg [dreg:$0x3]  }
0x41: {  	[tilespmem:s24], [sflag:$0x1] =	stream.strided.gather [hbm4b:s1+s22], $0x3E80, s23, s22, $0x38;
	[tilespmem:$0x1F400] =	vst v63  }
0x42: {  	s1 =	rddreg [dreg:$0x4]  }
0x43: {  	[tilespmem:s25], [sflag:$0x1] =	stream.strided.gather [hbm4b:s1+s22], $0x3E80, s23, s22, $0x38;
	[tilespmem:$0x1F400] =	vst v63  }
0x44: {  	s1 =	rddreg [dreg:$0x5]  }
0x45: {  	[tilespmem:s26], [sflag:$0x1] =	stream.strided.gather [hbm4b:s1+s22], $0x3E80, s23, s22, $0x38;
	[tilespmem:$0x1F400] =	vst v63  }
0x46: {  	s1 =	rddreg [dreg:$0x6]  }
0x47: {  	[tilespmem:s28], [sflag:$0x1] =	stream.strided.gather [hbm4b:s1+s22], $0x3E80, s23, s22, $0x38;
	[tilespmem:$0x1F400] =	vst v63  }
0x48: {  	s1 =	rddreg [dreg:$0x7]  }
0x49: {  	[tilespmem:s29], [sflag:$0x1] =	stream.strided.gather [hbm4b:s1+s22], $0x3E80, s23, s22, $0x38;
	[tilespmem:$0x1F400] =	vst v63  }
0x4a: {  	s1 =	rddreg [dreg:$0x8]  }
0x4b: {  	[tilespmem:s30], [sflag:$0x1] =	stream.strided.gather [hbm4b:s1+s22], $0x3E80, s23, s22, $0x38;
	[tilespmem:$0x1F400] =	vst v63  }
0x4c: {  	s1 =	rddreg [dreg:$0x9]  }
0x4d: {  	[tilespmem:s31], [sflag:$0x1] =	stream.strided.gather [hbm4b:s1+s22], $0x3E80, s23, s22, $0x38;
	[tilespmem:$0x1F400] =	vst v63  }
0x4e: {  	_ =	swait.ge [sflag:s0], $0x3E80  }
0x4f: {  	[sflag:s0] =	ssyncset.done $0x0  }
0x50: {  	[sflag:s0] =	ssyncadd.s32 $0xFFFFC180  }
0x51: {  	_ =	swait.ge [sflag:s0], $0x3E80  }
0x52: {  	[sflag:s0] =	ssyncset.done $0x0  }
0x53: {  	[sflag:s0] =	ssyncadd.s32 $0xFFFFC180  }
0x54: {  	_ =	swait.ge [sflag:s0], $0x3E80  }
0x55: {  	[sflag:s0] =	ssyncset.done $0x0  }
0x56: {  	[sflag:s0] =	ssyncadd.s32 $0xFFFFC180  }
0x57: {  	_ =	swait.ge [sflag:s0], $0x3E80  }
0x58: {  	[sflag:s0] =	ssyncset.done $0x0  }
0x59: {  	[sflag:s0] =	ssyncadd.s32 $0xFFFFC180  }
0x5a: {  	_ =	swait.ge [sflag:s0], $0x3E80  }
0x5b: {  	[sflag:s0] =	ssyncset.done $0x0  }
0x5c: {  	[sflag:s0] =	ssyncadd.s32 $0xFFFFC180  }
0x5d: {  	_ =	swait.ge [sflag:s0], $0x3E80  }
0x5e: {  	[sflag:s0] =	ssyncset.done $0x0  }
0x5f: {  	[sflag:s0] =	ssyncadd.s32 $0xFFFFC180  }
0x60: {  	_ =	swait.ge [sflag:s0], $0x3E80  }
0x61: {  	[sflag:s0] =	ssyncset.done $0x0  }
0x62: {  	[sflag:s0] =	ssyncadd.s32 $0xFFFFC180  }
0x63: {  	_ =	swait.ge [sflag:s0], $0x3E80  }
0x64: {  	[sflag:s0] =	ssyncset.done $0x0  }
0x65: {  	s1 =	rddreg [dreg:$0xa];
	[sflag:s0] =	ssyncadd.s32 $0xFFFFC180  }
0x66: {  	[hbm4b:s1+s2] =	stream.linear.scatter [tilespmem:s2], [sflag:$0x1], $0x3E80, $0x38;
	[tilespmem:$0x1F400] =	vst v63  }
0x67: {  	s1 =	sld [smem:$0x7F4];
	_ =	sdelay $0x2  }
0x68: {  	[hbm4b:s1+s2] =	stream.linear.scatter [tilespmem:s24], [sflag:$0x1], $0x3E80, $0x38;
	[tilespmem:$0x1F400] =	vst v63  }
0x69: {  	s1 =	sld [smem:$0x7F5];
	_ =	sdelay $0x2  }
0x6a: {  	[hbm4b:s1+s2] =	stream.linear.scatter [tilespmem:s25], [sflag:$0x1], $0x3E80, $0x38;
	[tilespmem:$0x1F400] =	vst v63  }
0x6b: {  	s1 =	sld [smem:$0x7F6];
	_ =	sdelay $0x2  }
0x6c: {  	[hbm4b:s1+s2] =	stream.linear.scatter [tilespmem:s26], [sflag:$0x1], $0x3E80, $0x38;
	[tilespmem:$0x1F400] =	vst v63  }
0x6d: {  	_ = 	snop  }
0x6e: {  	[hbm4b:s3+s2] =	stream.linear.scatter [tilespmem:s28], [sflag:$0x1], $0x3E80, $0x38;
	[tilespmem:$0x1F400] =	vst v63  }
0x6f: {  	_ = 	snop  }
0x70: {  	[hbm4b:s4+s2] =	stream.linear.scatter [tilespmem:s29], [sflag:$0x1], $0x3E80, $0x38;
	[tilespmem:$0x1F400] =	vst v63  }
0x71: {  	_ = 	snop  }
0x72: {  	[hbm4b:s9+s2] =	stream.linear.scatter [tilespmem:s30], [sflag:$0x1], $0x3E80, $0x38;
	[tilespmem:$0x1F400] =	vst v63  }
0x73: {  	_ = 	snop  }
0x74: {  	[hbm4b:s5+s2] =	stream.linear.scatter [tilespmem:s31], [sflag:$0x1], $0x3E80, $0x38;
	[tilespmem:$0x1F400] =	vst v63  }
0x75: {  	_ =	swait.ge [sflag:s0], $0x3E80  }
0x76: {  	[sflag:s0] =	ssyncset.done $0x0  }
0x77: {  	[sflag:s0] =	ssyncadd.s32 $0xFFFFC180  }
0x78: {  	_ =	swait.ge [sflag:s0], $0x3E80  }
0x79: {  	[sflag:s0] =	ssyncset.done $0x0  }
0x7a: {  	[sflag:s0] =	ssyncadd.s32 $0xFFFFC180  }
0x7b: {  	_ =	swait.ge [sflag:s0], $0x3E80  }
0x7c: {  	[sflag:s0] =	ssyncset.done $0x0  }
0x7d: {  	[sflag:s0] =	ssyncadd.s32 $0xFFFFC180  }
0x7e: {  	_ =	swait.ge [sflag:s0], $0x3E80  }
0x7f: {  	[sflag:s0] =	ssyncset.done $0x0  }
0x80: {  	[sflag:s0] =	ssyncadd.s32 $0xFFFFC180  }
0x81: {  	_ =	swait.ge [sflag:s0], $0x3E80  }
0x82: {  	[sflag:s0] =	ssyncset.done $0x0  }
0x83: {  	[sflag:s0] =	ssyncadd.s32 $0xFFFFC180  }
0x84: {  	_ =	swait.ge [sflag:s0], $0x3E80  }
0x85: {  	[sflag:s0] =	ssyncset.done $0x0  }
0x86: {  	[sflag:s0] =	ssyncadd.s32 $0xFFFFC180  }
0x87: {  	_ =	swait.ge [sflag:s0], $0x3E80  }
0x88: {  	[sflag:s0] =	ssyncset.done $0x0  }
0x89: {  	[sflag:s0] =	ssyncadd.s32 $0xFFFFC180  }
0x8a: {  	_ =	swait.ge [sflag:s0], $0x3E80  }
0x8b: {  	[sflag:s0] =	ssyncset.done $0x0  }
0x8c: {  	s1 =	rddreg [dreg:$0xb];
	[sflag:s0] =	ssyncadd.s32 $0xFFFFC180  }
0x8d: {  	[tilespmem:s2], [sflag:$0x1] =	stream.strided.gather [hbm4b:s1+s22], $0x3E80, s23, s22, $0x38;
	[tilespmem:$0x1F400] =	vst v63  }
0x8e: {  	s1 =	rddreg [dreg:$0xc]  }
0x8f: {  	[tilespmem:s24], [sflag:$0x1] =	stream.strided.gather [hbm4b:s1+s22], $0x3E80, s23, s22, $0x38;
	[tilespmem:$0x1F400] =	vst v63  }
0x90: {  	s1 =	rddreg [dreg:$0xd]  }
0x91: {  	[tilespmem:s25], [sflag:$0x1] =	stream.strided.gather [hbm4b:s1+s22], $0x3E80, s23, s22, $0x38;
	[tilespmem:$0x1F400] =	vst v63  }
0x92: {  	s1 =	rddreg [dreg:$0xe]  }
0x93: {  	[tilespmem:s26], [sflag:$0x1] =	stream.strided.gather [hbm4b:s1+s22], $0x3E80, s23, s22, $0x38;
	[tilespmem:$0x1F400] =	vst v63  }
0x94: {  	s1 =	rddreg [dreg:$0xf]  }
0x95: {  	[tilespmem:s28], [sflag:$0x1] =	stream.strided.gather [hbm4b:s1+s22], $0x3E80, s23, s22, $0x38;
	[tilespmem:$0x1F400] =	vst v63  }
0x96: {  	s1 =	rddreg [dreg:$0x10]  }
0x97: {  	[tilespmem:s29], [sflag:$0x1] =	stream.strided.gather [hbm4b:s1+s22], $0x3E80, s23, s22, $0x38;
	[tilespmem:$0x1F400] =	vst v63  }
0x98: {  	s1 =	rddreg [dreg:$0x11]  }
0x99: {  	[tilespmem:s30], [sflag:$0x1] =	stream.strided.gather [hbm4b:s1+s22], $0x3E80, s23, s22, $0x38;
	[tilespmem:$0x1F400] =	vst v63  }
0x9a: {  	s1 =	rddreg [dreg:$0x12]  }
0x9b: {  	[tilespmem:s31], [sflag:$0x1] =	stream.strided.gather [hbm4b:s1+s22], $0x3E80, s23, s22, $0x38;
	[tilespmem:$0x1F400] =	vst v63  }
0x9c: {  	_ =	swait.ge [sflag:s0], $0x3E80  }
0x9d: {  	[sflag:s0] =	ssyncset.done $0x0  }
0x9e: {  	[sflag:s0] =	ssyncadd.s32 $0xFFFFC180  }
0x9f: {  	_ =	swait.ge [sflag:s0], $0x3E80  }
0xa0: {  	[sflag:s0] =	ssyncset.done $0x0  }
0xa1: {  	[sflag:s0] =	ssyncadd.s32 $0xFFFFC180  }
0xa2: {  	_ =	swait.ge [sflag:s0], $0x3E80  }
0xa3: {  	[sflag:s0] =	ssyncset.done $0x0  }
0xa4: {  	[sflag:s0] =	ssyncadd.s32 $0xFFFFC180  }
0xa5: {  	_ =	swait.ge [sflag:s0], $0x3E80  }
0xa6: {  	[sflag:s0] =	ssyncset.done $0x0  }
0xa7: {  	[sflag:s0] =	ssyncadd.s32 $0xFFFFC180  }
0xa8: {  	_ =	swait.ge [sflag:s0], $0x3E80  }
0xa9: {  	[sflag:s0] =	ssyncset.done $0x0  }
0xaa: {  	[sflag:s0] =	ssyncadd.s32 $0xFFFFC180  }
0xab: {  	_ =	swait.ge [sflag:s0], $0x3E80  }
0xac: {  	[sflag:s0] =	ssyncset.done $0x0  }
0xad: {  	[sflag:s0] =	ssyncadd.s32 $0xFFFFC180  }
0xae: {  	_ =	swait.ge [sflag:s0], $0x3E80  }
0xaf: {  	[sflag:s0] =	ssyncset.done $0x0  }
0xb0: {  	[sflag:s0] =	ssyncadd.s32 $0xFFFFC180  }
0xb1: {  	_ =	swait.ge [sflag:s0], $0x3E80  }
0xb2: {  	[sflag:s0] =	ssyncset.done $0x0  }
0xb3: {  	s1 =	rddreg [dreg:$0x13];
	[sflag:s0] =	ssyncadd.s32 $0xFFFFC180  }
0xb4: {  	[hbm4b:s1+s2] =	stream.linear.scatter [tilespmem:s2], [sflag:$0x1], $0x3E80, $0x38;
	[tilespmem:$0x1F400] =	vst v63  }
0xb5: {  	_ = 	snop  }
0xb6: {  	[hbm4b:s6+s2] =	stream.linear.scatter [tilespmem:s24], [sflag:$0x1], $0x3E80, $0x38;
	[tilespmem:$0x1F400] =	vst v63  }
0xb7: {  	_ = 	snop  }
0xb8: {  	[hbm4b:s7+s2] =	stream.linear.scatter [tilespmem:s25], [sflag:$0x1], $0x3E80, $0x38;
	[tilespmem:$0x1F400] =	vst v63  }
0xb9: {  	_ = 	snop  }
0xba: {  	[hbm4b:s8+s2] =	stream.linear.scatter [tilespmem:s26], [sflag:$0x1], $0x3E80, $0x38;
	[tilespmem:$0x1F400] =	vst v63  }
0xbb: {  	_ = 	snop  }
0xbc: {  	[hbm4b:s12+s2] =	stream.linear.scatter [tilespmem:s28], [sflag:$0x1], $0x3E80, $0x38;
	[tilespmem:$0x1F400] =	vst v63  }
0xbd: {  	_ = 	snop  }
0xbe: {  	[hbm4b:s10+s2] =	stream.linear.scatter [tilespmem:s29], [sflag:$0x1], $0x3E80, $0x38;
	[tilespmem:$0x1F400] =	vst v63  }
0xbf: {  	_ = 	snop  }
0xc0: {  	[hbm4b:s11+s2] =	stream.linear.scatter [tilespmem:s30], [sflag:$0x1], $0x3E80, $0x38;
	[tilespmem:$0x1F400] =	vst v63  }
0xc1: {  	_ = 	snop  }
0xc2: {  	[hbm4b:s13+s2] =	stream.linear.scatter [tilespmem:s31], [sflag:$0x1], $0x3E80, $0x38;
	[tilespmem:$0x1F400] =	vst v63  }
0xc3: {  	_ =	swait.ge [sflag:s0], $0x3E80  }
0xc4: {  	[sflag:s0] =	ssyncset.done $0x0  }
0xc5: {  	[sflag:s0] =	ssyncadd.s32 $0xFFFFC180  }
0xc6: {  	_ =	swait.ge [sflag:s0], $0x3E80  }
0xc7: {  	[sflag:s0] =	ssyncset.done $0x0  }
0xc8: {  	[sflag:s0] =	ssyncadd.s32 $0xFFFFC180  }
0xc9: {  	_ =	swait.ge [sflag:s0], $0x3E80  }
0xca: {  	[sflag:s0] =	ssyncset.done $0x0  }
0xcb: {  	[sflag:s0] =	ssyncadd.s32 $0xFFFFC180  }
0xcc: {  	_ =	swait.ge [sflag:s0], $0x3E80  }
0xcd: {  	[sflag:s0] =	ssyncset.done $0x0  }
0xce: {  	[sflag:s0] =	ssyncadd.s32 $0xFFFFC180  }
0xcf: {  	_ =	swait.ge [sflag:s0], $0x3E80  }
0xd0: {  	[sflag:s0] =	ssyncset.done $0x0  }
0xd1: {  	[sflag:s0] =	ssyncadd.s32 $0xFFFFC180  }
0xd2: {  	_ =	swait.ge [sflag:s0], $0x3E80  }
0xd3: {  	[sflag:s0] =	ssyncset.done $0x0  }
0xd4: {  	[sflag:s0] =	ssyncadd.s32 $0xFFFFC180  }
0xd5: {  	_ =	swait.ge [sflag:s0], $0x3E80  }
0xd6: {  	[sflag:s0] =	ssyncset.done $0x0  }
0xd7: {  	[sflag:s0] =	ssyncadd.s32 $0xFFFFC180  }
0xd8: {  	_ =	swait.ge [sflag:s0], $0x3E80  }
0xd9: {  	[sflag:s0] =	ssyncset.done $0x0  }
0xda: {  	s1 =	rddreg [dreg:$0x14];
	[sflag:s0] =	ssyncadd.s32 $0xFFFFC180  }
0xdb: {  	[tilespmem:s2], [sflag:$0x1] =	stream.strided.gather [hbm4b:s1+s22], $0x3E80, s23, s22, $0x38;
	[tilespmem:$0x1F400] =	vst v63  }
0xdc: {  	s1 =	rddreg [dreg:$0x15]  }
0xdd: {  	[tilespmem:s24], [sflag:$0x1] =	stream.strided.gather [hbm4b:s1+s22], $0x3E80, s23, s22, $0x38;
	[tilespmem:$0x1F400] =	vst v63  }
0xde: {  	s1 =	rddreg [dreg:$0x16]  }
0xdf: {  	[tilespmem:s25], [sflag:$0x1] =	stream.strided.gather [hbm4b:s1+s22], $0x3E80, s23, s22, $0x38;
	[tilespmem:$0x1F400] =	vst v63  }
0xe0: {  	s1 =	rddreg [dreg:$0x17]  }
0xe1: {  	[tilespmem:s26], [sflag:$0x1] =	stream.strided.gather [hbm4b:s1+s22], $0x3E80, s23, s22, $0x38;
	[tilespmem:$0x1F400] =	vst v63  }
0xe2: {  	s1 =	rddreg [dreg:$0x18]  }
0xe3: {  	[tilespmem:s28], [sflag:$0x1] =	stream.strided.gather [hbm4b:s1+s22], $0x3E80, s23, s22, $0x38;
	[tilespmem:$0x1F400] =	vst v63  }
0xe4: {  	s1 =	rddreg [dreg:$0x19]  }
0xe5: {  	[tilespmem:s29], [sflag:$0x1] =	stream.strided.gather [hbm4b:s1+s22], $0x3E80, s23, s22, $0x38;
	[tilespmem:$0x1F400] =	vst v63  }
0xe6: {  	s1 =	rddreg [dreg:$0x1a]  }
0xe7: {  	[tilespmem:s30], [sflag:$0x1] =	stream.strided.gather [hbm4b:s1+s22], $0x3E80, s23, s22, $0x38;
	[tilespmem:$0x1F400] =	vst v63  }
0xe8: {  	s1 =	rddreg [dreg:$0x1b]  }
0xe9: {  	[tilespmem:s31], [sflag:$0x1] =	stream.strided.gather [hbm4b:s1+s22], $0x3E80, s23, s22, $0x38;
	[tilespmem:$0x1F400] =	vst v63  }
0xea: {  	_ =	swait.ge [sflag:s0], $0x3E80  }
0xeb: {  	[sflag:s0] =	ssyncset.done $0x0  }
0xec: {  	[sflag:s0] =	ssyncadd.s32 $0xFFFFC180  }
0xed: {  	_ =	swait.ge [sflag:s0], $0x3E80  }
0xee: {  	[sflag:s0] =	ssyncset.done $0x0  }
0xef: {  	[sflag:s0] =	ssyncadd.s32 $0xFFFFC180  }
0xf0: {  	_ =	swait.ge [sflag:s0], $0x3E80  }
0xf1: {  	[sflag:s0] =	ssyncset.done $0x0  }
0xf2: {  	[sflag:s0] =	ssyncadd.s32 $0xFFFFC180  }
0xf3: {  	_ =	swait.ge [sflag:s0], $0x3E80  }
0xf4: {  	[sflag:s0] =	ssyncset.done $0x0  }
0xf5: {  	[sflag:s0] =	ssyncadd.s32 $0xFFFFC180  }
0xf6: {  	_ =	swait.ge [sflag:s0], $0x3E80  }
0xf7: {  	[sflag:s0] =	ssyncset.done $0x0  }
0xf8: {  	[sflag:s0] =	ssyncadd.s32 $0xFFFFC180  }
0xf9: {  	_ =	swait.ge [sflag:s0], $0x3E80  }
0xfa: {  	[sflag:s0] =	ssyncset.done $0x0  }
0xfb: {  	[sflag:s0] =	ssyncadd.s32 $0xFFFFC180  }
0xfc: {  	_ =	swait.ge [sflag:s0], $0x3E80  }
0xfd: {  	[sflag:s0] =	ssyncset.done $0x0  }
0xfe: {  	[sflag:s0] =	ssyncadd.s32 $0xFFFFC180  }
0xff: {  	_ =	swait.ge [sflag:s0], $0x3E80  }
0x100: {  	[sflag:s0] =	ssyncset.done $0x0  }
0x101: {  	s1 =	rddreg [dreg:$0x1c];
	[sflag:s0] =	ssyncadd.s32 $0xFFFFC180  }
0x102: {  	[hbm4b:s1+s2] =	stream.linear.scatter [tilespmem:s2], [sflag:$0x1], $0x3E80, $0x38;
	[tilespmem:$0x1F400] =	vst v63  }
0x103: {  	_ = 	snop  }
0x104: {  	[hbm4b:s14+s2] =	stream.linear.scatter [tilespmem:s24], [sflag:$0x1], $0x3E80, $0x38;
	[tilespmem:$0x1F400] =	vst v63  }
0x105: {  	_ = 	snop  }
0x106: {  	[hbm4b:s15+s2] =	stream.linear.scatter [tilespmem:s25], [sflag:$0x1], $0x3E80, $0x38;
	[tilespmem:$0x1F400] =	vst v63  }
0x107: {  	_ = 	snop  }
0x108: {  	[hbm4b:s16+s2] =	stream.linear.scatter [tilespmem:s26], [sflag:$0x1], $0x3E80, $0x38;
	[tilespmem:$0x1F400] =	vst v63  }
0x109: {  	_ = 	snop  }
0x10a: {  	[hbm4b:s18+s2] =	stream.linear.scatter [tilespmem:s28], [sflag:$0x1], $0x3E80, $0x38;
	[tilespmem:$0x1F400] =	vst v63  }
0x10b: {  	_ = 	snop  }
0x10c: {  	[hbm4b:s17+s2] =	stream.linear.scatter [tilespmem:s29], [sflag:$0x1], $0x3E80, $0x38;
	[tilespmem:$0x1F400] =	vst v63  }
0x10d: {  	_ = 	snop  }
0x10e: {  	[hbm4b:s20+s2] =	stream.linear.scatter [tilespmem:s30], [sflag:$0x1], $0x3E80, $0x38;
	[tilespmem:$0x1F400] =	vst v63  }
0x10f: {  	_ = 	snop  }
0x110: {  	[hbm4b:s19+s2] =	stream.linear.scatter [tilespmem:s31], [sflag:$0x1], $0x3E80, $0x38;
	[tilespmem:$0x1F400] =	vst v63  }
0x111: {  	_ =	swait.ge [sflag:s0], $0x3E80  }
0x112: {  	[sflag:s0] =	ssyncset.done $0x0  }
0x113: {  	[sflag:s0] =	ssyncadd.s32 $0xFFFFC180  }
0x114: {  	_ =	swait.ge [sflag:s0], $0x3E80  }
0x115: {  	[sflag:s0] =	ssyncset.done $0x0  }
0x116: {  	[sflag:s0] =	ssyncadd.s32 $0xFFFFC180  }
0x117: {  	_ =	swait.ge [sflag:s0], $0x3E80  }
0x118: {  	[sflag:s0] =	ssyncset.done $0x0  }
0x119: {  	[sflag:s0] =	ssyncadd.s32 $0xFFFFC180  }
0x11a: {  	_ =	swait.ge [sflag:s0], $0x3E80  }
0x11b: {  	[sflag:s0] =	ssyncset.done $0x0  }
0x11c: {  	[sflag:s0] =	ssyncadd.s32 $0xFFFFC180  }
0x11d: {  	_ =	swait.ge [sflag:s0], $0x3E80  }
0x11e: {  	[sflag:s0] =	ssyncset.done $0x0  }
0x11f: {  	[sflag:s0] =	ssyncadd.s32 $0xFFFFC180  }
0x120: {  	_ =	swait.ge [sflag:s0], $0x3E80  }
0x121: {  	[sflag:s0] =	ssyncset.done $0x0  }
0x122: {  	[sflag:s0] =	ssyncadd.s32 $0xFFFFC180  }
0x123: {  	_ =	swait.ge [sflag:s0], $0x3E80  }
.Ltmp2:
0x124: {  	[sflag:s0] =	ssyncset.done $0x0;
	(pc) =	sbr.rel @p0 .LBB2_3-.Ltmp2, $4  }
0x125: {  	[sflag:s0] =	ssyncadd.s32 $0xFFFFC180  }
0x126: {  	_ =	swait.ge [sflag:s0], $0x3E80  }
0x127: {  	[sflag:s0] =	ssyncset.done $0x0  }
0x128: {  	[sflag:s0] =	ssyncadd.s32 $0xFFFFC180  }
0x129: {  	s1 =	rddreg [dreg:$0x1d]  }
0x12a: {  	[tilespmem:s2], [sflag:$0x1] =	stream.strided.gather [hbm4b:s1+s22], $0x3E80, s23, s22, $0x38;
	[tilespmem:$0x1F400] =	vst v63  }
0x12b: {  	s1 =	rddreg [dreg:$0x1e]  }
0x12c: {  	[tilespmem:s24], [sflag:$0x1] =	stream.strided.gather [hbm4b:s1+s22], $0x3E80, s23, s22, $0x38;
	[tilespmem:$0x1F400] =	vst v63  }
0x12d: {  	s1 =	rddreg [dreg:$0x1f]  }
0x12e: {  	[tilespmem:s25], [sflag:$0x1] =	stream.strided.gather [hbm4b:s1+s22], $0x3E80, s23, s22, $0x38;
	[tilespmem:$0x1F400] =	vst v63  }
0x12f: {  	s1 =	sld [smem:$0x7EE];
	_ =	sdelay $0x2  }
0x130: {  	[tilespmem:s26], [sflag:$0x1] =	stream.strided.gather [hbm4b:s1+s22], $0x3E80, s23, s22, $0x38;
	[tilespmem:$0x1F400] =	vst v63  }
0x131: {  	s1 =	sld [smem:$0x7EF];
	_ =	sdelay $0x2  }
0x132: {  	[tilespmem:s28], [sflag:$0x1] =	stream.strided.gather [hbm4b:s1+s22], $0x3E80, s23, s22, $0x38;
	[tilespmem:$0x1F400] =	vst v63  }
0x133: {  	s1 =	sld [smem:$0x7F0];
	_ =	sdelay $0x2  }
0x134: {  	[tilespmem:s29], [sflag:$0x1] =	stream.strided.gather [hbm4b:s1+s22], $0x3E80, s23, s22, $0x38;
	[tilespmem:$0x1F400] =	vst v63  }
0x135: {  	s1 =	sld [smem:$0x7F1];
	_ =	sdelay $0x2  }
0x136: {  	[tilespmem:s30], [sflag:$0x1] =	stream.strided.gather [hbm4b:s1+s22], $0x3E80, s23, s22, $0x38;
	[tilespmem:$0x1F400] =	vst v63  }
0x137: {  	s1 =	sld [smem:$0x7F2];
	_ =	sdelay $0x2  }
0x138: {  	[tilespmem:s31], [sflag:$0x1] =	stream.strided.gather [hbm4b:s1+s22], $0x3E80, s23, s22, $0x38;
	[tilespmem:$0x1F400] =	vst v63  }
0x139: {  	_ =	swait.ge [sflag:s0], $0x3E80  }
0x13a: {  	[sflag:s0] =	ssyncset.done $0x0  }
0x13b: {  	[sflag:s0] =	ssyncadd.s32 $0xFFFFC180  }
0x13c: {  	_ =	swait.ge [sflag:s0], $0x3E80  }
0x13d: {  	[sflag:s0] =	ssyncset.done $0x0  }
0x13e: {  	[sflag:s0] =	ssyncadd.s32 $0xFFFFC180  }
0x13f: {  	_ =	swait.ge [sflag:s0], $0x3E80  }
0x140: {  	[sflag:s0] =	ssyncset.done $0x0  }
0x141: {  	[sflag:s0] =	ssyncadd.s32 $0xFFFFC180  }
0x142: {  	_ =	swait.ge [sflag:s0], $0x3E80  }
0x143: {  	[sflag:s0] =	ssyncset.done $0x0  }
0x144: {  	[sflag:s0] =	ssyncadd.s32 $0xFFFFC180  }
0x145: {  	_ =	swait.ge [sflag:s0], $0x3E80  }
0x146: {  	[sflag:s0] =	ssyncset.done $0x0  }
0x147: {  	[sflag:s0] =	ssyncadd.s32 $0xFFFFC180  }
0x148: {  	_ =	swait.ge [sflag:s0], $0x3E80  }
0x149: {  	[sflag:s0] =	ssyncset.done $0x0  }
0x14a: {  	[sflag:s0] =	ssyncadd.s32 $0xFFFFC180  }
0x14b: {  	_ =	swait.ge [sflag:s0], $0x3E80  }
0x14c: {  	[sflag:s0] =	ssyncset.done $0x0  }
0x14d: {  	[sflag:s0] =	ssyncadd.s32 $0xFFFFC180  }
0x14e: {  	_ =	swait.ge [sflag:s0], $0x3E80  }
0x14f: {  	s1 =	sld [smem:$0x7F3]  }
0x150: {  	[sflag:s0] =	ssyncset.done $0x0  }
0x151: {  	[sflag:s0] =	ssyncadd.s32 $0xFFFFC180  }
0x152: {  	[hbm4b:s1+s2] =	stream.linear.scatter [tilespmem:s2], [sflag:$0x1], $0x3E80, $0x38;
	[tilespmem:$0x1F400] =	vst v63  }
0x153: {  	s1 =	sld [smem:$0x7F7];
	_ =	sdelay $0x2  }
0x154: {  	[hbm4b:s1+s2] =	stream.linear.scatter [tilespmem:s24], [sflag:$0x1], $0x3E80, $0x38;
	[tilespmem:$0x1F400] =	vst v63  }
0x155: {  	s1 =	sld [smem:$0x7F8];
	_ =	sdelay $0x2  }
0x156: {  	[hbm4b:s1+s2] =	stream.linear.scatter [tilespmem:s25], [sflag:$0x1], $0x3E80, $0x38;
	[tilespmem:$0x1F400] =	vst v63  }
0x157: {  	s1 =	sld [smem:$0x7F9];
	_ =	sdelay $0x2  }
0x158: {  	[hbm4b:s1+s2] =	stream.linear.scatter [tilespmem:s26], [sflag:$0x1], $0x3E80, $0x38;
	[tilespmem:$0x1F400] =	vst v63  }
0x159: {  	s1 =	sld [smem:$0x7FA];
	_ =	sdelay $0x2  }
0x15a: {  	[hbm4b:s1+s2] =	stream.linear.scatter [tilespmem:s28], [sflag:$0x1], $0x3E80, $0x38;
	[tilespmem:$0x1F400] =	vst v63  }
0x15b: {  	s1 =	sld [smem:$0x7FB];
	_ =	sdelay $0x2  }
0x15c: {  	[hbm4b:s1+s2] =	stream.linear.scatter [tilespmem:s29], [sflag:$0x1], $0x3E80, $0x38;
	[tilespmem:$0x1F400] =	vst v63  }
0x15d: {  	s1 =	sld [smem:$0x7FC];
	_ =	sdelay $0x2  }
0x15e: {  	[hbm4b:s1+s2] =	stream.linear.scatter [tilespmem:s30], [sflag:$0x1], $0x3E80, $0x38;
	[tilespmem:$0x1F400] =	vst v63  }
0x15f: {  	s1 =	sld [smem:$0x7FD];
	_ =	sdelay $0x2  }
0x160: {  	[hbm4b:s1+s2] =	stream.linear.scatter [tilespmem:s31], [sflag:$0x1], $0x3E80, $0x38;
	[tilespmem:$0x1F400] =	vst v63  }
0x161: {  	_ =	swait.ge [sflag:s0], $0x3E80  }
0x162: {  	[sflag:s0] =	ssyncset.done $0x0  }
0x163: {  	[sflag:s0] =	ssyncadd.s32 $0xFFFFC180  }
0x164: {  	_ =	swait.ge [sflag:s0], $0x3E80  }
0x165: {  	[sflag:s0] =	ssyncset.done $0x0  }
0x166: {  	[sflag:s0] =	ssyncadd.s32 $0xFFFFC180  }
0x167: {  	_ =	swait.ge [sflag:s0], $0x3E80  }
0x168: {  	[sflag:s0] =	ssyncset.done $0x0  }
0x169: {  	[sflag:s0] =	ssyncadd.s32 $0xFFFFC180  }
0x16a: {  	_ =	swait.ge [sflag:s0], $0x3E80  }
0x16b: {  	[sflag:s0] =	ssyncset.done $0x0  }
0x16c: {  	[sflag:s0] =	ssyncadd.s32 $0xFFFFC180  }
0x16d: {  	_ =	swait.ge [sflag:s0], $0x3E80  }
0x16e: {  	[sflag:s0] =	ssyncset.done $0x0  }
0x16f: {  	[sflag:s0] =	ssyncadd.s32 $0xFFFFC180  }
0x170: {  	_ =	swait.ge [sflag:s0], $0x3E80  }
0x171: {  	[sflag:s0] =	ssyncset.done $0x0  }
0x172: {  	[sflag:s0] =	ssyncadd.s32 $0xFFFFC180  }
0x173: {  	_ =	swait.ge [sflag:s0], $0x3E80  }
.Ltmp3:
0x174: {  	[sflag:s0] =	ssyncset.done $0x0;
	(pc) =	sbr.rel .LBB2_3-.Ltmp3, $4  }
0x175: {  	[sflag:s0] =	ssyncadd.s32 $0xFFFFC180  }
0x176: {  	_ =	swait.ge [sflag:s0], $0x3E80  }
0x177: {  	[sflag:s0] =	ssyncset.done $0x0  }
0x178: {  	[sflag:s0] =	ssyncadd.s32 $0xFFFFC180  }
.LBB2_4:
0x179: {  	_ =	sfence.sel $0x180000  }
0x17a: {  	[bflag:$0x0] =	sbarrier.arrive $0xFFFF  }
0x17b: {  	_ =	strace $0x90000047  }
0x17c: {  	s0 =	stileid.u32;
	[bflag:$0x2] =	sbarrier.arrive $0xFFFF  }
0x17d: {  	p0 =	sne.s32 s0, $0x0;
	s0 =	rddreg [dreg:$0x1]  }
0x17e: {  	s0 =	sadd.s32 @!p0 $0x100000, s0  }
0x17f: {  	[sflag:s0] =	ssyncadd.tile.s32 @!p0 $0x1;
	_ =	shalt  }
.Lfunc_end2:
_tile_overlayer_lowered:
.L_overlay_start_2:
0x180: {  	(tag) =	ssettag $0x2  }
0x181: {  	s0 =	rddreg [dreg:$0x0];
	s2 =	stileid.u32  }
0x182: {  	s1 =	rddreg [dreg:$0x1];
	p0 =	sne.s32 s2, $0x0  }
0x183: {  	s3 =	rddreg [dreg:$0x2];
	[bflag:$0x3] =	sbarrier.arrive $0xFFFF;
	s2 =	simm.s32 @!p0 $0x1C02  }
0x184: {  	[timem:s3], [sflag:s2] =	dma.local @!p0 [hbm:s0], s1  }
0x185: {  	s0 =	simm.s32 @!p0 $0x2  }
0x186: {  	_ =	swait.ge @!p0 [sflag:s0], s1  }
0x187: {  	s1 =	ssub.s32 @!p0 $0x0, s1;
	[sflag:s0] =	ssyncset.done @!p0 $0x0  }
0x188: {  	[sflag:s0] =	ssyncadd.s32 @!p0 s1  }
0x189: {  	[bflag:$0x3] =	sbarrier.arrive $0xFFFF  }
0x18a: {  	_ =	shalt  }

// kernel: kernel.9.cloned.1.call-start
scs
__scs_entry_jumppad:
0x0: {  	(pc) =	sbr.rel $0x88, $3  }
0x1: {  	(tag) =	ssettag $0x0;
	lr =	simm.s32 $0x1  }
0x2: {  	[smem:$0x3F9B] =	sst lr;
	_ =	strace $0xD0000000  }
0x3: {  	_ = 	snop  }
0x4: {  	_ = 	snop  }
0x5: {  	_ = 	snop  }
0x6: {  	_ = 	snop  }
0x7: {  	_ = 	snop  }
__scs_overlays_trampoline_lowered:
0x8: {  	[smem:$0x3FAA] =	sst s0  }
0x9: {  	[smem:$0x3FAB] =	sst s1  }
0xa: {  	[smem:$0x3FAC] =	sst s2  }
0xb: {  	[smem:$0x3FAD] =	sst s3  }
0xc: {  	[smem:$0x3FAE] =	sst s4  }
0xd: {  	[smem:$0x3FAF] =	sst s5  }
0xe: {  	[smem:$0x3FB0] =	sst s6  }
0xf: {  	[smem:$0x3FB1] =	sst s7  }
0x10: {  	[smem:$0x3FB2] =	sst s8  }
0x11: {  	[smem:$0x3FB3] =	sst s9;
	s0 =	simm.s32 @!p0 $0x0  }
0x12: {  	s1 =	sld [smem:$0x3F99];
	s0 =	simm.s32 @p0 $0x1  }
0x13: {  	[smem:$0x3FB4] =	sst s0;
	s0 =	simm.s32 @!p1 $0x0  }
0x14: {  	s2 =	sld [smem:$0x3F98];
	s0 =	simm.s32 @p1 $0x1  }
0x15: {  	[smem:$0x3FB5] =	sst s0;
	s0 =	simm.s32 @!p2 $0x0  }
0x16: {  	s3 =	sld [smem:$0x3FDB];
	s0 =	simm.s32 @p2 $0x1  }
0x17: {  	s4 =	simm.s32 $0x1BF5;
	[smem:$0x3FB7] =	sst s0  }
0x18: {  	s0 =	sld [smem:$0x3F9A];
	_ =	swait.ge [sflag:s4], $0x0  }
0x19: {  	s7 =	sld [smem:$0x3F9B]  }
0x1a: {  	s8 =	sadd.s32 $0xFFFFE003, lr  }
0x1b: {  	s9 =	sadd.s32 $0xFFFFFEF7, lr;
	s5 =	simm.s32 $0xFFFFFFFF;
	p2 =	slt.u32 s8, $0xFFFFF086  }
0x1c: {  	p1 =	slt.u32 s9, $0xF7A;
	s5 =	simm.s32 @!p2 $0x0  }
0x1d: {  	s5 =	simm.s32 @p1 $0x1;
	p0 =	seq.s32 s7, s2  }
0x1e: {  	s7 =	smul.u32 @!p0 $0xF7A, s2;
	p2 =	seq.s32 @!p0 s5, $0x0  }
0x1f: {  	s9 =	smul.u32 $0xF7A, s1;
	s8 =	simm.s32 @!p0 $0x1BF5;
	p2 =	por !p2, p0  }
0x20: {  	[sflag:s8] =	ssyncset.s32 @!p0 $0xFFFFF086;
	s6 =	sadd.s32 @!p0 s3, s7;
	s7 =	simm.s32 @!p0 $0x108  }
0x21: {  	s3 =	sadd.s32 s3, s9;
	s6 =	sadd.s32 @!p0 $0x88, s6;
	s7 =	simm.s32 @p2 $0x1082  }
0x22: {  	[simem:s7], [sflag:s8] =	dma.local @!p0 [hbm:s6], $0xF7A  }
0x23: {  	s9 =	sor.u32 $0xD0000000, s2;
	s6 =	simm.s32 $0x108;
	_ =	swait.ge @!p0 [sflag:s8], $0x0  }
0x24: {  	s3 =	sadd.s32 $0x88, s3;
	s6 =	simm.s32 @!p1 $0x1082;
	[sflag:s4] =	ssyncset.s32 $0xFFFFF086  }
0x25: {  	[simem:s6], [sflag:s4] =	dma.local [hbm:s3], $0xF7A  }
0x26: {  	[smem:$0x3F9B] =	sst s1;
	(tag) =	ssettag s2;
	_ =	strace s9  }
0x27: {  	s1 =	sld [smem:$0x3FAB]  }
0x28: {  	s2 =	sld [smem:$0x3FAC]  }
0x29: {  	s4 =	sld [smem:$0x3FAE]  }
0x2a: {  	p0 =	seq.s32 s5, $0x0;
	s5 =	sld [smem:$0x3FAF]  }
0x2b: {  	s6 =	sld [smem:$0x3FB0]  }
0x2c: {  	s7 =	sld [smem:$0x3FB1]  }
0x2d: {  	s3 =	simm.s32 $0x108;
	s8 =	sld [smem:$0x3FB2]  }
0x2e: {  	s3 =	simm.s32 @!p0 $0x1082;
	s9 =	sld [smem:$0x3FB3]  }
0x2f: {  	lr =	sadd.s32 s0, s3;
	s0 =	sld [smem:$0x3FAA]  }
0x30: {  	s3 =	sld [smem:$0x3FAD]  }
0x31: {  	[smem:$0x3FB6] =	sst s10  }
0x32: {  	s10 =	sld [smem:$0x3FB4];
	_ =	sdelay $0x3  }
0x33: {  	p0 =	seq.s32 s10, $0x1;
	s10 =	sld [smem:$0x3FB6];
	_ =	sdelay $0x3  }
0x34: {  	[smem:$0x3FB6] =	sst s10  }
0x35: {  	s10 =	sld [smem:$0x3FB5];
	_ =	sdelay $0x3  }
0x36: {  	p1 =	seq.s32 s10, $0x1;
	s10 =	sld [smem:$0x3FB6];
	_ =	sdelay $0x3  }
0x37: {  	[smem:$0x3FB6] =	sst s10  }
0x38: {  	s10 =	sld [smem:$0x3FB7]  }
0x39: {  	_ = 	snop;
	(pc) =	sbr.ind lr, $3  }
0x3a: {  	_ = 	snop  }
0x3b: {  	_ = 	snop  }
0x3c: {  	p2 =	seq.s32 s10, $0x1;
	s10 =	sld [smem:$0x3FB6]  }
0x3d: {  	_ =	shalt  }
0x3e: {  	_ =	shalt  }
0x3f: {  	_ =	shalt  }
0x40: {  	_ =	shalt  }
0x41: {  	_ =	shalt  }
0x42: {  	_ =	shalt  }
0x43: {  	_ =	shalt  }
0x44: {  	_ =	shalt  }
0x45: {  	_ =	shalt  }
0x46: {  	_ =	shalt  }
0x47: {  	_ =	shalt  }
0x48: {  	_ =	shalt  }
0x49: {  	_ =	shalt  }
0x4a: {  	_ =	shalt  }
0x4b: {  	_ =	shalt  }
0x4c: {  	_ =	shalt  }
0x4d: {  	_ =	shalt  }
0x4e: {  	_ =	shalt  }
0x4f: {  	_ =	shalt  }
0x50: {  	_ =	shalt  }
0x51: {  	_ =	shalt  }
0x52: {  	_ =	shalt  }
0x53: {  	_ =	shalt  }
0x54: {  	_ =	shalt  }
0x55: {  	_ =	shalt  }
0x56: {  	_ =	shalt  }
0x57: {  	_ =	shalt  }
0x58: {  	_ =	shalt  }
0x59: {  	_ =	shalt  }
0x5a: {  	_ =	shalt  }
0x5b: {  	_ =	shalt  }
0x5c: {  	_ =	shalt  }
0x5d: {  	_ =	shalt  }
0x5e: {  	_ =	shalt  }
0x5f: {  	_ =	shalt  }
0x60: {  	_ =	shalt  }
0x61: {  	_ =	shalt  }
0x62: {  	_ =	shalt  }
0x63: {  	_ =	shalt  }
0x64: {  	_ =	shalt  }
0x65: {  	_ =	shalt  }
0x66: {  	_ =	shalt  }
0x67: {  	_ =	shalt  }
0x68: {  	_ =	shalt  }
0x69: {  	_ =	shalt  }
0x6a: {  	_ =	shalt  }
0x6b: {  	_ =	shalt  }
0x6c: {  	_ =	shalt  }
0x6d: {  	_ =	shalt  }
0x6e: {  	_ =	shalt  }
0x6f: {  	_ =	shalt  }
0x70: {  	_ =	shalt  }
0x71: {  	_ =	shalt  }
0x72: {  	_ =	shalt  }
0x73: {  	_ =	shalt  }
0x74: {  	_ =	shalt  }
0x75: {  	_ =	shalt  }
0x76: {  	_ =	shalt  }
0x77: {  	_ =	shalt  }
0x78: {  	_ =	shalt  }
0x79: {  	_ =	shalt  }
0x7a: {  	_ =	shalt  }
0x7b: {  	_ =	shalt  }
0x7c: {  	_ =	shalt  }
0x7d: {  	_ =	shalt  }
0x7e: {  	_ =	shalt  }
0x7f: {  	_ =	shalt  }
0x80: {  	_ =	shalt  }
0x81: {  	_ =	shalt  }
0x82: {  	_ =	shalt  }
0x83: {  	_ =	shalt  }
0x84: {  	_ =	shalt  }
0x85: {  	_ =	shalt  }
0x86: {  	_ =	shalt  }
0x87: {  	_ =	shalt  }
.Lfunc_end0:
.L_simem_size_0:
called_computation.1_lowered:
.L_overlay_start_0:
0x88: {  	s2 =	sld [smem:$0x3FD9]  }
0x89: {  	s3 =	sld [smem:$0x3FFE];
	_ =	sdelay $0x1  }
0x8a: {  	s1 =	srdreg.scid  }
0x8b: {  	s0 =	sand.u32 $0x1, s1  }
0x8c: {  	s16 =	sshll.u32 s0, $0xA;
	s2 =	sadd.s32 s3, s2  }
0x8d: {  	s2 =	sadd.s32 s2, s16  }
0x8e: {  	[smem:$0x3FC2] =	sst s2  }
0x8f: {  	_ = 	snop  }
0x90: {  	(tm) =	ssettm $0x1  }
0x91: {  	s17 =	sld [smem:$0x3FFB];
	_ =	sdelay $0x3  }
0x92: {  	_ =	strace s17  }
0x93: {  	s2 =	sld [smem:$0x3FFC];
	_ =	sdelay $0x3  }
0x94: {  	_ =	strace s2  }
0x95: {  	s2 =	sld [smem:$0x3FFD];
	_ =	sdelay $0x3  }
0x96: {  	_ =	strace s2  }
0x97: {  	_ =	strace $0x8FFFFFFF  }
0x98: {  	s18 =	sld [smem:$0x3FDB];
	_ =	sdelay $0x1  }
0x99: {  	s19 =	simm.s32 $_scs_section_size  }
0x9a: {  	s4 =	simm.s32 $_size__tile_overlayer_lowered;
	s5 =	simm.s32 $_tile_overlayer_lowered  }
0x9b: {  	s22 =	simm.s32 $0x1BFF;
	s21 =	sshll.u32 s5, $0x1;
	s2 =	sadd.s32 s19, s18  }
0x9c: {  	s6 =	simm.s32 $0x0;
	s20 =	sshll.u32 s4, $0x1;
	s4 =	sadd.s32 s21, s2  }
0x9d: {  	[timem:s6], [sflag:s22] =	dma.local [hbm:s4], s20  }
0x9e: {  	_ =	swait.ge [sflag:s22], s20  }
0x9f: {  	s3 =	ssub.s32 $0x0, s20;
	[sflag:s22] =	ssyncset.done $0x0  }
0xa0: {  	[sflag:s22] =	ssyncadd.s32 s3;
	_ =	sdelay $0x1  }
0xa1: {  	s23 =	simm.s32 $0x1B8B  }
0xa2: {  	_ =	swait.ge [sflag:s23], $0x1  }
0xa3: {  	[sflag:s23] =	ssyncset.done $0x0  }
0xa4: {  	s25 =	simm.s32 $0x1B8E;
	s24 =	sld [smem:$0x3FFE];
	[sflag:s23] =	ssyncadd.s32 $0xFFFFFFFF  }
0xa5: {  	s26 =	simm.s32 $execute0_lowered;
	[smem:$0x3FD2] =	sst s25  }
0xa6: {  	s4 =	sshll.u32 s26, $0x1;
	_ =	strace $0x80000049;
	[dreg:$0x1] =	wrdreg $0xFFFFFFFF  }
0xa7: {  	s28 =	simm.s32 $_size_execute0_lowered;
	s2 =	sadd.s32 s2, s4;
	[dreg:$0x0] =	wrdreg $0x0  }
0xa8: {  	s4 =	sshll.u32 s28, $0x1;
	[dreg:$0x2] =	wrdreg s2  }
0xa9: {  	[dreg:$0x3] =	wrdreg s4  }
0xaa: {  	[dreg:$0x4] =	wrdreg $0xC0  }
0xab: {  	_ =	task [dreg:s6], $0x5FFFF  }
0xac: {  	[dreg:$0x1] =	wrdreg $0xFFFFFFFF  }
0xad: {  	[dreg:$0x0] =	wrdreg $0x60  }
0xae: {  	[dreg:$0x2] =	wrdreg s24  }
0xaf: {  	[dreg:$0x3] =	wrdreg $0x9  }
0xb0: {  	_ =	task.clear_ibuf [dreg:s6], $0x4FFFF;
	_ =	strace $0x90000049  }
0xb1: {  	s29 =	simm.s32 $0x9;
	_ =	strace $0x8000004B  }
0xb2: {  	_ =	swait.ge [sflag:s29], $0x1  }
0xb3: {  	[sflag:s29] =	ssyncadd.s32 $0xFFFFFFFF  }
0xb4: {  	_ =	strace $0x9000004B  }
0xb5: {  	_ =	sfence  }
0xb6: {  	s30 =	sld [smem:$0x0];
	_ =	sdelay $0x2  }
0xb7: {  	s31 =	sshll.u32 s1, $0xD;
	s1 =	sshrl.u32 s1, $0x2  }
0xb8: {  	s3 =	sand.u32 $0x4000, s31;
	s1 =	sadd.s32 s1, s30  }
0xb9: {  	s0 =	sor.u32 s3, s0;
	s1 =	sshll.u32 s1, $0x11  }
0xba: {  	s0 =	sor.u32 s1, s0  }
0xbb: {  	s0 =	sadd.s32 $0x8F2B, s0  }
0xbc: {  	[sflag:s0] =	ssyncadd.remote.s32 $0x1  }
0xbd: {  	_ =	sfence.sel $0xFFFF  }
0xbe: {  	[dreg:$0x0] =	wrdreg $0xFFFFFFFF;
	(pc) =	sbr.abs _section_cstart, $3  }
0xbf: {  	[dreg:$0x1] =	wrdreg $0xFFFFFFFF  }
0xc0: {  	_ =	task.clear_ibuf [dreg:s6], $0x2FFFF;
	_ =	strace $0x9FFFFFFF  }
0xc1: {  	(tm) =	ssettm $0x7FFFFFFF  }
tec
execute0_lowered:
.L_overlay_start_1:
0x0: {  	(tag) =	ssettag $0x1  }
0x1: {  	s0 =	rddreg [dreg:$0x0];
	s1 =	srdreg.scid  }
0x2: {  	s3 =	stileid.u32;
	s2 =	simm.s32 $0x0;
	s7 =	simm.s32 $0x80  }
0x3: {  	s9 =	simm.s32 $0x3;
	s10 =	simm.s32 $0x6400;
	s11 =	simm.s32 $0x6C00  }
0x4: {  	s12 =	simm.s32 $0x100;
	s13 =	simm.s32 $0x7400;
	s14 =	simm.s32 $0x180  }
0x5: {  	s15 =	simm.s32 $0x7C00;
	s16 =	simm.s32 $0x200;
	s17 =	simm.s32 $0x8400  }
0x6: {  	s18 =	simm.s32 $0x280;
	s19 =	simm.s32 $0x8C00;
	s20 =	simm.s32 $0x300  }
0x7: {  	s21 =	simm.s32 $0x9400;
	s22 =	simm.s32 $0x380;
	s23 =	simm.s32 $0x9C00  }
0x8: {  	s24 =	simm.s32 $0x1;
	s25 =	simm.s32 $0x2;
	s26 =	simm.s32 $0xA400  }
0x9: {  	s28 =	simm.s32 $0x0;
	s1 =	sand.u32 $0x1, s1;
	s3 =	sshll.u32 s3, $0x8  }
0xa: {  	[smem:$0x7FF] =	sst s2;
	s4 =	sshll.u32 s1, $0x7;
	s1 =	ssub.s32 $0x2, s1  }
0xb: {  	_ =	strace $0x8000004A;
	s3 =	sor.u32 s4, s3;
	s6 =	sshrl.u32 s1, $0x1  }
0xc: {  	s4 =	sshrl.u32 s3, $0x3;
	s5 =	sshll.u32 s3, $0x1;
	s3 =	sadd.s32 $0x1400, s0  }
0xd: {  	s1 =	ssub.s32 s1, s6;
	s4 =	sadd.s32 s4, s0;
	s0 =	sadd.s32 s5, s0  }
0xe: {  	v0 =	vimm.f32 $0.0e+00;
	s6 =	smax.u32 s1, $0x1;
	s4 =	sadd.s32 $0x1E9A00, s4;
	s5 =	sadd.s32 $0x202A00, s0  }
.LBB2_1:
0xf: {  	s0 =	simm.s32 $0x1000  }
0x10: {  	[tilespmem:s2], [sflag:$0x3] =	stream.strided.gather [hbm4b:s4+s7], $0x6400, s0, s7, $0x38;
	[tilespmem:$0xAC00] =	vst v63  }
0x11: {  	_ =	swait.ge [sflag:s9], $0x6400  }
0x12: {  	[sflag:s9] =	ssyncset.done $0x0  }
0x13: {  	s0 =	simm.s32 $0xA420;
	[sflag:s9] =	ssyncadd.s32 $0xFFFF9C00  }
0x14: {  	[tilespmem:s0+$0xFFFFFFE0] =	vst v0  }
0x15: {  	[tilespmem:s0+$0x10] =	vst v0  }
0x16: {  	s1 =	simm.s32 $0x0;
	[tilespmem:s0+$0x0] =	vst v0  }
.LBB2_2:
0x17: {  	s1 =	sadd.s32 $0x4, s1  }
0x18: {  	[tilespmem:s0+$0xFFFFFFF0] =	vst v0;
	s0 =	sadd.s32 $0x40, s0;
	p0 =	slt.u32 s1, $0x7C  }
.Ltmp0:
0x19: {  	[tilespmem:s0+$0xFFFFFFE0] =	vst v0;
	(pc) =	sbr.rel @p0 .LBB2_2-.Ltmp0, $3  }
0x1a: {  	_ =	sdelay $0x1  }
0x1b: {  	[tilespmem:s0+$0x10] =	vst v0  }
0x1c: {  	[tilespmem:s0+$0x0] =	vst v0  }
0x1d: {  	[tilespmem:s0+$0xFFFFFFF0] =	vst v0;
	s29 =	simm.s32 $0x0  }
0x1e: {  	[tilespmem:s10], [sflag:$0x1] =	stream.indirect.gather [hbm4b:s3+s7], $0x10, s29, s7, $0xb8;
	[tilespmem:$0xAC00] =	vst v63  }
0x1f: {  	_ = 	snop  }
0x20: {  	[tilespmem:s11], [sflag:$0x1] =	stream.indirect.gather [hbm4b:s3+s7], $0x10, s7, s7, $0xb8;
	[tilespmem:$0xAC00] =	vst v63  }
0x21: {  	_ = 	snop  }
0x22: {  	[tilespmem:s13], [sflag:$0x1] =	stream.indirect.gather [hbm4b:s3+s7], $0x10, s12, s7, $0xb8;
	[tilespmem:$0xAC00] =	vst v63  }
0x23: {  	_ = 	snop  }
0x24: {  	[tilespmem:s15], [sflag:$0x1] =	stream.indirect.gather [hbm4b:s3+s7], $0x10, s14, s7, $0xb8;
	[tilespmem:$0xAC00] =	vst v63  }
0x25: {  	_ = 	snop  }
0x26: {  	[tilespmem:s17], [sflag:$0x2] =	stream.indirect.gather [hbm4b:s3+s7], $0x10, s16, s7, $0xb8;
	[tilespmem:$0xAC00] =	vst v63  }
0x27: {  	_ = 	snop  }
0x28: {  	[tilespmem:s19], [sflag:$0x2] =	stream.indirect.gather [hbm4b:s3+s7], $0x10, s18, s7, $0xb8;
	[tilespmem:$0xAC00] =	vst v63  }
0x29: {  	_ = 	snop  }
0x2a: {  	[tilespmem:s21], [sflag:$0x2] =	stream.indirect.gather [hbm4b:s3+s7], $0x10, s20, s7, $0xb8;
	[tilespmem:$0xAC00] =	vst v63  }
0x2b: {  	_ = 	snop  }
0x2c: {  	[tilespmem:s23], [sflag:$0x2] =	stream.indirect.gather [hbm4b:s3+s7], $0x10, s22, s7, $0xb8;
	[tilespmem:$0xAC00] =	vst v63  }
.LBB2_4:
0x2d: {  	_ =	swait.ge [sflag:s24], $0x800  }
0x2e: {  	[sflag:s24] =	ssyncset.done $0x0  }
0x2f: {  	[sflag:s24] =	ssyncadd.s32 $0xFFFFF800  }
0x30: {  	_ =	swait.ge [sflag:s24], $0x800  }
0x31: {  	[sflag:s24] =	ssyncset.done $0x0  }
0x32: {  	[sflag:s24] =	ssyncadd.s32 $0xFFFFF800  }
0x33: {  	_ =	swait.ge [sflag:s24], $0x800  }
0x34: {  	[sflag:s24] =	ssyncset.done $0x0  }
0x35: {  	[sflag:s24] =	ssyncadd.s32 $0xFFFFF800  }
0x36: {  	_ =	swait.ge [sflag:s24], $0x800  }
0x37: {  	[sflag:s24] =	ssyncset.done $0x0  }
0x38: {  	s0 =	simm.s32 $0x7400;
	[sflag:s24] =	ssyncadd.s32 $0xFFFFF800  }
0x39: {  	v1 =	vld [tilespmem:s0+$0xFFFFF030]  }
0x3a: {  	v2 =	vld [tilespmem:s0+$0xFFFFF010]  }
0x3b: {  	v3 =	vld [tilespmem:s0+$0xFFFFF000];
	_ =	sdelay $0x1  }
0x3c: {  	s31 =	simm.s32 $0xA430;
	v4 =	vld [tilespmem:s0+$0xFFFFF020]  }
0x3d: {  	[tilespmem:s31+$0x0] =	vst.add.f32.msk $0xffff, v1  }
0x3e: {  	[tilespmem:s31+$0xFFFFFFE0] =	vst.add.f32.msk $0xffff, v2  }
0x3f: {  	[tilespmem:s31+$0xFFFFFFD0] =	vst.add.f32.msk $0xffff, v3  }
0x40: {  	v1 =	vld [tilespmem:s0+$0xFFFFF830]  }
0x41: {  	v2 =	vld [tilespmem:s0+$0xFFFFF800]  }
0x42: {  	v3 =	vld [tilespmem:s0+$0xFFFFF810]  }
0x43: {  	[tilespmem:s31+$0xFFFFFFF0] =	vst.add.f32.msk $0xffff, v4  }
0x44: {  	v4 =	vld [tilespmem:s0+$0xFFFFF820]  }
0x45: {  	[tilespmem:s31+$0x0] =	vst.add.f32.msk $0xffff, v1  }
0x46: {  	[tilespmem:s31+$0xFFFFFFD0] =	vst.add.f32.msk $0xffff, v2  }
0x47: {  	[tilespmem:s31+$0xFFFFFFE0] =	vst.add.f32.msk $0xffff, v3  }
0x48: {  	v1 =	vld [tilespmem:s0+$0x30]  }
0x49: {  	v2 =	vld [tilespmem:s0+$0x0]  }
0x4a: {  	[tilespmem:s31+$0xFFFFFFF0] =	vst.add.f32.msk $0xffff, v4  }
0x4b: {  	v3 =	vld [tilespmem:s0+$0x10]  }
0x4c: {  	v4 =	vld [tilespmem:s0+$0x20]  }
0x4d: {  	[tilespmem:s31+$0x0] =	vst.add.f32.msk $0xffff, v1  }
0x4e: {  	[tilespmem:s31+$0xFFFFFFD0] =	vst.add.f32.msk $0xffff, v2  }
0x4f: {  	v1 =	vld [tilespmem:s0+$0x830]  }
0x50: {  	[tilespmem:s31+$0xFFFFFFE0] =	vst.add.f32.msk $0xffff, v3  }
0x51: {  	v5 =	vld [tilespmem:s0+$0x800]  }
0x52: {  	[tilespmem:s31+$0xFFFFFFF0] =	vst.add.f32.msk $0xffff, v4  }
0x53: {  	v2 =	vld [tilespmem:s0+$0x820]  }
0x54: {  	[tilespmem:s31+$0x0] =	vst.add.f32.msk $0xffff, v1  }
0x55: {  	v1 =	vld [tilespmem:s0+$0x810]  }
0x56: {  	s30 =	simm.s32 $0x0;
	s1 =	simm.s32 $0xA430;
	[tilespmem:s31+$0xFFFFFFD0] =	vst.add.f32.msk $0xffff, v5;
	s0 =	simm.s32 $0x7440  }
.LBB2_5:
0x57: {  	v3 =	vld [tilespmem:s0+$0xFFFFF030];
	s30 =	sadd.s32 $0x4, s30  }
0x58: {  	v4 =	vld [tilespmem:s0+$0xFFFFF010];
	p0 =	slt.u32 s30, $0x7C  }
0x59: {  	v5 =	vld [tilespmem:s0+$0xFFFFF020];
	v6 =	vmov v2  }
0x5a: {  	v2 =	vld [tilespmem:s0+$0xFFFFF000]  }
0x5b: {  	s1 =	sadd.s32 $0x40, s1;
	[tilespmem:s31+$0xFFFFFFE0] =	vst.add.f32.msk $0xffff, v1  }
0x5c: {  	[tilespmem:s1+$0x0] =	vst.add.f32.msk $0xffff, v3  }
0x5d: {  	v1 =	vld [tilespmem:s0+$0xFFFFF830]  }
0x5e: {  	[tilespmem:s1+$0xFFFFFFE0] =	vst.add.f32.msk $0xffff, v4  }
0x5f: {  	[tilespmem:s1+$0xFFFFFFD0] =	vst.add.f32.msk $0xffff, v2  }
0x60: {  	[tilespmem:s1+$0xFFFFFFF0] =	vst.add.f32.msk $0xffff, v5  }
0x61: {  	v2 =	vld [tilespmem:s0+$0xFFFFF800]  }
0x62: {  	[tilespmem:s1+$0x0] =	vst.add.f32.msk $0xffff, v1  }
0x63: {  	v1 =	vld [tilespmem:s0+$0x30]  }
0x64: {  	v3 =	vld [tilespmem:s0+$0xFFFFF810]  }
0x65: {  	v4 =	vld [tilespmem:s0+$0xFFFFF820]  }
0x66: {  	[tilespmem:s1+$0xFFFFFFD0] =	vst.add.f32.msk $0xffff, v2  }
0x67: {  	v2 =	vld [tilespmem:s0+$0x0]  }
0x68: {  	[tilespmem:s1+$0x0] =	vst.add.f32.msk $0xffff, v1  }
0x69: {  	v1 =	vld [tilespmem:s0+$0x830]  }
0x6a: {  	[tilespmem:s1+$0xFFFFFFE0] =	vst.add.f32.msk $0xffff, v3  }
0x6b: {  	[tilespmem:s1+$0xFFFFFFF0] =	vst.add.f32.msk $0xffff, v4  }
0x6c: {  	v3 =	vld [tilespmem:s0+$0x10]  }
0x6d: {  	v4 =	vld [tilespmem:s0+$0x20]  }
0x6e: {  	[tilespmem:s1+$0x0] =	vst.add.f32.msk $0xffff, v1  }
0x6f: {  	[tilespmem:s1+$0xFFFFFFD0] =	vst.add.f32.msk $0xffff, v2  }
0x70: {  	v5 =	vld [tilespmem:s0+$0x800]  }
0x71: {  	[tilespmem:s1+$0xFFFFFFE0] =	vst.add.f32.msk $0xffff, v3  }
.Ltmp1:
0x72: {  	[tilespmem:s1+$0xFFFFFFF0] =	vst.add.f32.msk $0xffff, v4;
	(pc) =	sbr.rel @p0 .LBB2_5-.Ltmp1, $4  }
0x73: {  	v1 =	vld [tilespmem:s0+$0x810]  }
0x74: {  	v2 =	vld [tilespmem:s0+$0x820]  }
0x75: {  	[tilespmem:s1+$0xFFFFFFD0] =	vst.add.f32.msk $0xffff, v5  }
0x76: {  	s0 =	sadd.s32 $0x40, s0;
	[tilespmem:s31+$0xFFFFFFF0] =	vst.add.f32.msk $0xffff, v6;
	s31 =	smov.u32 s1  }
0x77: {  	s0 =	sshll.u32 s29, $0xA  }
0x78: {  	[tilespmem:s31+$0xFFFFFFE0] =	vst.add.f32.msk $0xffff, v1;
	s30 =	sand.u32 $0x3FFFFC00, s0  }
0x79: {  	[tilespmem:s31+$0xFFFFFFF0] =	vst.add.f32.msk $0xffff, v2;
	s0 =	sadd.s32 $0x400, s30  }
0x7a: {  	[tilespmem:s10], [sflag:$0x1] =	stream.indirect.gather [hbm4b:s3+s7], $0x10, s0, s7, $0xb8;
	[tilespmem:$0xAC00] =	vst v63  }
0x7b: {  	s1 =	sadd.s32 $0x480, s30  }
0x7c: {  	[tilespmem:s11], [sflag:$0x1] =	stream.indirect.gather [hbm4b:s3+s7], $0x10, s1, s7, $0xb8;
	[tilespmem:$0xAC00] =	vst v63  }
0x7d: {  	s8 =	sadd.s32 $0x500, s30  }
0x7e: {  	[tilespmem:s13], [sflag:$0x1] =	stream.indirect.gather [hbm4b:s3+s7], $0x10, s8, s7, $0xb8;
	[tilespmem:$0xAC00] =	vst v63  }
0x7f: {  	s1 =	sadd.s32 $0x580, s30  }
0x80: {  	[tilespmem:s15], [sflag:$0x1] =	stream.indirect.gather [hbm4b:s3+s7], $0x10, s1, s7, $0xb8;
	[tilespmem:$0xAC00] =	vst v63  }
0x81: {  	_ =	swait.ge [sflag:s25], $0x800  }
0x82: {  	[sflag:s25] =	ssyncset.done $0x0  }
0x83: {  	[sflag:s25] =	ssyncadd.s32 $0xFFFFF800  }
0x84: {  	_ =	swait.ge [sflag:s25], $0x800  }
0x85: {  	[sflag:s25] =	ssyncset.done $0x0  }
0x86: {  	[sflag:s25] =	ssyncadd.s32 $0xFFFFF800  }
0x87: {  	_ =	swait.ge [sflag:s25], $0x800  }
0x88: {  	[sflag:s25] =	ssyncset.done $0x0  }
0x89: {  	[sflag:s25] =	ssyncadd.s32 $0xFFFFF800  }
0x8a: {  	_ =	swait.ge [sflag:s25], $0x800  }
0x8b: {  	[sflag:s25] =	ssyncset.done $0x0  }
0x8c: {  	s8 =	simm.s32 $0x9C30;
	[sflag:s25] =	ssyncadd.s32 $0xFFFFF800  }
0x8d: {  	v1 =	vld [tilespmem:s8+$0xFFFFE800]  }
0x8e: {  	v2 =	vld [tilespmem:s8+$0xFFFFE7E0]  }
0x8f: {  	v3 =	vld [tilespmem:s8+$0xFFFFE7D0];
	_ =	sdelay $0x1  }
0x90: {  	s31 =	simm.s32 $0xA400;
	v4 =	vld [tilespmem:s8+$0xFFFFE7F0]  }
0x91: {  	[tilespmem:s31+$0x30] =	vst.add.f32.msk $0xffff, v1  }
0x92: {  	[tilespmem:s31+$0x10] =	vst.add.f32.msk $0xffff, v2  }
0x93: {  	[tilespmem:s31+$0x0] =	vst.add.f32.msk $0xffff, v3  }
0x94: {  	v1 =	vld [tilespmem:s8+$0xFFFFF000]  }
0x95: {  	v2 =	vld [tilespmem:s8+$0xFFFFEFD0]  }
0x96: {  	v3 =	vld [tilespmem:s8+$0xFFFFEFE0]  }
0x97: {  	[tilespmem:s31+$0x20] =	vst.add.f32.msk $0xffff, v4  }
0x98: {  	v4 =	vld [tilespmem:s8+$0xFFFFEFF0]  }
0x99: {  	[tilespmem:s31+$0x30] =	vst.add.f32.msk $0xffff, v1  }
0x9a: {  	[tilespmem:s31+$0x0] =	vst.add.f32.msk $0xffff, v2  }
0x9b: {  	[tilespmem:s31+$0x10] =	vst.add.f32.msk $0xffff, v3  }
0x9c: {  	v1 =	vld [tilespmem:s8+$0xFFFFF800]  }
0x9d: {  	v2 =	vld [tilespmem:s8+$0xFFFFF7D0]  }
0x9e: {  	[tilespmem:s31+$0x20] =	vst.add.f32.msk $0xffff, v4  }
0x9f: {  	v3 =	vld [tilespmem:s8+$0xFFFFF7E0]  }
0xa0: {  	v4 =	vld [tilespmem:s8+$0xFFFFF7F0]  }
0xa1: {  	[tilespmem:s31+$0x30] =	vst.add.f32.msk $0xffff, v1  }
0xa2: {  	[tilespmem:s31+$0x0] =	vst.add.f32.msk $0xffff, v2  }
0xa3: {  	v1 =	vld [tilespmem:s8+$0x0]  }
0xa4: {  	[tilespmem:s31+$0x10] =	vst.add.f32.msk $0xffff, v3  }
0xa5: {  	v5 =	vld [tilespmem:s8+$0xFFFFFFD0]  }
0xa6: {  	[tilespmem:s31+$0x20] =	vst.add.f32.msk $0xffff, v4  }
0xa7: {  	v2 =	vld [tilespmem:s8+$0xFFFFFFF0]  }
0xa8: {  	[tilespmem:s31+$0x30] =	vst.add.f32.msk $0xffff, v1  }
0xa9: {  	v1 =	vld [tilespmem:s8+$0xFFFFFFE0]  }
0xaa: {  	s0 =	simm.s32 $0x0;
	s1 =	simm.s32 $0x9C70;
	[tilespmem:s31+$0x0] =	vst.add.f32.msk $0xffff, v5;
	s8 =	simm.s32 $0xA400  }
.LBB2_7:
0xab: {  	v3 =	vld [tilespmem:s1+$0xFFFFE800];
	s0 =	sadd.s32 $0x4, s0  }
0xac: {  	v4 =	vld [tilespmem:s1+$0xFFFFE7E0];
	p0 =	slt.u32 s0, $0x7C  }
0xad: {  	v5 =	vld [tilespmem:s1+$0xFFFFE7F0];
	v6 =	vmov v2  }
0xae: {  	v2 =	vld [tilespmem:s1+$0xFFFFE7D0]  }
0xaf: {  	s8 =	sadd.s32 $0x40, s8;
	[tilespmem:s31+$0x10] =	vst.add.f32.msk $0xffff, v1  }
0xb0: {  	[tilespmem:s8+$0x30] =	vst.add.f32.msk $0xffff, v3  }
0xb1: {  	v1 =	vld [tilespmem:s1+$0xFFFFF000]  }
0xb2: {  	[tilespmem:s8+$0x10] =	vst.add.f32.msk $0xffff, v4  }
0xb3: {  	[tilespmem:s8+$0x0] =	vst.add.f32.msk $0xffff, v2  }
0xb4: {  	[tilespmem:s8+$0x20] =	vst.add.f32.msk $0xffff, v5  }
0xb5: {  	v2 =	vld [tilespmem:s1+$0xFFFFEFD0]  }
0xb6: {  	[tilespmem:s8+$0x30] =	vst.add.f32.msk $0xffff, v1  }
0xb7: {  	v1 =	vld [tilespmem:s1+$0xFFFFF800]  }
0xb8: {  	v3 =	vld [tilespmem:s1+$0xFFFFEFE0]  }
0xb9: {  	v4 =	vld [tilespmem:s1+$0xFFFFEFF0]  }
0xba: {  	[tilespmem:s8+$0x0] =	vst.add.f32.msk $0xffff, v2  }
0xbb: {  	v2 =	vld [tilespmem:s1+$0xFFFFF7D0]  }
0xbc: {  	[tilespmem:s8+$0x30] =	vst.add.f32.msk $0xffff, v1  }
0xbd: {  	v1 =	vld [tilespmem:s1+$0x0]  }
0xbe: {  	[tilespmem:s8+$0x10] =	vst.add.f32.msk $0xffff, v3  }
0xbf: {  	[tilespmem:s8+$0x20] =	vst.add.f32.msk $0xffff, v4  }
0xc0: {  	v3 =	vld [tilespmem:s1+$0xFFFFF7E0]  }
0xc1: {  	v4 =	vld [tilespmem:s1+$0xFFFFF7F0]  }
0xc2: {  	[tilespmem:s8+$0x30] =	vst.add.f32.msk $0xffff, v1  }
0xc3: {  	[tilespmem:s8+$0x0] =	vst.add.f32.msk $0xffff, v2  }
0xc4: {  	v5 =	vld [tilespmem:s1+$0xFFFFFFD0]  }
0xc5: {  	[tilespmem:s8+$0x10] =	vst.add.f32.msk $0xffff, v3  }
.Ltmp2:
0xc6: {  	[tilespmem:s8+$0x20] =	vst.add.f32.msk $0xffff, v4;
	(pc) =	sbr.rel @p0 .LBB2_7-.Ltmp2, $4  }
0xc7: {  	v1 =	vld [tilespmem:s1+$0xFFFFFFE0]  }
0xc8: {  	v2 =	vld [tilespmem:s1+$0xFFFFFFF0]  }
0xc9: {  	[tilespmem:s8+$0x0] =	vst.add.f32.msk $0xffff, v5  }
0xca: {  	s1 =	sadd.s32 $0x40, s1;
	[tilespmem:s31+$0x20] =	vst.add.f32.msk $0xffff, v6;
	s31 =	smov.u32 s8  }
0xcb: {  	_ = 	snop  }
0xcc: {  	[tilespmem:s31+$0x10] =	vst.add.f32.msk $0xffff, v1  }
0xcd: {  	s0 =	sadd.s32 $0x600, s30;
	s29 =	sadd.s32 $0x1, s29;
	[tilespmem:s31+$0x20] =	vst.add.f32.msk $0xffff, v2  }
0xce: {  	[tilespmem:s17], [sflag:$0x2] =	stream.indirect.gather [hbm4b:s3+s7], $0x10, s0, s7, $0xb8;
	[tilespmem:$0xAC00] =	vst v63  }
0xcf: {  	s1 =	sadd.s32 $0x680, s30;
	p0 =	sne.s32 s29, $0x18  }
0xd0: {  	[tilespmem:s19], [sflag:$0x2] =	stream.indirect.gather [hbm4b:s3+s7], $0x10, s1, s7, $0xb8;
	[tilespmem:$0xAC00] =	vst v63  }
.Ltmp3:
0xd1: {  	_ = 	snop;
	(pc) =	sbr.rel @p0 .LBB2_4-.Ltmp3, $4  }
0xd2: {  	s8 =	sadd.s32 $0x700, s30  }
0xd3: {  	[tilespmem:s21], [sflag:$0x2] =	stream.indirect.gather [hbm4b:s3+s7], $0x10, s8, s7, $0xb8;
	[tilespmem:$0xAC00] =	vst v63  }
0xd4: {  	s31 =	sadd.s32 $0x780, s30  }
0xd5: {  	[tilespmem:s23], [sflag:$0x2] =	stream.indirect.gather [hbm4b:s3+s7], $0x10, s31, s7, $0xb8;
	[tilespmem:$0xAC00] =	vst v63  }
0xd6: {  	_ =	swait.ge [sflag:s24], $0x800  }
0xd7: {  	[sflag:s24] =	ssyncset.done $0x0  }
0xd8: {  	[sflag:s24] =	ssyncadd.s32 $0xFFFFF800  }
0xd9: {  	_ =	swait.ge [sflag:s24], $0x800  }
0xda: {  	[sflag:s24] =	ssyncset.done $0x0  }
0xdb: {  	[sflag:s24] =	ssyncadd.s32 $0xFFFFF800  }
0xdc: {  	_ =	swait.ge [sflag:s24], $0x800  }
0xdd: {  	[sflag:s24] =	ssyncset.done $0x0  }
0xde: {  	[sflag:s24] =	ssyncadd.s32 $0xFFFFF800  }
0xdf: {  	_ =	swait.ge [sflag:s24], $0x800  }
0xe0: {  	[sflag:s24] =	ssyncset.done $0x0  }
0xe1: {  	s0 =	simm.s32 $0x7400;
	[sflag:s24] =	ssyncadd.s32 $0xFFFFF800  }
0xe2: {  	v1 =	vld [tilespmem:s0+$0xFFFFF030]  }
0xe3: {  	v2 =	vld [tilespmem:s0+$0xFFFFF010]  }
0xe4: {  	v3 =	vld [tilespmem:s0+$0xFFFFF000];
	_ =	sdelay $0x1  }
0xe5: {  	s29 =	simm.s32 $0xA430;
	v4 =	vld [tilespmem:s0+$0xFFFFF020]  }
0xe6: {  	[tilespmem:s29+$0x0] =	vst.add.f32.msk $0xffff, v1  }
0xe7: {  	[tilespmem:s29+$0xFFFFFFE0] =	vst.add.f32.msk $0xffff, v2  }
0xe8: {  	[tilespmem:s29+$0xFFFFFFD0] =	vst.add.f32.msk $0xffff, v3  }
0xe9: {  	v1 =	vld [tilespmem:s0+$0xFFFFF830]  }
0xea: {  	v2 =	vld [tilespmem:s0+$0xFFFFF800]  }
0xeb: {  	v3 =	vld [tilespmem:s0+$0xFFFFF810]  }
0xec: {  	[tilespmem:s29+$0xFFFFFFF0] =	vst.add.f32.msk $0xffff, v4  }
0xed: {  	v4 =	vld [tilespmem:s0+$0xFFFFF820]  }
0xee: {  	[tilespmem:s29+$0x0] =	vst.add.f32.msk $0xffff, v1  }
0xef: {  	[tilespmem:s29+$0xFFFFFFD0] =	vst.add.f32.msk $0xffff, v2  }
0xf0: {  	[tilespmem:s29+$0xFFFFFFE0] =	vst.add.f32.msk $0xffff, v3  }
0xf1: {  	v1 =	vld [tilespmem:s0+$0x30]  }
0xf2: {  	v2 =	vld [tilespmem:s0+$0x0]  }
0xf3: {  	[tilespmem:s29+$0xFFFFFFF0] =	vst.add.f32.msk $0xffff, v4  }
0xf4: {  	v3 =	vld [tilespmem:s0+$0x10]  }
0xf5: {  	v4 =	vld [tilespmem:s0+$0x20]  }
0xf6: {  	[tilespmem:s29+$0x0] =	vst.add.f32.msk $0xffff, v1  }
0xf7: {  	[tilespmem:s29+$0xFFFFFFD0] =	vst.add.f32.msk $0xffff, v2  }
0xf8: {  	v1 =	vld [tilespmem:s0+$0x830]  }
0xf9: {  	[tilespmem:s29+$0xFFFFFFE0] =	vst.add.f32.msk $0xffff, v3  }
0xfa: {  	v5 =	vld [tilespmem:s0+$0x800]  }
0xfb: {  	[tilespmem:s29+$0xFFFFFFF0] =	vst.add.f32.msk $0xffff, v4  }
0xfc: {  	v2 =	vld [tilespmem:s0+$0x820]  }
0xfd: {  	[tilespmem:s29+$0x0] =	vst.add.f32.msk $0xffff, v1  }
0xfe: {  	v1 =	vld [tilespmem:s0+$0x810]  }
0xff: {  	s1 =	simm.s32 $0x7440;
	s8 =	simm.s32 $0xA430;
	s0 =	simm.s32 $0x0;
	[tilespmem:s29+$0xFFFFFFD0] =	vst.add.f32.msk $0xffff, v5  }
.LBB2_10:
0x100: {  	v3 =	vld [tilespmem:s1+$0xFFFFF030];
	s0 =	sadd.s32 $0x4, s0  }
0x101: {  	v4 =	vld [tilespmem:s1+$0xFFFFF010];
	p0 =	slt.u32 s0, $0x7C  }
0x102: {  	v5 =	vld [tilespmem:s1+$0xFFFFF020];
	v6 =	vmov v2  }
0x103: {  	v2 =	vld [tilespmem:s1+$0xFFFFF000]  }
0x104: {  	s8 =	sadd.s32 $0x40, s8;
	[tilespmem:s29+$0xFFFFFFE0] =	vst.add.f32.msk $0xffff, v1  }
0x105: {  	[tilespmem:s8+$0x0] =	vst.add.f32.msk $0xffff, v3  }
0x106: {  	v1 =	vld [tilespmem:s1+$0xFFFFF830]  }
0x107: {  	[tilespmem:s8+$0xFFFFFFE0] =	vst.add.f32.msk $0xffff, v4  }
0x108: {  	[tilespmem:s8+$0xFFFFFFD0] =	vst.add.f32.msk $0xffff, v2  }
0x109: {  	[tilespmem:s8+$0xFFFFFFF0] =	vst.add.f32.msk $0xffff, v5  }
0x10a: {  	v2 =	vld [tilespmem:s1+$0xFFFFF800]  }
0x10b: {  	[tilespmem:s8+$0x0] =	vst.add.f32.msk $0xffff, v1  }
0x10c: {  	v1 =	vld [tilespmem:s1+$0x30]  }
0x10d: {  	v3 =	vld [tilespmem:s1+$0xFFFFF810]  }
0x10e: {  	v4 =	vld [tilespmem:s1+$0xFFFFF820]  }
0x10f: {  	[tilespmem:s8+$0xFFFFFFD0] =	vst.add.f32.msk $0xffff, v2  }
0x110: {  	v2 =	vld [tilespmem:s1+$0x0]  }
0x111: {  	[tilespmem:s8+$0x0] =	vst.add.f32.msk $0xffff, v1  }
0x112: {  	v1 =	vld [tilespmem:s1+$0x830]  }
0x113: {  	[tilespmem:s8+$0xFFFFFFE0] =	vst.add.f32.msk $0xffff, v3  }
0x114: {  	[tilespmem:s8+$0xFFFFFFF0] =	vst.add.f32.msk $0xffff, v4  }
0x115: {  	v3 =	vld [tilespmem:s1+$0x10]  }
0x116: {  	v4 =	vld [tilespmem:s1+$0x20]  }
0x117: {  	[tilespmem:s8+$0x0] =	vst.add.f32.msk $0xffff, v1  }
0x118: {  	[tilespmem:s8+$0xFFFFFFD0] =	vst.add.f32.msk $0xffff, v2  }
0x119: {  	v5 =	vld [tilespmem:s1+$0x800]  }
0x11a: {  	[tilespmem:s8+$0xFFFFFFE0] =	vst.add.f32.msk $0xffff, v3  }
.Ltmp4:
0x11b: {  	[tilespmem:s8+$0xFFFFFFF0] =	vst.add.f32.msk $0xffff, v4;
	(pc) =	sbr.rel @p0 .LBB2_10-.Ltmp4, $4  }
0x11c: {  	v1 =	vld [tilespmem:s1+$0x810]  }
0x11d: {  	v2 =	vld [tilespmem:s1+$0x820]  }
0x11e: {  	[tilespmem:s8+$0xFFFFFFD0] =	vst.add.f32.msk $0xffff, v5  }
0x11f: {  	s1 =	sadd.s32 $0x40, s1;
	[tilespmem:s29+$0xFFFFFFF0] =	vst.add.f32.msk $0xffff, v6;
	s29 =	smov.u32 s8  }
0x120: {  	_ = 	snop  }
0x121: {  	[tilespmem:s29+$0xFFFFFFE0] =	vst.add.f32.msk $0xffff, v1  }
0x122: {  	[tilespmem:s29+$0xFFFFFFF0] =	vst.add.f32.msk $0xffff, v2  }
0x123: {  	_ =	swait.ge [sflag:s25], $0x800  }
0x124: {  	[sflag:s25] =	ssyncset.done $0x0  }
0x125: {  	[sflag:s25] =	ssyncadd.s32 $0xFFFFF800  }
0x126: {  	_ =	swait.ge [sflag:s25], $0x800  }
0x127: {  	[sflag:s25] =	ssyncset.done $0x0  }
0x128: {  	[sflag:s25] =	ssyncadd.s32 $0xFFFFF800  }
0x129: {  	_ =	swait.ge [sflag:s25], $0x800  }
0x12a: {  	[sflag:s25] =	ssyncset.done $0x0  }
0x12b: {  	[sflag:s25] =	ssyncadd.s32 $0xFFFFF800  }
0x12c: {  	_ =	swait.ge [sflag:s25], $0x800  }
0x12d: {  	[sflag:s25] =	ssyncset.done $0x0  }
0x12e: {  	s0 =	simm.s32 $0x9C30;
	[sflag:s25] =	ssyncadd.s32 $0xFFFFF800  }
0x12f: {  	v1 =	vld [tilespmem:s0+$0xFFFFE800]  }
0x130: {  	v2 =	vld [tilespmem:s0+$0xFFFFE7E0]  }
0x131: {  	v3 =	vld [tilespmem:s0+$0xFFFFE7D0];
	_ =	sdelay $0x1  }
0x132: {  	s29 =	simm.s32 $0xA400;
	v4 =	vld [tilespmem:s0+$0xFFFFE7F0]  }
0x133: {  	[tilespmem:s29+$0x30] =	vst.add.f32.msk $0xffff, v1  }
0x134: {  	[tilespmem:s29+$0x10] =	vst.add.f32.msk $0xffff, v2  }
0x135: {  	[tilespmem:s29+$0x0] =	vst.add.f32.msk $0xffff, v3  }
0x136: {  	v1 =	vld [tilespmem:s0+$0xFFFFF000]  }
0x137: {  	v2 =	vld [tilespmem:s0+$0xFFFFEFD0]  }
0x138: {  	v3 =	vld [tilespmem:s0+$0xFFFFEFE0]  }
0x139: {  	[tilespmem:s29+$0x20] =	vst.add.f32.msk $0xffff, v4  }
0x13a: {  	v4 =	vld [tilespmem:s0+$0xFFFFEFF0]  }
0x13b: {  	[tilespmem:s29+$0x30] =	vst.add.f32.msk $0xffff, v1  }
0x13c: {  	[tilespmem:s29+$0x0] =	vst.add.f32.msk $0xffff, v2  }
0x13d: {  	[tilespmem:s29+$0x10] =	vst.add.f32.msk $0xffff, v3  }
0x13e: {  	v1 =	vld [tilespmem:s0+$0xFFFFF800]  }
0x13f: {  	v2 =	vld [tilespmem:s0+$0xFFFFF7D0]  }
0x140: {  	[tilespmem:s29+$0x20] =	vst.add.f32.msk $0xffff, v4  }
0x141: {  	v3 =	vld [tilespmem:s0+$0xFFFFF7E0]  }
0x142: {  	v4 =	vld [tilespmem:s0+$0xFFFFF7F0]  }
0x143: {  	[tilespmem:s29+$0x30] =	vst.add.f32.msk $0xffff, v1  }
0x144: {  	[tilespmem:s29+$0x0] =	vst.add.f32.msk $0xffff, v2  }
0x145: {  	v1 =	vld [tilespmem:s0+$0x0]  }
0x146: {  	[tilespmem:s29+$0x10] =	vst.add.f32.msk $0xffff, v3  }
0x147: {  	v5 =	vld [tilespmem:s0+$0xFFFFFFD0]  }
0x148: {  	[tilespmem:s29+$0x20] =	vst.add.f32.msk $0xffff, v4  }
0x149: {  	v2 =	vld [tilespmem:s0+$0xFFFFFFF0]  }
0x14a: {  	[tilespmem:s29+$0x30] =	vst.add.f32.msk $0xffff, v1  }
0x14b: {  	v1 =	vld [tilespmem:s0+$0xFFFFFFE0]  }
0x14c: {  	s1 =	simm.s32 $0x9C70;
	s8 =	simm.s32 $0xA400;
	s0 =	simm.s32 $0x0;
	[tilespmem:s29+$0x0] =	vst.add.f32.msk $0xffff, v5  }
.LBB2_12:
0x14d: {  	v3 =	vld [tilespmem:s1+$0xFFFFE800];
	s0 =	sadd.s32 $0x4, s0  }
0x14e: {  	v4 =	vld [tilespmem:s1+$0xFFFFE7E0];
	p0 =	slt.u32 s0, $0x7C  }
0x14f: {  	v5 =	vld [tilespmem:s1+$0xFFFFE7F0];
	v6 =	vmov v2  }
0x150: {  	v2 =	vld [tilespmem:s1+$0xFFFFE7D0]  }
0x151: {  	s8 =	sadd.s32 $0x40, s8;
	[tilespmem:s29+$0x10] =	vst.add.f32.msk $0xffff, v1  }
0x152: {  	[tilespmem:s8+$0x30] =	vst.add.f32.msk $0xffff, v3  }
0x153: {  	v1 =	vld [tilespmem:s1+$0xFFFFF000]  }
0x154: {  	[tilespmem:s8+$0x10] =	vst.add.f32.msk $0xffff, v4  }
0x155: {  	[tilespmem:s8+$0x0] =	vst.add.f32.msk $0xffff, v2  }
0x156: {  	[tilespmem:s8+$0x20] =	vst.add.f32.msk $0xffff, v5  }
0x157: {  	v2 =	vld [tilespmem:s1+$0xFFFFEFD0]  }
0x158: {  	[tilespmem:s8+$0x30] =	vst.add.f32.msk $0xffff, v1  }
0x159: {  	v1 =	vld [tilespmem:s1+$0xFFFFF800]  }
0x15a: {  	v3 =	vld [tilespmem:s1+$0xFFFFEFE0]  }
0x15b: {  	v4 =	vld [tilespmem:s1+$0xFFFFEFF0]  }
0x15c: {  	[tilespmem:s8+$0x0] =	vst.add.f32.msk $0xffff, v2  }
0x15d: {  	v2 =	vld [tilespmem:s1+$0xFFFFF7D0]  }
0x15e: {  	[tilespmem:s8+$0x30] =	vst.add.f32.msk $0xffff, v1  }
0x15f: {  	v1 =	vld [tilespmem:s1+$0x0]  }
0x160: {  	[tilespmem:s8+$0x10] =	vst.add.f32.msk $0xffff, v3  }
0x161: {  	[tilespmem:s8+$0x20] =	vst.add.f32.msk $0xffff, v4  }
0x162: {  	v3 =	vld [tilespmem:s1+$0xFFFFF7E0]  }
0x163: {  	v4 =	vld [tilespmem:s1+$0xFFFFF7F0]  }
0x164: {  	[tilespmem:s8+$0x30] =	vst.add.f32.msk $0xffff, v1  }
0x165: {  	[tilespmem:s8+$0x0] =	vst.add.f32.msk $0xffff, v2  }
0x166: {  	v5 =	vld [tilespmem:s1+$0xFFFFFFD0]  }
0x167: {  	[tilespmem:s8+$0x10] =	vst.add.f32.msk $0xffff, v3  }
.Ltmp5:
0x168: {  	[tilespmem:s8+$0x20] =	vst.add.f32.msk $0xffff, v4;
	(pc) =	sbr.rel @p0 .LBB2_12-.Ltmp5, $4  }
0x169: {  	v1 =	vld [tilespmem:s1+$0xFFFFFFE0]  }
0x16a: {  	v2 =	vld [tilespmem:s1+$0xFFFFFFF0]  }
0x16b: {  	[tilespmem:s8+$0x0] =	vst.add.f32.msk $0xffff, v5  }
0x16c: {  	s1 =	sadd.s32 $0x40, s1;
	[tilespmem:s29+$0x20] =	vst.add.f32.msk $0xffff, v6;
	s29 =	smov.u32 s8  }
0x16d: {  	s28 =	sadd.s32 $0x1, s28  }
0x16e: {  	[tilespmem:s29+$0x10] =	vst.add.f32.msk $0xffff, v1;
	p0 =	sne.s32 s28, s6  }
.Ltmp6:
0x16f: {  	[tilespmem:s29+$0x20] =	vst.add.f32.msk $0xffff, v2;
	(pc) =	sbr.rel @p0 .LBB2_1-.Ltmp6, $4  }
0x170: {  	[hbm4b:s5+s2] =	stream.linear.scatter [tilespmem:s26], [sflag:$0x3], $0x800, $0x38;
	[tilespmem:$0xAC00] =	vst v63  }
0x171: {  	_ =	swait.ge [sflag:s9], $0x800  }
0x172: {  	[sflag:s9] =	ssyncset.done $0x0  }
0x173: {  	[sflag:s9] =	ssyncadd.s32 $0xFFFFF800  }
0x174: {  	_ =	sfence.sel $0x180000  }
0x175: {  	[bflag:$0x0] =	sbarrier.arrive $0xFFFF  }
0x176: {  	_ =	strace $0x9000004A  }
0x177: {  	s0 =	stileid.u32;
	[bflag:$0x2] =	sbarrier.arrive $0xFFFF  }
0x178: {  	p0 =	sne.s32 s0, $0x0;
	s0 =	rddreg [dreg:$0x1]  }
0x179: {  	s0 =	sadd.s32 @!p0 $0x100000, s0  }
0x17a: {  	[sflag:s0] =	ssyncadd.tile.s32 @!p0 $0x1;
	_ =	shalt  }
.Lfunc_end2:
_tile_overlayer_lowered:
.L_overlay_start_2:
0x17b: {  	(tag) =	ssettag $0x2  }
0x17c: {  	s0 =	rddreg [dreg:$0x0];
	s2 =	stileid.u32  }
0x17d: {  	s1 =	rddreg [dreg:$0x1];
	p0 =	sne.s32 s2, $0x0  }
0x17e: {  	s3 =	rddreg [dreg:$0x2];
	[bflag:$0x3] =	sbarrier.arrive $0xFFFF;
	s2 =	simm.s32 @!p0 $0x1C03  }
0x17f: {  	[timem:s3], [sflag:s2] =	dma.local @!p0 [hbm:s0], s1  }
0x180: {  	s0 =	simm.s32 @!p0 $0x3  }
0x181: {  	_ =	swait.ge @!p0 [sflag:s0], s1  }
0x182: {  	s1 =	ssub.s32 @!p0 $0x0, s1;
	[sflag:s0] =	ssyncset.done @!p0 $0x0  }
0x183: {  	[sflag:s0] =	ssyncadd.s32 @!p0 s1  }
0x184: {  	[bflag:$0x3] =	sbarrier.arrive $0xFFFF  }
0x185: {  	_ =	shalt  }

</sc_bundles>
